<compile_context>
chip_gen: v7x
topology: tpu7x:2x2x1
jax: 0.10.2.dev20260603
libtpu: 0.0.44.dev20260713+nightly
codegen_flags: <defaults>
</compile_context>

<pallas_src>
import functools

import jax
import jax.numpy as jnp
from jax import lax
from jax.experimental import pallas as pl
from jax.experimental.pallas import tpu as pltpu
from jax.experimental.pallas import tpu_sc as plsc

CUTOFF = 5.0
NBASIS = 20



def _pack_pair(x, y):
    xi = lax.convert_element_type(
        lax.bitcast_convert_type(
            lax.convert_element_type(x, jnp.bfloat16), jnp.int16), jnp.int32)
    yi = lax.convert_element_type(
        lax.bitcast_convert_type(
            lax.convert_element_type(y, jnp.bfloat16), jnp.int16), jnp.int32)
    return lax.bitwise_or(lax.bitwise_and(xi, jnp.int32(0xFFFF)),
                          lax.shift_left(yi, 16))


def _mlp_body(s_ref, w1_ref, b1_ref, w2_ref, b2_ref,
              vx_ref, vy_ref, vz_ref, o_ref):
    x = s_ref[...]
    h = jnp.dot(x, w1_ref[...], preferred_element_type=jnp.float32) + b1_ref[...]
    h = h * jax.nn.sigmoid(h)
    nf = jnp.dot(h, w2_ref[...],
                 preferred_element_type=jnp.float32) + b2_ref[...]
    D = x.shape[1]
    o_ref[...] = jnp.concatenate([
        _pack_pair(nf[:, :D], vz_ref[...]),
        _pack_pair(nf[:, D:2 * D], nf[:, 2 * D:]),
        _pack_pair(vx_ref[...], vy_ref[...]),
    ], axis=1)


def _lo16(x):
    return lax.bitcast_convert_type(lax.shift_left(x, 16), jnp.float32)


def _hi16(x):
    return lax.bitcast_convert_type(
        lax.bitwise_and(x, jnp.int32(-65536)), jnp.float32)


def _payload_body(ev_ref, d4_ref, g_ref, w4_ref,
                  pa_ref, p0_ref, p1_ref, p2_ref):
    SUB = g_ref.shape[0] // 4
    d4 = d4_ref[...]
    us = []
    for e in range(4):
        rs = pl.ds(e * SUB, SUB)
        inv = 1.0 / d4[:, 32 * e:32 * e + 1]
        us.append((ev_ref[rs, 0:1] * inv,
                   ev_ref[rs, 1:2] * inv,
                   ev_ref[rs, 2:3] * inv))
    uc = d4 * (1.0 / CUTOFF)
    uc2 = uc * uc
    uc3 = uc2 * uc
    uc6 = uc3 * uc3
    uc7 = uc6 * uc
    uc8 = uc7 * uc
    env = 1.0 - 28.0 * uc6 + 48.0 * uc7 - 21.0 * uc8
    env = jnp.where(d4 < CUTOFF, env, 0.0)

    nl = lax.broadcasted_iota(jnp.int32, (SUB, 128), 1)
    nb = (nl % 32 + 1).astype(jnp.float32)
    sin4 = jnp.sin(nb * (jnp.pi / CUTOFF) * d4)
    besf = sin4 * (jnp.sqrt(2.0 / CUTOFF) / d4 * env)
    besf = jnp.where(nl % 32 == 31, env, besf)
    filt4 = jnp.dot(besf, w4_ref[...],
                    preferred_element_type=jnp.float32)

    TD = filt4.shape[1] // 4
    D = TD // 3
    for e in range(4):
        rs = pl.ds(e * SUB, SUB)
        base = e * TD
        a = _lo16(g_ref[rs, :D])
        vz = _hi16(g_ref[rs, :D])
        b = _lo16(g_ref[rs, D:2 * D])
        c = _hi16(g_ref[rs, D:2 * D])
        vx = _lo16(g_ref[rs, 2 * D:])
        vy = _hi16(g_ref[rs, 2 * D:])
        bb = b * filt4[:, base + D:base + 2 * D]
        cc = c * filt4[:, base + 2 * D:base + 3 * D]
        pa_ref[rs, :] = a * filt4[:, base:base + D]
        p0_ref[rs, :] = bb * us[e][0] + cc * vx
        p1_ref[rs, :] = bb * us[e][1] + cc * vy
        p2_ref[rs, :] = bb * us[e][2] + cc * vz




def _mlp_pack(scalar_embeddings, w1, b1, w2, b2, vx, vy, vz):
    N, D = scalar_embeddings.shape
    TD = w2.shape[1]
    BN = 2000
    grid = (N // BN,)
    return pl.pallas_call(
        _mlp_body,
        grid=grid,
        in_specs=[
            pl.BlockSpec((BN, D), lambda i: (i, 0)),
            pl.BlockSpec((D, D), lambda i: (0, 0)),
            pl.BlockSpec((1, D), lambda i: (0, 0)),
            pl.BlockSpec((D, TD), lambda i: (0, 0)),
            pl.BlockSpec((1, TD), lambda i: (0, 0)),
            pl.BlockSpec((BN, D), lambda i: (i, 0)),
            pl.BlockSpec((BN, D), lambda i: (i, 0)),
            pl.BlockSpec((BN, D), lambda i: (i, 0)),
        ],
        out_specs=pl.BlockSpec((BN, TD), lambda i: (i, 0)),
        out_shape=jax.ShapeDtypeStruct((N, TD), jnp.int32),
    )(scalar_embeddings, w1, b1.reshape(1, D), w2, b2.reshape(1, TD),
      vx, vy, vz)


BE = 1600


def _payloads(ev, d4, g_all, w4):
    E, TD = g_all.shape
    D = TD // 3
    grid = (E // BE,)
    return pl.pallas_call(
        _payload_body,
        grid=grid,
        in_specs=[
            pl.BlockSpec((BE, 3), lambda i: (i, 0)),
            pl.BlockSpec((BE // 4, 128), lambda i: (i, 0)),
            pl.BlockSpec((BE, TD), lambda i: (i, 0)),
            pl.BlockSpec((128, 4 * TD), lambda i: (0, 0)),
        ],
        out_specs=[pl.BlockSpec((BE, D), lambda i: (i, 0))] * 4,
        out_shape=[jax.ShapeDtypeStruct((E, D), jnp.float32)] * 4,
    )(ev, d4, g_all, w4)



BLK = 128


def _sc_gather(t_all, neigh_pad):
    N, TD = t_all.shape
    E = neigh_pad.shape[0] - BLK
    nblk = E // BLK
    NW = 32
    base_cnt = nblk // NW
    n_extra = nblk - NW * base_cnt
    cnt_max = base_cnt + (1 if n_extra else 0)
    pairs = (cnt_max + 1) // 2
    mesh = plsc.VectorSubcoreMesh(core_axis_name="c", subcore_axis_name="s")

    @functools.partial(
        pl.kernel,
        out_type=jax.ShapeDtypeStruct((E, TD), jnp.int32),
        mesh=mesh,
        scratch_types=[
            pltpu.VMEM((cnt_max * BLK,), jnp.int32),
            pltpu.VMEM((BLK, TD), jnp.int32),
            pltpu.VMEM((BLK, TD), jnp.int32),
            pltpu.SemaphoreType.DMA,
            pltpu.SemaphoreType.DMA,
            pltpu.SemaphoreType.DMA,
            pltpu.SemaphoreType.DMA,
        ],
    )
    def k(t_hbm, idx_hbm, g_hbm, idx_all, buf0, buf1, gs0, gs1, ws0, ws1):
        wid = lax.axis_index("s") * 2 + lax.axis_index("c")
        base_blk = wid * base_cnt + jnp.minimum(wid, n_extra)
        cnt = jnp.where(wid < n_extra, base_cnt + 1, base_cnt)
        ebase = base_blk * BLK

        pltpu.sync_copy(idx_hbm.at[pl.ds(ebase, cnt_max * BLK)], idx_all)

        bufs = (buf0, buf1)
        gsems = (gs0, gs1)
        wsems = (ws0, ws1)

        def gissue(i, b):
            pltpu.async_copy(
                t_hbm.at[idx_all.at[pl.ds(i * BLK, BLK)]], bufs[b], gsems[b])

        def gwait(b):
            pltpu.make_async_copy(
                t_hbm.at[pl.ds(0, BLK)], bufs[b], gsems[b]).wait()

        def wissue(i, b):
            pltpu.async_copy(
                bufs[b], g_hbm.at[pl.ds(ebase + i * BLK, BLK)], wsems[b])

        def wwait(b):
            pltpu.make_async_copy(
                bufs[b], g_hbm.at[pl.ds(0, BLK)], wsems[b]).wait()

        gissue(0, 0)

        @pl.loop(0, pairs)
        def _(ii):
            for b in range(2):
                i = ii * 2 + b

                @pl.when(i < cnt)
                def _(i=i, b=b):
                    gwait(b)
                    wissue(i, b)

                    @pl.when(i + 1 < cnt)
                    def _():
                        @pl.when(i >= 1)
                        def _():
                            wwait(1 - b)

                        gissue(i + 1, 1 - b)

        wwait(0)
        wwait(1)

    return k(t_all, neigh_pad)


def _sc_scatter(c2d_1, c2d_2, pa1, pa2, p01, p02, p11, p12, p21, p22,
                zeros_nd):
    EH, D = pa1.shape
    N = zeros_nd.shape[0]
    nblk = EH // BLK
    NS = 16
    NSH = 8
    CH = ((nblk + NSH - 1) // NSH + 7) // 8 * 8
    n_full = nblk // CH
    rem = nblk - n_full * CH
    cnt_max = CH
    NBUF = 2
    rounds = (cnt_max + NBUF - 1) // NBUF
    tiles = N // 8
    rows8 = (tiles // NS) * 8
    n_hi = tiles - NS * (tiles // NS)
    assert n_hi * (rows8 + 8) + (NS - n_hi) * rows8 == N
    mesh = plsc.VectorSubcoreMesh(core_axis_name="c", subcore_axis_name="s")

    @functools.partial(
        pl.kernel,
        out_type=(jax.ShapeDtypeStruct((N, D), jnp.float32),
                  jax.ShapeDtypeStruct((N, D), jnp.float32),
                  jax.ShapeDtypeStruct((N, D), jnp.float32),
                  jax.ShapeDtypeStruct((N, D), jnp.float32)),
        mesh=mesh,
        scratch_types=[
            pltpu.VMEM((cnt_max, BLK), jnp.int32),
            pltpu.VMEM((BLK, D), jnp.float32),
            pltpu.VMEM((BLK, D), jnp.float32),
            pltpu.VMEM_SHARED((N, D), jnp.float32),
            pltpu.SemaphoreType.DMA,
            pltpu.SemaphoreType.DMA,
            pltpu.SemaphoreType.DMA,
            pltpu.SemaphoreType.DMA,
        ],
    )
    def k(c1_hbm, c2_hbm, pa1_hbm, pa2_hbm, p01_hbm, p02_hbm,
          p11_hbm, p12_hbm, p21_hbm, p22_hbm, z_hbm,
          ds_hbm, v0_hbm, v1_hbm, v2_hbm,
          idx2, b0, b1,
          acc, ps0, ps1, ss0, ss1):
        cid = lax.axis_index("c")
        sid = lax.axis_index("s")
        sidh = lax.rem(sid, NSH)
        sbase = sidh * CH
        cnt = jnp.where(sidh < n_full, CH, rem)
        bufs = (b0, b1)
        psems = (ps0, ps1)
        ssems = (ss0, ss1)

        @pl.when(sid < NSH)
        def _():
            pltpu.sync_copy(c1_hbm.at[pl.ds(sbase, CH)], idx2)

        @pl.when(sid >= NSH)
        def _():
            pltpu.sync_copy(c2_hbm.at[pl.ds(sbase, CH)], idx2)

        def pipe(pay_hbm):
            def pissue(i, b):
                pltpu.async_copy(
                    pay_hbm.at[pl.ds((sbase + i) * BLK, BLK)],
                    bufs[b], psems[b])

            def pwait(b):
                pltpu.make_async_copy(
                    pay_hbm.at[pl.ds(0, BLK)], bufs[b], psems[b]).wait()

            def sissue(i, b):
                pltpu.async_copy(bufs[b], acc.at[idx2.at[i]], ssems[b],
                                 add=True)

            def swait(b):
                pltpu.make_async_copy(
                    pay_hbm.at[pl.ds(0, BLK)], bufs[b], ssems[b]).wait()

            for b in range(NBUF - 1):
                @pl.when(b < cnt)
                def _(b=b):
                    pissue(b, b)

            @pl.loop(0, rounds)
            def _(ii):
                for b in range(NBUF):
                    i = ii * NBUF + b

                    @pl.when(i < cnt)
                    def _(i=i, b=b):
                        pwait(b)
                        sissue(i, b)
                        j = i + NBUF - 1

                        @pl.when(j < cnt)
                        def _():
                            nb = (b + NBUF - 1) % NBUF

                            @pl.when(j >= NBUF)
                            def _():
                                swait(nb)

                            pissue(j, nb)

            for b in range(NBUF):
                swait(b)

        def chunk(payh1_hbm, payh2_hbm, out_hbm):
            @pl.when(sid < n_hi)
            def _():
                start = sid * (rows8 + 8)
                pltpu.sync_copy(z_hbm.at[pl.ds(start, rows8 + 8)],
                                acc.at[pl.ds(start, rows8 + 8)])

            @pl.when(sid >= n_hi)
            def _():
                start = n_hi * (rows8 + 8) + (sid - n_hi) * rows8
                pltpu.sync_copy(z_hbm.at[pl.ds(start, rows8)],
                                acc.at[pl.ds(start, rows8)])

            plsc.subcore_barrier()

            @pl.when(sid < NSH)
            def _():
                pipe(payh1_hbm)

            @pl.when(sid >= NSH)
            def _():
                pipe(payh2_hbm)

            plsc.subcore_barrier()

            @pl.when(sid < n_hi)
            def _():
                start = sid * (rows8 + 8)
                pltpu.sync_copy(acc.at[pl.ds(start, rows8 + 8)],
                                out_hbm.at[pl.ds(start, rows8 + 8)])

            @pl.when(sid >= n_hi)
            def _():
                start = n_hi * (rows8 + 8) + (sid - n_hi) * rows8
                pltpu.sync_copy(acc.at[pl.ds(start, rows8)],
                                out_hbm.at[pl.ds(start, rows8)])

            plsc.subcore_barrier()

        @pl.when(cid == 0)
        def _():
            chunk(pa1_hbm, pa2_hbm, ds_hbm)
            chunk(p01_hbm, p02_hbm, v0_hbm)

        @pl.when(cid == 1)
        def _():
            chunk(p11_hbm, p12_hbm, v1_hbm)
            chunk(p21_hbm, p22_hbm, v2_hbm)

    return k(c2d_1, c2d_2, pa1, pa2, p01, p02, p11, p12, p21, p22, zeros_nd)




def kernel(vector_embeddings, scalar_embeddings, edge_vectors, edge_index,
           Wf, bf, w1, b1, w2, b2):
    N, D = scalar_embeddings.shape
    TD = 3 * D
    E = edge_vectors.shape[0]
    central = edge_index[0].astype(jnp.int32)
    neigh = edge_index[1].astype(jnp.int32)

    t_all = _mlp_pack(scalar_embeddings, w1, b1, w2, b2,
                      vector_embeddings[:, :, 0],
                      vector_embeddings[:, :, 1],
                      vector_embeddings[:, :, 2])

    d = jnp.sqrt(jnp.sum(edge_vectors * edge_vectors, axis=-1, keepdims=True))
    d4 = d.reshape(E // BE, 4, BE // 4).transpose(0, 2, 1).reshape(E // 4, 4)
    d4 = jnp.repeat(d4, 32, axis=1)
    wf32 = jnp.zeros((32, TD), jnp.float32).at[:NBASIS].set(Wf).at[31].set(bf)
    w4 = jax.scipy.linalg.block_diag(wf32, wf32, wf32, wf32)

    EH = E // 2
    pays = []
    for h in range(2):
        sl = slice(h * EH, (h + 1) * EH)
        neigh_pad = jnp.concatenate([neigh[sl], jnp.zeros((BLK,), jnp.int32)])
        g_h = _sc_gather(t_all, neigh_pad)
        pays.append(_payloads(edge_vectors[sl],
                              d4[h * (EH // 4):(h + 1) * (EH // 4)], g_h, w4))

    zeros_nd = jnp.zeros((N, D), jnp.float32)
    nblk_h = EH // BLK
    ch = ((nblk_h + 7) // 8 + 7) // 8 * 8
    c2d = []
    for h in range(2):
        c_h = central[h * EH:(h + 1) * EH].reshape(nblk_h, BLK)
        c2d.append(jnp.concatenate(
            [c_h, jnp.zeros((8 * ch - nblk_h, BLK), jnp.int32)]))
    (pa1, p01, p11, p21), (pa2, p02, p12, p22) = pays
    ds, v0, v1, v2 = _sc_scatter(c2d[0], c2d[1], pa1, pa2, p01, p02,
                                 p11, p12, p21, p22, zeros_nd)

    delta_v = jnp.stack([v0, v1, v2], axis=-1)
    return (delta_v, ds)

# --- scband reference (transcript-rebuilt; emitter-appended) ---
"""Pipeline reference for scband-interaction-28750511079690 (READ-ONLY COPY).

The authoritative reference and input builder live on the scoring server;
editing this copy changes nothing except your own understanding.
"""

import jax, jax.numpy as jnp
import numpy as np

N = 10000
E = 160000
D = 128
R = 20
CUTOFF = 5.0
P = 6


def bessel(d):
    # d: [E, 1] -> [E, R]
    n = jnp.arange(1, R + 1, dtype=jnp.float32)
    return jnp.sqrt(2.0 / CUTOFF) * jnp.sin(n * jnp.pi * d / CUTOFF) / d


def polynomial_envelope(d):
    # d: [E, 1] -> [E, 1]; smooth cutoff envelope of degree P
    u = d / CUTOFF
    p = float(P)
    env = (1.0
           - (p + 1.0) * (p + 2.0) / 2.0 * u ** P
           + p * (p + 2.0) * u ** (P + 1)
           - p * (p + 1.0) / 2.0 * u ** (P + 2))
    return jnp.where(d < CUTOFF, env, 0.0)


def setup_inputs(seed: int = 0) -> dict:
    key = jax.random.key(seed)
    ks = jax.random.split(key, 10)
    vector_embeddings = jax.random.normal(ks[0], (N, D, 3), dtype=jnp.float32)
    scalar_embeddings = jax.random.normal(ks[1], (N, D), dtype=jnp.float32)
    edge_index = jax.random.randint(ks[2], (2, E), 0, N, dtype=jnp.int64)
    raw = jax.random.normal(ks[3], (E, 3), dtype=jnp.float32)
    raw = raw / jnp.linalg.norm(raw, axis=-1, keepdims=True)
    lengths = jax.random.uniform(ks[4], (E, 1), minval=0.5, maxval=4.5, dtype=jnp.float32)
    edge_vectors = raw * lengths
    Wf = jax.random.normal(ks[5], (R, 3 * D), dtype=jnp.float32) * 0.05
    bf = jnp.zeros((3 * D,), dtype=jnp.float32)
    w1 = jax.random.normal(ks[6], (D, D), dtype=jnp.float32) * 0.05
    b1 = jnp.zeros((D,), dtype=jnp.float32)
    w2 = jax.random.normal(ks[7], (D, 3 * D), dtype=jnp.float32) * 0.05
    b2 = jnp.zeros((3 * D,), dtype=jnp.float32)
    return {"vector_embeddings": vector_embeddings,
            "scalar_embeddings": scalar_embeddings,
            "edge_vectors": edge_vectors,
            "edge_index": edge_index,
            "Wf": Wf, "bf": bf, "w1": w1, "b1": b1, "w2": w2, "b2": b2}


def reference(vector_embeddings, scalar_embeddings, edge_vectors, edge_index, Wf, bf, w1, b1, w2, b2):
    central = edge_index[0]   # i (message destination)
    neigh = edge_index[1]     # j (message source / neighbour)

    d = jnp.linalg.norm(edge_vectors, axis=-1, keepdims=True)  # [E, 1]
    unit_vectors = edge_vectors / d                             # [E, 3]

    # Phi: MLP([D, D, 3D]) with SiLU between layers
    h = jax.nn.silu(scalar_embeddings @ w1 + b1)
    new_features = h @ w2 + b2                                  # [N, 3D]

    # filter generator: Linear(Bessel(d)) * PolynomialEnvelope(d)
    edge_embeddings = (bessel(d) @ Wf + bf) * polynomial_envelope(d)  # [E, 3D]

    # index over neighbours (gather) then convolve with filters
    x_ij = jnp.take(new_features, neigh, axis=0) * edge_embeddings    # [E, 3D]
    a, b, c = jnp.split(x_ij, 3, axis=-1)                             # each [E, D]

    # scalar total messages: scatter-add over central atoms
    delta_s = jax.ops.segment_sum(a, central, num_segments=N)        # [N, D]

    # vector messages
    v_ij = b[:, :, None] * unit_vectors[:, None, :]                   # [E, D, 3]
    v_ij = v_ij + c[:, :, None] * jnp.take(vector_embeddings, neigh, axis=0)
    delta_v = jax.ops.segment_sum(v_ij, central, num_segments=N)     # [N, D, 3]

    return (delta_v, delta_s)

if __name__ == "__main__":
    import jax
    _d = setup_inputs()
    print(jax.jit(kernel)(*tuple(_d.values())))

</pallas_src>

<mosaic_0001>
#map = affine_map<(d0, d1) -> (0, 0)>
#map1 = affine_map<(d0, d1) -> (0)>
module attributes {stable_mosaic.version = 14 : i64} {
  func.func @k(%arg0: i32, %arg1: i32, %arg2: memref<10000x384xi32, #tpu.memory_space<hbm>>, %arg3: memref<80128xi32, #tpu.memory_space<hbm>>, %arg4: memref<80000x384xi32, #tpu.memory_space<hbm>>, %arg5: memref<2560xi32, #tpu.memory_space<vmem>>, %arg6: memref<128x384xi32, #tpu.memory_space<vmem>>, %arg7: memref<128x384xi32, #tpu.memory_space<vmem>>, %arg8: memref<!tpu.dma_semaphore, #tpu.memory_space<semaphore_mem>>, %arg9: memref<!tpu.dma_semaphore, #tpu.memory_space<semaphore_mem>>, %arg10: memref<!tpu.dma_semaphore, #tpu.memory_space<semaphore_mem>>, %arg11: memref<!tpu.dma_semaphore, #tpu.memory_space<semaphore_mem>>) attributes {dimension_semantics = [#tpu.dimension_semantics<core_parallel>, #tpu.dimension_semantics<subcore_parallel>], iteration_bounds = array<i64: 2, 16>, scalar_prefetch = 0 : i64, scratch_operands = 7 : i64, tpu.core_type = #tpu.core_type<sc_vector_subcore>, window_params = [{transform_indices = #map}, {transform_indices = #map1}, {transform_indices = #map}]} {
    %mul3A = arith.constant 2 : i32
    %mul3A_0 = arith.muli %arg1, %mul3A : i32
    %add3A = arith.addi %mul3A_0, %arg0 : i32
    %mul3A_1 = arith.constant 19 : i32
    %mul3A_2 = arith.muli %add3A, %mul3A_1 : i32
    %min3A = arith.constant 17 : i32
    %min3A_3 = arith.minsi %add3A, %min3A : i32
    %add3A_4 = arith.addi %mul3A_2, %min3A_3 : i32
    %lt3A = arith.constant 17 : i32
    %lt3A_5 = arith.cmpi slt, %add3A, %lt3A : i32
    %jit3A = arith.constant 20 : i32
    %jit3A_6 = arith.constant 19 : i32
    %select_n3A = arith.select %lt3A_5, %jit3A, %jit3A_6 : i32
    %mul3A_7 = arith.constant 128 : i32
    %mul3A_8 = arith.muli %add3A_4, %mul3A_7 : i32
    "tpu.region"() ({
      %run_scoped3A = tpu.sem_alloc : memref<!tpu.dma_semaphore, #tpu.memory_space<semaphore_mem>>
      %dma_start3A_28 = tpu.memref_slice %arg3[%mul3A_8] : memref<80128xi32, #tpu.memory_space<hbm>> -> memref<2560xi32, #tpu.memory_space<hbm>>
      %dma_start3A_29 = tpu.memref_slice %arg3[%mul3A_8] : memref<80128xi32, #tpu.memory_space<hbm>> -> memref<2560xi32, #tpu.memory_space<hbm>>
      tpu.enqueue_dma source(%dma_start3A_29 : memref<2560xi32, #tpu.memory_space<hbm>>) target(%arg5 : memref<2560xi32, #tpu.memory_space<vmem>>) target_semaphore(%run_scoped3A : memref<!tpu.dma_semaphore, #tpu.memory_space<semaphore_mem>>)
      %dma_wait3A_30 = tpu.memref_slice %arg3[%mul3A_8] : memref<80128xi32, #tpu.memory_space<hbm>> -> memref<2560xi32, #tpu.memory_space<hbm>>
      %dma_wait3A_31 = tpu.memref_slice %arg3[%mul3A_8] : memref<80128xi32, #tpu.memory_space<hbm>> -> memref<2560xi32, #tpu.memory_space<hbm>>
      tpu.wait_dma2 semaphore(%run_scoped3A : memref<!tpu.dma_semaphore, #tpu.memory_space<semaphore_mem>>) src(%dma_wait3A_31 : memref<2560xi32, #tpu.memory_space<hbm>>) dst(%arg5 : memref<2560xi32, #tpu.memory_space<vmem>>)
      tpu.yield
    }) : () -> ()
    %dma_start3A = arith.constant 0 : i32
    %dma_start3A_9 = tpu.memref_slice %arg5[%dma_start3A] : memref<2560xi32, #tpu.memory_space<vmem>> -> memref<128xi32, #tpu.memory_space<vmem>>
    %dma_start3A_10 = arith.constant 0 : i32
    %dma_start3A_11 = arith.constant 0 : i32
    %dma_start3A_12 = tpu.memref_slice %arg2[%dma_start3A_10, %dma_start3A_11] : memref<10000x384xi32, #tpu.memory_space<hbm>> -> memref<10000x384xi32, #tpu.memory_space<hbm>>
    tpu.enqueue_indirect_dma source(%dma_start3A_12 : memref<10000x384xi32, #tpu.memory_space<hbm>>) target(%arg6 : memref<128x384xi32, #tpu.memory_space<vmem>>) offsets(%dma_start3A_9 : memref<128xi32, #tpu.memory_space<vmem>>) semaphore(%arg8 : memref<!tpu.dma_semaphore, #tpu.memory_space<semaphore_mem>>)
    %scan3A = arith.constant 0 : i32
    %scan3A_13 = arith.constant 10 : i32
    %scan3A_14 = arith.addi %scan3A, %scan3A_13 : i32
    %scan3A_15 = arith.constant 1 : i32
    scf.for %scan3A_28 = %scan3A to %scan3A_14 step %scan3A_15  : i32 {
      %mul3A_29 = arith.constant 1 : i32
      %mul3A_30 = arith.muli %scan3A_28, %mul3A_29 : i32
      %add3A_31 = arith.constant 0 : i32
      %add3A_32 = arith.addi %add3A_31, %mul3A_30 : i32
      %mul3A_33 = arith.constant 2 : i32
      %mul3A_34 = arith.muli %add3A_32, %mul3A_33 : i32
      %add3A_35 = arith.constant 0 : i32
      %add3A_36 = arith.addi %mul3A_34, %add3A_35 : i32
      %lt3A_37 = arith.cmpi slt, %add3A_36, %select_n3A : i32
      %convert_element_type3A = arith.extui %lt3A_37 : i1 to i32
      %cond3A = arith.constant 0 : i32
      %cond3A_38 = arith.cmpi ne, %convert_element_type3A, %cond3A : i32
      scf.if %cond3A_38 {
        %dma_wait3A_47 = arith.constant 0 : i32
        %dma_wait3A_48 = arith.constant 0 : i32
        %dma_wait3A_49 = tpu.memref_slice %arg2[%dma_wait3A_47, %dma_wait3A_48] : memref<10000x384xi32, #tpu.memory_space<hbm>> -> memref<128x384xi32, #tpu.memory_space<hbm>>
        %dma_wait3A_50 = arith.constant 0 : i32
        %dma_wait3A_51 = arith.constant 0 : i32
        %dma_wait3A_52 = tpu.memref_slice %arg2[%dma_wait3A_50, %dma_wait3A_51] : memref<10000x384xi32, #tpu.memory_space<hbm>> -> memref<128x384xi32, #tpu.memory_space<hbm>>
        tpu.wait_dma2 semaphore(%arg8 : memref<!tpu.dma_semaphore, #tpu.memory_space<semaphore_mem>>) src(%dma_wait3A_52 : memref<128x384xi32, #tpu.memory_space<hbm>>) dst(%arg6 : memref<128x384xi32, #tpu.memory_space<vmem>>)
        %mul3A_53 = arith.constant 128 : i32
        %mul3A_54 = arith.muli %add3A_36, %mul3A_53 : i32
        %add3A_55 = arith.addi %mul3A_8, %mul3A_54 : i32
        %dma_start3A_56 = arith.constant 0 : i32
        %dma_start3A_57 = tpu.memref_slice %arg4[%add3A_55, %dma_start3A_56] : memref<80000x384xi32, #tpu.memory_space<hbm>> -> memref<128x384xi32, #tpu.memory_space<hbm>>
        %dma_start3A_58 = arith.constant 0 : i32
        %dma_start3A_59 = tpu.memref_slice %arg4[%add3A_55, %dma_start3A_58] : memref<80000x384xi32, #tpu.memory_space<hbm>> -> memref<128x384xi32, #tpu.memory_space<hbm>>
        tpu.enqueue_dma source(%arg6 : memref<128x384xi32, #tpu.memory_space<vmem>>) target(%dma_start3A_59 : memref<128x384xi32, #tpu.memory_space<hbm>>) target_semaphore(%arg10 : memref<!tpu.dma_semaphore, #tpu.memory_space<semaphore_mem>>)
        %add3A_60 = arith.constant 1 : i32
        %add3A_61 = arith.addi %add3A_36, %add3A_60 : i32
        %lt3A_62 = arith.cmpi slt, %add3A_61, %select_n3A : i32
        %convert_element_type3A_63 = arith.extui %lt3A_62 : i1 to i32
        %cond3A_64 = arith.constant 0 : i32
        %cond3A_65 = arith.cmpi ne, %convert_element_type3A_63, %cond3A_64 : i32
        scf.if %cond3A_65 {
          %ge3A = arith.constant 1 : i32
          %ge3A_66 = arith.cmpi sge, %add3A_36, %ge3A : i32
          %convert_element_type3A_67 = arith.extui %ge3A_66 : i1 to i32
          %cond3A_68 = arith.constant 0 : i32
          %cond3A_69 = arith.cmpi ne, %convert_element_type3A_67, %cond3A_68 : i32
          scf.if %cond3A_69 {
            %dma_wait3A_78 = arith.constant 0 : i32
            %dma_wait3A_79 = arith.constant 0 : i32
            %dma_wait3A_80 = tpu.memref_slice %arg4[%dma_wait3A_78, %dma_wait3A_79] : memref<80000x384xi32, #tpu.memory_space<hbm>> -> memref<128x384xi32, #tpu.memory_space<hbm>>
            %dma_wait3A_81 = arith.constant 0 : i32
            %dma_wait3A_82 = arith.constant 0 : i32
            %dma_wait3A_83 = tpu.memref_slice %arg4[%dma_wait3A_81, %dma_wait3A_82] : memref<80000x384xi32, #tpu.memory_space<hbm>> -> memref<128x384xi32, #tpu.memory_space<hbm>>
            tpu.wait_dma2 semaphore(%arg11 : memref<!tpu.dma_semaphore, #tpu.memory_space<semaphore_mem>>) src(%arg7 : memref<128x384xi32, #tpu.memory_space<vmem>>) dst(%dma_wait3A_83 : memref<128x384xi32, #tpu.memory_space<hbm>>)
          } else {
          }
          %add3A_70 = arith.constant 1 : i32
          %add3A_71 = arith.addi %add3A_36, %add3A_70 : i32
          %mul3A_72 = arith.constant 128 : i32
          %mul3A_73 = arith.muli %add3A_71, %mul3A_72 : i32
          %dma_start3A_74 = tpu.memref_slice %arg5[%mul3A_73] : memref<2560xi32, #tpu.memory_space<vmem>> -> memref<128xi32, #tpu.memory_space<vmem>>
          %dma_start3A_75 = arith.constant 0 : i32
          %dma_start3A_76 = arith.constant 0 : i32
          %dma_start3A_77 = tpu.memref_slice %arg2[%dma_start3A_75, %dma_start3A_76] : memref<10000x384xi32, #tpu.memory_space<hbm>> -> memref<10000x384xi32, #tpu.memory_space<hbm>>
          tpu.enqueue_indirect_dma source(%dma_start3A_77 : memref<10000x384xi32, #tpu.memory_space<hbm>>) target(%arg7 : memref<128x384xi32, #tpu.memory_space<vmem>>) offsets(%dma_start3A_74 : memref<128xi32, #tpu.memory_space<vmem>>) semaphore(%arg9 : memref<!tpu.dma_semaphore, #tpu.memory_space<semaphore_mem>>)
        } else {
        }
      } else {
      }
      %mul3A_39 = arith.constant 2 : i32
      %mul3A_40 = arith.muli %add3A_32, %mul3A_39 : i32
      %add3A_41 = arith.constant 1 : i32
      %add3A_42 = arith.addi %mul3A_40, %add3A_41 : i32
      %lt3A_43 = arith.cmpi slt, %add3A_42, %select_n3A : i32
      %convert_element_type3A_44 = arith.extui %lt3A_43 : i1 to i32
      %cond3A_45 = arith.constant 0 : i32
      %cond3A_46 = arith.cmpi ne, %convert_element_type3A_44, %cond3A_45 : i32
      scf.if %cond3A_46 {
        %dma_wait3A_47 = arith.constant 0 : i32
        %dma_wait3A_48 = arith.constant 0 : i32
        %dma_wait3A_49 = tpu.memref_slice %arg2[%dma_wait3A_47, %dma_wait3A_48] : memref<10000x384xi32, #tpu.memory_space<hbm>> -> memref<128x384xi32, #tpu.memory_space<hbm>>
        %dma_wait3A_50 = arith.constant 0 : i32
        %dma_wait3A_51 = arith.constant 0 : i32
        %dma_wait3A_52 = tpu.memref_slice %arg2[%dma_wait3A_50, %dma_wait3A_51] : memref<10000x384xi32, #tpu.memory_space<hbm>> -> memref<128x384xi32, #tpu.memory_space<hbm>>
        tpu.wait_dma2 semaphore(%arg9 : memref<!tpu.dma_semaphore, #tpu.memory_space<semaphore_mem>>) src(%dma_wait3A_52 : memref<128x384xi32, #tpu.memory_space<hbm>>) dst(%arg7 : memref<128x384xi32, #tpu.memory_space<vmem>>)
        %mul3A_53 = arith.constant 128 : i32
        %mul3A_54 = arith.muli %add3A_42, %mul3A_53 : i32
        %add3A_55 = arith.addi %mul3A_8, %mul3A_54 : i32
        %dma_start3A_56 = arith.constant 0 : i32
        %dma_start3A_57 = tpu.memref_slice %arg4[%add3A_55, %dma_start3A_56] : memref<80000x384xi32, #tpu.memory_space<hbm>> -> memref<128x384xi32, #tpu.memory_space<hbm>>
        %dma_start3A_58 = arith.constant 0 : i32
        %dma_start3A_59 = tpu.memref_slice %arg4[%add3A_55, %dma_start3A_58] : memref<80000x384xi32, #tpu.memory_space<hbm>> -> memref<128x384xi32, #tpu.memory_space<hbm>>
        tpu.enqueue_dma source(%arg7 : memref<128x384xi32, #tpu.memory_space<vmem>>) target(%dma_start3A_59 : memref<128x384xi32, #tpu.memory_space<hbm>>) target_semaphore(%arg11 : memref<!tpu.dma_semaphore, #tpu.memory_space<semaphore_mem>>)
        %add3A_60 = arith.constant 1 : i32
        %add3A_61 = arith.addi %add3A_42, %add3A_60 : i32
        %lt3A_62 = arith.cmpi slt, %add3A_61, %select_n3A : i32
        %convert_element_type3A_63 = arith.extui %lt3A_62 : i1 to i32
        %cond3A_64 = arith.constant 0 : i32
        %cond3A_65 = arith.cmpi ne, %convert_element_type3A_63, %cond3A_64 : i32
        scf.if %cond3A_65 {
          %ge3A = arith.constant 1 : i32
          %ge3A_66 = arith.cmpi sge, %add3A_42, %ge3A : i32
          %convert_element_type3A_67 = arith.extui %ge3A_66 : i1 to i32
          %cond3A_68 = arith.constant 0 : i32
          %cond3A_69 = arith.cmpi ne, %convert_element_type3A_67, %cond3A_68 : i32
          scf.if %cond3A_69 {
            %dma_wait3A_78 = arith.constant 0 : i32
            %dma_wait3A_79 = arith.constant 0 : i32
            %dma_wait3A_80 = tpu.memref_slice %arg4[%dma_wait3A_78, %dma_wait3A_79] : memref<80000x384xi32, #tpu.memory_space<hbm>> -> memref<128x384xi32, #tpu.memory_space<hbm>>
            %dma_wait3A_81 = arith.constant 0 : i32
            %dma_wait3A_82 = arith.constant 0 : i32
            %dma_wait3A_83 = tpu.memref_slice %arg4[%dma_wait3A_81, %dma_wait3A_82] : memref<80000x384xi32, #tpu.memory_space<hbm>> -> memref<128x384xi32, #tpu.memory_space<hbm>>
            tpu.wait_dma2 semaphore(%arg10 : memref<!tpu.dma_semaphore, #tpu.memory_space<semaphore_mem>>) src(%arg6 : memref<128x384xi32, #tpu.memory_space<vmem>>) dst(%dma_wait3A_83 : memref<128x384xi32, #tpu.memory_space<hbm>>)
          } else {
          }
          %add3A_70 = arith.constant 1 : i32
          %add3A_71 = arith.addi %add3A_42, %add3A_70 : i32
          %mul3A_72 = arith.constant 128 : i32
          %mul3A_73 = arith.muli %add3A_71, %mul3A_72 : i32
          %dma_start3A_74 = tpu.memref_slice %arg5[%mul3A_73] : memref<2560xi32, #tpu.memory_space<vmem>> -> memref<128xi32, #tpu.memory_space<vmem>>
          %dma_start3A_75 = arith.constant 0 : i32
          %dma_start3A_76 = arith.constant 0 : i32
          %dma_start3A_77 = tpu.memref_slice %arg2[%dma_start3A_75, %dma_start3A_76] : memref<10000x384xi32, #tpu.memory_space<hbm>> -> memref<10000x384xi32, #tpu.memory_space<hbm>>
          tpu.enqueue_indirect_dma source(%dma_start3A_77 : memref<10000x384xi32, #tpu.memory_space<hbm>>) target(%arg6 : memref<128x384xi32, #tpu.memory_space<vmem>>) offsets(%dma_start3A_74 : memref<128xi32, #tpu.memory_space<vmem>>) semaphore(%arg8 : memref<!tpu.dma_semaphore, #tpu.memory_space<semaphore_mem>>)
        } else {
        }
      } else {
      }
    }
    %scan3A_16 = arith.constant 10 : i32
    %dma_wait3A = arith.constant 0 : i32
    %dma_wait3A_17 = arith.constant 0 : i32
    %dma_wait3A_18 = tpu.memref_slice %arg4[%dma_wait3A, %dma_wait3A_17] : memref<80000x384xi32, #tpu.memory_space<hbm>> -> memref<128x384xi32, #tpu.memory_space<hbm>>
    %dma_wait3A_19 = arith.constant 0 : i32
    %dma_wait3A_20 = arith.constant 0 : i32
    %dma_wait3A_21 = tpu.memref_slice %arg4[%dma_wait3A_19, %dma_wait3A_20] : memref<80000x384xi32, #tpu.memory_space<hbm>> -> memref<128x384xi32, #tpu.memory_space<hbm>>
    tpu.wait_dma2 semaphore(%arg10 : memref<!tpu.dma_semaphore, #tpu.memory_space<semaphore_mem>>) src(%arg6 : memref<128x384xi32, #tpu.memory_space<vmem>>) dst(%dma_wait3A_21 : memref<128x384xi32, #tpu.memory_space<hbm>>)
    %dma_wait3A_22 = arith.constant 0 : i32
    %dma_wait3A_23 = arith.constant 0 : i32
    %dma_wait3A_24 = tpu.memref_slice %arg4[%dma_wait3A_22, %dma_wait3A_23] : memref<80000x384xi32, #tpu.memory_space<hbm>> -> memref<128x384xi32, #tpu.memory_space<hbm>>
    %dma_wait3A_25 = arith.constant 0 : i32
    %dma_wait3A_26 = arith.constant 0 : i32
    %dma_wait3A_27 = tpu.memref_slice %arg4[%dma_wait3A_25, %dma_wait3A_26] : memref<80000x384xi32, #tpu.memory_space<hbm>> -> memref<128x384xi32, #tpu.memory_space<hbm>>
    tpu.wait_dma2 semaphore(%arg11 : memref<!tpu.dma_semaphore, #tpu.memory_space<semaphore_mem>>) src(%arg7 : memref<128x384xi32, #tpu.memory_space<vmem>>) dst(%dma_wait3A_27 : memref<128x384xi32, #tpu.memory_space<hbm>>)
    return
  }
}

#map = affine_map<(d0, d1) -> (0, 0)>
module attributes {stable_mosaic.version = 14 : i64} {
  func.func @k(%arg0: i32, %arg1: i32, %arg2: memref<640x128xi32, #tpu.memory_space<hbm>>, %arg3: memref<640x128xi32, #tpu.memory_space<hbm>>, %arg4: memref<80000x128xf32, #tpu.memory_space<hbm>>, %arg5: memref<80000x128xf32, #tpu.memory_space<hbm>>, %arg6: memref<80000x128xf32, #tpu.memory_space<hbm>>, %arg7: memref<80000x128xf32, #tpu.memory_space<hbm>>, %arg8: memref<80000x128xf32, #tpu.memory_space<hbm>>, %arg9: memref<80000x128xf32, #tpu.memory_space<hbm>>, %arg10: memref<80000x128xf32, #tpu.memory_space<hbm>>, %arg11: memref<80000x128xf32, #tpu.memory_space<hbm>>, %arg12: memref<10000x128xf32, #tpu.memory_space<hbm>>, %arg13: memref<10000x128xf32, #tpu.memory_space<hbm>>, %arg14: memref<10000x128xf32, #tpu.memory_space<hbm>>, %arg15: memref<10000x128xf32, #tpu.memory_space<hbm>>, %arg16: memref<10000x128xf32, #tpu.memory_space<hbm>>, %arg17: memref<80x128xi32, #tpu.memory_space<vmem>>, %arg18: memref<128x128xf32, #tpu.memory_space<vmem>>, %arg19: memref<128x128xf32, #tpu.memory_space<vmem>>, %arg20: memref<10000x128xf32, #tpu.memory_space<vmem_shared>>, %arg21: memref<!tpu.dma_semaphore, #tpu.memory_space<semaphore_mem>>, %arg22: memref<!tpu.dma_semaphore, #tpu.memory_space<semaphore_mem>>, %arg23: memref<!tpu.dma_semaphore, #tpu.memory_space<semaphore_mem>>, %arg24: memref<!tpu.dma_semaphore, #tpu.memory_space<semaphore_mem>>) attributes {dimension_semantics = [#tpu.dimension_semantics<core_parallel>, #tpu.dimension_semantics<subcore_parallel>], iteration_bounds = array<i64: 2, 16>, scalar_prefetch = 0 : i64, scratch_operands = 8 : i64, tpu.core_type = #tpu.core_type<sc_vector_subcore>, window_params = [{transform_indices = #map}, {transform_indices = #map}, {transform_indices = #map}, {transform_indices = #map}, {transform_indices = #map}, {transform_indices = #map}, {transform_indices = #map}, {transform_indices = #map}, {transform_indices = #map}, {transform_indices = #map}, {transform_indices = #map}, {transform_indices = #map}, {transform_indices = #map}, {transform_indices = #map}, {transform_indices = #map}]} {
    %rem3A = arith.constant 8 : i32
    %rem3A_0 = arith.remsi %arg1, %rem3A : i32
    %mul3A = arith.constant 80 : i32
    %mul3A_1 = arith.muli %rem3A_0, %mul3A : i32
    %lt3A = arith.constant 7 : i32
    %lt3A_2 = arith.cmpi slt, %rem3A_0, %lt3A : i32
    %jit3A = arith.constant 80 : i32
    %jit3A_3 = arith.constant 65 : i32
    %select_n3A = arith.select %lt3A_2, %jit3A, %jit3A_3 : i32
    %lt3A_4 = arith.constant 8 : i32
    %lt3A_5 = arith.cmpi slt, %arg1, %lt3A_4 : i32
    %convert_element_type3A = arith.extui %lt3A_5 : i1 to i32
    %cond3A = arith.constant 0 : i32
    %cond3A_6 = arith.cmpi ne, %convert_element_type3A, %cond3A : i32
    scf.if %cond3A_6 {
      "tpu.region"() ({
        %run_scoped3A = tpu.sem_alloc : memref<!tpu.dma_semaphore, #tpu.memory_space<semaphore_mem>>
        %dma_start3A = arith.constant 0 : i32
        %dma_start3A_20 = tpu.memref_slice %arg2[%mul3A_1, %dma_start3A] : memref<640x128xi32, #tpu.memory_space<hbm>> -> memref<80x128xi32, #tpu.memory_space<hbm>>
        %dma_start3A_21 = arith.constant 0 : i32
        %dma_start3A_22 = tpu.memref_slice %arg2[%mul3A_1, %dma_start3A_21] : memref<640x128xi32, #tpu.memory_space<hbm>> -> memref<80x128xi32, #tpu.memory_space<hbm>>
        tpu.enqueue_dma source(%dma_start3A_22 : memref<80x128xi32, #tpu.memory_space<hbm>>) target(%arg17 : memref<80x128xi32, #tpu.memory_space<vmem>>) target_semaphore(%run_scoped3A : memref<!tpu.dma_semaphore, #tpu.memory_space<semaphore_mem>>)
        %dma_wait3A = arith.constant 0 : i32
        %dma_wait3A_23 = tpu.memref_slice %arg2[%mul3A_1, %dma_wait3A] : memref<640x128xi32, #tpu.memory_space<hbm>> -> memref<80x128xi32, #tpu.memory_space<hbm>>
        %dma_wait3A_24 = arith.constant 0 : i32
        %dma_wait3A_25 = tpu.memref_slice %arg2[%mul3A_1, %dma_wait3A_24] : memref<640x128xi32, #tpu.memory_space<hbm>> -> memref<80x128xi32, #tpu.memory_space<hbm>>
        tpu.wait_dma2 semaphore(%run_scoped3A : memref<!tpu.dma_semaphore, #tpu.memory_space<semaphore_mem>>) src(%dma_wait3A_25 : memref<80x128xi32, #tpu.memory_space<hbm>>) dst(%arg17 : memref<80x128xi32, #tpu.memory_space<vmem>>)
        tpu.yield
      }) : () -> ()
    } else {
    }
    %ge3A = arith.constant 8 : i32
    %ge3A_7 = arith.cmpi sge, %arg1, %ge3A : i32
    %convert_element_type3A_8 = arith.extui %ge3A_7 : i1 to i32
    %cond3A_9 = arith.constant 0 : i32
    %cond3A_10 = arith.cmpi ne, %convert_element_type3A_8, %cond3A_9 : i32
    scf.if %cond3A_10 {
      "tpu.region"() ({
        %run_scoped3A = tpu.sem_alloc : memref<!tpu.dma_semaphore, #tpu.memory_space<semaphore_mem>>
        %dma_start3A = arith.constant 0 : i32
        %dma_start3A_20 = tpu.memref_slice %arg3[%mul3A_1, %dma_start3A] : memref<640x128xi32, #tpu.memory_space<hbm>> -> memref<80x128xi32, #tpu.memory_space<hbm>>
        %dma_start3A_21 = arith.constant 0 : i32
        %dma_start3A_22 = tpu.memref_slice %arg3[%mul3A_1, %dma_start3A_21] : memref<640x128xi32, #tpu.memory_space<hbm>> -> memref<80x128xi32, #tpu.memory_space<hbm>>
        tpu.enqueue_dma source(%dma_start3A_22 : memref<80x128xi32, #tpu.memory_space<hbm>>) target(%arg17 : memref<80x128xi32, #tpu.memory_space<vmem>>) target_semaphore(%run_scoped3A : memref<!tpu.dma_semaphore, #tpu.memory_space<semaphore_mem>>)
        %dma_wait3A = arith.constant 0 : i32
        %dma_wait3A_23 = tpu.memref_slice %arg3[%mul3A_1, %dma_wait3A] : memref<640x128xi32, #tpu.memory_space<hbm>> -> memref<80x128xi32, #tpu.memory_space<hbm>>
        %dma_wait3A_24 = arith.constant 0 : i32
        %dma_wait3A_25 = tpu.memref_slice %arg3[%mul3A_1, %dma_wait3A_24] : memref<640x128xi32, #tpu.memory_space<hbm>> -> memref<80x128xi32, #tpu.memory_space<hbm>>
        tpu.wait_dma2 semaphore(%run_scoped3A : memref<!tpu.dma_semaphore, #tpu.memory_space<semaphore_mem>>) src(%dma_wait3A_25 : memref<80x128xi32, #tpu.memory_space<hbm>>) dst(%arg17 : memref<80x128xi32, #tpu.memory_space<vmem>>)
        tpu.yield
      }) : () -> ()
    } else {
    }
    %eq3A = arith.constant 0 : i32
    %eq3A_11 = arith.cmpi eq, %arg0, %eq3A : i32
    %convert_element_type3A_12 = arith.extui %eq3A_11 : i1 to i32
    %cond3A_13 = arith.constant 0 : i32
    %cond3A_14 = arith.cmpi ne, %convert_element_type3A_12, %cond3A_13 : i32
    scf.if %cond3A_14 {
      %lt3A_20 = arith.constant 2 : i32
      %lt3A_21 = arith.cmpi slt, %arg1, %lt3A_20 : i32
      %convert_element_type3A_22 = arith.extui %lt3A_21 : i1 to i32
      %cond3A_23 = arith.constant 0 : i32
      %cond3A_24 = arith.cmpi ne, %convert_element_type3A_22, %cond3A_23 : i32
      scf.if %cond3A_24 {
        %mul3A_85 = arith.constant 632 : i32
        %mul3A_86 = arith.muli %arg1, %mul3A_85 : i32
        "tpu.region"() ({
          %run_scoped3A = tpu.sem_alloc : memref<!tpu.dma_semaphore, #tpu.memory_space<semaphore_mem>>
          %dma_start3A = arith.constant 0 : i32
          %dma_start3A_87 = tpu.memref_slice %arg20[%mul3A_86, %dma_start3A] : memref<10000x128xf32, #tpu.memory_space<vmem_shared>> -> memref<632x128xf32, #tpu.memory_space<vmem_shared>>
          %dma_start3A_88 = arith.constant 0 : i32
          %dma_start3A_89 = tpu.memref_slice %arg12[%mul3A_86, %dma_start3A_88] : memref<10000x128xf32, #tpu.memory_space<hbm>> -> memref<632x128xf32, #tpu.memory_space<hbm>>
          tpu.enqueue_dma source(%dma_start3A_89 : memref<632x128xf32, #tpu.memory_space<hbm>>) target(%dma_start3A_87 : memref<632x128xf32, #tpu.memory_space<vmem_shared>>) target_semaphore(%run_scoped3A : memref<!tpu.dma_semaphore, #tpu.memory_space<semaphore_mem>>)
          %dma_wait3A = arith.constant 0 : i32
          %dma_wait3A_90 = tpu.memref_slice %arg20[%mul3A_86, %dma_wait3A] : memref<10000x128xf32, #tpu.memory_space<vmem_shared>> -> memref<632x128xf32, #tpu.memory_space<vmem_shared>>
          %dma_wait3A_91 = arith.constant 0 : i32
          %dma_wait3A_92 = tpu.memref_slice %arg12[%mul3A_86, %dma_wait3A_91] : memref<10000x128xf32, #tpu.memory_space<hbm>> -> memref<632x128xf32, #tpu.memory_space<hbm>>
          tpu.wait_dma2 semaphore(%run_scoped3A : memref<!tpu.dma_semaphore, #tpu.memory_space<semaphore_mem>>) src(%dma_wait3A_92 : memref<632x128xf32, #tpu.memory_space<hbm>>) dst(%dma_wait3A_90 : memref<632x128xf32, #tpu.memory_space<vmem_shared>>)
          tpu.yield
        }) : () -> ()
      } else {
      }
      %ge3A_25 = arith.constant 2 : i32
      %ge3A_26 = arith.cmpi sge, %arg1, %ge3A_25 : i32
      %convert_element_type3A_27 = arith.extui %ge3A_26 : i1 to i32
      %cond3A_28 = arith.constant 0 : i32
      %cond3A_29 = arith.cmpi ne, %convert_element_type3A_27, %cond3A_28 : i32
      scf.if %cond3A_29 {
        %sub3A = arith.constant 2 : i32
        %sub3A_85 = arith.subi %arg1, %sub3A : i32
        %mul3A_86 = arith.constant 624 : i32
        %mul3A_87 = arith.muli %sub3A_85, %mul3A_86 : i32
        %add3A = arith.constant 1264 : i32
        %add3A_88 = arith.addi %add3A, %mul3A_87 : i32
        "tpu.region"() ({
          %run_scoped3A = tpu.sem_alloc : memref<!tpu.dma_semaphore, #tpu.memory_space<semaphore_mem>>
          %dma_start3A = arith.constant 0 : i32
          %dma_start3A_89 = tpu.memref_slice %arg20[%add3A_88, %dma_start3A] : memref<10000x128xf32, #tpu.memory_space<vmem_shared>> -> memref<624x128xf32, #tpu.memory_space<vmem_shared>>
          %dma_start3A_90 = arith.constant 0 : i32
          %dma_start3A_91 = tpu.memref_slice %arg12[%add3A_88, %dma_start3A_90] : memref<10000x128xf32, #tpu.memory_space<hbm>> -> memref<624x128xf32, #tpu.memory_space<hbm>>
          tpu.enqueue_dma source(%dma_start3A_91 : memref<624x128xf32, #tpu.memory_space<hbm>>) target(%dma_start3A_89 : memref<624x128xf32, #tpu.memory_space<vmem_shared>>) target_semaphore(%run_scoped3A : memref<!tpu.dma_semaphore, #tpu.memory_space<semaphore_mem>>)
          %dma_wait3A = arith.constant 0 : i32
          %dma_wait3A_92 = tpu.memref_slice %arg20[%add3A_88, %dma_wait3A] : memref<10000x128xf32, #tpu.memory_space<vmem_shared>> -> memref<624x128xf32, #tpu.memory_space<vmem_shared>>
          %dma_wait3A_93 = arith.constant 0 : i32
          %dma_wait3A_94 = tpu.memref_slice %arg12[%add3A_88, %dma_wait3A_93] : memref<10000x128xf32, #tpu.memory_space<hbm>> -> memref<624x128xf32, #tpu.memory_space<hbm>>
          tpu.wait_dma2 semaphore(%run_scoped3A : memref<!tpu.dma_semaphore, #tpu.memory_space<semaphore_mem>>) src(%dma_wait3A_94 : memref<624x128xf32, #tpu.memory_space<hbm>>) dst(%dma_wait3A_92 : memref<624x128xf32, #tpu.memory_space<vmem_shared>>)
          tpu.yield
        }) : () -> ()
      } else {
      }
      %barrier3A = arith.constant 0 : index
      tpu.barrier barrier_id(%barrier3A)
      %lt3A_30 = arith.constant 8 : i32
      %lt3A_31 = arith.cmpi slt, %arg1, %lt3A_30 : i32
      %convert_element_type3A_32 = arith.extui %lt3A_31 : i1 to i32
      %cond3A_33 = arith.constant 0 : i32
      %cond3A_34 = arith.cmpi ne, %convert_element_type3A_32, %cond3A_33 : i32
      scf.if %cond3A_34 {
        %gt3A = arith.constant 0 : i32
        %gt3A_85 = arith.cmpi sgt, %select_n3A, %gt3A : i32
        %convert_element_type3A_86 = arith.extui %gt3A_85 : i1 to i32
        %cond3A_87 = arith.constant 0 : i32
        %cond3A_88 = arith.cmpi ne, %convert_element_type3A_86, %cond3A_87 : i32
        scf.if %cond3A_88 {
          %add3A = arith.constant 0 : i32
          %add3A_104 = arith.addi %mul3A_1, %add3A : i32
          %mul3A_105 = arith.constant 128 : i32
          %mul3A_106 = arith.muli %add3A_104, %mul3A_105 : i32
          %dma_start3A = arith.constant 0 : i32
          %dma_start3A_107 = tpu.memref_slice %arg4[%mul3A_106, %dma_start3A] : memref<80000x128xf32, #tpu.memory_space<hbm>> -> memref<128x128xf32, #tpu.memory_space<hbm>>
          %dma_start3A_108 = arith.constant 0 : i32
          %dma_start3A_109 = tpu.memref_slice %arg4[%mul3A_106, %dma_start3A_108] : memref<80000x128xf32, #tpu.memory_space<hbm>> -> memref<128x128xf32, #tpu.memory_space<hbm>>
          tpu.enqueue_dma source(%dma_start3A_109 : memref<128x128xf32, #tpu.memory_space<hbm>>) target(%arg18 : memref<128x128xf32, #tpu.memory_space<vmem>>) target_semaphore(%arg21 : memref<!tpu.dma_semaphore, #tpu.memory_space<semaphore_mem>>)
        } else {
        }
        %scan3A = arith.constant 0 : i32
        %scan3A_89 = arith.constant 40 : i32
        %scan3A_90 = arith.addi %scan3A, %scan3A_89 : i32
        %scan3A_91 = arith.constant 1 : i32
        scf.for %scan3A_104 = %scan3A to %scan3A_90 step %scan3A_91  : i32 {
          %mul3A_105 = arith.constant 1 : i32
          %mul3A_106 = arith.muli %scan3A_104, %mul3A_105 : i32
          %add3A = arith.constant 0 : i32
          %add3A_107 = arith.addi %add3A, %mul3A_106 : i32
          %mul3A_108 = arith.constant 2 : i32
          %mul3A_109 = arith.muli %add3A_107, %mul3A_108 : i32
          %add3A_110 = arith.constant 0 : i32
          %add3A_111 = arith.addi %mul3A_109, %add3A_110 : i32
          %lt3A_112 = arith.cmpi slt, %add3A_111, %select_n3A : i32
          %convert_element_type3A_113 = arith.extui %lt3A_112 : i1 to i32
          %cond3A_114 = arith.constant 0 : i32
          %cond3A_115 = arith.cmpi ne, %convert_element_type3A_113, %cond3A_114 : i32
          scf.if %cond3A_115 {
            %dma_wait3A_124 = arith.constant 0 : i32
            %dma_wait3A_125 = arith.constant 0 : i32
            %dma_wait3A_126 = tpu.memref_slice %arg4[%dma_wait3A_124, %dma_wait3A_125] : memref<80000x128xf32, #tpu.memory_space<hbm>> -> memref<128x128xf32, #tpu.memory_space<hbm>>
            %dma_wait3A_127 = arith.constant 0 : i32
            %dma_wait3A_128 = arith.constant 0 : i32
            %dma_wait3A_129 = tpu.memref_slice %arg4[%dma_wait3A_127, %dma_wait3A_128] : memref<80000x128xf32, #tpu.memory_space<hbm>> -> memref<128x128xf32, #tpu.memory_space<hbm>>
            tpu.wait_dma2 semaphore(%arg21 : memref<!tpu.dma_semaphore, #tpu.memory_space<semaphore_mem>>) src(%dma_wait3A_129 : memref<128x128xf32, #tpu.memory_space<hbm>>) dst(%arg18 : memref<128x128xf32, #tpu.memory_space<vmem>>)
            %dma_start3A = arith.constant 0 : i32
            %dma_start3A_130 = tpu.memref_slice %arg17[%add3A_111, %dma_start3A] : memref<80x128xi32, #tpu.memory_space<vmem>> -> memref<1x128xi32, #tpu.memory_space<vmem>>
            %dma_start3A_131 = tpu.memref_squeeze %dma_start3A_130 : memref<1x128xi32, #tpu.memory_space<vmem>> -> memref<128xi32, #tpu.memory_space<vmem>>
            %dma_start3A_132 = arith.constant 0 : i32
            %dma_start3A_133 = arith.constant 0 : i32
            %dma_start3A_134 = tpu.memref_slice %arg20[%dma_start3A_132, %dma_start3A_133] : memref<10000x128xf32, #tpu.memory_space<vmem_shared>> -> memref<10000x128xf32, #tpu.memory_space<vmem_shared>>
            tpu.enqueue_indirect_dma source(%arg18 : memref<128x128xf32, #tpu.memory_space<vmem>>) target(%dma_start3A_134 : memref<10000x128xf32, #tpu.memory_space<vmem_shared>>) offsets(%dma_start3A_131 : memref<128xi32, #tpu.memory_space<vmem>>) semaphore(%arg23 : memref<!tpu.dma_semaphore, #tpu.memory_space<semaphore_mem>>) {add = true}
            %add3A_135 = arith.constant 2 : i32
            %add3A_136 = arith.addi %add3A_111, %add3A_135 : i32
            %sub3A = arith.constant 1 : i32
            %sub3A_137 = arith.subi %add3A_136, %sub3A : i32
            %lt3A_138 = arith.cmpi slt, %sub3A_137, %select_n3A : i32
            %convert_element_type3A_139 = arith.extui %lt3A_138 : i1 to i32
            %cond3A_140 = arith.constant 0 : i32
            %cond3A_141 = arith.cmpi ne, %convert_element_type3A_139, %cond3A_140 : i32
            scf.if %cond3A_141 {
              %ge3A_142 = arith.constant 2 : i32
              %ge3A_143 = arith.cmpi sge, %sub3A_137, %ge3A_142 : i32
              %convert_element_type3A_144 = arith.extui %ge3A_143 : i1 to i32
              %cond3A_145 = arith.constant 0 : i32
              %cond3A_146 = arith.cmpi ne, %convert_element_type3A_144, %cond3A_145 : i32
              scf.if %cond3A_146 {
                %dma_wait3A_154 = arith.constant 0 : i32
                %dma_wait3A_155 = arith.constant 0 : i32
                %dma_wait3A_156 = tpu.memref_slice %arg4[%dma_wait3A_154, %dma_wait3A_155] : memref<80000x128xf32, #tpu.memory_space<hbm>> -> memref<128x128xf32, #tpu.memory_space<hbm>>
                %dma_wait3A_157 = arith.constant 0 : i32
                %dma_wait3A_158 = arith.constant 0 : i32
                %dma_wait3A_159 = tpu.memref_slice %arg4[%dma_wait3A_157, %dma_wait3A_158] : memref<80000x128xf32, #tpu.memory_space<hbm>> -> memref<128x128xf32, #tpu.memory_space<hbm>>
                tpu.wait_dma2 semaphore(%arg24 : memref<!tpu.dma_semaphore, #tpu.memory_space<semaphore_mem>>) src(%dma_wait3A_159 : memref<128x128xf32, #tpu.memory_space<hbm>>) dst(%arg19 : memref<128x128xf32, #tpu.memory_space<vmem>>)
              } else {
              }
              %add3A_147 = arith.addi %mul3A_1, %sub3A_137 : i32
              %mul3A_148 = arith.constant 128 : i32
              %mul3A_149 = arith.muli %add3A_147, %mul3A_148 : i32
              %dma_start3A_150 = arith.constant 0 : i32
              %dma_start3A_151 = tpu.memref_slice %arg4[%mul3A_149, %dma_start3A_150] : memref<80000x128xf32, #tpu.memory_space<hbm>> -> memref<128x128xf32, #tpu.memory_space<hbm>>
              %dma_start3A_152 = arith.constant 0 : i32
              %dma_start3A_153 = tpu.memref_slice %arg4[%mul3A_149, %dma_start3A_152] : memref<80000x128xf32, #tpu.memory_space<hbm>> -> memref<128x128xf32, #tpu.memory_space<hbm>>
              tpu.enqueue_dma source(%dma_start3A_153 : memref<128x128xf32, #tpu.memory_space<hbm>>) target(%arg19 : memref<128x128xf32, #tpu.memory_space<vmem>>) target_semaphore(%arg22 : memref<!tpu.dma_semaphore, #tpu.memory_space<semaphore_mem>>)
            } else {
            }
          } else {
          }
          %mul3A_116 = arith.constant 2 : i32
          %mul3A_117 = arith.muli %add3A_107, %mul3A_116 : i32
          %add3A_118 = arith.constant 1 : i32
          %add3A_119 = arith.addi %mul3A_117, %add3A_118 : i32
          %lt3A_120 = arith.cmpi slt, %add3A_119, %select_n3A : i32
          %convert_element_type3A_121 = arith.extui %lt3A_120 : i1 to i32
          %cond3A_122 = arith.constant 0 : i32
          %cond3A_123 = arith.cmpi ne, %convert_element_type3A_121, %cond3A_122 : i32
          scf.if %cond3A_123 {
            %dma_wait3A_124 = arith.constant 0 : i32
            %dma_wait3A_125 = arith.constant 0 : i32
            %dma_wait3A_126 = tpu.memref_slice %arg4[%dma_wait3A_124, %dma_wait3A_125] : memref<80000x128xf32, #tpu.memory_space<hbm>> -> memref<128x128xf32, #tpu.memory_space<hbm>>
            %dma_wait3A_127 = arith.constant 0 : i32
            %dma_wait3A_128 = arith.constant 0 : i32
            %dma_wait3A_129 = tpu.memref_slice %arg4[%dma_wait3A_127, %dma_wait3A_128] : memref<80000x128xf32, #tpu.memory_space<hbm>> -> memref<128x128xf32, #tpu.memory_space<hbm>>
            tpu.wait_dma2 semaphore(%arg22 : memref<!tpu.dma_semaphore, #tpu.memory_space<semaphore_mem>>) src(%dma_wait3A_129 : memref<128x128xf32, #tpu.memory_space<hbm>>) dst(%arg19 : memref<128x128xf32, #tpu.memory_space<vmem>>)
            %dma_start3A = arith.constant 0 : i32
            %dma_start3A_130 = tpu.memref_slice %arg17[%add3A_119, %dma_start3A] : memref<80x128xi32, #tpu.memory_space<vmem>> -> memref<1x128xi32, #tpu.memory_space<vmem>>
            %dma_start3A_131 = tpu.memref_squeeze %dma_start3A_130 : memref<1x128xi32, #tpu.memory_space<vmem>> -> memref<128xi32, #tpu.memory_space<vmem>>
            %dma_start3A_132 = arith.constant 0 : i32
            %dma_start3A_133 = arith.constant 0 : i32
            %dma_start3A_134 = tpu.memref_slice %arg20[%dma_start3A_132, %dma_start3A_133] : memref<10000x128xf32, #tpu.memory_space<vmem_shared>> -> memref<10000x128xf32, #tpu.memory_space<vmem_shared>>
            tpu.enqueue_indirect_dma source(%arg19 : memref<128x128xf32, #tpu.memory_space<vmem>>) target(%dma_start3A_134 : memref<10000x128xf32, #tpu.memory_space<vmem_shared>>) offsets(%dma_start3A_131 : memref<128xi32, #tpu.memory_space<vmem>>) semaphore(%arg24 : memref<!tpu.dma_semaphore, #tpu.memory_space<semaphore_mem>>) {add = true}
            %add3A_135 = arith.constant 2 : i32
            %add3A_136 = arith.addi %add3A_119, %add3A_135 : i32
            %sub3A = arith.constant 1 : i32
            %sub3A_137 = arith.subi %add3A_136, %sub3A : i32
            %lt3A_138 = arith.cmpi slt, %sub3A_137, %select_n3A : i32
            %convert_element_type3A_139 = arith.extui %lt3A_138 : i1 to i32
            %cond3A_140 = arith.constant 0 : i32
            %cond3A_141 = arith.cmpi ne, %convert_element_type3A_139, %cond3A_140 : i32
            scf.if %cond3A_141 {
              %ge3A_142 = arith.constant 2 : i32
              %ge3A_143 = arith.cmpi sge, %sub3A_137, %ge3A_142 : i32
              %convert_element_type3A_144 = arith.extui %ge3A_143 : i1 to i32
              %cond3A_145 = arith.constant 0 : i32
              %cond3A_146 = arith.cmpi ne, %convert_element_type3A_144, %cond3A_145 : i32
              scf.if %cond3A_146 {
                %dma_wait3A_154 = arith.constant 0 : i32
                %dma_wait3A_155 = arith.constant 0 : i32
                %dma_wait3A_156 = tpu.memref_slice %arg4[%dma_wait3A_154, %dma_wait3A_155] : memref<80000x128xf32, #tpu.memory_space<hbm>> -> memref<128x128xf32, #tpu.memory_space<hbm>>
                %dma_wait3A_157 = arith.constant 0 : i32
                %dma_wait3A_158 = arith.constant 0 : i32
                %dma_wait3A_159 = tpu.memref_slice %arg4[%dma_wait3A_157, %dma_wait3A_158] : memref<80000x128xf32, #tpu.memory_space<hbm>> -> memref<128x128xf32, #tpu.memory_space<hbm>>
                tpu.wait_dma2 semaphore(%arg23 : memref<!tpu.dma_semaphore, #tpu.memory_space<semaphore_mem>>) src(%dma_wait3A_159 : memref<128x128xf32, #tpu.memory_space<hbm>>) dst(%arg18 : memref<128x128xf32, #tpu.memory_space<vmem>>)
              } else {
              }
              %add3A_147 = arith.addi %mul3A_1, %sub3A_137 : i32
              %mul3A_148 = arith.constant 128 : i32
              %mul3A_149 = arith.muli %add3A_147, %mul3A_148 : i32
              %dma_start3A_150 = arith.constant 0 : i32
              %dma_start3A_151 = tpu.memref_slice %arg4[%mul3A_149, %dma_start3A_150] : memref<80000x128xf32, #tpu.memory_space<hbm>> -> memref<128x128xf32, #tpu.memory_space<hbm>>
              %dma_start3A_152 = arith.constant 0 : i32
              %dma_start3A_153 = tpu.memref_slice %arg4[%mul3A_149, %dma_start3A_152] : memref<80000x128xf32, #tpu.memory_space<hbm>> -> memref<128x128xf32, #tpu.memory_space<hbm>>
              tpu.enqueue_dma source(%dma_start3A_153 : memref<128x128xf32, #tpu.memory_space<hbm>>) target(%arg18 : memref<128x128xf32, #tpu.memory_space<vmem>>) target_semaphore(%arg21 : memref<!tpu.dma_semaphore, #tpu.memory_space<semaphore_mem>>)
            } else {
            }
          } else {
          }
        }
        %scan3A_92 = arith.constant 40 : i32
        %dma_wait3A = arith.constant 0 : i32
        %dma_wait3A_93 = arith.constant 0 : i32
        %dma_wait3A_94 = tpu.memref_slice %arg4[%dma_wait3A, %dma_wait3A_93] : memref<80000x128xf32, #tpu.memory_space<hbm>> -> memref<128x128xf32, #tpu.memory_space<hbm>>
        %dma_wait3A_95 = arith.constant 0 : i32
        %dma_wait3A_96 = arith.constant 0 : i32
        %dma_wait3A_97 = tpu.memref_slice %arg4[%dma_wait3A_95, %dma_wait3A_96] : memref<80000x128xf32, #tpu.memory_space<hbm>> -> memref<128x128xf32, #tpu.memory_space<hbm>>
        tpu.wait_dma2 semaphore(%arg23 : memref<!tpu.dma_semaphore, #tpu.memory_space<semaphore_mem>>) src(%dma_wait3A_97 : memref<128x128xf32, #tpu.memory_space<hbm>>) dst(%arg18 : memref<128x128xf32, #tpu.memory_space<vmem>>)
        %dma_wait3A_98 = arith.constant 0 : i32
        %dma_wait3A_99 = arith.constant 0 : i32
        %dma_wait3A_100 = tpu.memref_slice %arg4[%dma_wait3A_98, %dma_wait3A_99] : memref<80000x128xf32, #tpu.memory_space<hbm>> -> memref<128x128xf32, #tpu.memory_space<hbm>>
        %dma_wait3A_101 = arith.constant 0 : i32
        %dma_wait3A_102 = arith.constant 0 : i32
        %dma_wait3A_103 = tpu.memref_slice %arg4[%dma_wait3A_101, %dma_wait3A_102] : memref<80000x128xf32, #tpu.memory_space<hbm>> -> memref<128x128xf32, #tpu.memory_space<hbm>>
        tpu.wait_dma2 semaphore(%arg24 : memref<!tpu.dma_semaphore, #tpu.memory_space<semaphore_mem>>) src(%dma_wait3A_103 : memref<128x128xf32, #tpu.memory_space<hbm>>) dst(%arg19 : memref<128x128xf32, #tpu.memory_space<vmem>>)
      } else {
      }
      %ge3A_35 = arith.constant 8 : i32
      %ge3A_36 = arith.cmpi sge, %arg1, %ge3A_35 : i32
      %convert_element_type3A_37 = arith.extui %ge3A_36 : i1 to i32
      %cond3A_38 = arith.constant 0 : i32
      %cond3A_39 = arith.cmpi ne, %convert_element_type3A_37, %cond3A_38 : i32
      scf.if %cond3A_39 {
        %gt3A = arith.constant 0 : i32
        %gt3A_85 = arith.cmpi sgt, %select_n3A, %gt3A : i32
        %convert_element_type3A_86 = arith.extui %gt3A_85 : i1 to i32
        %cond3A_87 = arith.constant 0 : i32
        %cond3A_88 = arith.cmpi ne, %convert_element_type3A_86, %cond3A_87 : i32
        scf.if %cond3A_88 {
          %add3A = arith.constant 0 : i32
          %add3A_104 = arith.addi %mul3A_1, %add3A : i32
          %mul3A_105 = arith.constant 128 : i32
          %mul3A_106 = arith.muli %add3A_104, %mul3A_105 : i32
          %dma_start3A = arith.constant 0 : i32
          %dma_start3A_107 = tpu.memref_slice %arg5[%mul3A_106, %dma_start3A] : memref<80000x128xf32, #tpu.memory_space<hbm>> -> memref<128x128xf32, #tpu.memory_space<hbm>>
          %dma_start3A_108 = arith.constant 0 : i32
          %dma_start3A_109 = tpu.memref_slice %arg5[%mul3A_106, %dma_start3A_108] : memref<80000x128xf32, #tpu.memory_space<hbm>> -> memref<128x128xf32, #tpu.memory_space<hbm>>
          tpu.enqueue_dma source(%dma_start3A_109 : memref<128x128xf32, #tpu.memory_space<hbm>>) target(%arg18 : memref<128x128xf32, #tpu.memory_space<vmem>>) target_semaphore(%arg21 : memref<!tpu.dma_semaphore, #tpu.memory_space<semaphore_mem>>)
        } else {
        }
        %scan3A = arith.constant 0 : i32
        %scan3A_89 = arith.constant 40 : i32
        %scan3A_90 = arith.addi %scan3A, %scan3A_89 : i32
        %scan3A_91 = arith.constant 1 : i32
        scf.for %scan3A_104 = %scan3A to %scan3A_90 step %scan3A_91  : i32 {
          %mul3A_105 = arith.constant 1 : i32
          %mul3A_106 = arith.muli %scan3A_104, %mul3A_105 : i32
          %add3A = arith.constant 0 : i32
          %add3A_107 = arith.addi %add3A, %mul3A_106 : i32
          %mul3A_108 = arith.constant 2 : i32
          %mul3A_109 = arith.muli %add3A_107, %mul3A_108 : i32
          %add3A_110 = arith.constant 0 : i32
          %add3A_111 = arith.addi %mul3A_109, %add3A_110 : i32
          %lt3A_112 = arith.cmpi slt, %add3A_111, %select_n3A : i32
          %convert_element_type3A_113 = arith.extui %lt3A_112 : i1 to i32
          %cond3A_114 = arith.constant 0 : i32
          %cond3A_115 = arith.cmpi ne, %convert_element_type3A_113, %cond3A_114 : i32
          scf.if %cond3A_115 {
            %dma_wait3A_124 = arith.constant 0 : i32
            %dma_wait3A_125 = arith.constant 0 : i32
            %dma_wait3A_126 = tpu.memref_slice %arg5[%dma_wait3A_124, %dma_wait3A_125] : memref<80000x128xf32, #tpu.memory_space<hbm>> -> memref<128x128xf32, #tpu.memory_space<hbm>>
            %dma_wait3A_127 = arith.constant 0 : i32
            %dma_wait3A_128 = arith.constant 0 : i32
            %dma_wait3A_129 = tpu.memref_slice %arg5[%dma_wait3A_127, %dma_wait3A_128] : memref<80000x128xf32, #tpu.memory_space<hbm>> -> memref<128x128xf32, #tpu.memory_space<hbm>>
            tpu.wait_dma2 semaphore(%arg21 : memref<!tpu.dma_semaphore, #tpu.memory_space<semaphore_mem>>) src(%dma_wait3A_129 : memref<128x128xf32, #tpu.memory_space<hbm>>) dst(%arg18 : memref<128x128xf32, #tpu.memory_space<vmem>>)
            %dma_start3A = arith.constant 0 : i32
            %dma_start3A_130 = tpu.memref_slice %arg17[%add3A_111, %dma_start3A] : memref<80x128xi32, #tpu.memory_space<vmem>> -> memref<1x128xi32, #tpu.memory_space<vmem>>
            %dma_start3A_131 = tpu.memref_squeeze %dma_start3A_130 : memref<1x128xi32, #tpu.memory_space<vmem>> -> memref<128xi32, #tpu.memory_space<vmem>>
            %dma_start3A_132 = arith.constant 0 : i32
            %dma_start3A_133 = arith.constant 0 : i32
            %dma_start3A_134 = tpu.memref_slice %arg20[%dma_start3A_132, %dma_start3A_133] : memref<10000x128xf32, #tpu.memory_space<vmem_shared>> -> memref<10000x128xf32, #tpu.memory_space<vmem_shared>>
            tpu.enqueue_indirect_dma source(%arg18 : memref<128x128xf32, #tpu.memory_space<vmem>>) target(%dma_start3A_134 : memref<10000x128xf32, #tpu.memory_space<vmem_shared>>) offsets(%dma_start3A_131 : memref<128xi32, #tpu.memory_space<vmem>>) semaphore(%arg23 : memref<!tpu.dma_semaphore, #tpu.memory_space<semaphore_mem>>) {add = true}
            %add3A_135 = arith.constant 2 : i32
            %add3A_136 = arith.addi %add3A_111, %add3A_135 : i32
            %sub3A = arith.constant 1 : i32
            %sub3A_137 = arith.subi %add3A_136, %sub3A : i32
            %lt3A_138 = arith.cmpi slt, %sub3A_137, %select_n3A : i32
            %convert_element_type3A_139 = arith.extui %lt3A_138 : i1 to i32
            %cond3A_140 = arith.constant 0 : i32
            %cond3A_141 = arith.cmpi ne, %convert_element_type3A_139, %cond3A_140 : i32
            scf.if %cond3A_141 {
              %ge3A_142 = arith.constant 2 : i32
              %ge3A_143 = arith.cmpi sge, %sub3A_137, %ge3A_142 : i32
              %convert_element_type3A_144 = arith.extui %ge3A_143 : i1 to i32
              %cond3A_145 = arith.constant 0 : i32
              %cond3A_146 = arith.cmpi ne, %convert_element_type3A_144, %cond3A_145 : i32
              scf.if %cond3A_146 {
                %dma_wait3A_154 = arith.constant 0 : i32
                %dma_wait3A_155 = arith.constant 0 : i32
                %dma_wait3A_156 = tpu.memref_slice %arg5[%dma_wait3A_154, %dma_wait3A_155] : memref<80000x128xf32, #tpu.memory_space<hbm>> -> memref<128x128xf32, #tpu.memory_space<hbm>>
                %dma_wait3A_157 = arith.constant 0 : i32
                %dma_wait3A_158 = arith.constant 0 : i32
                %dma_wait3A_159 = tpu.memref_slice %arg5[%dma_wait3A_157, %dma_wait3A_158] : memref<80000x128xf32, #tpu.memory_space<hbm>> -> memref<128x128xf32, #tpu.memory_space<hbm>>
                tpu.wait_dma2 semaphore(%arg24 : memref<!tpu.dma_semaphore, #tpu.memory_space<semaphore_mem>>) src(%dma_wait3A_159 : memref<128x128xf32, #tpu.memory_space<hbm>>) dst(%arg19 : memref<128x128xf32, #tpu.memory_space<vmem>>)
              } else {
              }
              %add3A_147 = arith.addi %mul3A_1, %sub3A_137 : i32
              %mul3A_148 = arith.constant 128 : i32
              %mul3A_149 = arith.muli %add3A_147, %mul3A_148 : i32
              %dma_start3A_150 = arith.constant 0 : i32
              %dma_start3A_151 = tpu.memref_slice %arg5[%mul3A_149, %dma_start3A_150] : memref<80000x128xf32, #tpu.memory_space<hbm>> -> memref<128x128xf32, #tpu.memory_space<hbm>>
              %dma_start3A_152 = arith.constant 0 : i32
              %dma_start3A_153 = tpu.memref_slice %arg5[%mul3A_149, %dma_start3A_152] : memref<80000x128xf32, #tpu.memory_space<hbm>> -> memref<128x128xf32, #tpu.memory_space<hbm>>
              tpu.enqueue_dma source(%dma_start3A_153 : memref<128x128xf32, #tpu.memory_space<hbm>>) target(%arg19 : memref<128x128xf32, #tpu.memory_space<vmem>>) target_semaphore(%arg22 : memref<!tpu.dma_semaphore, #tpu.memory_space<semaphore_mem>>)
            } else {
            }
          } else {
          }
          %mul3A_116 = arith.constant 2 : i32
          %mul3A_117 = arith.muli %add3A_107, %mul3A_116 : i32
          %add3A_118 = arith.constant 1 : i32
          %add3A_119 = arith.addi %mul3A_117, %add3A_118 : i32
          %lt3A_120 = arith.cmpi slt, %add3A_119, %select_n3A : i32
          %convert_element_type3A_121 = arith.extui %lt3A_120 : i1 to i32
          %cond3A_122 = arith.constant 0 : i32
          %cond3A_123 = arith.cmpi ne, %convert_element_type3A_121, %cond3A_122 : i32
          scf.if %cond3A_123 {
            %dma_wait3A_124 = arith.constant 0 : i32
            %dma_wait3A_125 = arith.constant 0 : i32
            %dma_wait3A_126 = tpu.memref_slice %arg5[%dma_wait3A_124, %dma_wait3A_125] : memref<80000x128xf32, #tpu.memory_space<hbm>> -> memref<128x128xf32, #tpu.memory_space<hbm>>
            %dma_wait3A_127 = arith.constant 0 : i32
            %dma_wait3A_128 = arith.constant 0 : i32
            %dma_wait3A_129 = tpu.memref_slice %arg5[%dma_wait3A_127, %dma_wait3A_128] : memref<80000x128xf32, #tpu.memory_space<hbm>> -> memref<128x128xf32, #tpu.memory_space<hbm>>
            tpu.wait_dma2 semaphore(%arg22 : memref<!tpu.dma_semaphore, #tpu.memory_space<semaphore_mem>>) src(%dma_wait3A_129 : memref<128x128xf32, #tpu.memory_space<hbm>>) dst(%arg19 : memref<128x128xf32, #tpu.memory_space<vmem>>)
            %dma_start3A = arith.constant 0 : i32
            %dma_start3A_130 = tpu.memref_slice %arg17[%add3A_119, %dma_start3A] : memref<80x128xi32, #tpu.memory_space<vmem>> -> memref<1x128xi32, #tpu.memory_space<vmem>>
            %dma_start3A_131 = tpu.memref_squeeze %dma_start3A_130 : memref<1x128xi32, #tpu.memory_space<vmem>> -> memref<128xi32, #tpu.memory_space<vmem>>
            %dma_start3A_132 = arith.constant 0 : i32
            %dma_start3A_133 = arith.constant 0 : i32
            %dma_start3A_134 = tpu.memref_slice %arg20[%dma_start3A_132, %dma_start3A_133] : memref<10000x128xf32, #tpu.memory_space<vmem_shared>> -> memref<10000x128xf32, #tpu.memory_space<vmem_shared>>
            tpu.enqueue_indirect_dma source(%arg19 : memref<128x128xf32, #tpu.memory_space<vmem>>) target(%dma_start3A_134 : memref<10000x128xf32, #tpu.memory_space<vmem_shared>>) offsets(%dma_start3A_131 : memref<128xi32, #tpu.memory_space<vmem>>) semaphore(%arg24 : memref<!tpu.dma_semaphore, #tpu.memory_space<semaphore_mem>>) {add = true}
            %add3A_135 = arith.constant 2 : i32
            %add3A_136 = arith.addi %add3A_119, %add3A_135 : i32
            %sub3A = arith.constant 1 : i32
            %sub3A_137 = arith.subi %add3A_136, %sub3A : i32
            %lt3A_138 = arith.cmpi slt, %sub3A_137, %select_n3A : i32
            %convert_element_type3A_139 = arith.extui %lt3A_138 : i1 to i32
            %cond3A_140 = arith.constant 0 : i32
            %cond3A_141 = arith.cmpi ne, %convert_element_type3A_139, %cond3A_140 : i32
            scf.if %cond3A_141 {
              %ge3A_142 = arith.constant 2 : i32
              %ge3A_143 = arith.cmpi sge, %sub3A_137, %ge3A_142 : i32
              %convert_element_type3A_144 = arith.extui %ge3A_143 : i1 to i32
              %cond3A_145 = arith.constant 0 : i32
              %cond3A_146 = arith.cmpi ne, %convert_element_type3A_144, %cond3A_145 : i32
              scf.if %cond3A_146 {
                %dma_wait3A_154 = arith.constant 0 : i32
                %dma_wait3A_155 = arith.constant 0 : i32
                %dma_wait3A_156 = tpu.memref_slice %arg5[%dma_wait3A_154, %dma_wait3A_155] : memref<80000x128xf32, #tpu.memory_space<hbm>> -> memref<128x128xf32, #tpu.memory_space<hbm>>
                %dma_wait3A_157 = arith.constant 0 : i32
                %dma_wait3A_158 = arith.constant 0 : i32
                %dma_wait3A_159 = tpu.memref_slice %arg5[%dma_wait3A_157, %dma_wait3A_158] : memref<80000x128xf32, #tpu.memory_space<hbm>> -> memref<128x128xf32, #tpu.memory_space<hbm>>
                tpu.wait_dma2 semaphore(%arg23 : memref<!tpu.dma_semaphore, #tpu.memory_space<semaphore_mem>>) src(%dma_wait3A_159 : memref<128x128xf32, #tpu.memory_space<hbm>>) dst(%arg18 : memref<128x128xf32, #tpu.memory_space<vmem>>)
              } else {
              }
              %add3A_147 = arith.addi %mul3A_1, %sub3A_137 : i32
              %mul3A_148 = arith.constant 128 : i32
              %mul3A_149 = arith.muli %add3A_147, %mul3A_148 : i32
              %dma_start3A_150 = arith.constant 0 : i32
              %dma_start3A_151 = tpu.memref_slice %arg5[%mul3A_149, %dma_start3A_150] : memref<80000x128xf32, #tpu.memory_space<hbm>> -> memref<128x128xf32, #tpu.memory_space<hbm>>
              %dma_start3A_152 = arith.constant 0 : i32
              %dma_start3A_153 = tpu.memref_slice %arg5[%mul3A_149, %dma_start3A_152] : memref<80000x128xf32, #tpu.memory_space<hbm>> -> memref<128x128xf32, #tpu.memory_space<hbm>>
              tpu.enqueue_dma source(%dma_start3A_153 : memref<128x128xf32, #tpu.memory_space<hbm>>) target(%arg18 : memref<128x128xf32, #tpu.memory_space<vmem>>) target_semaphore(%arg21 : memref<!tpu.dma_semaphore, #tpu.memory_space<semaphore_mem>>)
            } else {
            }
          } else {
          }
        }
        %scan3A_92 = arith.constant 40 : i32
        %dma_wait3A = arith.constant 0 : i32
        %dma_wait3A_93 = arith.constant 0 : i32
        %dma_wait3A_94 = tpu.memref_slice %arg5[%dma_wait3A, %dma_wait3A_93] : memref<80000x128xf32, #tpu.memory_space<hbm>> -> memref<128x128xf32, #tpu.memory_space<hbm>>
        %dma_wait3A_95 = arith.constant 0 : i32
        %dma_wait3A_96 = arith.constant 0 : i32
        %dma_wait3A_97 = tpu.memref_slice %arg5[%dma_wait3A_95, %dma_wait3A_96] : memref<80000x128xf32, #tpu.memory_space<hbm>> -> memref<128x128xf32, #tpu.memory_space<hbm>>
        tpu.wait_dma2 semaphore(%arg23 : memref<!tpu.dma_semaphore, #tpu.memory_space<semaphore_mem>>) src(%dma_wait3A_97 : memref<128x128xf32, #tpu.memory_space<hbm>>) dst(%arg18 : memref<128x128xf32, #tpu.memory_space<vmem>>)
        %dma_wait3A_98 = arith.constant 0 : i32
        %dma_wait3A_99 = arith.constant 0 : i32
        %dma_wait3A_100 = tpu.memref_slice %arg5[%dma_wait3A_98, %dma_wait3A_99] : memref<80000x128xf32, #tpu.memory_space<hbm>> -> memref<128x128xf32, #tpu.memory_space<hbm>>
        %dma_wait3A_101 = arith.constant 0 : i32
        %dma_wait3A_102 = arith.constant 0 : i32
        %dma_wait3A_103 = tpu.memref_slice %arg5[%dma_wait3A_101, %dma_wait3A_102] : memref<80000x128xf32, #tpu.memory_space<hbm>> -> memref<128x128xf32, #tpu.memory_space<hbm>>
        tpu.wait_dma2 semaphore(%arg24 : memref<!tpu.dma_semaphore, #tpu.memory_space<semaphore_mem>>) src(%dma_wait3A_103 : memref<128x128xf32, #tpu.memory_space<hbm>>) dst(%arg19 : memref<128x128xf32, #tpu.memory_space<vmem>>)
      } else {
      }
      %barrier3A_40 = arith.constant 0 : index
      tpu.barrier barrier_id(%barrier3A_40)
      %lt3A_41 = arith.constant 2 : i32
      %lt3A_42 = arith.cmpi slt, %arg1, %lt3A_41 : i32
      %convert_element_type3A_43 = arith.extui %lt3A_42 : i1 to i32
      %cond3A_44 = arith.constant 0 : i32
      %cond3A_45 = arith.cmpi ne, %convert_element_type3A_43, %cond3A_44 : i32
      scf.if %cond3A_45 {
        %mul3A_85 = arith.constant 632 : i32
        %mul3A_86 = arith.muli %arg1, %mul3A_85 : i32
        "tpu.region"() ({
          %run_scoped3A = tpu.sem_alloc : memref<!tpu.dma_semaphore, #tpu.memory_space<semaphore_mem>>
          %dma_start3A = arith.constant 0 : i32
          %dma_start3A_87 = tpu.memref_slice %arg13[%mul3A_86, %dma_start3A] : memref<10000x128xf32, #tpu.memory_space<hbm>> -> memref<632x128xf32, #tpu.memory_space<hbm>>
          %dma_start3A_88 = arith.constant 0 : i32
          %dma_start3A_89 = tpu.memref_slice %arg20[%mul3A_86, %dma_start3A_88] : memref<10000x128xf32, #tpu.memory_space<vmem_shared>> -> memref<632x128xf32, #tpu.memory_space<vmem_shared>>
          tpu.enqueue_dma source(%dma_start3A_89 : memref<632x128xf32, #tpu.memory_space<vmem_shared>>) target(%dma_start3A_87 : memref<632x128xf32, #tpu.memory_space<hbm>>) target_semaphore(%run_scoped3A : memref<!tpu.dma_semaphore, #tpu.memory_space<semaphore_mem>>)
          %dma_wait3A = arith.constant 0 : i32
          %dma_wait3A_90 = tpu.memref_slice %arg13[%mul3A_86, %dma_wait3A] : memref<10000x128xf32, #tpu.memory_space<hbm>> -> memref<632x128xf32, #tpu.memory_space<hbm>>
          %dma_wait3A_91 = arith.constant 0 : i32
          %dma_wait3A_92 = tpu.memref_slice %arg20[%mul3A_86, %dma_wait3A_91] : memref<10000x128xf32, #tpu.memory_space<vmem_shared>> -> memref<632x128xf32, #tpu.memory_space<vmem_shared>>
          tpu.wait_dma2 semaphore(%run_scoped3A : memref<!tpu.dma_semaphore, #tpu.memory_space<semaphore_mem>>) src(%dma_wait3A_92 : memref<632x128xf32, #tpu.memory_space<vmem_shared>>) dst(%dma_wait3A_90 : memref<632x128xf32, #tpu.memory_space<hbm>>)
          tpu.yield
        }) : () -> ()
      } else {
      }
      %ge3A_46 = arith.constant 2 : i32
      %ge3A_47 = arith.cmpi sge, %arg1, %ge3A_46 : i32
      %convert_element_type3A_48 = arith.extui %ge3A_47 : i1 to i32
      %cond3A_49 = arith.constant 0 : i32
      %cond3A_50 = arith.cmpi ne, %convert_element_type3A_48, %cond3A_49 : i32
      scf.if %cond3A_50 {
        %sub3A = arith.constant 2 : i32
        %sub3A_85 = arith.subi %arg1, %sub3A : i32
        %mul3A_86 = arith.constant 624 : i32
        %mul3A_87 = arith.muli %sub3A_85, %mul3A_86 : i32
        %add3A = arith.constant 1264 : i32
        %add3A_88 = arith.addi %add3A, %mul3A_87 : i32
        "tpu.region"() ({
          %run_scoped3A = tpu.sem_alloc : memref<!tpu.dma_semaphore, #tpu.memory_space<semaphore_mem>>
          %dma_start3A = arith.constant 0 : i32
          %dma_start3A_89 = tpu.memref_slice %arg13[%add3A_88, %dma_start3A] : memref<10000x128xf32, #tpu.memory_space<hbm>> -> memref<624x128xf32, #tpu.memory_space<hbm>>
          %dma_start3A_90 = arith.constant 0 : i32
          %dma_start3A_91 = tpu.memref_slice %arg20[%add3A_88, %dma_start3A_90] : memref<10000x128xf32, #tpu.memory_space<vmem_shared>> -> memref<624x128xf32, #tpu.memory_space<vmem_shared>>
          tpu.enqueue_dma source(%dma_start3A_91 : memref<624x128xf32, #tpu.memory_space<vmem_shared>>) target(%dma_start3A_89 : memref<624x128xf32, #tpu.memory_space<hbm>>) target_semaphore(%run_scoped3A : memref<!tpu.dma_semaphore, #tpu.memory_space<semaphore_mem>>)
          %dma_wait3A = arith.constant 0 : i32
          %dma_wait3A_92 = tpu.memref_slice %arg13[%add3A_88, %dma_wait3A] : memref<10000x128xf32, #tpu.memory_space<hbm>> -> memref<624x128xf32, #tpu.memory_space<hbm>>
          %dma_wait3A_93 = arith.constant 0 : i32
          %dma_wait3A_94 = tpu.memref_slice %arg20[%add3A_88, %dma_wait3A_93] : memref<10000x128xf32, #tpu.memory_space<vmem_shared>> -> memref<624x128xf32, #tpu.memory_space<vmem_shared>>
          tpu.wait_dma2 semaphore(%run_scoped3A : memref<!tpu.dma_semaphore, #tpu.memory_space<semaphore_mem>>) src(%dma_wait3A_94 : memref<624x128xf32, #tpu.memory_space<vmem_shared>>) dst(%dma_wait3A_92 : memref<624x128xf32, #tpu.memory_space<hbm>>)
          tpu.yield
        }) : () -> ()
      } else {
      }
      %barrier3A_51 = arith.constant 0 : index
      tpu.barrier barrier_id(%barrier3A_51)
      %lt3A_52 = arith.constant 2 : i32
      %lt3A_53 = arith.cmpi slt, %arg1, %lt3A_52 : i32
      %convert_element_type3A_54 = arith.extui %lt3A_53 : i1 to i32
      %cond3A_55 = arith.constant 0 : i32
      %cond3A_56 = arith.cmpi ne, %convert_element_type3A_54, %cond3A_55 : i32
      scf.if %cond3A_56 {
        %mul3A_85 = arith.constant 632 : i32
        %mul3A_86 = arith.muli %arg1, %mul3A_85 : i32
        "tpu.region"() ({
          %run_scoped3A = tpu.sem_alloc : memref<!tpu.dma_semaphore, #tpu.memory_space<semaphore_mem>>
          %dma_start3A = arith.constant 0 : i32
          %dma_start3A_87 = tpu.memref_slice %arg20[%mul3A_86, %dma_start3A] : memref<10000x128xf32, #tpu.memory_space<vmem_shared>> -> memref<632x128xf32, #tpu.memory_space<vmem_shared>>
          %dma_start3A_88 = arith.constant 0 : i32
          %dma_start3A_89 = tpu.memref_slice %arg12[%mul3A_86, %dma_start3A_88] : memref<10000x128xf32, #tpu.memory_space<hbm>> -> memref<632x128xf32, #tpu.memory_space<hbm>>
          tpu.enqueue_dma source(%dma_start3A_89 : memref<632x128xf32, #tpu.memory_space<hbm>>) target(%dma_start3A_87 : memref<632x128xf32, #tpu.memory_space<vmem_shared>>) target_semaphore(%run_scoped3A : memref<!tpu.dma_semaphore, #tpu.memory_space<semaphore_mem>>)
          %dma_wait3A = arith.constant 0 : i32
          %dma_wait3A_90 = tpu.memref_slice %arg20[%mul3A_86, %dma_wait3A] : memref<10000x128xf32, #tpu.memory_space<vmem_shared>> -> memref<632x128xf32, #tpu.memory_space<vmem_shared>>
          %dma_wait3A_91 = arith.constant 0 : i32
          %dma_wait3A_92 = tpu.memref_slice %arg12[%mul3A_86, %dma_wait3A_91] : memref<10000x128xf32, #tpu.memory_space<hbm>> -> memref<632x128xf32, #tpu.memory_space<hbm>>
          tpu.wait_dma2 semaphore(%run_scoped3A : memref<!tpu.dma_semaphore, #tpu.memory_space<semaphore_mem>>) src(%dma_wait3A_92 : memref<632x128xf32, #tpu.memory_space<hbm>>) dst(%dma_wait3A_90 : memref<632x128xf32, #tpu.memory_space<vmem_shared>>)
          tpu.yield
        }) : () -> ()
      } else {
      }
      %ge3A_57 = arith.constant 2 : i32
      %ge3A_58 = arith.cmpi sge, %arg1, %ge3A_57 : i32
      %convert_element_type3A_59 = arith.extui %ge3A_58 : i1 to i32
      %cond3A_60 = arith.constant 0 : i32
      %cond3A_61 = arith.cmpi ne, %convert_element_type3A_59, %cond3A_60 : i32
      scf.if %cond3A_61 {
        %sub3A = arith.constant 2 : i32
        %sub3A_85 = arith.subi %arg1, %sub3A : i32
        %mul3A_86 = arith.constant 624 : i32
        %mul3A_87 = arith.muli %sub3A_85, %mul3A_86 : i32
        %add3A = arith.constant 1264 : i32
        %add3A_88 = arith.addi %add3A, %mul3A_87 : i32
        "tpu.region"() ({
          %run_scoped3A = tpu.sem_alloc : memref<!tpu.dma_semaphore, #tpu.memory_space<semaphore_mem>>
          %dma_start3A = arith.constant 0 : i32
          %dma_start3A_89 = tpu.memref_slice %arg20[%add3A_88, %dma_start3A] : memref<10000x128xf32, #tpu.memory_space<vmem_shared>> -> memref<624x128xf32, #tpu.memory_space<vmem_shared>>
          %dma_start3A_90 = arith.constant 0 : i32
          %dma_start3A_91 = tpu.memref_slice %arg12[%add3A_88, %dma_start3A_90] : memref<10000x128xf32, #tpu.memory_space<hbm>> -> memref<624x128xf32, #tpu.memory_space<hbm>>
          tpu.enqueue_dma source(%dma_start3A_91 : memref<624x128xf32, #tpu.memory_space<hbm>>) target(%dma_start3A_89 : memref<624x128xf32, #tpu.memory_space<vmem_shared>>) target_semaphore(%run_scoped3A : memref<!tpu.dma_semaphore, #tpu.memory_space<semaphore_mem>>)
          %dma_wait3A = arith.constant 0 : i32
          %dma_wait3A_92 = tpu.memref_slice %arg20[%add3A_88, %dma_wait3A] : memref<10000x128xf32, #tpu.memory_space<vmem_shared>> -> memref<624x128xf32, #tpu.memory_space<vmem_shared>>
          %dma_wait3A_93 = arith.constant 0 : i32
          %dma_wait3A_94 = tpu.memref_slice %arg12[%add3A_88, %dma_wait3A_93] : memref<10000x128xf32, #tpu.memory_space<hbm>> -> memref<624x128xf32, #tpu.memory_space<hbm>>
          tpu.wait_dma2 semaphore(%run_scoped3A : memref<!tpu.dma_semaphore, #tpu.memory_space<semaphore_mem>>) src(%dma_wait3A_94 : memref<624x128xf32, #tpu.memory_space<hbm>>) dst(%dma_wait3A_92 : memref<624x128xf32, #tpu.memory_space<vmem_shared>>)
          tpu.yield
        }) : () -> ()
      } else {
      }
      %barrier3A_62 = arith.constant 0 : index
      tpu.barrier barrier_id(%barrier3A_62)
      %lt3A_63 = arith.constant 8 : i32
      %lt3A_64 = arith.cmpi slt, %arg1, %lt3A_63 : i32
      %convert_element_type3A_65 = arith.extui %lt3A_64 : i1 to i32
      %cond3A_66 = arith.constant 0 : i32
      %cond3A_67 = arith.cmpi ne, %convert_element_type3A_65, %cond3A_66 : i32
      scf.if %cond3A_67 {
        %gt3A = arith.constant 0 : i32
        %gt3A_85 = arith.cmpi sgt, %select_n3A, %gt3A : i32
        %convert_element_type3A_86 = arith.extui %gt3A_85 : i1 to i32
        %cond3A_87 = arith.constant 0 : i32
        %cond3A_88 = arith.cmpi ne, %convert_element_type3A_86, %cond3A_87 : i32
        scf.if %cond3A_88 {
          %add3A = arith.constant 0 : i32
          %add3A_104 = arith.addi %mul3A_1, %add3A : i32
          %mul3A_105 = arith.constant 128 : i32
          %mul3A_106 = arith.muli %add3A_104, %mul3A_105 : i32
          %dma_start3A = arith.constant 0 : i32
          %dma_start3A_107 = tpu.memref_slice %arg6[%mul3A_106, %dma_start3A] : memref<80000x128xf32, #tpu.memory_space<hbm>> -> memref<128x128xf32, #tpu.memory_space<hbm>>
          %dma_start3A_108 = arith.constant 0 : i32
          %dma_start3A_109 = tpu.memref_slice %arg6[%mul3A_106, %dma_start3A_108] : memref<80000x128xf32, #tpu.memory_space<hbm>> -> memref<128x128xf32, #tpu.memory_space<hbm>>
          tpu.enqueue_dma source(%dma_start3A_109 : memref<128x128xf32, #tpu.memory_space<hbm>>) target(%arg18 : memref<128x128xf32, #tpu.memory_space<vmem>>) target_semaphore(%arg21 : memref<!tpu.dma_semaphore, #tpu.memory_space<semaphore_mem>>)
        } else {
        }
        %scan3A = arith.constant 0 : i32
        %scan3A_89 = arith.constant 40 : i32
        %scan3A_90 = arith.addi %scan3A, %scan3A_89 : i32
        %scan3A_91 = arith.constant 1 : i32
        scf.for %scan3A_104 = %scan3A to %scan3A_90 step %scan3A_91  : i32 {
          %mul3A_105 = arith.constant 1 : i32
          %mul3A_106 = arith.muli %scan3A_104, %mul3A_105 : i32
          %add3A = arith.constant 0 : i32
          %add3A_107 = arith.addi %add3A, %mul3A_106 : i32
          %mul3A_108 = arith.constant 2 : i32
          %mul3A_109 = arith.muli %add3A_107, %mul3A_108 : i32
          %add3A_110 = arith.constant 0 : i32
          %add3A_111 = arith.addi %mul3A_109, %add3A_110 : i32
          %lt3A_112 = arith.cmpi slt, %add3A_111, %select_n3A : i32
          %convert_element_type3A_113 = arith.extui %lt3A_112 : i1 to i32
          %cond3A_114 = arith.constant 0 : i32
          %cond3A_115 = arith.cmpi ne, %convert_element_type3A_113, %cond3A_114 : i32
          scf.if %cond3A_115 {
            %dma_wait3A_124 = arith.constant 0 : i32
            %dma_wait3A_125 = arith.constant 0 : i32
            %dma_wait3A_126 = tpu.memref_slice %arg6[%dma_wait3A_124, %dma_wait3A_125] : memref<80000x128xf32, #tpu.memory_space<hbm>> -> memref<128x128xf32, #tpu.memory_space<hbm>>
            %dma_wait3A_127 = arith.constant 0 : i32
            %dma_wait3A_128 = arith.constant 0 : i32
            %dma_wait3A_129 = tpu.memref_slice %arg6[%dma_wait3A_127, %dma_wait3A_128] : memref<80000x128xf32, #tpu.memory_space<hbm>> -> memref<128x128xf32, #tpu.memory_space<hbm>>
            tpu.wait_dma2 semaphore(%arg21 : memref<!tpu.dma_semaphore, #tpu.memory_space<semaphore_mem>>) src(%dma_wait3A_129 : memref<128x128xf32, #tpu.memory_space<hbm>>) dst(%arg18 : memref<128x128xf32, #tpu.memory_space<vmem>>)
            %dma_start3A = arith.constant 0 : i32
            %dma_start3A_130 = tpu.memref_slice %arg17[%add3A_111, %dma_start3A] : memref<80x128xi32, #tpu.memory_space<vmem>> -> memref<1x128xi32, #tpu.memory_space<vmem>>
            %dma_start3A_131 = tpu.memref_squeeze %dma_start3A_130 : memref<1x128xi32, #tpu.memory_space<vmem>> -> memref<128xi32, #tpu.memory_space<vmem>>
            %dma_start3A_132 = arith.constant 0 : i32
            %dma_start3A_133 = arith.constant 0 : i32
            %dma_start3A_134 = tpu.memref_slice %arg20[%dma_start3A_132, %dma_start3A_133] : memref<10000x128xf32, #tpu.memory_space<vmem_shared>> -> memref<10000x128xf32, #tpu.memory_space<vmem_shared>>
            tpu.enqueue_indirect_dma source(%arg18 : memref<128x128xf32, #tpu.memory_space<vmem>>) target(%dma_start3A_134 : memref<10000x128xf32, #tpu.memory_space<vmem_shared>>) offsets(%dma_start3A_131 : memref<128xi32, #tpu.memory_space<vmem>>) semaphore(%arg23 : memref<!tpu.dma_semaphore, #tpu.memory_space<semaphore_mem>>) {add = true}
            %add3A_135 = arith.constant 2 : i32
            %add3A_136 = arith.addi %add3A_111, %add3A_135 : i32
            %sub3A = arith.constant 1 : i32
            %sub3A_137 = arith.subi %add3A_136, %sub3A : i32
            %lt3A_138 = arith.cmpi slt, %sub3A_137, %select_n3A : i32
            %convert_element_type3A_139 = arith.extui %lt3A_138 : i1 to i32
            %cond3A_140 = arith.constant 0 : i32
            %cond3A_141 = arith.cmpi ne, %convert_element_type3A_139, %cond3A_140 : i32
            scf.if %cond3A_141 {
              %ge3A_142 = arith.constant 2 : i32
              %ge3A_143 = arith.cmpi sge, %sub3A_137, %ge3A_142 : i32
              %convert_element_type3A_144 = arith.extui %ge3A_143 : i1 to i32
              %cond3A_145 = arith.constant 0 : i32
              %cond3A_146 = arith.cmpi ne, %convert_element_type3A_144, %cond3A_145 : i32
              scf.if %cond3A_146 {
                %dma_wait3A_154 = arith.constant 0 : i32
                %dma_wait3A_155 = arith.constant 0 : i32
                %dma_wait3A_156 = tpu.memref_slice %arg6[%dma_wait3A_154, %dma_wait3A_155] : memref<80000x128xf32, #tpu.memory_space<hbm>> -> memref<128x128xf32, #tpu.memory_space<hbm>>
                %dma_wait3A_157 = arith.constant 0 : i32
                %dma_wait3A_158 = arith.constant 0 : i32
                %dma_wait3A_159 = tpu.memref_slice %arg6[%dma_wait3A_157, %dma_wait3A_158] : memref<80000x128xf32, #tpu.memory_space<hbm>> -> memref<128x128xf32, #tpu.memory_space<hbm>>
                tpu.wait_dma2 semaphore(%arg24 : memref<!tpu.dma_semaphore, #tpu.memory_space<semaphore_mem>>) src(%dma_wait3A_159 : memref<128x128xf32, #tpu.memory_space<hbm>>) dst(%arg19 : memref<128x128xf32, #tpu.memory_space<vmem>>)
              } else {
              }
              %add3A_147 = arith.addi %mul3A_1, %sub3A_137 : i32
              %mul3A_148 = arith.constant 128 : i32
              %mul3A_149 = arith.muli %add3A_147, %mul3A_148 : i32
              %dma_start3A_150 = arith.constant 0 : i32
              %dma_start3A_151 = tpu.memref_slice %arg6[%mul3A_149, %dma_start3A_150] : memref<80000x128xf32, #tpu.memory_space<hbm>> -> memref<128x128xf32, #tpu.memory_space<hbm>>
              %dma_start3A_152 = arith.constant 0 : i32
              %dma_start3A_153 = tpu.memref_slice %arg6[%mul3A_149, %dma_start3A_152] : memref<80000x128xf32, #tpu.memory_space<hbm>> -> memref<128x128xf32, #tpu.memory_space<hbm>>
              tpu.enqueue_dma source(%dma_start3A_153 : memref<128x128xf32, #tpu.memory_space<hbm>>) target(%arg19 : memref<128x128xf32, #tpu.memory_space<vmem>>) target_semaphore(%arg22 : memref<!tpu.dma_semaphore, #tpu.memory_space<semaphore_mem>>)
            } else {
            }
          } else {
          }
          %mul3A_116 = arith.constant 2 : i32
          %mul3A_117 = arith.muli %add3A_107, %mul3A_116 : i32
          %add3A_118 = arith.constant 1 : i32
          %add3A_119 = arith.addi %mul3A_117, %add3A_118 : i32
          %lt3A_120 = arith.cmpi slt, %add3A_119, %select_n3A : i32
          %convert_element_type3A_121 = arith.extui %lt3A_120 : i1 to i32
          %cond3A_122 = arith.constant 0 : i32
          %cond3A_123 = arith.cmpi ne, %convert_element_type3A_121, %cond3A_122 : i32
          scf.if %cond3A_123 {
            %dma_wait3A_124 = arith.constant 0 : i32
            %dma_wait3A_125 = arith.constant 0 : i32
            %dma_wait3A_126 = tpu.memref_slice %arg6[%dma_wait3A_124, %dma_wait3A_125] : memref<80000x128xf32, #tpu.memory_space<hbm>> -> memref<128x128xf32, #tpu.memory_space<hbm>>
            %dma_wait3A_127 = arith.constant 0 : i32
            %dma_wait3A_128 = arith.constant 0 : i32
            %dma_wait3A_129 = tpu.memref_slice %arg6[%dma_wait3A_127, %dma_wait3A_128] : memref<80000x128xf32, #tpu.memory_space<hbm>> -> memref<128x128xf32, #tpu.memory_space<hbm>>
            tpu.wait_dma2 semaphore(%arg22 : memref<!tpu.dma_semaphore, #tpu.memory_space<semaphore_mem>>) src(%dma_wait3A_129 : memref<128x128xf32, #tpu.memory_space<hbm>>) dst(%arg19 : memref<128x128xf32, #tpu.memory_space<vmem>>)
            %dma_start3A = arith.constant 0 : i32
            %dma_start3A_130 = tpu.memref_slice %arg17[%add3A_119, %dma_start3A] : memref<80x128xi32, #tpu.memory_space<vmem>> -> memref<1x128xi32, #tpu.memory_space<vmem>>
            %dma_start3A_131 = tpu.memref_squeeze %dma_start3A_130 : memref<1x128xi32, #tpu.memory_space<vmem>> -> memref<128xi32, #tpu.memory_space<vmem>>
            %dma_start3A_132 = arith.constant 0 : i32
            %dma_start3A_133 = arith.constant 0 : i32
            %dma_start3A_134 = tpu.memref_slice %arg20[%dma_start3A_132, %dma_start3A_133] : memref<10000x128xf32, #tpu.memory_space<vmem_shared>> -> memref<10000x128xf32, #tpu.memory_space<vmem_shared>>
            tpu.enqueue_indirect_dma source(%arg19 : memref<128x128xf32, #tpu.memory_space<vmem>>) target(%dma_start3A_134 : memref<10000x128xf32, #tpu.memory_space<vmem_shared>>) offsets(%dma_start3A_131 : memref<128xi32, #tpu.memory_space<vmem>>) semaphore(%arg24 : memref<!tpu.dma_semaphore, #tpu.memory_space<semaphore_mem>>) {add = true}
            %add3A_135 = arith.constant 2 : i32
            %add3A_136 = arith.addi %add3A_119, %add3A_135 : i32
            %sub3A = arith.constant 1 : i32
            %sub3A_137 = arith.subi %add3A_136, %sub3A : i32
            %lt3A_138 = arith.cmpi slt, %sub3A_137, %select_n3A : i32
            %convert_element_type3A_139 = arith.extui %lt3A_138 : i1 to i32
            %cond3A_140 = arith.constant 0 : i32
            %cond3A_141 = arith.cmpi ne, %convert_element_type3A_139, %cond3A_140 : i32
            scf.if %cond3A_141 {
              %ge3A_142 = arith.constant 2 : i32
              %ge3A_143 = arith.cmpi sge, %sub3A_137, %ge3A_142 : i32
              %convert_element_type3A_144 = arith.extui %ge3A_143 : i1 to i32
              %cond3A_145 = arith.constant 0 : i32
              %cond3A_146 = arith.cmpi ne, %convert_element_type3A_144, %cond3A_145 : i32
              scf.if %cond3A_146 {
                %dma_wait3A_154 = arith.constant 0 : i32
                %dma_wait3A_155 = arith.constant 0 : i32
                %dma_wait3A_156 = tpu.memref_slice %arg6[%dma_wait3A_154, %dma_wait3A_155] : memref<80000x128xf32, #tpu.memory_space<hbm>> -> memref<128x128xf32, #tpu.memory_space<hbm>>
                %dma_wait3A_157 = arith.constant 0 : i32
                %dma_wait3A_158 = arith.constant 0 : i32
                %dma_wait3A_159 = tpu.memref_slice %arg6[%dma_wait3A_157, %dma_wait3A_158] : memref<80000x128xf32, #tpu.memory_space<hbm>> -> memref<128x128xf32, #tpu.memory_space<hbm>>
                tpu.wait_dma2 semaphore(%arg23 : memref<!tpu.dma_semaphore, #tpu.memory_space<semaphore_mem>>) src(%dma_wait3A_159 : memref<128x128xf32, #tpu.memory_space<hbm>>) dst(%arg18 : memref<128x128xf32, #tpu.memory_space<vmem>>)
              } else {
              }
              %add3A_147 = arith.addi %mul3A_1, %sub3A_137 : i32
              %mul3A_148 = arith.constant 128 : i32
              %mul3A_149 = arith.muli %add3A_147, %mul3A_148 : i32
              %dma_start3A_150 = arith.constant 0 : i32
              %dma_start3A_151 = tpu.memref_slice %arg6[%mul3A_149, %dma_start3A_150] : memref<80000x128xf32, #tpu.memory_space<hbm>> -> memref<128x128xf32, #tpu.memory_space<hbm>>
              %dma_start3A_152 = arith.constant 0 : i32
              %dma_start3A_153 = tpu.memref_slice %arg6[%mul3A_149, %dma_start3A_152] : memref<80000x128xf32, #tpu.memory_space<hbm>> -> memref<128x128xf32, #tpu.memory_space<hbm>>
              tpu.enqueue_dma source(%dma_start3A_153 : memref<128x128xf32, #tpu.memory_space<hbm>>) target(%arg18 : memref<128x128xf32, #tpu.memory_space<vmem>>) target_semaphore(%arg21 : memref<!tpu.dma_semaphore, #tpu.memory_space<semaphore_mem>>)
            } else {
            }
          } else {
          }
        }
        %scan3A_92 = arith.constant 40 : i32
        %dma_wait3A = arith.constant 0 : i32
        %dma_wait3A_93 = arith.constant 0 : i32
        %dma_wait3A_94 = tpu.memref_slice %arg6[%dma_wait3A, %dma_wait3A_93] : memref<80000x128xf32, #tpu.memory_space<hbm>> -> memref<128x128xf32, #tpu.memory_space<hbm>>
        %dma_wait3A_95 = arith.constant 0 : i32
        %dma_wait3A_96 = arith.constant 0 : i32
        %dma_wait3A_97 = tpu.memref_slice %arg6[%dma_wait3A_95, %dma_wait3A_96] : memref<80000x128xf32, #tpu.memory_space<hbm>> -> memref<128x128xf32, #tpu.memory_space<hbm>>
        tpu.wait_dma2 semaphore(%arg23 : memref<!tpu.dma_semaphore, #tpu.memory_space<semaphore_mem>>) src(%dma_wait3A_97 : memref<128x128xf32, #tpu.memory_space<hbm>>) dst(%arg18 : memref<128x128xf32, #tpu.memory_space<vmem>>)
        %dma_wait3A_98 = arith.constant 0 : i32
        %dma_wait3A_99 = arith.constant 0 : i32
        %dma_wait3A_100 = tpu.memref_slice %arg6[%dma_wait3A_98, %dma_wait3A_99] : memref<80000x128xf32, #tpu.memory_space<hbm>> -> memref<128x128xf32, #tpu.memory_space<hbm>>
        %dma_wait3A_101 = arith.constant 0 : i32
        %dma_wait3A_102 = arith.constant 0 : i32
        %dma_wait3A_103 = tpu.memref_slice %arg6[%dma_wait3A_101, %dma_wait3A_102] : memref<80000x128xf32, #tpu.memory_space<hbm>> -> memref<128x128xf32, #tpu.memory_space<hbm>>
        tpu.wait_dma2 semaphore(%arg24 : memref<!tpu.dma_semaphore, #tpu.memory_space<semaphore_mem>>) src(%dma_wait3A_103 : memref<128x128xf32, #tpu.memory_space<hbm>>) dst(%arg19 : memref<128x128xf32, #tpu.memory_space<vmem>>)
      } else {
      }
      %ge3A_68 = arith.constant 8 : i32
      %ge3A_69 = arith.cmpi sge, %arg1, %ge3A_68 : i32
      %convert_element_type3A_70 = arith.extui %ge3A_69 : i1 to i32
      %cond3A_71 = arith.constant 0 : i32
      %cond3A_72 = arith.cmpi ne, %convert_element_type3A_70, %cond3A_71 : i32
      scf.if %cond3A_72 {
        %gt3A = arith.constant 0 : i32
        %gt3A_85 = arith.cmpi sgt, %select_n3A, %gt3A : i32
        %convert_element_type3A_86 = arith.extui %gt3A_85 : i1 to i32
        %cond3A_87 = arith.constant 0 : i32
        %cond3A_88 = arith.cmpi ne, %convert_element_type3A_86, %cond3A_87 : i32
        scf.if %cond3A_88 {
          %add3A = arith.constant 0 : i32
          %add3A_104 = arith.addi %mul3A_1, %add3A : i32
          %mul3A_105 = arith.constant 128 : i32
          %mul3A_106 = arith.muli %add3A_104, %mul3A_105 : i32
          %dma_start3A = arith.constant 0 : i32
          %dma_start3A_107 = tpu.memref_slice %arg7[%mul3A_106, %dma_start3A] : memref<80000x128xf32, #tpu.memory_space<hbm>> -> memref<128x128xf32, #tpu.memory_space<hbm>>
          %dma_start3A_108 = arith.constant 0 : i32
          %dma_start3A_109 = tpu.memref_slice %arg7[%mul3A_106, %dma_start3A_108] : memref<80000x128xf32, #tpu.memory_space<hbm>> -> memref<128x128xf32, #tpu.memory_space<hbm>>
          tpu.enqueue_dma source(%dma_start3A_109 : memref<128x128xf32, #tpu.memory_space<hbm>>) target(%arg18 : memref<128x128xf32, #tpu.memory_space<vmem>>) target_semaphore(%arg21 : memref<!tpu.dma_semaphore, #tpu.memory_space<semaphore_mem>>)
        } else {
        }
        %scan3A = arith.constant 0 : i32
        %scan3A_89 = arith.constant 40 : i32
        %scan3A_90 = arith.addi %scan3A, %scan3A_89 : i32
        %scan3A_91 = arith.constant 1 : i32
        scf.for %scan3A_104 = %scan3A to %scan3A_90 step %scan3A_91  : i32 {
          %mul3A_105 = arith.constant 1 : i32
          %mul3A_106 = arith.muli %scan3A_104, %mul3A_105 : i32
          %add3A = arith.constant 0 : i32
          %add3A_107 = arith.addi %add3A, %mul3A_106 : i32
          %mul3A_108 = arith.constant 2 : i32
          %mul3A_109 = arith.muli %add3A_107, %mul3A_108 : i32
          %add3A_110 = arith.constant 0 : i32
          %add3A_111 = arith.addi %mul3A_109, %add3A_110 : i32
          %lt3A_112 = arith.cmpi slt, %add3A_111, %select_n3A : i32
          %convert_element_type3A_113 = arith.extui %lt3A_112 : i1 to i32
          %cond3A_114 = arith.constant 0 : i32
          %cond3A_115 = arith.cmpi ne, %convert_element_type3A_113, %cond3A_114 : i32
          scf.if %cond3A_115 {
            %dma_wait3A_124 = arith.constant 0 : i32
            %dma_wait3A_125 = arith.constant 0 : i32
            %dma_wait3A_126 = tpu.memref_slice %arg7[%dma_wait3A_124, %dma_wait3A_125] : memref<80000x128xf32, #tpu.memory_space<hbm>> -> memref<128x128xf32, #tpu.memory_space<hbm>>
            %dma_wait3A_127 = arith.constant 0 : i32
            %dma_wait3A_128 = arith.constant 0 : i32
            %dma_wait3A_129 = tpu.memref_slice %arg7[%dma_wait3A_127, %dma_wait3A_128] : memref<80000x128xf32, #tpu.memory_space<hbm>> -> memref<128x128xf32, #tpu.memory_space<hbm>>
            tpu.wait_dma2 semaphore(%arg21 : memref<!tpu.dma_semaphore, #tpu.memory_space<semaphore_mem>>) src(%dma_wait3A_129 : memref<128x128xf32, #tpu.memory_space<hbm>>) dst(%arg18 : memref<128x128xf32, #tpu.memory_space<vmem>>)
            %dma_start3A = arith.constant 0 : i32
            %dma_start3A_130 = tpu.memref_slice %arg17[%add3A_111, %dma_start3A] : memref<80x128xi32, #tpu.memory_space<vmem>> -> memref<1x128xi32, #tpu.memory_space<vmem>>
            %dma_start3A_131 = tpu.memref_squeeze %dma_start3A_130 : memref<1x128xi32, #tpu.memory_space<vmem>> -> memref<128xi32, #tpu.memory_space<vmem>>
            %dma_start3A_132 = arith.constant 0 : i32
            %dma_start3A_133 = arith.constant 0 : i32
            %dma_start3A_134 = tpu.memref_slice %arg20[%dma_start3A_132, %dma_start3A_133] : memref<10000x128xf32, #tpu.memory_space<vmem_shared>> -> memref<10000x128xf32, #tpu.memory_space<vmem_shared>>
            tpu.enqueue_indirect_dma source(%arg18 : memref<128x128xf32, #tpu.memory_space<vmem>>) target(%dma_start3A_134 : memref<10000x128xf32, #tpu.memory_space<vmem_shared>>) offsets(%dma_start3A_131 : memref<128xi32, #tpu.memory_space<vmem>>) semaphore(%arg23 : memref<!tpu.dma_semaphore, #tpu.memory_space<semaphore_mem>>) {add = true}
            %add3A_135 = arith.constant 2 : i32
            %add3A_136 = arith.addi %add3A_111, %add3A_135 : i32
            %sub3A = arith.constant 1 : i32
            %sub3A_137 = arith.subi %add3A_136, %sub3A : i32
            %lt3A_138 = arith.cmpi slt, %sub3A_137, %select_n3A : i32
            %convert_element_type3A_139 = arith.extui %lt3A_138 : i1 to i32
            %cond3A_140 = arith.constant 0 : i32
            %cond3A_141 = arith.cmpi ne, %convert_element_type3A_139, %cond3A_140 : i32
            scf.if %cond3A_141 {
              %ge3A_142 = arith.constant 2 : i32
              %ge3A_143 = arith.cmpi sge, %sub3A_137, %ge3A_142 : i32
              %convert_element_type3A_144 = arith.extui %ge3A_143 : i1 to i32
              %cond3A_145 = arith.constant 0 : i32
              %cond3A_146 = arith.cmpi ne, %convert_element_type3A_144, %cond3A_145 : i32
              scf.if %cond3A_146 {
                %dma_wait3A_154 = arith.constant 0 : i32
                %dma_wait3A_155 = arith.constant 0 : i32
                %dma_wait3A_156 = tpu.memref_slice %arg7[%dma_wait3A_154, %dma_wait3A_155] : memref<80000x128xf32, #tpu.memory_space<hbm>> -> memref<128x128xf32, #tpu.memory_space<hbm>>
                %dma_wait3A_157 = arith.constant 0 : i32
                %dma_wait3A_158 = arith.constant 0 : i32
                %dma_wait3A_159 = tpu.memref_slice %arg7[%dma_wait3A_157, %dma_wait3A_158] : memref<80000x128xf32, #tpu.memory_space<hbm>> -> memref<128x128xf32, #tpu.memory_space<hbm>>
                tpu.wait_dma2 semaphore(%arg24 : memref<!tpu.dma_semaphore, #tpu.memory_space<semaphore_mem>>) src(%dma_wait3A_159 : memref<128x128xf32, #tpu.memory_space<hbm>>) dst(%arg19 : memref<128x128xf32, #tpu.memory_space<vmem>>)
              } else {
              }
              %add3A_147 = arith.addi %mul3A_1, %sub3A_137 : i32
              %mul3A_148 = arith.constant 128 : i32
              %mul3A_149 = arith.muli %add3A_147, %mul3A_148 : i32
              %dma_start3A_150 = arith.constant 0 : i32
              %dma_start3A_151 = tpu.memref_slice %arg7[%mul3A_149, %dma_start3A_150] : memref<80000x128xf32, #tpu.memory_space<hbm>> -> memref<128x128xf32, #tpu.memory_space<hbm>>
              %dma_start3A_152 = arith.constant 0 : i32
              %dma_start3A_153 = tpu.memref_slice %arg7[%mul3A_149, %dma_start3A_152] : memref<80000x128xf32, #tpu.memory_space<hbm>> -> memref<128x128xf32, #tpu.memory_space<hbm>>
              tpu.enqueue_dma source(%dma_start3A_153 : memref<128x128xf32, #tpu.memory_space<hbm>>) target(%arg19 : memref<128x128xf32, #tpu.memory_space<vmem>>) target_semaphore(%arg22 : memref<!tpu.dma_semaphore, #tpu.memory_space<semaphore_mem>>)
            } else {
            }
          } else {
          }
          %mul3A_116 = arith.constant 2 : i32
          %mul3A_117 = arith.muli %add3A_107, %mul3A_116 : i32
          %add3A_118 = arith.constant 1 : i32
          %add3A_119 = arith.addi %mul3A_117, %add3A_118 : i32
          %lt3A_120 = arith.cmpi slt, %add3A_119, %select_n3A : i32
          %convert_element_type3A_121 = arith.extui %lt3A_120 : i1 to i32
          %cond3A_122 = arith.constant 0 : i32
          %cond3A_123 = arith.cmpi ne, %convert_element_type3A_121, %cond3A_122 : i32
          scf.if %cond3A_123 {
            %dma_wait3A_124 = arith.constant 0 : i32
            %dma_wait3A_125 = arith.constant 0 : i32
            %dma_wait3A_126 = tpu.memref_slice %arg7[%dma_wait3A_124, %dma_wait3A_125] : memref<80000x128xf32, #tpu.memory_space<hbm>> -> memref<128x128xf32, #tpu.memory_space<hbm>>
            %dma_wait3A_127 = arith.constant 0 : i32
            %dma_wait3A_128 = arith.constant 0 : i32
            %dma_wait3A_129 = tpu.memref_slice %arg7[%dma_wait3A_127, %dma_wait3A_128] : memref<80000x128xf32, #tpu.memory_space<hbm>> -> memref<128x128xf32, #tpu.memory_space<hbm>>
            tpu.wait_dma2 semaphore(%arg22 : memref<!tpu.dma_semaphore, #tpu.memory_space<semaphore_mem>>) src(%dma_wait3A_129 : memref<128x128xf32, #tpu.memory_space<hbm>>) dst(%arg19 : memref<128x128xf32, #tpu.memory_space<vmem>>)
            %dma_start3A = arith.constant 0 : i32
            %dma_start3A_130 = tpu.memref_slice %arg17[%add3A_119, %dma_start3A] : memref<80x128xi32, #tpu.memory_space<vmem>> -> memref<1x128xi32, #tpu.memory_space<vmem>>
            %dma_start3A_131 = tpu.memref_squeeze %dma_start3A_130 : memref<1x128xi32, #tpu.memory_space<vmem>> -> memref<128xi32, #tpu.memory_space<vmem>>
            %dma_start3A_132 = arith.constant 0 : i32
            %dma_start3A_133 = arith.constant 0 : i32
            %dma_start3A_134 = tpu.memref_slice %arg20[%dma_start3A_132, %dma_start3A_133] : memref<10000x128xf32, #tpu.memory_space<vmem_shared>> -> memref<10000x128xf32, #tpu.memory_space<vmem_shared>>
            tpu.enqueue_indirect_dma source(%arg19 : memref<128x128xf32, #tpu.memory_space<vmem>>) target(%dma_start3A_134 : memref<10000x128xf32, #tpu.memory_space<vmem_shared>>) offsets(%dma_start3A_131 : memref<128xi32, #tpu.memory_space<vmem>>) semaphore(%arg24 : memref<!tpu.dma_semaphore, #tpu.memory_space<semaphore_mem>>) {add = true}
            %add3A_135 = arith.constant 2 : i32
            %add3A_136 = arith.addi %add3A_119, %add3A_135 : i32
            %sub3A = arith.constant 1 : i32
            %sub3A_137 = arith.subi %add3A_136, %sub3A : i32
            %lt3A_138 = arith.cmpi slt, %sub3A_137, %select_n3A : i32
            %convert_element_type3A_139 = arith.extui %lt3A_138 : i1 to i32
            %cond3A_140 = arith.constant 0 : i32
            %cond3A_141 = arith.cmpi ne, %convert_element_type3A_139, %cond3A_140 : i32
            scf.if %cond3A_141 {
              %ge3A_142 = arith.constant 2 : i32
              %ge3A_143 = arith.cmpi sge, %sub3A_137, %ge3A_142 : i32
              %convert_element_type3A_144 = arith.extui %ge3A_143 : i1 to i32
              %cond3A_145 = arith.constant 0 : i32
              %cond3A_146 = arith.cmpi ne, %convert_element_type3A_144, %cond3A_145 : i32
              scf.if %cond3A_146 {
                %dma_wait3A_154 = arith.constant 0 : i32
                %dma_wait3A_155 = arith.constant 0 : i32
                %dma_wait3A_156 = tpu.memref_slice %arg7[%dma_wait3A_154, %dma_wait3A_155] : memref<80000x128xf32, #tpu.memory_space<hbm>> -> memref<128x128xf32, #tpu.memory_space<hbm>>
                %dma_wait3A_157 = arith.constant 0 : i32
                %dma_wait3A_158 = arith.constant 0 : i32
                %dma_wait3A_159 = tpu.memref_slice %arg7[%dma_wait3A_157, %dma_wait3A_158] : memref<80000x128xf32, #tpu.memory_space<hbm>> -> memref<128x128xf32, #tpu.memory_space<hbm>>
                tpu.wait_dma2 semaphore(%arg23 : memref<!tpu.dma_semaphore, #tpu.memory_space<semaphore_mem>>) src(%dma_wait3A_159 : memref<128x128xf32, #tpu.memory_space<hbm>>) dst(%arg18 : memref<128x128xf32, #tpu.memory_space<vmem>>)
              } else {
              }
              %add3A_147 = arith.addi %mul3A_1, %sub3A_137 : i32
              %mul3A_148 = arith.constant 128 : i32
              %mul3A_149 = arith.muli %add3A_147, %mul3A_148 : i32
              %dma_start3A_150 = arith.constant 0 : i32
              %dma_start3A_151 = tpu.memref_slice %arg7[%mul3A_149, %dma_start3A_150] : memref<80000x128xf32, #tpu.memory_space<hbm>> -> memref<128x128xf32, #tpu.memory_space<hbm>>
              %dma_start3A_152 = arith.constant 0 : i32
              %dma_start3A_153 = tpu.memref_slice %arg7[%mul3A_149, %dma_start3A_152] : memref<80000x128xf32, #tpu.memory_space<hbm>> -> memref<128x128xf32, #tpu.memory_space<hbm>>
              tpu.enqueue_dma source(%dma_start3A_153 : memref<128x128xf32, #tpu.memory_space<hbm>>) target(%arg18 : memref<128x128xf32, #tpu.memory_space<vmem>>) target_semaphore(%arg21 : memref<!tpu.dma_semaphore, #tpu.memory_space<semaphore_mem>>)
            } else {
            }
          } else {
          }
        }
        %scan3A_92 = arith.constant 40 : i32
        %dma_wait3A = arith.constant 0 : i32
        %dma_wait3A_93 = arith.constant 0 : i32
        %dma_wait3A_94 = tpu.memref_slice %arg7[%dma_wait3A, %dma_wait3A_93] : memref<80000x128xf32, #tpu.memory_space<hbm>> -> memref<128x128xf32, #tpu.memory_space<hbm>>
        %dma_wait3A_95 = arith.constant 0 : i32
        %dma_wait3A_96 = arith.constant 0 : i32
        %dma_wait3A_97 = tpu.memref_slice %arg7[%dma_wait3A_95, %dma_wait3A_96] : memref<80000x128xf32, #tpu.memory_space<hbm>> -> memref<128x128xf32, #tpu.memory_space<hbm>>
        tpu.wait_dma2 semaphore(%arg23 : memref<!tpu.dma_semaphore, #tpu.memory_space<semaphore_mem>>) src(%dma_wait3A_97 : memref<128x128xf32, #tpu.memory_space<hbm>>) dst(%arg18 : memref<128x128xf32, #tpu.memory_space<vmem>>)
        %dma_wait3A_98 = arith.constant 0 : i32
        %dma_wait3A_99 = arith.constant 0 : i32
        %dma_wait3A_100 = tpu.memref_slice %arg7[%dma_wait3A_98, %dma_wait3A_99] : memref<80000x128xf32, #tpu.memory_space<hbm>> -> memref<128x128xf32, #tpu.memory_space<hbm>>
        %dma_wait3A_101 = arith.constant 0 : i32
        %dma_wait3A_102 = arith.constant 0 : i32
        %dma_wait3A_103 = tpu.memref_slice %arg7[%dma_wait3A_101, %dma_wait3A_102] : memref<80000x128xf32, #tpu.memory_space<hbm>> -> memref<128x128xf32, #tpu.memory_space<hbm>>
        tpu.wait_dma2 semaphore(%arg24 : memref<!tpu.dma_semaphore, #tpu.memory_space<semaphore_mem>>) src(%dma_wait3A_103 : memref<128x128xf32, #tpu.memory_space<hbm>>) dst(%arg19 : memref<128x128xf32, #tpu.memory_space<vmem>>)
      } else {
      }
      %barrier3A_73 = arith.constant 0 : index
      tpu.barrier barrier_id(%barrier3A_73)
      %lt3A_74 = arith.constant 2 : i32
      %lt3A_75 = arith.cmpi slt, %arg1, %lt3A_74 : i32
      %convert_element_type3A_76 = arith.extui %lt3A_75 : i1 to i32
      %cond3A_77 = arith.constant 0 : i32
      %cond3A_78 = arith.cmpi ne, %convert_element_type3A_76, %cond3A_77 : i32
      scf.if %cond3A_78 {
        %mul3A_85 = arith.constant 632 : i32
        %mul3A_86 = arith.muli %arg1, %mul3A_85 : i32
        "tpu.region"() ({
          %run_scoped3A = tpu.sem_alloc : memref<!tpu.dma_semaphore, #tpu.memory_space<semaphore_mem>>
          %dma_start3A = arith.constant 0 : i32
          %dma_start3A_87 = tpu.memref_slice %arg14[%mul3A_86, %dma_start3A] : memref<10000x128xf32, #tpu.memory_space<hbm>> -> memref<632x128xf32, #tpu.memory_space<hbm>>
          %dma_start3A_88 = arith.constant 0 : i32
          %dma_start3A_89 = tpu.memref_slice %arg20[%mul3A_86, %dma_start3A_88] : memref<10000x128xf32, #tpu.memory_space<vmem_shared>> -> memref<632x128xf32, #tpu.memory_space<vmem_shared>>
          tpu.enqueue_dma source(%dma_start3A_89 : memref<632x128xf32, #tpu.memory_space<vmem_shared>>) target(%dma_start3A_87 : memref<632x128xf32, #tpu.memory_space<hbm>>) target_semaphore(%run_scoped3A : memref<!tpu.dma_semaphore, #tpu.memory_space<semaphore_mem>>)
          %dma_wait3A = arith.constant 0 : i32
          %dma_wait3A_90 = tpu.memref_slice %arg14[%mul3A_86, %dma_wait3A] : memref<10000x128xf32, #tpu.memory_space<hbm>> -> memref<632x128xf32, #tpu.memory_space<hbm>>
          %dma_wait3A_91 = arith.constant 0 : i32
          %dma_wait3A_92 = tpu.memref_slice %arg20[%mul3A_86, %dma_wait3A_91] : memref<10000x128xf32, #tpu.memory_space<vmem_shared>> -> memref<632x128xf32, #tpu.memory_space<vmem_shared>>
          tpu.wait_dma2 semaphore(%run_scoped3A : memref<!tpu.dma_semaphore, #tpu.memory_space<semaphore_mem>>) src(%dma_wait3A_92 : memref<632x128xf32, #tpu.memory_space<vmem_shared>>) dst(%dma_wait3A_90 : memref<632x128xf32, #tpu.memory_space<hbm>>)
          tpu.yield
        }) : () -> ()
      } else {
      }
      %ge3A_79 = arith.constant 2 : i32
      %ge3A_80 = arith.cmpi sge, %arg1, %ge3A_79 : i32
      %convert_element_type3A_81 = arith.extui %ge3A_80 : i1 to i32
      %cond3A_82 = arith.constant 0 : i32
      %cond3A_83 = arith.cmpi ne, %convert_element_type3A_81, %cond3A_82 : i32
      scf.if %cond3A_83 {
        %sub3A = arith.constant 2 : i32
        %sub3A_85 = arith.subi %arg1, %sub3A : i32
        %mul3A_86 = arith.constant 624 : i32
        %mul3A_87 = arith.muli %sub3A_85, %mul3A_86 : i32
        %add3A = arith.constant 1264 : i32
        %add3A_88 = arith.addi %add3A, %mul3A_87 : i32
        "tpu.region"() ({
          %run_scoped3A = tpu.sem_alloc : memref<!tpu.dma_semaphore, #tpu.memory_space<semaphore_mem>>
          %dma_start3A = arith.constant 0 : i32
          %dma_start3A_89 = tpu.memref_slice %arg14[%add3A_88, %dma_start3A] : memref<10000x128xf32, #tpu.memory_space<hbm>> -> memref<624x128xf32, #tpu.memory_space<hbm>>
          %dma_start3A_90 = arith.constant 0 : i32
          %dma_start3A_91 = tpu.memref_slice %arg20[%add3A_88, %dma_start3A_90] : memref<10000x128xf32, #tpu.memory_space<vmem_shared>> -> memref<624x128xf32, #tpu.memory_space<vmem_shared>>
          tpu.enqueue_dma source(%dma_start3A_91 : memref<624x128xf32, #tpu.memory_space<vmem_shared>>) target(%dma_start3A_89 : memref<624x128xf32, #tpu.memory_space<hbm>>) target_semaphore(%run_scoped3A : memref<!tpu.dma_semaphore, #tpu.memory_space<semaphore_mem>>)
          %dma_wait3A = arith.constant 0 : i32
          %dma_wait3A_92 = tpu.memref_slice %arg14[%add3A_88, %dma_wait3A] : memref<10000x128xf32, #tpu.memory_space<hbm>> -> memref<624x128xf32, #tpu.memory_space<hbm>>
          %dma_wait3A_93 = arith.constant 0 : i32
          %dma_wait3A_94 = tpu.memref_slice %arg20[%add3A_88, %dma_wait3A_93] : memref<10000x128xf32, #tpu.memory_space<vmem_shared>> -> memref<624x128xf32, #tpu.memory_space<vmem_shared>>
          tpu.wait_dma2 semaphore(%run_scoped3A : memref<!tpu.dma_semaphore, #tpu.memory_space<semaphore_mem>>) src(%dma_wait3A_94 : memref<624x128xf32, #tpu.memory_space<vmem_shared>>) dst(%dma_wait3A_92 : memref<624x128xf32, #tpu.memory_space<hbm>>)
          tpu.yield
        }) : () -> ()
      } else {
      }
      %barrier3A_84 = arith.constant 0 : index
      tpu.barrier barrier_id(%barrier3A_84)
    } else {
    }
    %eq3A_15 = arith.constant 1 : i32
    %eq3A_16 = arith.cmpi eq, %arg0, %eq3A_15 : i32
    %convert_element_type3A_17 = arith.extui %eq3A_16 : i1 to i32
    %cond3A_18 = arith.constant 0 : i32
    %cond3A_19 = arith.cmpi ne, %convert_element_type3A_17, %cond3A_18 : i32
    scf.if %cond3A_19 {
      %lt3A_20 = arith.constant 2 : i32
      %lt3A_21 = arith.cmpi slt, %arg1, %lt3A_20 : i32
      %convert_element_type3A_22 = arith.extui %lt3A_21 : i1 to i32
      %cond3A_23 = arith.constant 0 : i32
      %cond3A_24 = arith.cmpi ne, %convert_element_type3A_22, %cond3A_23 : i32
      scf.if %cond3A_24 {
        %mul3A_85 = arith.constant 632 : i32
        %mul3A_86 = arith.muli %arg1, %mul3A_85 : i32
        "tpu.region"() ({
          %run_scoped3A = tpu.sem_alloc : memref<!tpu.dma_semaphore, #tpu.memory_space<semaphore_mem>>
          %dma_start3A = arith.constant 0 : i32
          %dma_start3A_87 = tpu.memref_slice %arg20[%mul3A_86, %dma_start3A] : memref<10000x128xf32, #tpu.memory_space<vmem_shared>> -> memref<632x128xf32, #tpu.memory_space<vmem_shared>>
          %dma_start3A_88 = arith.constant 0 : i32
          %dma_start3A_89 = tpu.memref_slice %arg12[%mul3A_86, %dma_start3A_88] : memref<10000x128xf32, #tpu.memory_space<hbm>> -> memref<632x128xf32, #tpu.memory_space<hbm>>
          tpu.enqueue_dma source(%dma_start3A_89 : memref<632x128xf32, #tpu.memory_space<hbm>>) target(%dma_start3A_87 : memref<632x128xf32, #tpu.memory_space<vmem_shared>>) target_semaphore(%run_scoped3A : memref<!tpu.dma_semaphore, #tpu.memory_space<semaphore_mem>>)
          %dma_wait3A = arith.constant 0 : i32
          %dma_wait3A_90 = tpu.memref_slice %arg20[%mul3A_86, %dma_wait3A] : memref<10000x128xf32, #tpu.memory_space<vmem_shared>> -> memref<632x128xf32, #tpu.memory_space<vmem_shared>>
          %dma_wait3A_91 = arith.constant 0 : i32
          %dma_wait3A_92 = tpu.memref_slice %arg12[%mul3A_86, %dma_wait3A_91] : memref<10000x128xf32, #tpu.memory_space<hbm>> -> memref<632x128xf32, #tpu.memory_space<hbm>>
          tpu.wait_dma2 semaphore(%run_scoped3A : memref<!tpu.dma_semaphore, #tpu.memory_space<semaphore_mem>>) src(%dma_wait3A_92 : memref<632x128xf32, #tpu.memory_space<hbm>>) dst(%dma_wait3A_90 : memref<632x128xf32, #tpu.memory_space<vmem_shared>>)
          tpu.yield
        }) : () -> ()
      } else {
      }
      %ge3A_25 = arith.constant 2 : i32
      %ge3A_26 = arith.cmpi sge, %arg1, %ge3A_25 : i32
      %convert_element_type3A_27 = arith.extui %ge3A_26 : i1 to i32
      %cond3A_28 = arith.constant 0 : i32
      %cond3A_29 = arith.cmpi ne, %convert_element_type3A_27, %cond3A_28 : i32
      scf.if %cond3A_29 {
        %sub3A = arith.constant 2 : i32
        %sub3A_85 = arith.subi %arg1, %sub3A : i32
        %mul3A_86 = arith.constant 624 : i32
        %mul3A_87 = arith.muli %sub3A_85, %mul3A_86 : i32
        %add3A = arith.constant 1264 : i32
        %add3A_88 = arith.addi %add3A, %mul3A_87 : i32
        "tpu.region"() ({
          %run_scoped3A = tpu.sem_alloc : memref<!tpu.dma_semaphore, #tpu.memory_space<semaphore_mem>>
          %dma_start3A = arith.constant 0 : i32
          %dma_start3A_89 = tpu.memref_slice %arg20[%add3A_88, %dma_start3A] : memref<10000x128xf32, #tpu.memory_space<vmem_shared>> -> memref<624x128xf32, #tpu.memory_space<vmem_shared>>
          %dma_start3A_90 = arith.constant 0 : i32
          %dma_start3A_91 = tpu.memref_slice %arg12[%add3A_88, %dma_start3A_90] : memref<10000x128xf32, #tpu.memory_space<hbm>> -> memref<624x128xf32, #tpu.memory_space<hbm>>
          tpu.enqueue_dma source(%dma_start3A_91 : memref<624x128xf32, #tpu.memory_space<hbm>>) target(%dma_start3A_89 : memref<624x128xf32, #tpu.memory_space<vmem_shared>>) target_semaphore(%run_scoped3A : memref<!tpu.dma_semaphore, #tpu.memory_space<semaphore_mem>>)
          %dma_wait3A = arith.constant 0 : i32
          %dma_wait3A_92 = tpu.memref_slice %arg20[%add3A_88, %dma_wait3A] : memref<10000x128xf32, #tpu.memory_space<vmem_shared>> -> memref<624x128xf32, #tpu.memory_space<vmem_shared>>
          %dma_wait3A_93 = arith.constant 0 : i32
          %dma_wait3A_94 = tpu.memref_slice %arg12[%add3A_88, %dma_wait3A_93] : memref<10000x128xf32, #tpu.memory_space<hbm>> -> memref<624x128xf32, #tpu.memory_space<hbm>>
          tpu.wait_dma2 semaphore(%run_scoped3A : memref<!tpu.dma_semaphore, #tpu.memory_space<semaphore_mem>>) src(%dma_wait3A_94 : memref<624x128xf32, #tpu.memory_space<hbm>>) dst(%dma_wait3A_92 : memref<624x128xf32, #tpu.memory_space<vmem_shared>>)
          tpu.yield
        }) : () -> ()
      } else {
      }
      %barrier3A = arith.constant 0 : index
      tpu.barrier barrier_id(%barrier3A)
      %lt3A_30 = arith.constant 8 : i32
      %lt3A_31 = arith.cmpi slt, %arg1, %lt3A_30 : i32
      %convert_element_type3A_32 = arith.extui %lt3A_31 : i1 to i32
      %cond3A_33 = arith.constant 0 : i32
      %cond3A_34 = arith.cmpi ne, %convert_element_type3A_32, %cond3A_33 : i32
      scf.if %cond3A_34 {
        %gt3A = arith.constant 0 : i32
        %gt3A_85 = arith.cmpi sgt, %select_n3A, %gt3A : i32
        %convert_element_type3A_86 = arith.extui %gt3A_85 : i1 to i32
        %cond3A_87 = arith.constant 0 : i32
        %cond3A_88 = arith.cmpi ne, %convert_element_type3A_86, %cond3A_87 : i32
        scf.if %cond3A_88 {
          %add3A = arith.constant 0 : i32
          %add3A_104 = arith.addi %mul3A_1, %add3A : i32
          %mul3A_105 = arith.constant 128 : i32
          %mul3A_106 = arith.muli %add3A_104, %mul3A_105 : i32
          %dma_start3A = arith.constant 0 : i32
          %dma_start3A_107 = tpu.memref_slice %arg8[%mul3A_106, %dma_start3A] : memref<80000x128xf32, #tpu.memory_space<hbm>> -> memref<128x128xf32, #tpu.memory_space<hbm>>
          %dma_start3A_108 = arith.constant 0 : i32
          %dma_start3A_109 = tpu.memref_slice %arg8[%mul3A_106, %dma_start3A_108] : memref<80000x128xf32, #tpu.memory_space<hbm>> -> memref<128x128xf32, #tpu.memory_space<hbm>>
          tpu.enqueue_dma source(%dma_start3A_109 : memref<128x128xf32, #tpu.memory_space<hbm>>) target(%arg18 : memref<128x128xf32, #tpu.memory_space<vmem>>) target_semaphore(%arg21 : memref<!tpu.dma_semaphore, #tpu.memory_space<semaphore_mem>>)
        } else {
        }
        %scan3A = arith.constant 0 : i32
        %scan3A_89 = arith.constant 40 : i32
        %scan3A_90 = arith.addi %scan3A, %scan3A_89 : i32
        %scan3A_91 = arith.constant 1 : i32
        scf.for %scan3A_104 = %scan3A to %scan3A_90 step %scan3A_91  : i32 {
          %mul3A_105 = arith.constant 1 : i32
          %mul3A_106 = arith.muli %scan3A_104, %mul3A_105 : i32
          %add3A = arith.constant 0 : i32
          %add3A_107 = arith.addi %add3A, %mul3A_106 : i32
          %mul3A_108 = arith.constant 2 : i32
          %mul3A_109 = arith.muli %add3A_107, %mul3A_108 : i32
          %add3A_110 = arith.constant 0 : i32
          %add3A_111 = arith.addi %mul3A_109, %add3A_110 : i32
          %lt3A_112 = arith.cmpi slt, %add3A_111, %select_n3A : i32
          %convert_element_type3A_113 = arith.extui %lt3A_112 : i1 to i32
          %cond3A_114 = arith.constant 0 : i32
          %cond3A_115 = arith.cmpi ne, %convert_element_type3A_113, %cond3A_114 : i32
          scf.if %cond3A_115 {
            %dma_wait3A_124 = arith.constant 0 : i32
            %dma_wait3A_125 = arith.constant 0 : i32
            %dma_wait3A_126 = tpu.memref_slice %arg8[%dma_wait3A_124, %dma_wait3A_125] : memref<80000x128xf32, #tpu.memory_space<hbm>> -> memref<128x128xf32, #tpu.memory_space<hbm>>
            %dma_wait3A_127 = arith.constant 0 : i32
            %dma_wait3A_128 = arith.constant 0 : i32
            %dma_wait3A_129 = tpu.memref_slice %arg8[%dma_wait3A_127, %dma_wait3A_128] : memref<80000x128xf32, #tpu.memory_space<hbm>> -> memref<128x128xf32, #tpu.memory_space<hbm>>
            tpu.wait_dma2 semaphore(%arg21 : memref<!tpu.dma_semaphore, #tpu.memory_space<semaphore_mem>>) src(%dma_wait3A_129 : memref<128x128xf32, #tpu.memory_space<hbm>>) dst(%arg18 : memref<128x128xf32, #tpu.memory_space<vmem>>)
            %dma_start3A = arith.constant 0 : i32
            %dma_start3A_130 = tpu.memref_slice %arg17[%add3A_111, %dma_start3A] : memref<80x128xi32, #tpu.memory_space<vmem>> -> memref<1x128xi32, #tpu.memory_space<vmem>>
            %dma_start3A_131 = tpu.memref_squeeze %dma_start3A_130 : memref<1x128xi32, #tpu.memory_space<vmem>> -> memref<128xi32, #tpu.memory_space<vmem>>
            %dma_start3A_132 = arith.constant 0 : i32
            %dma_start3A_133 = arith.constant 0 : i32
            %dma_start3A_134 = tpu.memref_slice %arg20[%dma_start3A_132, %dma_start3A_133] : memref<10000x128xf32, #tpu.memory_space<vmem_shared>> -> memref<10000x128xf32, #tpu.memory_space<vmem_shared>>
            tpu.enqueue_indirect_dma source(%arg18 : memref<128x128xf32, #tpu.memory_space<vmem>>) target(%dma_start3A_134 : memref<10000x128xf32, #tpu.memory_space<vmem_shared>>) offsets(%dma_start3A_131 : memref<128xi32, #tpu.memory_space<vmem>>) semaphore(%arg23 : memref<!tpu.dma_semaphore, #tpu.memory_space<semaphore_mem>>) {add = true}
            %add3A_135 = arith.constant 2 : i32
            %add3A_136 = arith.addi %add3A_111, %add3A_135 : i32
            %sub3A = arith.constant 1 : i32
            %sub3A_137 = arith.subi %add3A_136, %sub3A : i32
            %lt3A_138 = arith.cmpi slt, %sub3A_137, %select_n3A : i32
            %convert_element_type3A_139 = arith.extui %lt3A_138 : i1 to i32
            %cond3A_140 = arith.constant 0 : i32
            %cond3A_141 = arith.cmpi ne, %convert_element_type3A_139, %cond3A_140 : i32
            scf.if %cond3A_141 {
              %ge3A_142 = arith.constant 2 : i32
              %ge3A_143 = arith.cmpi sge, %sub3A_137, %ge3A_142 : i32
              %convert_element_type3A_144 = arith.extui %ge3A_143 : i1 to i32
              %cond3A_145 = arith.constant 0 : i32
              %cond3A_146 = arith.cmpi ne, %convert_element_type3A_144, %cond3A_145 : i32
              scf.if %cond3A_146 {
                %dma_wait3A_154 = arith.constant 0 : i32
                %dma_wait3A_155 = arith.constant 0 : i32
                %dma_wait3A_156 = tpu.memref_slice %arg8[%dma_wait3A_154, %dma_wait3A_155] : memref<80000x128xf32, #tpu.memory_space<hbm>> -> memref<128x128xf32, #tpu.memory_space<hbm>>
                %dma_wait3A_157 = arith.constant 0 : i32
                %dma_wait3A_158 = arith.constant 0 : i32
                %dma_wait3A_159 = tpu.memref_slice %arg8[%dma_wait3A_157, %dma_wait3A_158] : memref<80000x128xf32, #tpu.memory_space<hbm>> -> memref<128x128xf32, #tpu.memory_space<hbm>>
                tpu.wait_dma2 semaphore(%arg24 : memref<!tpu.dma_semaphore, #tpu.memory_space<semaphore_mem>>) src(%dma_wait3A_159 : memref<128x128xf32, #tpu.memory_space<hbm>>) dst(%arg19 : memref<128x128xf32, #tpu.memory_space<vmem>>)
              } else {
              }
              %add3A_147 = arith.addi %mul3A_1, %sub3A_137 : i32
              %mul3A_148 = arith.constant 128 : i32
              %mul3A_149 = arith.muli %add3A_147, %mul3A_148 : i32
              %dma_start3A_150 = arith.constant 0 : i32
              %dma_start3A_151 = tpu.memref_slice %arg8[%mul3A_149, %dma_start3A_150] : memref<80000x128xf32, #tpu.memory_space<hbm>> -> memref<128x128xf32, #tpu.memory_space<hbm>>
              %dma_start3A_152 = arith.constant 0 : i32
              %dma_start3A_153 = tpu.memref_slice %arg8[%mul3A_149, %dma_start3A_152] : memref<80000x128xf32, #tpu.memory_space<hbm>> -> memref<128x128xf32, #tpu.memory_space<hbm>>
              tpu.enqueue_dma source(%dma_start3A_153 : memref<128x128xf32, #tpu.memory_space<hbm>>) target(%arg19 : memref<128x128xf32, #tpu.memory_space<vmem>>) target_semaphore(%arg22 : memref<!tpu.dma_semaphore, #tpu.memory_space<semaphore_mem>>)
            } else {
            }
          } else {
          }
          %mul3A_116 = arith.constant 2 : i32
          %mul3A_117 = arith.muli %add3A_107, %mul3A_116 : i32
          %add3A_118 = arith.constant 1 : i32
          %add3A_119 = arith.addi %mul3A_117, %add3A_118 : i32
          %lt3A_120 = arith.cmpi slt, %add3A_119, %select_n3A : i32
          %convert_element_type3A_121 = arith.extui %lt3A_120 : i1 to i32
          %cond3A_122 = arith.constant 0 : i32
          %cond3A_123 = arith.cmpi ne, %convert_element_type3A_121, %cond3A_122 : i32
          scf.if %cond3A_123 {
            %dma_wait3A_124 = arith.constant 0 : i32
            %dma_wait3A_125 = arith.constant 0 : i32
            %dma_wait3A_126 = tpu.memref_slice %arg8[%dma_wait3A_124, %dma_wait3A_125] : memref<80000x128xf32, #tpu.memory_space<hbm>> -> memref<128x128xf32, #tpu.memory_space<hbm>>
            %dma_wait3A_127 = arith.constant 0 : i32
            %dma_wait3A_128 = arith.constant 0 : i32
            %dma_wait3A_129 = tpu.memref_slice %arg8[%dma_wait3A_127, %dma_wait3A_128] : memref<80000x128xf32, #tpu.memory_space<hbm>> -> memref<128x128xf32, #tpu.memory_space<hbm>>
            tpu.wait_dma2 semaphore(%arg22 : memref<!tpu.dma_semaphore, #tpu.memory_space<semaphore_mem>>) src(%dma_wait3A_129 : memref<128x128xf32, #tpu.memory_space<hbm>>) dst(%arg19 : memref<128x128xf32, #tpu.memory_space<vmem>>)
            %dma_start3A = arith.constant 0 : i32
            %dma_start3A_130 = tpu.memref_slice %arg17[%add3A_119, %dma_start3A] : memref<80x128xi32, #tpu.memory_space<vmem>> -> memref<1x128xi32, #tpu.memory_space<vmem>>
            %dma_start3A_131 = tpu.memref_squeeze %dma_start3A_130 : memref<1x128xi32, #tpu.memory_space<vmem>> -> memref<128xi32, #tpu.memory_space<vmem>>
            %dma_start3A_132 = arith.constant 0 : i32
            %dma_start3A_133 = arith.constant 0 : i32
            %dma_start3A_134 = tpu.memref_slice %arg20[%dma_start3A_132, %dma_start3A_133] : memref<10000x128xf32, #tpu.memory_space<vmem_shared>> -> memref<10000x128xf32, #tpu.memory_space<vmem_shared>>
            tpu.enqueue_indirect_dma source(%arg19 : memref<128x128xf32, #tpu.memory_space<vmem>>) target(%dma_start3A_134 : memref<10000x128xf32, #tpu.memory_space<vmem_shared>>) offsets(%dma_start3A_131 : memref<128xi32, #tpu.memory_space<vmem>>) semaphore(%arg24 : memref<!tpu.dma_semaphore, #tpu.memory_space<semaphore_mem>>) {add = true}
            %add3A_135 = arith.constant 2 : i32
            %add3A_136 = arith.addi %add3A_119, %add3A_135 : i32
            %sub3A = arith.constant 1 : i32
            %sub3A_137 = arith.subi %add3A_136, %sub3A : i32
            %lt3A_138 = arith.cmpi slt, %sub3A_137, %select_n3A : i32
            %convert_element_type3A_139 = arith.extui %lt3A_138 : i1 to i32
            %cond3A_140 = arith.constant 0 : i32
            %cond3A_141 = arith.cmpi ne, %convert_element_type3A_139, %cond3A_140 : i32
            scf.if %cond3A_141 {
              %ge3A_142 = arith.constant 2 : i32
              %ge3A_143 = arith.cmpi sge, %sub3A_137, %ge3A_142 : i32
              %convert_element_type3A_144 = arith.extui %ge3A_143 : i1 to i32
              %cond3A_145 = arith.constant 0 : i32
              %cond3A_146 = arith.cmpi ne, %convert_element_type3A_144, %cond3A_145 : i32
              scf.if %cond3A_146 {
                %dma_wait3A_154 = arith.constant 0 : i32
                %dma_wait3A_155 = arith.constant 0 : i32
                %dma_wait3A_156 = tpu.memref_slice %arg8[%dma_wait3A_154, %dma_wait3A_155] : memref<80000x128xf32, #tpu.memory_space<hbm>> -> memref<128x128xf32, #tpu.memory_space<hbm>>
                %dma_wait3A_157 = arith.constant 0 : i32
                %dma_wait3A_158 = arith.constant 0 : i32
                %dma_wait3A_159 = tpu.memref_slice %arg8[%dma_wait3A_157, %dma_wait3A_158] : memref<80000x128xf32, #tpu.memory_space<hbm>> -> memref<128x128xf32, #tpu.memory_space<hbm>>
                tpu.wait_dma2 semaphore(%arg23 : memref<!tpu.dma_semaphore, #tpu.memory_space<semaphore_mem>>) src(%dma_wait3A_159 : memref<128x128xf32, #tpu.memory_space<hbm>>) dst(%arg18 : memref<128x128xf32, #tpu.memory_space<vmem>>)
              } else {
              }
              %add3A_147 = arith.addi %mul3A_1, %sub3A_137 : i32
              %mul3A_148 = arith.constant 128 : i32
              %mul3A_149 = arith.muli %add3A_147, %mul3A_148 : i32
              %dma_start3A_150 = arith.constant 0 : i32
              %dma_start3A_151 = tpu.memref_slice %arg8[%mul3A_149, %dma_start3A_150] : memref<80000x128xf32, #tpu.memory_space<hbm>> -> memref<128x128xf32, #tpu.memory_space<hbm>>
              %dma_start3A_152 = arith.constant 0 : i32
              %dma_start3A_153 = tpu.memref_slice %arg8[%mul3A_149, %dma_start3A_152] : memref<80000x128xf32, #tpu.memory_space<hbm>> -> memref<128x128xf32, #tpu.memory_space<hbm>>
              tpu.enqueue_dma source(%dma_start3A_153 : memref<128x128xf32, #tpu.memory_space<hbm>>) target(%arg18 : memref<128x128xf32, #tpu.memory_space<vmem>>) target_semaphore(%arg21 : memref<!tpu.dma_semaphore, #tpu.memory_space<semaphore_mem>>)
            } else {
            }
          } else {
          }
        }
        %scan3A_92 = arith.constant 40 : i32
        %dma_wait3A = arith.constant 0 : i32
        %dma_wait3A_93 = arith.constant 0 : i32
        %dma_wait3A_94 = tpu.memref_slice %arg8[%dma_wait3A, %dma_wait3A_93] : memref<80000x128xf32, #tpu.memory_space<hbm>> -> memref<128x128xf32, #tpu.memory_space<hbm>>
        %dma_wait3A_95 = arith.constant 0 : i32
        %dma_wait3A_96 = arith.constant 0 : i32
        %dma_wait3A_97 = tpu.memref_slice %arg8[%dma_wait3A_95, %dma_wait3A_96] : memref<80000x128xf32, #tpu.memory_space<hbm>> -> memref<128x128xf32, #tpu.memory_space<hbm>>
        tpu.wait_dma2 semaphore(%arg23 : memref<!tpu.dma_semaphore, #tpu.memory_space<semaphore_mem>>) src(%dma_wait3A_97 : memref<128x128xf32, #tpu.memory_space<hbm>>) dst(%arg18 : memref<128x128xf32, #tpu.memory_space<vmem>>)
        %dma_wait3A_98 = arith.constant 0 : i32
        %dma_wait3A_99 = arith.constant 0 : i32
        %dma_wait3A_100 = tpu.memref_slice %arg8[%dma_wait3A_98, %dma_wait3A_99] : memref<80000x128xf32, #tpu.memory_space<hbm>> -> memref<128x128xf32, #tpu.memory_space<hbm>>
        %dma_wait3A_101 = arith.constant 0 : i32
        %dma_wait3A_102 = arith.constant 0 : i32
        %dma_wait3A_103 = tpu.memref_slice %arg8[%dma_wait3A_101, %dma_wait3A_102] : memref<80000x128xf32, #tpu.memory_space<hbm>> -> memref<128x128xf32, #tpu.memory_space<hbm>>
        tpu.wait_dma2 semaphore(%arg24 : memref<!tpu.dma_semaphore, #tpu.memory_space<semaphore_mem>>) src(%dma_wait3A_103 : memref<128x128xf32, #tpu.memory_space<hbm>>) dst(%arg19 : memref<128x128xf32, #tpu.memory_space<vmem>>)
      } else {
      }
      %ge3A_35 = arith.constant 8 : i32
      %ge3A_36 = arith.cmpi sge, %arg1, %ge3A_35 : i32
      %convert_element_type3A_37 = arith.extui %ge3A_36 : i1 to i32
      %cond3A_38 = arith.constant 0 : i32
      %cond3A_39 = arith.cmpi ne, %convert_element_type3A_37, %cond3A_38 : i32
      scf.if %cond3A_39 {
        %gt3A = arith.constant 0 : i32
        %gt3A_85 = arith.cmpi sgt, %select_n3A, %gt3A : i32
        %convert_element_type3A_86 = arith.extui %gt3A_85 : i1 to i32
        %cond3A_87 = arith.constant 0 : i32
        %cond3A_88 = arith.cmpi ne, %convert_element_type3A_86, %cond3A_87 : i32
        scf.if %cond3A_88 {
          %add3A = arith.constant 0 : i32
          %add3A_104 = arith.addi %mul3A_1, %add3A : i32
          %mul3A_105 = arith.constant 128 : i32
          %mul3A_106 = arith.muli %add3A_104, %mul3A_105 : i32
          %dma_start3A = arith.constant 0 : i32
          %dma_start3A_107 = tpu.memref_slice %arg9[%mul3A_106, %dma_start3A] : memref<80000x128xf32, #tpu.memory_space<hbm>> -> memref<128x128xf32, #tpu.memory_space<hbm>>
          %dma_start3A_108 = arith.constant 0 : i32
          %dma_start3A_109 = tpu.memref_slice %arg9[%mul3A_106, %dma_start3A_108] : memref<80000x128xf32, #tpu.memory_space<hbm>> -> memref<128x128xf32, #tpu.memory_space<hbm>>
          tpu.enqueue_dma source(%dma_start3A_109 : memref<128x128xf32, #tpu.memory_space<hbm>>) target(%arg18 : memref<128x128xf32, #tpu.memory_space<vmem>>) target_semaphore(%arg21 : memref<!tpu.dma_semaphore, #tpu.memory_space<semaphore_mem>>)
        } else {
        }
        %scan3A = arith.constant 0 : i32
        %scan3A_89 = arith.constant 40 : i32
        %scan3A_90 = arith.addi %scan3A, %scan3A_89 : i32
        %scan3A_91 = arith.constant 1 : i32
        scf.for %scan3A_104 = %scan3A to %scan3A_90 step %scan3A_91  : i32 {
          %mul3A_105 = arith.constant 1 : i32
          %mul3A_106 = arith.muli %scan3A_104, %mul3A_105 : i32
          %add3A = arith.constant 0 : i32
          %add3A_107 = arith.addi %add3A, %mul3A_106 : i32
          %mul3A_108 = arith.constant 2 : i32
          %mul3A_109 = arith.muli %add3A_107, %mul3A_108 : i32
          %add3A_110 = arith.constant 0 : i32
          %add3A_111 = arith.addi %mul3A_109, %add3A_110 : i32
          %lt3A_112 = arith.cmpi slt, %add3A_111, %select_n3A : i32
          %convert_element_type3A_113 = arith.extui %lt3A_112 : i1 to i32
          %cond3A_114 = arith.constant 0 : i32
          %cond3A_115 = arith.cmpi ne, %convert_element_type3A_113, %cond3A_114 : i32
          scf.if %cond3A_115 {
            %dma_wait3A_124 = arith.constant 0 : i32
            %dma_wait3A_125 = arith.constant 0 : i32
            %dma_wait3A_126 = tpu.memref_slice %arg9[%dma_wait3A_124, %dma_wait3A_125] : memref<80000x128xf32, #tpu.memory_space<hbm>> -> memref<128x128xf32, #tpu.memory_space<hbm>>
            %dma_wait3A_127 = arith.constant 0 : i32
            %dma_wait3A_128 = arith.constant 0 : i32
            %dma_wait3A_129 = tpu.memref_slice %arg9[%dma_wait3A_127, %dma_wait3A_128] : memref<80000x128xf32, #tpu.memory_space<hbm>> -> memref<128x128xf32, #tpu.memory_space<hbm>>
            tpu.wait_dma2 semaphore(%arg21 : memref<!tpu.dma_semaphore, #tpu.memory_space<semaphore_mem>>) src(%dma_wait3A_129 : memref<128x128xf32, #tpu.memory_space<hbm>>) dst(%arg18 : memref<128x128xf32, #tpu.memory_space<vmem>>)
            %dma_start3A = arith.constant 0 : i32
            %dma_start3A_130 = tpu.memref_slice %arg17[%add3A_111, %dma_start3A] : memref<80x128xi32, #tpu.memory_space<vmem>> -> memref<1x128xi32, #tpu.memory_space<vmem>>
            %dma_start3A_131 = tpu.memref_squeeze %dma_start3A_130 : memref<1x128xi32, #tpu.memory_space<vmem>> -> memref<128xi32, #tpu.memory_space<vmem>>
            %dma_start3A_132 = arith.constant 0 : i32
            %dma_start3A_133 = arith.constant 0 : i32
            %dma_start3A_134 = tpu.memref_slice %arg20[%dma_start3A_132, %dma_start3A_133] : memref<10000x128xf32, #tpu.memory_space<vmem_shared>> -> memref<10000x128xf32, #tpu.memory_space<vmem_shared>>
            tpu.enqueue_indirect_dma source(%arg18 : memref<128x128xf32, #tpu.memory_space<vmem>>) target(%dma_start3A_134 : memref<10000x128xf32, #tpu.memory_space<vmem_shared>>) offsets(%dma_start3A_131 : memref<128xi32, #tpu.memory_space<vmem>>) semaphore(%arg23 : memref<!tpu.dma_semaphore, #tpu.memory_space<semaphore_mem>>) {add = true}
            %add3A_135 = arith.constant 2 : i32
            %add3A_136 = arith.addi %add3A_111, %add3A_135 : i32
            %sub3A = arith.constant 1 : i32
            %sub3A_137 = arith.subi %add3A_136, %sub3A : i32
            %lt3A_138 = arith.cmpi slt, %sub3A_137, %select_n3A : i32
            %convert_element_type3A_139 = arith.extui %lt3A_138 : i1 to i32
            %cond3A_140 = arith.constant 0 : i32
            %cond3A_141 = arith.cmpi ne, %convert_element_type3A_139, %cond3A_140 : i32
            scf.if %cond3A_141 {
              %ge3A_142 = arith.constant 2 : i32
              %ge3A_143 = arith.cmpi sge, %sub3A_137, %ge3A_142 : i32
              %convert_element_type3A_144 = arith.extui %ge3A_143 : i1 to i32
              %cond3A_145 = arith.constant 0 : i32
              %cond3A_146 = arith.cmpi ne, %convert_element_type3A_144, %cond3A_145 : i32
              scf.if %cond3A_146 {
                %dma_wait3A_154 = arith.constant 0 : i32
                %dma_wait3A_155 = arith.constant 0 : i32
                %dma_wait3A_156 = tpu.memref_slice %arg9[%dma_wait3A_154, %dma_wait3A_155] : memref<80000x128xf32, #tpu.memory_space<hbm>> -> memref<128x128xf32, #tpu.memory_space<hbm>>
                %dma_wait3A_157 = arith.constant 0 : i32
                %dma_wait3A_158 = arith.constant 0 : i32
                %dma_wait3A_159 = tpu.memref_slice %arg9[%dma_wait3A_157, %dma_wait3A_158] : memref<80000x128xf32, #tpu.memory_space<hbm>> -> memref<128x128xf32, #tpu.memory_space<hbm>>
                tpu.wait_dma2 semaphore(%arg24 : memref<!tpu.dma_semaphore, #tpu.memory_space<semaphore_mem>>) src(%dma_wait3A_159 : memref<128x128xf32, #tpu.memory_space<hbm>>) dst(%arg19 : memref<128x128xf32, #tpu.memory_space<vmem>>)
              } else {
              }
              %add3A_147 = arith.addi %mul3A_1, %sub3A_137 : i32
              %mul3A_148 = arith.constant 128 : i32
              %mul3A_149 = arith.muli %add3A_147, %mul3A_148 : i32
              %dma_start3A_150 = arith.constant 0 : i32
              %dma_start3A_151 = tpu.memref_slice %arg9[%mul3A_149, %dma_start3A_150] : memref<80000x128xf32, #tpu.memory_space<hbm>> -> memref<128x128xf32, #tpu.memory_space<hbm>>
              %dma_start3A_152 = arith.constant 0 : i32
              %dma_start3A_153 = tpu.memref_slice %arg9[%mul3A_149, %dma_start3A_152] : memref<80000x128xf32, #tpu.memory_space<hbm>> -> memref<128x128xf32, #tpu.memory_space<hbm>>
              tpu.enqueue_dma source(%dma_start3A_153 : memref<128x128xf32, #tpu.memory_space<hbm>>) target(%arg19 : memref<128x128xf32, #tpu.memory_space<vmem>>) target_semaphore(%arg22 : memref<!tpu.dma_semaphore, #tpu.memory_space<semaphore_mem>>)
            } else {
            }
          } else {
          }
          %mul3A_116 = arith.constant 2 : i32
          %mul3A_117 = arith.muli %add3A_107, %mul3A_116 : i32
          %add3A_118 = arith.constant 1 : i32
          %add3A_119 = arith.addi %mul3A_117, %add3A_118 : i32
          %lt3A_120 = arith.cmpi slt, %add3A_119, %select_n3A : i32
          %convert_element_type3A_121 = arith.extui %lt3A_120 : i1 to i32
          %cond3A_122 = arith.constant 0 : i32
          %cond3A_123 = arith.cmpi ne, %convert_element_type3A_121, %cond3A_122 : i32
          scf.if %cond3A_123 {
            %dma_wait3A_124 = arith.constant 0 : i32
            %dma_wait3A_125 = arith.constant 0 : i32
            %dma_wait3A_126 = tpu.memref_slice %arg9[%dma_wait3A_124, %dma_wait3A_125] : memref<80000x128xf32, #tpu.memory_space<hbm>> -> memref<128x128xf32, #tpu.memory_space<hbm>>
            %dma_wait3A_127 = arith.constant 0 : i32
            %dma_wait3A_128 = arith.constant 0 : i32
            %dma_wait3A_129 = tpu.memref_slice %arg9[%dma_wait3A_127, %dma_wait3A_128] : memref<80000x128xf32, #tpu.memory_space<hbm>> -> memref<128x128xf32, #tpu.memory_space<hbm>>
            tpu.wait_dma2 semaphore(%arg22 : memref<!tpu.dma_semaphore, #tpu.memory_space<semaphore_mem>>) src(%dma_wait3A_129 : memref<128x128xf32, #tpu.memory_space<hbm>>) dst(%arg19 : memref<128x128xf32, #tpu.memory_space<vmem>>)
            %dma_start3A = arith.constant 0 : i32
            %dma_start3A_130 = tpu.memref_slice %arg17[%add3A_119, %dma_start3A] : memref<80x128xi32, #tpu.memory_space<vmem>> -> memref<1x128xi32, #tpu.memory_space<vmem>>
            %dma_start3A_131 = tpu.memref_squeeze %dma_start3A_130 : memref<1x128xi32, #tpu.memory_space<vmem>> -> memref<128xi32, #tpu.memory_space<vmem>>
            %dma_start3A_132 = arith.constant 0 : i32
            %dma_start3A_133 = arith.constant 0 : i32
            %dma_start3A_134 = tpu.memref_slice %arg20[%dma_start3A_132, %dma_start3A_133] : memref<10000x128xf32, #tpu.memory_space<vmem_shared>> -> memref<10000x128xf32, #tpu.memory_space<vmem_shared>>
            tpu.enqueue_indirect_dma source(%arg19 : memref<128x128xf32, #tpu.memory_space<vmem>>) target(%dma_start3A_134 : memref<10000x128xf32, #tpu.memory_space<vmem_shared>>) offsets(%dma_start3A_131 : memref<128xi32, #tpu.memory_space<vmem>>) semaphore(%arg24 : memref<!tpu.dma_semaphore, #tpu.memory_space<semaphore_mem>>) {add = true}
            %add3A_135 = arith.constant 2 : i32
            %add3A_136 = arith.addi %add3A_119, %add3A_135 : i32
            %sub3A = arith.constant 1 : i32
            %sub3A_137 = arith.subi %add3A_136, %sub3A : i32
            %lt3A_138 = arith.cmpi slt, %sub3A_137, %select_n3A : i32
            %convert_element_type3A_139 = arith.extui %lt3A_138 : i1 to i32
            %cond3A_140 = arith.constant 0 : i32
            %cond3A_141 = arith.cmpi ne, %convert_element_type3A_139, %cond3A_140 : i32
            scf.if %cond3A_141 {
              %ge3A_142 = arith.constant 2 : i32
              %ge3A_143 = arith.cmpi sge, %sub3A_137, %ge3A_142 : i32
              %convert_element_type3A_144 = arith.extui %ge3A_143 : i1 to i32
              %cond3A_145 = arith.constant 0 : i32
              %cond3A_146 = arith.cmpi ne, %convert_element_type3A_144, %cond3A_145 : i32
              scf.if %cond3A_146 {
                %dma_wait3A_154 = arith.constant 0 : i32
                %dma_wait3A_155 = arith.constant 0 : i32
                %dma_wait3A_156 = tpu.memref_slice %arg9[%dma_wait3A_154, %dma_wait3A_155] : memref<80000x128xf32, #tpu.memory_space<hbm>> -> memref<128x128xf32, #tpu.memory_space<hbm>>
                %dma_wait3A_157 = arith.constant 0 : i32
                %dma_wait3A_158 = arith.constant 0 : i32
                %dma_wait3A_159 = tpu.memref_slice %arg9[%dma_wait3A_157, %dma_wait3A_158] : memref<80000x128xf32, #tpu.memory_space<hbm>> -> memref<128x128xf32, #tpu.memory_space<hbm>>
                tpu.wait_dma2 semaphore(%arg23 : memref<!tpu.dma_semaphore, #tpu.memory_space<semaphore_mem>>) src(%dma_wait3A_159 : memref<128x128xf32, #tpu.memory_space<hbm>>) dst(%arg18 : memref<128x128xf32, #tpu.memory_space<vmem>>)
              } else {
              }
              %add3A_147 = arith.addi %mul3A_1, %sub3A_137 : i32
              %mul3A_148 = arith.constant 128 : i32
              %mul3A_149 = arith.muli %add3A_147, %mul3A_148 : i32
              %dma_start3A_150 = arith.constant 0 : i32
              %dma_start3A_151 = tpu.memref_slice %arg9[%mul3A_149, %dma_start3A_150] : memref<80000x128xf32, #tpu.memory_space<hbm>> -> memref<128x128xf32, #tpu.memory_space<hbm>>
              %dma_start3A_152 = arith.constant 0 : i32
              %dma_start3A_153 = tpu.memref_slice %arg9[%mul3A_149, %dma_start3A_152] : memref<80000x128xf32, #tpu.memory_space<hbm>> -> memref<128x128xf32, #tpu.memory_space<hbm>>
              tpu.enqueue_dma source(%dma_start3A_153 : memref<128x128xf32, #tpu.memory_space<hbm>>) target(%arg18 : memref<128x128xf32, #tpu.memory_space<vmem>>) target_semaphore(%arg21 : memref<!tpu.dma_semaphore, #tpu.memory_space<semaphore_mem>>)
            } else {
            }
          } else {
          }
        }
        %scan3A_92 = arith.constant 40 : i32
        %dma_wait3A = arith.constant 0 : i32
        %dma_wait3A_93 = arith.constant 0 : i32
        %dma_wait3A_94 = tpu.memref_slice %arg9[%dma_wait3A, %dma_wait3A_93] : memref<80000x128xf32, #tpu.memory_space<hbm>> -> memref<128x128xf32, #tpu.memory_space<hbm>>
        %dma_wait3A_95 = arith.constant 0 : i32
        %dma_wait3A_96 = arith.constant 0 : i32
        %dma_wait3A_97 = tpu.memref_slice %arg9[%dma_wait3A_95, %dma_wait3A_96] : memref<80000x128xf32, #tpu.memory_space<hbm>> -> memref<128x128xf32, #tpu.memory_space<hbm>>
        tpu.wait_dma2 semaphore(%arg23 : memref<!tpu.dma_semaphore, #tpu.memory_space<semaphore_mem>>) src(%dma_wait3A_97 : memref<128x128xf32, #tpu.memory_space<hbm>>) dst(%arg18 : memref<128x128xf32, #tpu.memory_space<vmem>>)
        %dma_wait3A_98 = arith.constant 0 : i32
        %dma_wait3A_99 = arith.constant 0 : i32
        %dma_wait3A_100 = tpu.memref_slice %arg9[%dma_wait3A_98, %dma_wait3A_99] : memref<80000x128xf32, #tpu.memory_space<hbm>> -> memref<128x128xf32, #tpu.memory_space<hbm>>
        %dma_wait3A_101 = arith.constant 0 : i32
        %dma_wait3A_102 = arith.constant 0 : i32
        %dma_wait3A_103 = tpu.memref_slice %arg9[%dma_wait3A_101, %dma_wait3A_102] : memref<80000x128xf32, #tpu.memory_space<hbm>> -> memref<128x128xf32, #tpu.memory_space<hbm>>
        tpu.wait_dma2 semaphore(%arg24 : memref<!tpu.dma_semaphore, #tpu.memory_space<semaphore_mem>>) src(%dma_wait3A_103 : memref<128x128xf32, #tpu.memory_space<hbm>>) dst(%arg19 : memref<128x128xf32, #tpu.memory_space<vmem>>)
      } else {
      }
      %barrier3A_40 = arith.constant 0 : index
      tpu.barrier barrier_id(%barrier3A_40)
      %lt3A_41 = arith.constant 2 : i32
      %lt3A_42 = arith.cmpi slt, %arg1, %lt3A_41 : i32
      %convert_element_type3A_43 = arith.extui %lt3A_42 : i1 to i32
      %cond3A_44 = arith.constant 0 : i32
      %cond3A_45 = arith.cmpi ne, %convert_element_type3A_43, %cond3A_44 : i32
      scf.if %cond3A_45 {
        %mul3A_85 = arith.constant 632 : i32
        %mul3A_86 = arith.muli %arg1, %mul3A_85 : i32
        "tpu.region"() ({
          %run_scoped3A = tpu.sem_alloc : memref<!tpu.dma_semaphore, #tpu.memory_space<semaphore_mem>>
          %dma_start3A = arith.constant 0 : i32
          %dma_start3A_87 = tpu.memref_slice %arg15[%mul3A_86, %dma_start3A] : memref<10000x128xf32, #tpu.memory_space<hbm>> -> memref<632x128xf32, #tpu.memory_space<hbm>>
          %dma_start3A_88 = arith.constant 0 : i32
          %dma_start3A_89 = tpu.memref_slice %arg20[%mul3A_86, %dma_start3A_88] : memref<10000x128xf32, #tpu.memory_space<vmem_shared>> -> memref<632x128xf32, #tpu.memory_space<vmem_shared>>
          tpu.enqueue_dma source(%dma_start3A_89 : memref<632x128xf32, #tpu.memory_space<vmem_shared>>) target(%dma_start3A_87 : memref<632x128xf32, #tpu.memory_space<hbm>>) target_semaphore(%run_scoped3A : memref<!tpu.dma_semaphore, #tpu.memory_space<semaphore_mem>>)
          %dma_wait3A = arith.constant 0 : i32
          %dma_wait3A_90 = tpu.memref_slice %arg15[%mul3A_86, %dma_wait3A] : memref<10000x128xf32, #tpu.memory_space<hbm>> -> memref<632x128xf32, #tpu.memory_space<hbm>>
          %dma_wait3A_91 = arith.constant 0 : i32
          %dma_wait3A_92 = tpu.memref_slice %arg20[%mul3A_86, %dma_wait3A_91] : memref<10000x128xf32, #tpu.memory_space<vmem_shared>> -> memref<632x128xf32, #tpu.memory_space<vmem_shared>>
          tpu.wait_dma2 semaphore(%run_scoped3A : memref<!tpu.dma_semaphore, #tpu.memory_space<semaphore_mem>>) src(%dma_wait3A_92 : memref<632x128xf32, #tpu.memory_space<vmem_shared>>) dst(%dma_wait3A_90 : memref<632x128xf32, #tpu.memory_space<hbm>>)
          tpu.yield
        }) : () -> ()
      } else {
      }
      %ge3A_46 = arith.constant 2 : i32
      %ge3A_47 = arith.cmpi sge, %arg1, %ge3A_46 : i32
      %convert_element_type3A_48 = arith.extui %ge3A_47 : i1 to i32
      %cond3A_49 = arith.constant 0 : i32
      %cond3A_50 = arith.cmpi ne, %convert_element_type3A_48, %cond3A_49 : i32
      scf.if %cond3A_50 {
        %sub3A = arith.constant 2 : i32
        %sub3A_85 = arith.subi %arg1, %sub3A : i32
        %mul3A_86 = arith.constant 624 : i32
        %mul3A_87 = arith.muli %sub3A_85, %mul3A_86 : i32
        %add3A = arith.constant 1264 : i32
        %add3A_88 = arith.addi %add3A, %mul3A_87 : i32
        "tpu.region"() ({
          %run_scoped3A = tpu.sem_alloc : memref<!tpu.dma_semaphore, #tpu.memory_space<semaphore_mem>>
          %dma_start3A = arith.constant 0 : i32
          %dma_start3A_89 = tpu.memref_slice %arg15[%add3A_88, %dma_start3A] : memref<10000x128xf32, #tpu.memory_space<hbm>> -> memref<624x128xf32, #tpu.memory_space<hbm>>
          %dma_start3A_90 = arith.constant 0 : i32
          %dma_start3A_91 = tpu.memref_slice %arg20[%add3A_88, %dma_start3A_90] : memref<10000x128xf32, #tpu.memory_space<vmem_shared>> -> memref<624x128xf32, #tpu.memory_space<vmem_shared>>
          tpu.enqueue_dma source(%dma_start3A_91 : memref<624x128xf32, #tpu.memory_space<vmem_shared>>) target(%dma_start3A_89 : memref<624x128xf32, #tpu.memory_space<hbm>>) target_semaphore(%run_scoped3A : memref<!tpu.dma_semaphore, #tpu.memory_space<semaphore_mem>>)
          %dma_wait3A = arith.constant 0 : i32
          %dma_wait3A_92 = tpu.memref_slice %arg15[%add3A_88, %dma_wait3A] : memref<10000x128xf32, #tpu.memory_space<hbm>> -> memref<624x128xf32, #tpu.memory_space<hbm>>
          %dma_wait3A_93 = arith.constant 0 : i32
          %dma_wait3A_94 = tpu.memref_slice %arg20[%add3A_88, %dma_wait3A_93] : memref<10000x128xf32, #tpu.memory_space<vmem_shared>> -> memref<624x128xf32, #tpu.memory_space<vmem_shared>>
          tpu.wait_dma2 semaphore(%run_scoped3A : memref<!tpu.dma_semaphore, #tpu.memory_space<semaphore_mem>>) src(%dma_wait3A_94 : memref<624x128xf32, #tpu.memory_space<vmem_shared>>) dst(%dma_wait3A_92 : memref<624x128xf32, #tpu.memory_space<hbm>>)
          tpu.yield
        }) : () -> ()
      } else {
      }
      %barrier3A_51 = arith.constant 0 : index
      tpu.barrier barrier_id(%barrier3A_51)
      %lt3A_52 = arith.constant 2 : i32
      %lt3A_53 = arith.cmpi slt, %arg1, %lt3A_52 : i32
      %convert_element_type3A_54 = arith.extui %lt3A_53 : i1 to i32
      %cond3A_55 = arith.constant 0 : i32
      %cond3A_56 = arith.cmpi ne, %convert_element_type3A_54, %cond3A_55 : i32
      scf.if %cond3A_56 {
        %mul3A_85 = arith.constant 632 : i32
        %mul3A_86 = arith.muli %arg1, %mul3A_85 : i32
        "tpu.region"() ({
          %run_scoped3A = tpu.sem_alloc : memref<!tpu.dma_semaphore, #tpu.memory_space<semaphore_mem>>
          %dma_start3A = arith.constant 0 : i32
          %dma_start3A_87 = tpu.memref_slice %arg20[%mul3A_86, %dma_start3A] : memref<10000x128xf32, #tpu.memory_space<vmem_shared>> -> memref<632x128xf32, #tpu.memory_space<vmem_shared>>
          %dma_start3A_88 = arith.constant 0 : i32
          %dma_start3A_89 = tpu.memref_slice %arg12[%mul3A_86, %dma_start3A_88] : memref<10000x128xf32, #tpu.memory_space<hbm>> -> memref<632x128xf32, #tpu.memory_space<hbm>>
          tpu.enqueue_dma source(%dma_start3A_89 : memref<632x128xf32, #tpu.memory_space<hbm>>) target(%dma_start3A_87 : memref<632x128xf32, #tpu.memory_space<vmem_shared>>) target_semaphore(%run_scoped3A : memref<!tpu.dma_semaphore, #tpu.memory_space<semaphore_mem>>)
          %dma_wait3A = arith.constant 0 : i32
          %dma_wait3A_90 = tpu.memref_slice %arg20[%mul3A_86, %dma_wait3A] : memref<10000x128xf32, #tpu.memory_space<vmem_shared>> -> memref<632x128xf32, #tpu.memory_space<vmem_shared>>
          %dma_wait3A_91 = arith.constant 0 : i32
          %dma_wait3A_92 = tpu.memref_slice %arg12[%mul3A_86, %dma_wait3A_91] : memref<10000x128xf32, #tpu.memory_space<hbm>> -> memref<632x128xf32, #tpu.memory_space<hbm>>
          tpu.wait_dma2 semaphore(%run_scoped3A : memref<!tpu.dma_semaphore, #tpu.memory_space<semaphore_mem>>) src(%dma_wait3A_92 : memref<632x128xf32, #tpu.memory_space<hbm>>) dst(%dma_wait3A_90 : memref<632x128xf32, #tpu.memory_space<vmem_shared>>)
          tpu.yield
        }) : () -> ()
      } else {
      }
      %ge3A_57 = arith.constant 2 : i32
      %ge3A_58 = arith.cmpi sge, %arg1, %ge3A_57 : i32
      %convert_element_type3A_59 = arith.extui %ge3A_58 : i1 to i32
      %cond3A_60 = arith.constant 0 : i32
      %cond3A_61 = arith.cmpi ne, %convert_element_type3A_59, %cond3A_60 : i32
      scf.if %cond3A_61 {
        %sub3A = arith.constant 2 : i32
        %sub3A_85 = arith.subi %arg1, %sub3A : i32
        %mul3A_86 = arith.constant 624 : i32
        %mul3A_87 = arith.muli %sub3A_85, %mul3A_86 : i32
        %add3A = arith.constant 1264 : i32
        %add3A_88 = arith.addi %add3A, %mul3A_87 : i32
        "tpu.region"() ({
          %run_scoped3A = tpu.sem_alloc : memref<!tpu.dma_semaphore, #tpu.memory_space<semaphore_mem>>
          %dma_start3A = arith.constant 0 : i32
          %dma_start3A_89 = tpu.memref_slice %arg20[%add3A_88, %dma_start3A] : memref<10000x128xf32, #tpu.memory_space<vmem_shared>> -> memref<624x128xf32, #tpu.memory_space<vmem_shared>>
          %dma_start3A_90 = arith.constant 0 : i32
          %dma_start3A_91 = tpu.memref_slice %arg12[%add3A_88, %dma_start3A_90] : memref<10000x128xf32, #tpu.memory_space<hbm>> -> memref<624x128xf32, #tpu.memory_space<hbm>>
          tpu.enqueue_dma source(%dma_start3A_91 : memref<624x128xf32, #tpu.memory_space<hbm>>) target(%dma_start3A_89 : memref<624x128xf32, #tpu.memory_space<vmem_shared>>) target_semaphore(%run_scoped3A : memref<!tpu.dma_semaphore, #tpu.memory_space<semaphore_mem>>)
          %dma_wait3A = arith.constant 0 : i32
          %dma_wait3A_92 = tpu.memref_slice %arg20[%add3A_88, %dma_wait3A] : memref<10000x128xf32, #tpu.memory_space<vmem_shared>> -> memref<624x128xf32, #tpu.memory_space<vmem_shared>>
          %dma_wait3A_93 = arith.constant 0 : i32
          %dma_wait3A_94 = tpu.memref_slice %arg12[%add3A_88, %dma_wait3A_93] : memref<10000x128xf32, #tpu.memory_space<hbm>> -> memref<624x128xf32, #tpu.memory_space<hbm>>
          tpu.wait_dma2 semaphore(%run_scoped3A : memref<!tpu.dma_semaphore, #tpu.memory_space<semaphore_mem>>) src(%dma_wait3A_94 : memref<624x128xf32, #tpu.memory_space<hbm>>) dst(%dma_wait3A_92 : memref<624x128xf32, #tpu.memory_space<vmem_shared>>)
          tpu.yield
        }) : () -> ()
      } else {
      }
      %barrier3A_62 = arith.constant 0 : index
      tpu.barrier barrier_id(%barrier3A_62)
      %lt3A_63 = arith.constant 8 : i32
      %lt3A_64 = arith.cmpi slt, %arg1, %lt3A_63 : i32
      %convert_element_type3A_65 = arith.extui %lt3A_64 : i1 to i32
      %cond3A_66 = arith.constant 0 : i32
      %cond3A_67 = arith.cmpi ne, %convert_element_type3A_65, %cond3A_66 : i32
      scf.if %cond3A_67 {
        %gt3A = arith.constant 0 : i32
        %gt3A_85 = arith.cmpi sgt, %select_n3A, %gt3A : i32
        %convert_element_type3A_86 = arith.extui %gt3A_85 : i1 to i32
        %cond3A_87 = arith.constant 0 : i32
        %cond3A_88 = arith.cmpi ne, %convert_element_type3A_86, %cond3A_87 : i32
        scf.if %cond3A_88 {
          %add3A = arith.constant 0 : i32
          %add3A_104 = arith.addi %mul3A_1, %add3A : i32
          %mul3A_105 = arith.constant 128 : i32
          %mul3A_106 = arith.muli %add3A_104, %mul3A_105 : i32
          %dma_start3A = arith.constant 0 : i32
          %dma_start3A_107 = tpu.memref_slice %arg10[%mul3A_106, %dma_start3A] : memref<80000x128xf32, #tpu.memory_space<hbm>> -> memref<128x128xf32, #tpu.memory_space<hbm>>
          %dma_start3A_108 = arith.constant 0 : i32
          %dma_start3A_109 = tpu.memref_slice %arg10[%mul3A_106, %dma_start3A_108] : memref<80000x128xf32, #tpu.memory_space<hbm>> -> memref<128x128xf32, #tpu.memory_space<hbm>>
          tpu.enqueue_dma source(%dma_start3A_109 : memref<128x128xf32, #tpu.memory_space<hbm>>) target(%arg18 : memref<128x128xf32, #tpu.memory_space<vmem>>) target_semaphore(%arg21 : memref<!tpu.dma_semaphore, #tpu.memory_space<semaphore_mem>>)
        } else {
        }
        %scan3A = arith.constant 0 : i32
        %scan3A_89 = arith.constant 40 : i32
        %scan3A_90 = arith.addi %scan3A, %scan3A_89 : i32
        %scan3A_91 = arith.constant 1 : i32
        scf.for %scan3A_104 = %scan3A to %scan3A_90 step %scan3A_91  : i32 {
          %mul3A_105 = arith.constant 1 : i32
          %mul3A_106 = arith.muli %scan3A_104, %mul3A_105 : i32
          %add3A = arith.constant 0 : i32
          %add3A_107 = arith.addi %add3A, %mul3A_106 : i32
          %mul3A_108 = arith.constant 2 : i32
          %mul3A_109 = arith.muli %add3A_107, %mul3A_108 : i32
          %add3A_110 = arith.constant 0 : i32
          %add3A_111 = arith.addi %mul3A_109, %add3A_110 : i32
          %lt3A_112 = arith.cmpi slt, %add3A_111, %select_n3A : i32
          %convert_element_type3A_113 = arith.extui %lt3A_112 : i1 to i32
          %cond3A_114 = arith.constant 0 : i32
          %cond3A_115 = arith.cmpi ne, %convert_element_type3A_113, %cond3A_114 : i32
          scf.if %cond3A_115 {
            %dma_wait3A_124 = arith.constant 0 : i32
            %dma_wait3A_125 = arith.constant 0 : i32
            %dma_wait3A_126 = tpu.memref_slice %arg10[%dma_wait3A_124, %dma_wait3A_125] : memref<80000x128xf32, #tpu.memory_space<hbm>> -> memref<128x128xf32, #tpu.memory_space<hbm>>
            %dma_wait3A_127 = arith.constant 0 : i32
            %dma_wait3A_128 = arith.constant 0 : i32
            %dma_wait3A_129 = tpu.memref_slice %arg10[%dma_wait3A_127, %dma_wait3A_128] : memref<80000x128xf32, #tpu.memory_space<hbm>> -> memref<128x128xf32, #tpu.memory_space<hbm>>
            tpu.wait_dma2 semaphore(%arg21 : memref<!tpu.dma_semaphore, #tpu.memory_space<semaphore_mem>>) src(%dma_wait3A_129 : memref<128x128xf32, #tpu.memory_space<hbm>>) dst(%arg18 : memref<128x128xf32, #tpu.memory_space<vmem>>)
            %dma_start3A = arith.constant 0 : i32
            %dma_start3A_130 = tpu.memref_slice %arg17[%add3A_111, %dma_start3A] : memref<80x128xi32, #tpu.memory_space<vmem>> -> memref<1x128xi32, #tpu.memory_space<vmem>>
            %dma_start3A_131 = tpu.memref_squeeze %dma_start3A_130 : memref<1x128xi32, #tpu.memory_space<vmem>> -> memref<128xi32, #tpu.memory_space<vmem>>
            %dma_start3A_132 = arith.constant 0 : i32
            %dma_start3A_133 = arith.constant 0 : i32
            %dma_start3A_134 = tpu.memref_slice %arg20[%dma_start3A_132, %dma_start3A_133] : memref<10000x128xf32, #tpu.memory_space<vmem_shared>> -> memref<10000x128xf32, #tpu.memory_space<vmem_shared>>
            tpu.enqueue_indirect_dma source(%arg18 : memref<128x128xf32, #tpu.memory_space<vmem>>) target(%dma_start3A_134 : memref<10000x128xf32, #tpu.memory_space<vmem_shared>>) offsets(%dma_start3A_131 : memref<128xi32, #tpu.memory_space<vmem>>) semaphore(%arg23 : memref<!tpu.dma_semaphore, #tpu.memory_space<semaphore_mem>>) {add = true}
            %add3A_135 = arith.constant 2 : i32
            %add3A_136 = arith.addi %add3A_111, %add3A_135 : i32
            %sub3A = arith.constant 1 : i32
            %sub3A_137 = arith.subi %add3A_136, %sub3A : i32
            %lt3A_138 = arith.cmpi slt, %sub3A_137, %select_n3A : i32
            %convert_element_type3A_139 = arith.extui %lt3A_138 : i1 to i32
            %cond3A_140 = arith.constant 0 : i32
            %cond3A_141 = arith.cmpi ne, %convert_element_type3A_139, %cond3A_140 : i32
            scf.if %cond3A_141 {
              %ge3A_142 = arith.constant 2 : i32
              %ge3A_143 = arith.cmpi sge, %sub3A_137, %ge3A_142 : i32
              %convert_element_type3A_144 = arith.extui %ge3A_143 : i1 to i32
              %cond3A_145 = arith.constant 0 : i32
              %cond3A_146 = arith.cmpi ne, %convert_element_type3A_144, %cond3A_145 : i32
              scf.if %cond3A_146 {
                %dma_wait3A_154 = arith.constant 0 : i32
                %dma_wait3A_155 = arith.constant 0 : i32
                %dma_wait3A_156 = tpu.memref_slice %arg10[%dma_wait3A_154, %dma_wait3A_155] : memref<80000x128xf32, #tpu.memory_space<hbm>> -> memref<128x128xf32, #tpu.memory_space<hbm>>
                %dma_wait3A_157 = arith.constant 0 : i32
                %dma_wait3A_158 = arith.constant 0 : i32
                %dma_wait3A_159 = tpu.memref_slice %arg10[%dma_wait3A_157, %dma_wait3A_158] : memref<80000x128xf32, #tpu.memory_space<hbm>> -> memref<128x128xf32, #tpu.memory_space<hbm>>
                tpu.wait_dma2 semaphore(%arg24 : memref<!tpu.dma_semaphore, #tpu.memory_space<semaphore_mem>>) src(%dma_wait3A_159 : memref<128x128xf32, #tpu.memory_space<hbm>>) dst(%arg19 : memref<128x128xf32, #tpu.memory_space<vmem>>)
              } else {
              }
              %add3A_147 = arith.addi %mul3A_1, %sub3A_137 : i32
              %mul3A_148 = arith.constant 128 : i32
              %mul3A_149 = arith.muli %add3A_147, %mul3A_148 : i32
              %dma_start3A_150 = arith.constant 0 : i32
              %dma_start3A_151 = tpu.memref_slice %arg10[%mul3A_149, %dma_start3A_150] : memref<80000x128xf32, #tpu.memory_space<hbm>> -> memref<128x128xf32, #tpu.memory_space<hbm>>
              %dma_start3A_152 = arith.constant 0 : i32
              %dma_start3A_153 = tpu.memref_slice %arg10[%mul3A_149, %dma_start3A_152] : memref<80000x128xf32, #tpu.memory_space<hbm>> -> memref<128x128xf32, #tpu.memory_space<hbm>>
              tpu.enqueue_dma source(%dma_start3A_153 : memref<128x128xf32, #tpu.memory_space<hbm>>) target(%arg19 : memref<128x128xf32, #tpu.memory_space<vmem>>) target_semaphore(%arg22 : memref<!tpu.dma_semaphore, #tpu.memory_space<semaphore_mem>>)
            } else {
            }
          } else {
          }
          %mul3A_116 = arith.constant 2 : i32
          %mul3A_117 = arith.muli %add3A_107, %mul3A_116 : i32
          %add3A_118 = arith.constant 1 : i32
          %add3A_119 = arith.addi %mul3A_117, %add3A_118 : i32
          %lt3A_120 = arith.cmpi slt, %add3A_119, %select_n3A : i32
          %convert_element_type3A_121 = arith.extui %lt3A_120 : i1 to i32
          %cond3A_122 = arith.constant 0 : i32
          %cond3A_123 = arith.cmpi ne, %convert_element_type3A_121, %cond3A_122 : i32
          scf.if %cond3A_123 {
            %dma_wait3A_124 = arith.constant 0 : i32
            %dma_wait3A_125 = arith.constant 0 : i32
            %dma_wait3A_126 = tpu.memref_slice %arg10[%dma_wait3A_124, %dma_wait3A_125] : memref<80000x128xf32, #tpu.memory_space<hbm>> -> memref<128x128xf32, #tpu.memory_space<hbm>>
            %dma_wait3A_127 = arith.constant 0 : i32
            %dma_wait3A_128 = arith.constant 0 : i32
            %dma_wait3A_129 = tpu.memref_slice %arg10[%dma_wait3A_127, %dma_wait3A_128] : memref<80000x128xf32, #tpu.memory_space<hbm>> -> memref<128x128xf32, #tpu.memory_space<hbm>>
            tpu.wait_dma2 semaphore(%arg22 : memref<!tpu.dma_semaphore, #tpu.memory_space<semaphore_mem>>) src(%dma_wait3A_129 : memref<128x128xf32, #tpu.memory_space<hbm>>) dst(%arg19 : memref<128x128xf32, #tpu.memory_space<vmem>>)
            %dma_start3A = arith.constant 0 : i32
            %dma_start3A_130 = tpu.memref_slice %arg17[%add3A_119, %dma_start3A] : memref<80x128xi32, #tpu.memory_space<vmem>> -> memref<1x128xi32, #tpu.memory_space<vmem>>
            %dma_start3A_131 = tpu.memref_squeeze %dma_start3A_130 : memref<1x128xi32, #tpu.memory_space<vmem>> -> memref<128xi32, #tpu.memory_space<vmem>>
            %dma_start3A_132 = arith.constant 0 : i32
            %dma_start3A_133 = arith.constant 0 : i32
            %dma_start3A_134 = tpu.memref_slice %arg20[%dma_start3A_132, %dma_start3A_133] : memref<10000x128xf32, #tpu.memory_space<vmem_shared>> -> memref<10000x128xf32, #tpu.memory_space<vmem_shared>>
            tpu.enqueue_indirect_dma source(%arg19 : memref<128x128xf32, #tpu.memory_space<vmem>>) target(%dma_start3A_134 : memref<10000x128xf32, #tpu.memory_space<vmem_shared>>) offsets(%dma_start3A_131 : memref<128xi32, #tpu.memory_space<vmem>>) semaphore(%arg24 : memref<!tpu.dma_semaphore, #tpu.memory_space<semaphore_mem>>) {add = true}
            %add3A_135 = arith.constant 2 : i32
            %add3A_136 = arith.addi %add3A_119, %add3A_135 : i32
            %sub3A = arith.constant 1 : i32
            %sub3A_137 = arith.subi %add3A_136, %sub3A : i32
            %lt3A_138 = arith.cmpi slt, %sub3A_137, %select_n3A : i32
            %convert_element_type3A_139 = arith.extui %lt3A_138 : i1 to i32
            %cond3A_140 = arith.constant 0 : i32
            %cond3A_141 = arith.cmpi ne, %convert_element_type3A_139, %cond3A_140 : i32
            scf.if %cond3A_141 {
              %ge3A_142 = arith.constant 2 : i32
              %ge3A_143 = arith.cmpi sge, %sub3A_137, %ge3A_142 : i32
              %convert_element_type3A_144 = arith.extui %ge3A_143 : i1 to i32
              %cond3A_145 = arith.constant 0 : i32
              %cond3A_146 = arith.cmpi ne, %convert_element_type3A_144, %cond3A_145 : i32
              scf.if %cond3A_146 {
                %dma_wait3A_154 = arith.constant 0 : i32
                %dma_wait3A_155 = arith.constant 0 : i32
                %dma_wait3A_156 = tpu.memref_slice %arg10[%dma_wait3A_154, %dma_wait3A_155] : memref<80000x128xf32, #tpu.memory_space<hbm>> -> memref<128x128xf32, #tpu.memory_space<hbm>>
                %dma_wait3A_157 = arith.constant 0 : i32
                %dma_wait3A_158 = arith.constant 0 : i32
                %dma_wait3A_159 = tpu.memref_slice %arg10[%dma_wait3A_157, %dma_wait3A_158] : memref<80000x128xf32, #tpu.memory_space<hbm>> -> memref<128x128xf32, #tpu.memory_space<hbm>>
                tpu.wait_dma2 semaphore(%arg23 : memref<!tpu.dma_semaphore, #tpu.memory_space<semaphore_mem>>) src(%dma_wait3A_159 : memref<128x128xf32, #tpu.memory_space<hbm>>) dst(%arg18 : memref<128x128xf32, #tpu.memory_space<vmem>>)
              } else {
              }
              %add3A_147 = arith.addi %mul3A_1, %sub3A_137 : i32
              %mul3A_148 = arith.constant 128 : i32
              %mul3A_149 = arith.muli %add3A_147, %mul3A_148 : i32
              %dma_start3A_150 = arith.constant 0 : i32
              %dma_start3A_151 = tpu.memref_slice %arg10[%mul3A_149, %dma_start3A_150] : memref<80000x128xf32, #tpu.memory_space<hbm>> -> memref<128x128xf32, #tpu.memory_space<hbm>>
              %dma_start3A_152 = arith.constant 0 : i32
              %dma_start3A_153 = tpu.memref_slice %arg10[%mul3A_149, %dma_start3A_152] : memref<80000x128xf32, #tpu.memory_space<hbm>> -> memref<128x128xf32, #tpu.memory_space<hbm>>
              tpu.enqueue_dma source(%dma_start3A_153 : memref<128x128xf32, #tpu.memory_space<hbm>>) target(%arg18 : memref<128x128xf32, #tpu.memory_space<vmem>>) target_semaphore(%arg21 : memref<!tpu.dma_semaphore, #tpu.memory_space<semaphore_mem>>)
            } else {
            }
          } else {
          }
        }
        %scan3A_92 = arith.constant 40 : i32
        %dma_wait3A = arith.constant 0 : i32
        %dma_wait3A_93 = arith.constant 0 : i32
        %dma_wait3A_94 = tpu.memref_slice %arg10[%dma_wait3A, %dma_wait3A_93] : memref<80000x128xf32, #tpu.memory_space<hbm>> -> memref<128x128xf32, #tpu.memory_space<hbm>>
        %dma_wait3A_95 = arith.constant 0 : i32
        %dma_wait3A_96 = arith.constant 0 : i32
        %dma_wait3A_97 = tpu.memref_slice %arg10[%dma_wait3A_95, %dma_wait3A_96] : memref<80000x128xf32, #tpu.memory_space<hbm>> -> memref<128x128xf32, #tpu.memory_space<hbm>>
        tpu.wait_dma2 semaphore(%arg23 : memref<!tpu.dma_semaphore, #tpu.memory_space<semaphore_mem>>) src(%dma_wait3A_97 : memref<128x128xf32, #tpu.memory_space<hbm>>) dst(%arg18 : memref<128x128xf32, #tpu.memory_space<vmem>>)
        %dma_wait3A_98 = arith.constant 0 : i32
        %dma_wait3A_99 = arith.constant 0 : i32
        %dma_wait3A_100 = tpu.memref_slice %arg10[%dma_wait3A_98, %dma_wait3A_99] : memref<80000x128xf32, #tpu.memory_space<hbm>> -> memref<128x128xf32, #tpu.memory_space<hbm>>
        %dma_wait3A_101 = arith.constant 0 : i32
        %dma_wait3A_102 = arith.constant 0 : i32
        %dma_wait3A_103 = tpu.memref_slice %arg10[%dma_wait3A_101, %dma_wait3A_102] : memref<80000x128xf32, #tpu.memory_space<hbm>> -> memref<128x128xf32, #tpu.memory_space<hbm>>
        tpu.wait_dma2 semaphore(%arg24 : memref<!tpu.dma_semaphore, #tpu.memory_space<semaphore_mem>>) src(%dma_wait3A_103 : memref<128x128xf32, #tpu.memory_space<hbm>>) dst(%arg19 : memref<128x128xf32, #tpu.memory_space<vmem>>)
      } else {
      }
      %ge3A_68 = arith.constant 8 : i32
      %ge3A_69 = arith.cmpi sge, %arg1, %ge3A_68 : i32
      %convert_element_type3A_70 = arith.extui %ge3A_69 : i1 to i32
      %cond3A_71 = arith.constant 0 : i32
      %cond3A_72 = arith.cmpi ne, %convert_element_type3A_70, %cond3A_71 : i32
      scf.if %cond3A_72 {
        %gt3A = arith.constant 0 : i32
        %gt3A_85 = arith.cmpi sgt, %select_n3A, %gt3A : i32
        %convert_element_type3A_86 = arith.extui %gt3A_85 : i1 to i32
        %cond3A_87 = arith.constant 0 : i32
        %cond3A_88 = arith.cmpi ne, %convert_element_type3A_86, %cond3A_87 : i32
        scf.if %cond3A_88 {
          %add3A = arith.constant 0 : i32
          %add3A_104 = arith.addi %mul3A_1, %add3A : i32
          %mul3A_105 = arith.constant 128 : i32
          %mul3A_106 = arith.muli %add3A_104, %mul3A_105 : i32
          %dma_start3A = arith.constant 0 : i32
          %dma_start3A_107 = tpu.memref_slice %arg11[%mul3A_106, %dma_start3A] : memref<80000x128xf32, #tpu.memory_space<hbm>> -> memref<128x128xf32, #tpu.memory_space<hbm>>
          %dma_start3A_108 = arith.constant 0 : i32
          %dma_start3A_109 = tpu.memref_slice %arg11[%mul3A_106, %dma_start3A_108] : memref<80000x128xf32, #tpu.memory_space<hbm>> -> memref<128x128xf32, #tpu.memory_space<hbm>>
          tpu.enqueue_dma source(%dma_start3A_109 : memref<128x128xf32, #tpu.memory_space<hbm>>) target(%arg18 : memref<128x128xf32, #tpu.memory_space<vmem>>) target_semaphore(%arg21 : memref<!tpu.dma_semaphore, #tpu.memory_space<semaphore_mem>>)
        } else {
        }
        %scan3A = arith.constant 0 : i32
        %scan3A_89 = arith.constant 40 : i32
        %scan3A_90 = arith.addi %scan3A, %scan3A_89 : i32
        %scan3A_91 = arith.constant 1 : i32
        scf.for %scan3A_104 = %scan3A to %scan3A_90 step %scan3A_91  : i32 {
          %mul3A_105 = arith.constant 1 : i32
          %mul3A_106 = arith.muli %scan3A_104, %mul3A_105 : i32
          %add3A = arith.constant 0 : i32
          %add3A_107 = arith.addi %add3A, %mul3A_106 : i32
          %mul3A_108 = arith.constant 2 : i32
          %mul3A_109 = arith.muli %add3A_107, %mul3A_108 : i32
          %add3A_110 = arith.constant 0 : i32
          %add3A_111 = arith.addi %mul3A_109, %add3A_110 : i32
          %lt3A_112 = arith.cmpi slt, %add3A_111, %select_n3A : i32
          %convert_element_type3A_113 = arith.extui %lt3A_112 : i1 to i32
          %cond3A_114 = arith.constant 0 : i32
          %cond3A_115 = arith.cmpi ne, %convert_element_type3A_113, %cond3A_114 : i32
          scf.if %cond3A_115 {
            %dma_wait3A_124 = arith.constant 0 : i32
            %dma_wait3A_125 = arith.constant 0 : i32
            %dma_wait3A_126 = tpu.memref_slice %arg11[%dma_wait3A_124, %dma_wait3A_125] : memref<80000x128xf32, #tpu.memory_space<hbm>> -> memref<128x128xf32, #tpu.memory_space<hbm>>
            %dma_wait3A_127 = arith.constant 0 : i32
            %dma_wait3A_128 = arith.constant 0 : i32
            %dma_wait3A_129 = tpu.memref_slice %arg11[%dma_wait3A_127, %dma_wait3A_128] : memref<80000x128xf32, #tpu.memory_space<hbm>> -> memref<128x128xf32, #tpu.memory_space<hbm>>
            tpu.wait_dma2 semaphore(%arg21 : memref<!tpu.dma_semaphore, #tpu.memory_space<semaphore_mem>>) src(%dma_wait3A_129 : memref<128x128xf32, #tpu.memory_space<hbm>>) dst(%arg18 : memref<128x128xf32, #tpu.memory_space<vmem>>)
            %dma_start3A = arith.constant 0 : i32
            %dma_start3A_130 = tpu.memref_slice %arg17[%add3A_111, %dma_start3A] : memref<80x128xi32, #tpu.memory_space<vmem>> -> memref<1x128xi32, #tpu.memory_space<vmem>>
            %dma_start3A_131 = tpu.memref_squeeze %dma_start3A_130 : memref<1x128xi32, #tpu.memory_space<vmem>> -> memref<128xi32, #tpu.memory_space<vmem>>
            %dma_start3A_132 = arith.constant 0 : i32
            %dma_start3A_133 = arith.constant 0 : i32
            %dma_start3A_134 = tpu.memref_slice %arg20[%dma_start3A_132, %dma_start3A_133] : memref<10000x128xf32, #tpu.memory_space<vmem_shared>> -> memref<10000x128xf32, #tpu.memory_space<vmem_shared>>
            tpu.enqueue_indirect_dma source(%arg18 : memref<128x128xf32, #tpu.memory_space<vmem>>) target(%dma_start3A_134 : memref<10000x128xf32, #tpu.memory_space<vmem_shared>>) offsets(%dma_start3A_131 : memref<128xi32, #tpu.memory_space<vmem>>) semaphore(%arg23 : memref<!tpu.dma_semaphore, #tpu.memory_space<semaphore_mem>>) {add = true}
            %add3A_135 = arith.constant 2 : i32
            %add3A_136 = arith.addi %add3A_111, %add3A_135 : i32
            %sub3A = arith.constant 1 : i32
            %sub3A_137 = arith.subi %add3A_136, %sub3A : i32
            %lt3A_138 = arith.cmpi slt, %sub3A_137, %select_n3A : i32
            %convert_element_type3A_139 = arith.extui %lt3A_138 : i1 to i32
            %cond3A_140 = arith.constant 0 : i32
            %cond3A_141 = arith.cmpi ne, %convert_element_type3A_139, %cond3A_140 : i32
            scf.if %cond3A_141 {
              %ge3A_142 = arith.constant 2 : i32
              %ge3A_143 = arith.cmpi sge, %sub3A_137, %ge3A_142 : i32
              %convert_element_type3A_144 = arith.extui %ge3A_143 : i1 to i32
              %cond3A_145 = arith.constant 0 : i32
              %cond3A_146 = arith.cmpi ne, %convert_element_type3A_144, %cond3A_145 : i32
              scf.if %cond3A_146 {
                %dma_wait3A_154 = arith.constant 0 : i32
                %dma_wait3A_155 = arith.constant 0 : i32
                %dma_wait3A_156 = tpu.memref_slice %arg11[%dma_wait3A_154, %dma_wait3A_155] : memref<80000x128xf32, #tpu.memory_space<hbm>> -> memref<128x128xf32, #tpu.memory_space<hbm>>
                %dma_wait3A_157 = arith.constant 0 : i32
                %dma_wait3A_158 = arith.constant 0 : i32
                %dma_wait3A_159 = tpu.memref_slice %arg11[%dma_wait3A_157, %dma_wait3A_158] : memref<80000x128xf32, #tpu.memory_space<hbm>> -> memref<128x128xf32, #tpu.memory_space<hbm>>
                tpu.wait_dma2 semaphore(%arg24 : memref<!tpu.dma_semaphore, #tpu.memory_space<semaphore_mem>>) src(%dma_wait3A_159 : memref<128x128xf32, #tpu.memory_space<hbm>>) dst(%arg19 : memref<128x128xf32, #tpu.memory_space<vmem>>)
              } else {
              }
              %add3A_147 = arith.addi %mul3A_1, %sub3A_137 : i32
              %mul3A_148 = arith.constant 128 : i32
              %mul3A_149 = arith.muli %add3A_147, %mul3A_148 : i32
              %dma_start3A_150 = arith.constant 0 : i32
              %dma_start3A_151 = tpu.memref_slice %arg11[%mul3A_149, %dma_start3A_150] : memref<80000x128xf32, #tpu.memory_space<hbm>> -> memref<128x128xf32, #tpu.memory_space<hbm>>
              %dma_start3A_152 = arith.constant 0 : i32
              %dma_start3A_153 = tpu.memref_slice %arg11[%mul3A_149, %dma_start3A_152] : memref<80000x128xf32, #tpu.memory_space<hbm>> -> memref<128x128xf32, #tpu.memory_space<hbm>>
              tpu.enqueue_dma source(%dma_start3A_153 : memref<128x128xf32, #tpu.memory_space<hbm>>) target(%arg19 : memref<128x128xf32, #tpu.memory_space<vmem>>) target_semaphore(%arg22 : memref<!tpu.dma_semaphore, #tpu.memory_space<semaphore_mem>>)
            } else {
            }
          } else {
          }
          %mul3A_116 = arith.constant 2 : i32
          %mul3A_117 = arith.muli %add3A_107, %mul3A_116 : i32
          %add3A_118 = arith.constant 1 : i32
          %add3A_119 = arith.addi %mul3A_117, %add3A_118 : i32
          %lt3A_120 = arith.cmpi slt, %add3A_119, %select_n3A : i32
          %convert_element_type3A_121 = arith.extui %lt3A_120 : i1 to i32
          %cond3A_122 = arith.constant 0 : i32
          %cond3A_123 = arith.cmpi ne, %convert_element_type3A_121, %cond3A_122 : i32
          scf.if %cond3A_123 {
            %dma_wait3A_124 = arith.constant 0 : i32
            %dma_wait3A_125 = arith.constant 0 : i32
            %dma_wait3A_126 = tpu.memref_slice %arg11[%dma_wait3A_124, %dma_wait3A_125] : memref<80000x128xf32, #tpu.memory_space<hbm>> -> memref<128x128xf32, #tpu.memory_space<hbm>>
            %dma_wait3A_127 = arith.constant 0 : i32
            %dma_wait3A_128 = arith.constant 0 : i32
            %dma_wait3A_129 = tpu.memref_slice %arg11[%dma_wait3A_127, %dma_wait3A_128] : memref<80000x128xf32, #tpu.memory_space<hbm>> -> memref<128x128xf32, #tpu.memory_space<hbm>>
            tpu.wait_dma2 semaphore(%arg22 : memref<!tpu.dma_semaphore, #tpu.memory_space<semaphore_mem>>) src(%dma_wait3A_129 : memref<128x128xf32, #tpu.memory_space<hbm>>) dst(%arg19 : memref<128x128xf32, #tpu.memory_space<vmem>>)
            %dma_start3A = arith.constant 0 : i32
            %dma_start3A_130 = tpu.memref_slice %arg17[%add3A_119, %dma_start3A] : memref<80x128xi32, #tpu.memory_space<vmem>> -> memref<1x128xi32, #tpu.memory_space<vmem>>
            %dma_start3A_131 = tpu.memref_squeeze %dma_start3A_130 : memref<1x128xi32, #tpu.memory_space<vmem>> -> memref<128xi32, #tpu.memory_space<vmem>>
            %dma_start3A_132 = arith.constant 0 : i32
            %dma_start3A_133 = arith.constant 0 : i32
            %dma_start3A_134 = tpu.memref_slice %arg20[%dma_start3A_132, %dma_start3A_133] : memref<10000x128xf32, #tpu.memory_space<vmem_shared>> -> memref<10000x128xf32, #tpu.memory_space<vmem_shared>>
            tpu.enqueue_indirect_dma source(%arg19 : memref<128x128xf32, #tpu.memory_space<vmem>>) target(%dma_start3A_134 : memref<10000x128xf32, #tpu.memory_space<vmem_shared>>) offsets(%dma_start3A_131 : memref<128xi32, #tpu.memory_space<vmem>>) semaphore(%arg24 : memref<!tpu.dma_semaphore, #tpu.memory_space<semaphore_mem>>) {add = true}
            %add3A_135 = arith.constant 2 : i32
            %add3A_136 = arith.addi %add3A_119, %add3A_135 : i32
            %sub3A = arith.constant 1 : i32
            %sub3A_137 = arith.subi %add3A_136, %sub3A : i32
            %lt3A_138 = arith.cmpi slt, %sub3A_137, %select_n3A : i32
            %convert_element_type3A_139 = arith.extui %lt3A_138 : i1 to i32
            %cond3A_140 = arith.constant 0 : i32
            %cond3A_141 = arith.cmpi ne, %convert_element_type3A_139, %cond3A_140 : i32
            scf.if %cond3A_141 {
              %ge3A_142 = arith.constant 2 : i32
              %ge3A_143 = arith.cmpi sge, %sub3A_137, %ge3A_142 : i32
              %convert_element_type3A_144 = arith.extui %ge3A_143 : i1 to i32
              %cond3A_145 = arith.constant 0 : i32
              %cond3A_146 = arith.cmpi ne, %convert_element_type3A_144, %cond3A_145 : i32
              scf.if %cond3A_146 {
                %dma_wait3A_154 = arith.constant 0 : i32
                %dma_wait3A_155 = arith.constant 0 : i32
                %dma_wait3A_156 = tpu.memref_slice %arg11[%dma_wait3A_154, %dma_wait3A_155] : memref<80000x128xf32, #tpu.memory_space<hbm>> -> memref<128x128xf32, #tpu.memory_space<hbm>>
                %dma_wait3A_157 = arith.constant 0 : i32
                %dma_wait3A_158 = arith.constant 0 : i32
                %dma_wait3A_159 = tpu.memref_slice %arg11[%dma_wait3A_157, %dma_wait3A_158] : memref<80000x128xf32, #tpu.memory_space<hbm>> -> memref<128x128xf32, #tpu.memory_space<hbm>>
                tpu.wait_dma2 semaphore(%arg23 : memref<!tpu.dma_semaphore, #tpu.memory_space<semaphore_mem>>) src(%dma_wait3A_159 : memref<128x128xf32, #tpu.memory_space<hbm>>) dst(%arg18 : memref<128x128xf32, #tpu.memory_space<vmem>>)
              } else {
              }
              %add3A_147 = arith.addi %mul3A_1, %sub3A_137 : i32
              %mul3A_148 = arith.constant 128 : i32
              %mul3A_149 = arith.muli %add3A_147, %mul3A_148 : i32
              %dma_start3A_150 = arith.constant 0 : i32
              %dma_start3A_151 = tpu.memref_slice %arg11[%mul3A_149, %dma_start3A_150] : memref<80000x128xf32, #tpu.memory_space<hbm>> -> memref<128x128xf32, #tpu.memory_space<hbm>>
              %dma_start3A_152 = arith.constant 0 : i32
              %dma_start3A_153 = tpu.memref_slice %arg11[%mul3A_149, %dma_start3A_152] : memref<80000x128xf32, #tpu.memory_space<hbm>> -> memref<128x128xf32, #tpu.memory_space<hbm>>
              tpu.enqueue_dma source(%dma_start3A_153 : memref<128x128xf32, #tpu.memory_space<hbm>>) target(%arg18 : memref<128x128xf32, #tpu.memory_space<vmem>>) target_semaphore(%arg21 : memref<!tpu.dma_semaphore, #tpu.memory_space<semaphore_mem>>)
            } else {
            }
          } else {
          }
        }
        %scan3A_92 = arith.constant 40 : i32
        %dma_wait3A = arith.constant 0 : i32
        %dma_wait3A_93 = arith.constant 0 : i32
        %dma_wait3A_94 = tpu.memref_slice %arg11[%dma_wait3A, %dma_wait3A_93] : memref<80000x128xf32, #tpu.memory_space<hbm>> -> memref<128x128xf32, #tpu.memory_space<hbm>>
        %dma_wait3A_95 = arith.constant 0 : i32
        %dma_wait3A_96 = arith.constant 0 : i32
        %dma_wait3A_97 = tpu.memref_slice %arg11[%dma_wait3A_95, %dma_wait3A_96] : memref<80000x128xf32, #tpu.memory_space<hbm>> -> memref<128x128xf32, #tpu.memory_space<hbm>>
        tpu.wait_dma2 semaphore(%arg23 : memref<!tpu.dma_semaphore, #tpu.memory_space<semaphore_mem>>) src(%dma_wait3A_97 : memref<128x128xf32, #tpu.memory_space<hbm>>) dst(%arg18 : memref<128x128xf32, #tpu.memory_space<vmem>>)
        %dma_wait3A_98 = arith.constant 0 : i32
        %dma_wait3A_99 = arith.constant 0 : i32
        %dma_wait3A_100 = tpu.memref_slice %arg11[%dma_wait3A_98, %dma_wait3A_99] : memref<80000x128xf32, #tpu.memory_space<hbm>> -> memref<128x128xf32, #tpu.memory_space<hbm>>
        %dma_wait3A_101 = arith.constant 0 : i32
        %dma_wait3A_102 = arith.constant 0 : i32
        %dma_wait3A_103 = tpu.memref_slice %arg11[%dma_wait3A_101, %dma_wait3A_102] : memref<80000x128xf32, #tpu.memory_space<hbm>> -> memref<128x128xf32, #tpu.memory_space<hbm>>
        tpu.wait_dma2 semaphore(%arg24 : memref<!tpu.dma_semaphore, #tpu.memory_space<semaphore_mem>>) src(%dma_wait3A_103 : memref<128x128xf32, #tpu.memory_space<hbm>>) dst(%arg19 : memref<128x128xf32, #tpu.memory_space<vmem>>)
      } else {
      }
      %barrier3A_73 = arith.constant 0 : index
      tpu.barrier barrier_id(%barrier3A_73)
      %lt3A_74 = arith.constant 2 : i32
      %lt3A_75 = arith.cmpi slt, %arg1, %lt3A_74 : i32
      %convert_element_type3A_76 = arith.extui %lt3A_75 : i1 to i32
      %cond3A_77 = arith.constant 0 : i32
      %cond3A_78 = arith.cmpi ne, %convert_element_type3A_76, %cond3A_77 : i32
      scf.if %cond3A_78 {
        %mul3A_85 = arith.constant 632 : i32
        %mul3A_86 = arith.muli %arg1, %mul3A_85 : i32
        "tpu.region"() ({
          %run_scoped3A = tpu.sem_alloc : memref<!tpu.dma_semaphore, #tpu.memory_space<semaphore_mem>>
          %dma_start3A = arith.constant 0 : i32
          %dma_start3A_87 = tpu.memref_slice %arg16[%mul3A_86, %dma_start3A] : memref<10000x128xf32, #tpu.memory_space<hbm>> -> memref<632x128xf32, #tpu.memory_space<hbm>>
          %dma_start3A_88 = arith.constant 0 : i32
          %dma_start3A_89 = tpu.memref_slice %arg20[%mul3A_86, %dma_start3A_88] : memref<10000x128xf32, #tpu.memory_space<vmem_shared>> -> memref<632x128xf32, #tpu.memory_space<vmem_shared>>
          tpu.enqueue_dma source(%dma_start3A_89 : memref<632x128xf32, #tpu.memory_space<vmem_shared>>) target(%dma_start3A_87 : memref<632x128xf32, #tpu.memory_space<hbm>>) target_semaphore(%run_scoped3A : memref<!tpu.dma_semaphore, #tpu.memory_space<semaphore_mem>>)
          %dma_wait3A = arith.constant 0 : i32
          %dma_wait3A_90 = tpu.memref_slice %arg16[%mul3A_86, %dma_wait3A] : memref<10000x128xf32, #tpu.memory_space<hbm>> -> memref<632x128xf32, #tpu.memory_space<hbm>>
          %dma_wait3A_91 = arith.constant 0 : i32
          %dma_wait3A_92 = tpu.memref_slice %arg20[%mul3A_86, %dma_wait3A_91] : memref<10000x128xf32, #tpu.memory_space<vmem_shared>> -> memref<632x128xf32, #tpu.memory_space<vmem_shared>>
          tpu.wait_dma2 semaphore(%run_scoped3A : memref<!tpu.dma_semaphore, #tpu.memory_space<semaphore_mem>>) src(%dma_wait3A_92 : memref<632x128xf32, #tpu.memory_space<vmem_shared>>) dst(%dma_wait3A_90 : memref<632x128xf32, #tpu.memory_space<hbm>>)
          tpu.yield
        }) : () -> ()
      } else {
      }
      %ge3A_79 = arith.constant 2 : i32
      %ge3A_80 = arith.cmpi sge, %arg1, %ge3A_79 : i32
      %convert_element_type3A_81 = arith.extui %ge3A_80 : i1 to i32
      %cond3A_82 = arith.constant 0 : i32
      %cond3A_83 = arith.cmpi ne, %convert_element_type3A_81, %cond3A_82 : i32
      scf.if %cond3A_83 {
        %sub3A = arith.constant 2 : i32
        %sub3A_85 = arith.subi %arg1, %sub3A : i32
        %mul3A_86 = arith.constant 624 : i32
        %mul3A_87 = arith.muli %sub3A_85, %mul3A_86 : i32
        %add3A = arith.constant 1264 : i32
        %add3A_88 = arith.addi %add3A, %mul3A_87 : i32
        "tpu.region"() ({
          %run_scoped3A = tpu.sem_alloc : memref<!tpu.dma_semaphore, #tpu.memory_space<semaphore_mem>>
          %dma_start3A = arith.constant 0 : i32
          %dma_start3A_89 = tpu.memref_slice %arg16[%add3A_88, %dma_start3A] : memref<10000x128xf32, #tpu.memory_space<hbm>> -> memref<624x128xf32, #tpu.memory_space<hbm>>
          %dma_start3A_90 = arith.constant 0 : i32
          %dma_start3A_91 = tpu.memref_slice %arg20[%add3A_88, %dma_start3A_90] : memref<10000x128xf32, #tpu.memory_space<vmem_shared>> -> memref<624x128xf32, #tpu.memory_space<vmem_shared>>
          tpu.enqueue_dma source(%dma_start3A_91 : memref<624x128xf32, #tpu.memory_space<vmem_shared>>) target(%dma_start3A_89 : memref<624x128xf32, #tpu.memory_space<hbm>>) target_semaphore(%run_scoped3A : memref<!tpu.dma_semaphore, #tpu.memory_space<semaphore_mem>>)
          %dma_wait3A = arith.constant 0 : i32
          %dma_wait3A_92 = tpu.memref_slice %arg16[%add3A_88, %dma_wait3A] : memref<10000x128xf32, #tpu.memory_space<hbm>> -> memref<624x128xf32, #tpu.memory_space<hbm>>
          %dma_wait3A_93 = arith.constant 0 : i32
          %dma_wait3A_94 = tpu.memref_slice %arg20[%add3A_88, %dma_wait3A_93] : memref<10000x128xf32, #tpu.memory_space<vmem_shared>> -> memref<624x128xf32, #tpu.memory_space<vmem_shared>>
          tpu.wait_dma2 semaphore(%run_scoped3A : memref<!tpu.dma_semaphore, #tpu.memory_space<semaphore_mem>>) src(%dma_wait3A_94 : memref<624x128xf32, #tpu.memory_space<vmem_shared>>) dst(%dma_wait3A_92 : memref<624x128xf32, #tpu.memory_space<hbm>>)
          tpu.yield
        }) : () -> ()
      } else {
      }
      %barrier3A_84 = arith.constant 0 : index
      tpu.barrier barrier_id(%barrier3A_84)
    } else {
    }
    return
  }
}

#map = affine_map<(d0, d1) -> (0, 0)>
#map1 = affine_map<(d0, d1) -> (0)>
module attributes {stable_mosaic.version = 14 : i64} {
  func.func @k(%arg0: i32, %arg1: i32, %arg2: memref<10000x384xi32, #tpu.memory_space<hbm>>, %arg3: memref<80128xi32, #tpu.memory_space<hbm>>, %arg4: memref<80000x384xi32, #tpu.memory_space<hbm>>, %arg5: memref<2560xi32, #tpu.memory_space<vmem>>, %arg6: memref<128x384xi32, #tpu.memory_space<vmem>>, %arg7: memref<128x384xi32, #tpu.memory_space<vmem>>, %arg8: memref<!tpu.dma_semaphore, #tpu.memory_space<semaphore_mem>>, %arg9: memref<!tpu.dma_semaphore, #tpu.memory_space<semaphore_mem>>, %arg10: memref<!tpu.dma_semaphore, #tpu.memory_space<semaphore_mem>>, %arg11: memref<!tpu.dma_semaphore, #tpu.memory_space<semaphore_mem>>) attributes {dimension_semantics = [#tpu.dimension_semantics<core_parallel>, #tpu.dimension_semantics<subcore_parallel>], iteration_bounds = array<i64: 2, 16>, scalar_prefetch = 0 : i64, scratch_operands = 7 : i64, tpu.core_type = #tpu.core_type<sc_vector_subcore>, window_params = [{transform_indices = #map}, {transform_indices = #map1}, {transform_indices = #map}]} {
    %mul3A = arith.constant 2 : i32
    %mul3A_0 = arith.muli %arg1, %mul3A : i32
    %add3A = arith.addi %mul3A_0, %arg0 : i32
    %mul3A_1 = arith.constant 19 : i32
    %mul3A_2 = arith.muli %add3A, %mul3A_1 : i32
    %min3A = arith.constant 17 : i32
    %min3A_3 = arith.minsi %add3A, %min3A : i32
    %add3A_4 = arith.addi %mul3A_2, %min3A_3 : i32
    %lt3A = arith.constant 17 : i32
    %lt3A_5 = arith.cmpi slt, %add3A, %lt3A : i32
    %jit3A = arith.constant 20 : i32
    %jit3A_6 = arith.constant 19 : i32
    %select_n3A = arith.select %lt3A_5, %jit3A, %jit3A_6 : i32
    %mul3A_7 = arith.constant 128 : i32
    %mul3A_8 = arith.muli %add3A_4, %mul3A_7 : i32
    "tpu.region"() ({
      %run_scoped3A = tpu.sem_alloc : memref<!tpu.dma_semaphore, #tpu.memory_space<semaphore_mem>>
      %dma_start3A_28 = tpu.memref_slice %arg3[%mul3A_8] : memref<80128xi32, #tpu.memory_space<hbm>> -> memref<2560xi32, #tpu.memory_space<hbm>>
      %dma_start3A_29 = tpu.memref_slice %arg3[%mul3A_8] : memref<80128xi32, #tpu.memory_space<hbm>> -> memref<2560xi32, #tpu.memory_space<hbm>>
      tpu.enqueue_dma source(%dma_start3A_29 : memref<2560xi32, #tpu.memory_space<hbm>>) target(%arg5 : memref<2560xi32, #tpu.memory_space<vmem>>) target_semaphore(%run_scoped3A : memref<!tpu.dma_semaphore, #tpu.memory_space<semaphore_mem>>)
      %dma_wait3A_30 = tpu.memref_slice %arg3[%mul3A_8] : memref<80128xi32, #tpu.memory_space<hbm>> -> memref<2560xi32, #tpu.memory_space<hbm>>
      %dma_wait3A_31 = tpu.memref_slice %arg3[%mul3A_8] : memref<80128xi32, #tpu.memory_space<hbm>> -> memref<2560xi32, #tpu.memory_space<hbm>>
      tpu.wait_dma2 semaphore(%run_scoped3A : memref<!tpu.dma_semaphore, #tpu.memory_space<semaphore_mem>>) src(%dma_wait3A_31 : memref<2560xi32, #tpu.memory_space<hbm>>) dst(%arg5 : memref<2560xi32, #tpu.memory_space<vmem>>)
      tpu.yield
    }) : () -> ()
    %dma_start3A = arith.constant 0 : i32
    %dma_start3A_9 = tpu.memref_slice %arg5[%dma_start3A] : memref<2560xi32, #tpu.memory_space<vmem>> -> memref<128xi32, #tpu.memory_space<vmem>>
    %dma_start3A_10 = arith.constant 0 : i32
    %dma_start3A_11 = arith.constant 0 : i32
    %dma_start3A_12 = tpu.memref_slice %arg2[%dma_start3A_10, %dma_start3A_11] : memref<10000x384xi32, #tpu.memory_space<hbm>> -> memref<10000x384xi32, #tpu.memory_space<hbm>>
    tpu.enqueue_indirect_dma source(%dma_start3A_12 : memref<10000x384xi32, #tpu.memory_space<hbm>>) target(%arg6 : memref<128x384xi32, #tpu.memory_space<vmem>>) offsets(%dma_start3A_9 : memref<128xi32, #tpu.memory_space<vmem>>) semaphore(%arg8 : memref<!tpu.dma_semaphore, #tpu.memory_space<semaphore_mem>>)
    %scan3A = arith.constant 0 : i32
    %scan3A_13 = arith.constant 10 : i32
    %scan3A_14 = arith.addi %scan3A, %scan3A_13 : i32
    %scan3A_15 = arith.constant 1 : i32
    scf.for %scan3A_28 = %scan3A to %scan3A_14 step %scan3A_15  : i32 {
      %mul3A_29 = arith.constant 1 : i32
      %mul3A_30 = arith.muli %scan3A_28, %mul3A_29 : i32
      %add3A_31 = arith.constant 0 : i32
      %add3A_32 = arith.addi %add3A_31, %mul3A_30 : i32
      %mul3A_33 = arith.constant 2 : i32
      %mul3A_34 = arith.muli %add3A_32, %mul3A_33 : i32
      %add3A_35 = arith.constant 0 : i32
      %add3A_36 = arith.addi %mul3A_34, %add3A_35 : i32
      %lt3A_37 = arith.cmpi slt, %add3A_36, %select_n3A : i32
      %convert_element_type3A = arith.extui %lt3A_37 : i1 to i32
      %cond3A = arith.constant 0 : i32
      %cond3A_38 = arith.cmpi ne, %convert_element_type3A, %cond3A : i32
      scf.if %cond3A_38 {
        %dma_wait3A_47 = arith.constant 0 : i32
        %dma_wait3A_48 = arith.constant 0 : i32
        %dma_wait3A_49 = tpu.memref_slice %arg2[%dma_wait3A_47, %dma_wait3A_48] : memref<10000x384xi32, #tpu.memory_space<hbm>> -> memref<128x384xi32, #tpu.memory_space<hbm>>
        %dma_wait3A_50 = arith.constant 0 : i32
        %dma_wait3A_51 = arith.constant 0 : i32
        %dma_wait3A_52 = tpu.memref_slice %arg2[%dma_wait3A_50, %dma_wait3A_51] : memref<10000x384xi32, #tpu.memory_space<hbm>> -> memref<128x384xi32, #tpu.memory_space<hbm>>
        tpu.wait_dma2 semaphore(%arg8 : memref<!tpu.dma_semaphore, #tpu.memory_space<semaphore_mem>>) src(%dma_wait3A_52 : memref<128x384xi32, #tpu.memory_space<hbm>>) dst(%arg6 : memref<128x384xi32, #tpu.memory_space<vmem>>)
        %mul3A_53 = arith.constant 128 : i32
        %mul3A_54 = arith.muli %add3A_36, %mul3A_53 : i32
        %add3A_55 = arith.addi %mul3A_8, %mul3A_54 : i32
        %dma_start3A_56 = arith.constant 0 : i32
        %dma_start3A_57 = tpu.memref_slice %arg4[%add3A_55, %dma_start3A_56] : memref<80000x384xi32, #tpu.memory_space<hbm>> -> memref<128x384xi32, #tpu.memory_space<hbm>>
        %dma_start3A_58 = arith.constant 0 : i32
        %dma_start3A_59 = tpu.memref_slice %arg4[%add3A_55, %dma_start3A_58] : memref<80000x384xi32, #tpu.memory_space<hbm>> -> memref<128x384xi32, #tpu.memory_space<hbm>>
        tpu.enqueue_dma source(%arg6 : memref<128x384xi32, #tpu.memory_space<vmem>>) target(%dma_start3A_59 : memref<128x384xi32, #tpu.memory_space<hbm>>) target_semaphore(%arg10 : memref<!tpu.dma_semaphore, #tpu.memory_space<semaphore_mem>>)
        %add3A_60 = arith.constant 1 : i32
        %add3A_61 = arith.addi %add3A_36, %add3A_60 : i32
        %lt3A_62 = arith.cmpi slt, %add3A_61, %select_n3A : i32
        %convert_element_type3A_63 = arith.extui %lt3A_62 : i1 to i32
        %cond3A_64 = arith.constant 0 : i32
        %cond3A_65 = arith.cmpi ne, %convert_element_type3A_63, %cond3A_64 : i32
        scf.if %cond3A_65 {
          %ge3A = arith.constant 1 : i32
          %ge3A_66 = arith.cmpi sge, %add3A_36, %ge3A : i32
          %convert_element_type3A_67 = arith.extui %ge3A_66 : i1 to i32
          %cond3A_68 = arith.constant 0 : i32
          %cond3A_69 = arith.cmpi ne, %convert_element_type3A_67, %cond3A_68 : i32
          scf.if %cond3A_69 {
            %dma_wait3A_78 = arith.constant 0 : i32
            %dma_wait3A_79 = arith.constant 0 : i32
            %dma_wait3A_80 = tpu.memref_slice %arg4[%dma_wait3A_78, %dma_wait3A_79] : memref<80000x384xi32, #tpu.memory_space<hbm>> -> memref<128x384xi32, #tpu.memory_space<hbm>>
            %dma_wait3A_81 = arith.constant 0 : i32
            %dma_wait3A_82 = arith.constant 0 : i32
            %dma_wait3A_83 = tpu.memref_slice %arg4[%dma_wait3A_81, %dma_wait3A_82] : memref<80000x384xi32, #tpu.memory_space<hbm>> -> memref<128x384xi32, #tpu.memory_space<hbm>>
            tpu.wait_dma2 semaphore(%arg11 : memref<!tpu.dma_semaphore, #tpu.memory_space<semaphore_mem>>) src(%arg7 : memref<128x384xi32, #tpu.memory_space<vmem>>) dst(%dma_wait3A_83 : memref<128x384xi32, #tpu.memory_space<hbm>>)
          } else {
          }
          %add3A_70 = arith.constant 1 : i32
          %add3A_71 = arith.addi %add3A_36, %add3A_70 : i32
          %mul3A_72 = arith.constant 128 : i32
          %mul3A_73 = arith.muli %add3A_71, %mul3A_72 : i32
          %dma_start3A_74 = tpu.memref_slice %arg5[%mul3A_73] : memref<2560xi32, #tpu.memory_space<vmem>> -> memref<128xi32, #tpu.memory_space<vmem>>
          %dma_start3A_75 = arith.constant 0 : i32
          %dma_start3A_76 = arith.constant 0 : i32
          %dma_start3A_77 = tpu.memref_slice %arg2[%dma_start3A_75, %dma_start3A_76] : memref<10000x384xi32, #tpu.memory_space<hbm>> -> memref<10000x384xi32, #tpu.memory_space<hbm>>
          tpu.enqueue_indirect_dma source(%dma_start3A_77 : memref<10000x384xi32, #tpu.memory_space<hbm>>) target(%arg7 : memref<128x384xi32, #tpu.memory_space<vmem>>) offsets(%dma_start3A_74 : memref<128xi32, #tpu.memory_space<vmem>>) semaphore(%arg9 : memref<!tpu.dma_semaphore, #tpu.memory_space<semaphore_mem>>)
        } else {
        }
      } else {
      }
      %mul3A_39 = arith.constant 2 : i32
      %mul3A_40 = arith.muli %add3A_32, %mul3A_39 : i32
      %add3A_41 = arith.constant 1 : i32
      %add3A_42 = arith.addi %mul3A_40, %add3A_41 : i32
      %lt3A_43 = arith.cmpi slt, %add3A_42, %select_n3A : i32
      %convert_element_type3A_44 = arith.extui %lt3A_43 : i1 to i32
      %cond3A_45 = arith.constant 0 : i32
      %cond3A_46 = arith.cmpi ne, %convert_element_type3A_44, %cond3A_45 : i32
      scf.if %cond3A_46 {
        %dma_wait3A_47 = arith.constant 0 : i32
        %dma_wait3A_48 = arith.constant 0 : i32
        %dma_wait3A_49 = tpu.memref_slice %arg2[%dma_wait3A_47, %dma_wait3A_48] : memref<10000x384xi32, #tpu.memory_space<hbm>> -> memref<128x384xi32, #tpu.memory_space<hbm>>
        %dma_wait3A_50 = arith.constant 0 : i32
        %dma_wait3A_51 = arith.constant 0 : i32
        %dma_wait3A_52 = tpu.memref_slice %arg2[%dma_wait3A_50, %dma_wait3A_51] : memref<10000x384xi32, #tpu.memory_space<hbm>> -> memref<128x384xi32, #tpu.memory_space<hbm>>
        tpu.wait_dma2 semaphore(%arg9 : memref<!tpu.dma_semaphore, #tpu.memory_space<semaphore_mem>>) src(%dma_wait3A_52 : memref<128x384xi32, #tpu.memory_space<hbm>>) dst(%arg7 : memref<128x384xi32, #tpu.memory_space<vmem>>)
        %mul3A_53 = arith.constant 128 : i32
        %mul3A_54 = arith.muli %add3A_42, %mul3A_53 : i32
        %add3A_55 = arith.addi %mul3A_8, %mul3A_54 : i32
        %dma_start3A_56 = arith.constant 0 : i32
        %dma_start3A_57 = tpu.memref_slice %arg4[%add3A_55, %dma_start3A_56] : memref<80000x384xi32, #tpu.memory_space<hbm>> -> memref<128x384xi32, #tpu.memory_space<hbm>>
        %dma_start3A_58 = arith.constant 0 : i32
        %dma_start3A_59 = tpu.memref_slice %arg4[%add3A_55, %dma_start3A_58] : memref<80000x384xi32, #tpu.memory_space<hbm>> -> memref<128x384xi32, #tpu.memory_space<hbm>>
        tpu.enqueue_dma source(%arg7 : memref<128x384xi32, #tpu.memory_space<vmem>>) target(%dma_start3A_59 : memref<128x384xi32, #tpu.memory_space<hbm>>) target_semaphore(%arg11 : memref<!tpu.dma_semaphore, #tpu.memory_space<semaphore_mem>>)
        %add3A_60 = arith.constant 1 : i32
        %add3A_61 = arith.addi %add3A_42, %add3A_60 : i32
        %lt3A_62 = arith.cmpi slt, %add3A_61, %select_n3A : i32
        %convert_element_type3A_63 = arith.extui %lt3A_62 : i1 to i32
        %cond3A_64 = arith.constant 0 : i32
        %cond3A_65 = arith.cmpi ne, %convert_element_type3A_63, %cond3A_64 : i32
        scf.if %cond3A_65 {
          %ge3A = arith.constant 1 : i32
          %ge3A_66 = arith.cmpi sge, %add3A_42, %ge3A : i32
          %convert_element_type3A_67 = arith.extui %ge3A_66 : i1 to i32
          %cond3A_68 = arith.constant 0 : i32
          %cond3A_69 = arith.cmpi ne, %convert_element_type3A_67, %cond3A_68 : i32
          scf.if %cond3A_69 {
            %dma_wait3A_78 = arith.constant 0 : i32
            %dma_wait3A_79 = arith.constant 0 : i32
            %dma_wait3A_80 = tpu.memref_slice %arg4[%dma_wait3A_78, %dma_wait3A_79] : memref<80000x384xi32, #tpu.memory_space<hbm>> -> memref<128x384xi32, #tpu.memory_space<hbm>>
            %dma_wait3A_81 = arith.constant 0 : i32
            %dma_wait3A_82 = arith.constant 0 : i32
            %dma_wait3A_83 = tpu.memref_slice %arg4[%dma_wait3A_81, %dma_wait3A_82] : memref<80000x384xi32, #tpu.memory_space<hbm>> -> memref<128x384xi32, #tpu.memory_space<hbm>>
            tpu.wait_dma2 semaphore(%arg10 : memref<!tpu.dma_semaphore, #tpu.memory_space<semaphore_mem>>) src(%arg6 : memref<128x384xi32, #tpu.memory_space<vmem>>) dst(%dma_wait3A_83 : memref<128x384xi32, #tpu.memory_space<hbm>>)
          } else {
          }
          %add3A_70 = arith.constant 1 : i32
          %add3A_71 = arith.addi %add3A_42, %add3A_70 : i32
          %mul3A_72 = arith.constant 128 : i32
          %mul3A_73 = arith.muli %add3A_71, %mul3A_72 : i32
          %dma_start3A_74 = tpu.memref_slice %arg5[%mul3A_73] : memref<2560xi32, #tpu.memory_space<vmem>> -> memref<128xi32, #tpu.memory_space<vmem>>
          %dma_start3A_75 = arith.constant 0 : i32
          %dma_start3A_76 = arith.constant 0 : i32
          %dma_start3A_77 = tpu.memref_slice %arg2[%dma_start3A_75, %dma_start3A_76] : memref<10000x384xi32, #tpu.memory_space<hbm>> -> memref<10000x384xi32, #tpu.memory_space<hbm>>
          tpu.enqueue_indirect_dma source(%dma_start3A_77 : memref<10000x384xi32, #tpu.memory_space<hbm>>) target(%arg6 : memref<128x384xi32, #tpu.memory_space<vmem>>) offsets(%dma_start3A_74 : memref<128xi32, #tpu.memory_space<vmem>>) semaphore(%arg8 : memref<!tpu.dma_semaphore, #tpu.memory_space<semaphore_mem>>)
        } else {
        }
      } else {
      }
    }
    %scan3A_16 = arith.constant 10 : i32
    %dma_wait3A = arith.constant 0 : i32
    %dma_wait3A_17 = arith.constant 0 : i32
    %dma_wait3A_18 = tpu.memref_slice %arg4[%dma_wait3A, %dma_wait3A_17] : memref<80000x384xi32, #tpu.memory_space<hbm>> -> memref<128x384xi32, #tpu.memory_space<hbm>>
    %dma_wait3A_19 = arith.constant 0 : i32
    %dma_wait3A_20 = arith.constant 0 : i32
    %dma_wait3A_21 = tpu.memref_slice %arg4[%dma_wait3A_19, %dma_wait3A_20] : memref<80000x384xi32, #tpu.memory_space<hbm>> -> memref<128x384xi32, #tpu.memory_space<hbm>>
    tpu.wait_dma2 semaphore(%arg10 : memref<!tpu.dma_semaphore, #tpu.memory_space<semaphore_mem>>) src(%arg6 : memref<128x384xi32, #tpu.memory_space<vmem>>) dst(%dma_wait3A_21 : memref<128x384xi32, #tpu.memory_space<hbm>>)
    %dma_wait3A_22 = arith.constant 0 : i32
    %dma_wait3A_23 = arith.constant 0 : i32
    %dma_wait3A_24 = tpu.memref_slice %arg4[%dma_wait3A_22, %dma_wait3A_23] : memref<80000x384xi32, #tpu.memory_space<hbm>> -> memref<128x384xi32, #tpu.memory_space<hbm>>
    %dma_wait3A_25 = arith.constant 0 : i32
    %dma_wait3A_26 = arith.constant 0 : i32
    %dma_wait3A_27 = tpu.memref_slice %arg4[%dma_wait3A_25, %dma_wait3A_26] : memref<80000x384xi32, #tpu.memory_space<hbm>> -> memref<128x384xi32, #tpu.memory_space<hbm>>
    tpu.wait_dma2 semaphore(%arg11 : memref<!tpu.dma_semaphore, #tpu.memory_space<semaphore_mem>>) src(%arg7 : memref<128x384xi32, #tpu.memory_space<vmem>>) dst(%dma_wait3A_27 : memref<128x384xi32, #tpu.memory_space<hbm>>)
    return
  }
}

module attributes {stable_mosaic.version = 14 : i64} {
  func.func @_mlp_body(%arg0: i32, %arg1: memref<2000x128xf32, #tpu.memory_space<vmem>>, %arg2: memref<128x128xf32, #tpu.memory_space<vmem>>, %arg3: memref<1x128xf32, #tpu.memory_space<vmem>>, %arg4: memref<128x384xf32, #tpu.memory_space<vmem>>, %arg5: memref<1x384xf32, #tpu.memory_space<vmem>>, %arg6: memref<2000x128xf32, #tpu.memory_space<vmem>>, %arg7: memref<2000x128xf32, #tpu.memory_space<vmem>>, %arg8: memref<2000x128xf32, #tpu.memory_space<vmem>>, %arg9: memref<2000x384xi32, #tpu.memory_space<vmem>>) attributes {dimension_semantics = [#tpu.dimension_semantics<arbitrary>], iteration_bounds = array<i64: 5>, scalar_prefetch = 0 : i64, scratch_operands = 0 : i64, tpu.core_type = #tpu.core_type<tc>, window_params = [{transform_indices = @transform_0, window_bounds = array<i64: 2000, 128>}, {pipeline_mode = #tpu.pipeline_mode<synchronous>, transform_indices = @transform_1, window_bounds = array<i64: 128, 128>}, {pipeline_mode = #tpu.pipeline_mode<synchronous>, transform_indices = @transform_2, window_bounds = array<i64: 1, 128>}, {pipeline_mode = #tpu.pipeline_mode<synchronous>, transform_indices = @transform_3, window_bounds = array<i64: 128, 384>}, {pipeline_mode = #tpu.pipeline_mode<synchronous>, transform_indices = @transform_4, window_bounds = array<i64: 1, 384>}, {transform_indices = @transform_5, window_bounds = array<i64: 2000, 128>}, {transform_indices = @transform_6, window_bounds = array<i64: 2000, 128>}, {transform_indices = @transform_7, window_bounds = array<i64: 2000, 128>}, {transform_indices = @transform_8, window_bounds = array<i64: 2000, 384>}]} {
    %get3A = arith.constant 0 : index
    %get3A_0 = arith.constant 0 : index
    %get3A_1 = vector.load %arg1[%get3A, %get3A_0] : memref<2000x128xf32, #tpu.memory_space<vmem>>, vector<2000x128xf32>
    %get3A_2 = arith.constant 0 : index
    %get3A_3 = arith.constant 0 : index
    %get3A_4 = vector.load %arg2[%get3A_2, %get3A_3] : memref<128x128xf32, #tpu.memory_space<vmem>>, vector<128x128xf32>
    %dot_general3A = arith.constant dense<0.000000e+00> : vector<2000x128xf32>
    %dot_general3A_5 = tpu.matmul %get3A_1, %get3A_4, %dot_general3A {dimension_numbers = #tpu.dot_dimension_numbers<[1], [0], [0], [1], [0, 0, 1, 1], [], []>, transpose_lhs_hint = false} : vector<2000x128xf32>, vector<128x128xf32>, vector<2000x128xf32> -> vector<2000x128xf32>
    %get3A_6 = arith.constant 0 : index
    %get3A_7 = arith.constant 0 : index
    %get3A_8 = vector.load %arg3[%get3A_6, %get3A_7] : memref<1x128xf32, #tpu.memory_space<vmem>>, vector<1x128xf32>
    %add3A = vector.broadcast %get3A_8 : vector<1x128xf32> to vector<2000x128xf32>
    %add3A_9 = arith.addf %dot_general3A_5, %add3A : vector<2000x128xf32>
    %logistic3A = arith.negf %add3A_9 : vector<2000x128xf32>
    %logistic3A_10 = math.exp %logistic3A : vector<2000x128xf32>
    %logistic3A_11 = arith.constant 1.000000e+00 : f32
    %logistic3A_12 = vector.broadcast %logistic3A_11 : f32 to vector<2000x128xf32>
    %logistic3A_13 = arith.addf %logistic3A_12, %logistic3A_10 : vector<2000x128xf32>
    %logistic3A_14 = arith.divf %logistic3A_12, %logistic3A_13 : vector<2000x128xf32>
    %mul3A = arith.mulf %add3A_9, %logistic3A_14 : vector<2000x128xf32>
    %get3A_15 = arith.constant 0 : index
    %get3A_16 = arith.constant 0 : index
    %get3A_17 = vector.load %arg4[%get3A_15, %get3A_16] : memref<128x384xf32, #tpu.memory_space<vmem>>, vector<128x384xf32>
    %dot_general3A_18 = arith.constant dense<0.000000e+00> : vector<2000x384xf32>
    %dot_general3A_19 = tpu.matmul %mul3A, %get3A_17, %dot_general3A_18 {dimension_numbers = #tpu.dot_dimension_numbers<[1], [0], [0], [1], [0, 0, 1, 1], [], []>, transpose_lhs_hint = false} : vector<2000x128xf32>, vector<128x384xf32>, vector<2000x384xf32> -> vector<2000x384xf32>
    %get3A_20 = arith.constant 0 : index
    %get3A_21 = arith.constant 0 : index
    %get3A_22 = vector.load %arg5[%get3A_20, %get3A_21] : memref<1x384xf32, #tpu.memory_space<vmem>>, vector<1x384xf32>
    %add3A_23 = vector.broadcast %get3A_22 : vector<1x384xf32> to vector<2000x384xf32>
    %add3A_24 = arith.addf %dot_general3A_19, %add3A_23 : vector<2000x384xf32>
    %slice3A = vector.extract_strided_slice %add3A_24 {offsets = [0, 0], sizes = [2000, 128], strides = [1, 1]} : vector<2000x384xf32> to vector<2000x128xf32>
    %get3A_25 = arith.constant 0 : index
    %get3A_26 = arith.constant 0 : index
    %get3A_27 = vector.load %arg8[%get3A_25, %get3A_26] : memref<2000x128xf32, #tpu.memory_space<vmem>>, vector<2000x128xf32>
    %convert_element_type3A = arith.truncf %slice3A : vector<2000x128xf32> to vector<2000x128xbf16>
    %bitcast_convert_type3A = tpu.bitcast %convert_element_type3A : vector<2000x128xbf16> -> vector<2000x128xi16>
    %convert_element_type3A_28 = arith.extsi %bitcast_convert_type3A : vector<2000x128xi16> to vector<2000x128xi32>
    %convert_element_type3A_29 = arith.truncf %get3A_27 : vector<2000x128xf32> to vector<2000x128xbf16>
    %bitcast_convert_type3A_30 = tpu.bitcast %convert_element_type3A_29 : vector<2000x128xbf16> -> vector<2000x128xi16>
    %convert_element_type3A_31 = arith.extsi %bitcast_convert_type3A_30 : vector<2000x128xi16> to vector<2000x128xi32>
    %and3A = arith.constant 65535 : i32
    %and3A_32 = vector.broadcast %and3A : i32 to vector<2000x128xi32>
    %and3A_33 = arith.andi %convert_element_type3A_28, %and3A_32 : vector<2000x128xi32>
    %shift_left3A = arith.constant 16 : i32
    %shift_left3A_34 = vector.broadcast %shift_left3A : i32 to vector<2000x128xi32>
    %shift_left3A_35 = arith.shli %convert_element_type3A_31, %shift_left3A_34 : vector<2000x128xi32>
    %or3A = arith.ori %and3A_33, %shift_left3A_35 : vector<2000x128xi32>
    %slice3A_36 = vector.extract_strided_slice %add3A_24 {offsets = [0, 128], sizes = [2000, 128], strides = [1, 1]} : vector<2000x384xf32> to vector<2000x128xf32>
    %slice3A_37 = vector.extract_strided_slice %add3A_24 {offsets = [0, 256], sizes = [2000, 128], strides = [1, 1]} : vector<2000x384xf32> to vector<2000x128xf32>
    %convert_element_type3A_38 = arith.truncf %slice3A_36 : vector<2000x128xf32> to vector<2000x128xbf16>
    %bitcast_convert_type3A_39 = tpu.bitcast %convert_element_type3A_38 : vector<2000x128xbf16> -> vector<2000x128xi16>
    %convert_element_type3A_40 = arith.extsi %bitcast_convert_type3A_39 : vector<2000x128xi16> to vector<2000x128xi32>
    %convert_element_type3A_41 = arith.truncf %slice3A_37 : vector<2000x128xf32> to vector<2000x128xbf16>
    %bitcast_convert_type3A_42 = tpu.bitcast %convert_element_type3A_41 : vector<2000x128xbf16> -> vector<2000x128xi16>
    %convert_element_type3A_43 = arith.extsi %bitcast_convert_type3A_42 : vector<2000x128xi16> to vector<2000x128xi32>
    %and3A_44 = arith.constant 65535 : i32
    %and3A_45 = vector.broadcast %and3A_44 : i32 to vector<2000x128xi32>
    %and3A_46 = arith.andi %convert_element_type3A_40, %and3A_45 : vector<2000x128xi32>
    %shift_left3A_47 = arith.constant 16 : i32
    %shift_left3A_48 = vector.broadcast %shift_left3A_47 : i32 to vector<2000x128xi32>
    %shift_left3A_49 = arith.shli %convert_element_type3A_43, %shift_left3A_48 : vector<2000x128xi32>
    %or3A_50 = arith.ori %and3A_46, %shift_left3A_49 : vector<2000x128xi32>
    %get3A_51 = arith.constant 0 : index
    %get3A_52 = arith.constant 0 : index
    %get3A_53 = vector.load %arg6[%get3A_51, %get3A_52] : memref<2000x128xf32, #tpu.memory_space<vmem>>, vector<2000x128xf32>
    %get3A_54 = arith.constant 0 : index
    %get3A_55 = arith.constant 0 : index
    %get3A_56 = vector.load %arg7[%get3A_54, %get3A_55] : memref<2000x128xf32, #tpu.memory_space<vmem>>, vector<2000x128xf32>
    %convert_element_type3A_57 = arith.truncf %get3A_53 : vector<2000x128xf32> to vector<2000x128xbf16>
    %bitcast_convert_type3A_58 = tpu.bitcast %convert_element_type3A_57 : vector<2000x128xbf16> -> vector<2000x128xi16>
    %convert_element_type3A_59 = arith.extsi %bitcast_convert_type3A_58 : vector<2000x128xi16> to vector<2000x128xi32>
    %convert_element_type3A_60 = arith.truncf %get3A_56 : vector<2000x128xf32> to vector<2000x128xbf16>
    %bitcast_convert_type3A_61 = tpu.bitcast %convert_element_type3A_60 : vector<2000x128xbf16> -> vector<2000x128xi16>
    %convert_element_type3A_62 = arith.extsi %bitcast_convert_type3A_61 : vector<2000x128xi16> to vector<2000x128xi32>
    %and3A_63 = arith.constant 65535 : i32
    %and3A_64 = vector.broadcast %and3A_63 : i32 to vector<2000x128xi32>
    %and3A_65 = arith.andi %convert_element_type3A_59, %and3A_64 : vector<2000x128xi32>
    %shift_left3A_66 = arith.constant 16 : i32
    %shift_left3A_67 = vector.broadcast %shift_left3A_66 : i32 to vector<2000x128xi32>
    %shift_left3A_68 = arith.shli %convert_element_type3A_62, %shift_left3A_67 : vector<2000x128xi32>
    %or3A_69 = arith.ori %and3A_65, %shift_left3A_68 : vector<2000x128xi32>
    %concatenate3A = tpu.concatenate %or3A, %or3A_50, %or3A_69 in 1 : vector<2000x128xi32>, vector<2000x128xi32>, vector<2000x128xi32> -> vector<2000x384xi32>
    %swap3A = arith.constant 0 : index
    %swap3A_70 = arith.constant 0 : index
    %swap3A_71 = vector.load %arg9[%swap3A, %swap3A_70] : memref<2000x384xi32, #tpu.memory_space<vmem>>, vector<2000x384xi32>
    tpu.vector_store %arg9[%swap3A, %swap3A_70], %concatenate3A {strides = array<i32>} : memref<2000x384xi32, #tpu.memory_space<vmem>>, vector<2000x384xi32>,
    return
  }
  func.func @transform_0(%arg0: i32) -> (i32, i32) {
    %c0_i32 = arith.constant 0 : i32
    %c0_i32_0 = arith.constant 0 : i32
    return %arg0, %c0_i32 : i32, i32
  }
  func.func @transform_1(%arg0: i32) -> (i32, i32) {
    %c0_i32 = arith.constant 0 : i32
    %c0_i32_0 = arith.constant 0 : i32
    %c0_i32_1 = arith.constant 0 : i32
    return %c0_i32, %c0_i32_0 : i32, i32
  }
  func.func @transform_2(%arg0: i32) -> (i32, i32) {
    %c0_i32 = arith.constant 0 : i32
    %c0_i32_0 = arith.constant 0 : i32
    %c0_i32_1 = arith.constant 0 : i32
    return %c0_i32, %c0_i32_0 : i32, i32
  }
  func.func @transform_3(%arg0: i32) -> (i32, i32) {
    %c0_i32 = arith.constant 0 : i32
    %c0_i32_0 = arith.constant 0 : i32
    %c0_i32_1 = arith.constant 0 : i32
    return %c0_i32, %c0_i32_0 : i32, i32
  }
  func.func @transform_4(%arg0: i32) -> (i32, i32) {
    %c0_i32 = arith.constant 0 : i32
    %c0_i32_0 = arith.constant 0 : i32
    %c0_i32_1 = arith.constant 0 : i32
    return %c0_i32, %c0_i32_0 : i32, i32
  }
  func.func @transform_5(%arg0: i32) -> (i32, i32) {
    %c0_i32 = arith.constant 0 : i32
    %c0_i32_0 = arith.constant 0 : i32
    return %arg0, %c0_i32 : i32, i32
  }
  func.func @transform_6(%arg0: i32) -> (i32, i32) {
    %c0_i32 = arith.constant 0 : i32
    %c0_i32_0 = arith.constant 0 : i32
    return %arg0, %c0_i32 : i32, i32
  }
  func.func @transform_7(%arg0: i32) -> (i32, i32) {
    %c0_i32 = arith.constant 0 : i32
    %c0_i32_0 = arith.constant 0 : i32
    return %arg0, %c0_i32 : i32, i32
  }
  func.func @transform_8(%arg0: i32) -> (i32, i32) {
    %c0_i32 = arith.constant 0 : i32
    %c0_i32_0 = arith.constant 0 : i32
    return %arg0, %c0_i32 : i32, i32
  }
}

module attributes {stable_mosaic.version = 14 : i64} {
  func.func @_payload_body(%arg0: i32, %arg1: memref<1600x3xf32, #tpu.memory_space<vmem>>, %arg2: memref<400x128xf32, #tpu.memory_space<vmem>>, %arg3: memref<1600x384xi32, #tpu.memory_space<vmem>>, %arg4: memref<128x1536xf32, #tpu.memory_space<vmem>>, %arg5: memref<1600x128xf32, #tpu.memory_space<vmem>>, %arg6: memref<1600x128xf32, #tpu.memory_space<vmem>>, %arg7: memref<1600x128xf32, #tpu.memory_space<vmem>>, %arg8: memref<1600x128xf32, #tpu.memory_space<vmem>>) attributes {dimension_semantics = [#tpu.dimension_semantics<arbitrary>], iteration_bounds = array<i64: 50>, scalar_prefetch = 0 : i64, scratch_operands = 0 : i64, tpu.core_type = #tpu.core_type<tc>, window_params = [{transform_indices = @transform_0, window_bounds = array<i64: 1600, 3>}, {transform_indices = @transform_1, window_bounds = array<i64: 400, 128>}, {transform_indices = @transform_2, window_bounds = array<i64: 1600, 384>}, {pipeline_mode = #tpu.pipeline_mode<synchronous>, transform_indices = @transform_3, window_bounds = array<i64: 128, 1536>}, {transform_indices = @transform_4, window_bounds = array<i64: 1600, 128>}, {transform_indices = @transform_5, window_bounds = array<i64: 1600, 128>}, {transform_indices = @transform_6, window_bounds = array<i64: 1600, 128>}, {transform_indices = @transform_7, window_bounds = array<i64: 1600, 128>}]} {
    %get3A = arith.constant 0 : index
    %get3A_0 = arith.constant 0 : index
    %get3A_1 = vector.load %arg2[%get3A, %get3A_0] : memref<400x128xf32, #tpu.memory_space<vmem>>, vector<400x128xf32>
    %slice3A = vector.extract_strided_slice %get3A_1 {offsets = [0, 0], sizes = [400, 1], strides = [1, 1]} : vector<400x128xf32> to vector<400x1xf32>
    %div3A = arith.constant 1.000000e+00 : f32
    %div3A_2 = vector.broadcast %div3A : f32 to vector<400x1xf32>
    %div3A_3 = arith.divf %div3A_2, %slice3A : vector<400x1xf32>
    %get3A_4 = arith.constant 0 : index
    %get3A_5 = arith.constant 0 : index
    %get3A_6 = vector.load %arg1[%get3A_4, %get3A_5] : memref<1600x3xf32, #tpu.memory_space<vmem>>, vector<400x1xf32>
    %mul3A = arith.mulf %get3A_6, %div3A_3 : vector<400x1xf32>
    %get3A_7 = arith.constant 0 : index
    %get3A_8 = arith.constant 1 : index
    %get3A_9 = vector.load %arg1[%get3A_7, %get3A_8] : memref<1600x3xf32, #tpu.memory_space<vmem>>, vector<400x1xf32>
    %mul3A_10 = arith.mulf %get3A_9, %div3A_3 : vector<400x1xf32>
    %get3A_11 = arith.constant 0 : index
    %get3A_12 = arith.constant 2 : index
    %get3A_13 = vector.load %arg1[%get3A_11, %get3A_12] : memref<1600x3xf32, #tpu.memory_space<vmem>>, vector<400x1xf32>
    %mul3A_14 = arith.mulf %get3A_13, %div3A_3 : vector<400x1xf32>
    %slice3A_15 = vector.extract_strided_slice %get3A_1 {offsets = [0, 32], sizes = [400, 1], strides = [1, 1]} : vector<400x128xf32> to vector<400x1xf32>
    %div3A_16 = arith.constant 1.000000e+00 : f32
    %div3A_17 = vector.broadcast %div3A_16 : f32 to vector<400x1xf32>
    %div3A_18 = arith.divf %div3A_17, %slice3A_15 : vector<400x1xf32>
    %get3A_19 = arith.constant 400 : index
    %get3A_20 = arith.constant 0 : index
    %get3A_21 = vector.load %arg1[%get3A_19, %get3A_20] : memref<1600x3xf32, #tpu.memory_space<vmem>>, vector<400x1xf32>
    %mul3A_22 = arith.mulf %get3A_21, %div3A_18 : vector<400x1xf32>
    %get3A_23 = arith.constant 400 : index
    %get3A_24 = arith.constant 1 : index
    %get3A_25 = vector.load %arg1[%get3A_23, %get3A_24] : memref<1600x3xf32, #tpu.memory_space<vmem>>, vector<400x1xf32>
    %mul3A_26 = arith.mulf %get3A_25, %div3A_18 : vector<400x1xf32>
    %get3A_27 = arith.constant 400 : index
    %get3A_28 = arith.constant 2 : index
    %get3A_29 = vector.load %arg1[%get3A_27, %get3A_28] : memref<1600x3xf32, #tpu.memory_space<vmem>>, vector<400x1xf32>
    %mul3A_30 = arith.mulf %get3A_29, %div3A_18 : vector<400x1xf32>
    %slice3A_31 = vector.extract_strided_slice %get3A_1 {offsets = [0, 64], sizes = [400, 1], strides = [1, 1]} : vector<400x128xf32> to vector<400x1xf32>
    %div3A_32 = arith.constant 1.000000e+00 : f32
    %div3A_33 = vector.broadcast %div3A_32 : f32 to vector<400x1xf32>
    %div3A_34 = arith.divf %div3A_33, %slice3A_31 : vector<400x1xf32>
    %get3A_35 = arith.constant 800 : index
    %get3A_36 = arith.constant 0 : index
    %get3A_37 = vector.load %arg1[%get3A_35, %get3A_36] : memref<1600x3xf32, #tpu.memory_space<vmem>>, vector<400x1xf32>
    %mul3A_38 = arith.mulf %get3A_37, %div3A_34 : vector<400x1xf32>
    %get3A_39 = arith.constant 800 : index
    %get3A_40 = arith.constant 1 : index
    %get3A_41 = vector.load %arg1[%get3A_39, %get3A_40] : memref<1600x3xf32, #tpu.memory_space<vmem>>, vector<400x1xf32>
    %mul3A_42 = arith.mulf %get3A_41, %div3A_34 : vector<400x1xf32>
    %get3A_43 = arith.constant 800 : index
    %get3A_44 = arith.constant 2 : index
    %get3A_45 = vector.load %arg1[%get3A_43, %get3A_44] : memref<1600x3xf32, #tpu.memory_space<vmem>>, vector<400x1xf32>
    %mul3A_46 = arith.mulf %get3A_45, %div3A_34 : vector<400x1xf32>
    %slice3A_47 = vector.extract_strided_slice %get3A_1 {offsets = [0, 96], sizes = [400, 1], strides = [1, 1]} : vector<400x128xf32> to vector<400x1xf32>
    %div3A_48 = arith.constant 1.000000e+00 : f32
    %div3A_49 = vector.broadcast %div3A_48 : f32 to vector<400x1xf32>
    %div3A_50 = arith.divf %div3A_49, %slice3A_47 : vector<400x1xf32>
    %get3A_51 = arith.constant 1200 : index
    %get3A_52 = arith.constant 0 : index
    %get3A_53 = vector.load %arg1[%get3A_51, %get3A_52] : memref<1600x3xf32, #tpu.memory_space<vmem>>, vector<400x1xf32>
    %mul3A_54 = arith.mulf %get3A_53, %div3A_50 : vector<400x1xf32>
    %get3A_55 = arith.constant 1200 : index
    %get3A_56 = arith.constant 1 : index
    %get3A_57 = vector.load %arg1[%get3A_55, %get3A_56] : memref<1600x3xf32, #tpu.memory_space<vmem>>, vector<400x1xf32>
    %mul3A_58 = arith.mulf %get3A_57, %div3A_50 : vector<400x1xf32>
    %get3A_59 = arith.constant 1200 : index
    %get3A_60 = arith.constant 2 : index
    %get3A_61 = vector.load %arg1[%get3A_59, %get3A_60] : memref<1600x3xf32, #tpu.memory_space<vmem>>, vector<400x1xf32>
    %mul3A_62 = arith.mulf %get3A_61, %div3A_50 : vector<400x1xf32>
    %mul3A_63 = arith.constant 2.000000e-01 : f32
    %mul3A_64 = vector.broadcast %mul3A_63 : f32 to vector<400x128xf32>
    %mul3A_65 = arith.mulf %get3A_1, %mul3A_64 : vector<400x128xf32>
    %mul3A_66 = arith.mulf %mul3A_65, %mul3A_65 : vector<400x128xf32>
    %mul3A_67 = arith.mulf %mul3A_66, %mul3A_65 : vector<400x128xf32>
    %mul3A_68 = arith.mulf %mul3A_67, %mul3A_67 : vector<400x128xf32>
    %mul3A_69 = arith.mulf %mul3A_68, %mul3A_65 : vector<400x128xf32>
    %mul3A_70 = arith.mulf %mul3A_69, %mul3A_65 : vector<400x128xf32>
    %mul3A_71 = arith.constant 2.800000e+01 : f32
    %mul3A_72 = vector.broadcast %mul3A_71 : f32 to vector<400x128xf32>
    %mul3A_73 = arith.mulf %mul3A_72, %mul3A_68 : vector<400x128xf32>
    %sub3A = arith.constant 1.000000e+00 : f32
    %sub3A_74 = vector.broadcast %sub3A : f32 to vector<400x128xf32>
    %sub3A_75 = arith.subf %sub3A_74, %mul3A_73 : vector<400x128xf32>
    %mul3A_76 = arith.constant 4.800000e+01 : f32
    %mul3A_77 = vector.broadcast %mul3A_76 : f32 to vector<400x128xf32>
    %mul3A_78 = arith.mulf %mul3A_77, %mul3A_69 : vector<400x128xf32>
    %add3A = arith.addf %sub3A_75, %mul3A_78 : vector<400x128xf32>
    %mul3A_79 = arith.constant 2.100000e+01 : f32
    %mul3A_80 = vector.broadcast %mul3A_79 : f32 to vector<400x128xf32>
    %mul3A_81 = arith.mulf %mul3A_80, %mul3A_70 : vector<400x128xf32>
    %sub3A_82 = arith.subf %add3A, %mul3A_81 : vector<400x128xf32>
    %lt3A = arith.constant 5.000000e+00 : f32
    %lt3A_83 = vector.broadcast %lt3A : f32 to vector<400x128xf32>
    %lt3A_84 = arith.cmpf olt, %get3A_1, %lt3A_83 : vector<400x128xf32>
    %jit3A = arith.constant 0.000000e+00 : f32
    %broadcast_in_dim3A = vector.broadcast %jit3A : f32 to vector<400x128xf32>
    %select_n3A = arith.select %lt3A_84, %sub3A_82, %broadcast_in_dim3A : vector<400x128xi1>, vector<400x128xf32>
    %iota3A = tpu.iota {dimensions = array<i32: 1>} : vector<400x128xi32>
    %jit3A_85 = arith.constant 32 : i32
    %eq3A = arith.constant 0 : i32
    %eq3A_86 = arith.cmpi eq, %jit3A_85, %eq3A : i32
    %jit3A_87 = arith.constant 1 : i32
    %select_n3A_88 = arith.select %eq3A_86, %jit3A_87, %jit3A_85 : i32
    %rem3A = vector.broadcast %select_n3A_88 : i32 to vector<400x128xi32>
    %rem3A_89 = arith.remsi %iota3A, %rem3A : vector<400x128xi32>
    %ne3A = arith.constant 0 : i32
    %ne3A_90 = vector.broadcast %ne3A : i32 to vector<400x128xi32>
    %ne3A_91 = arith.cmpi ne, %rem3A_89, %ne3A_90 : vector<400x128xi32>
    %lt3A_92 = arith.constant 0 : i32
    %lt3A_93 = vector.broadcast %lt3A_92 : i32 to vector<400x128xi32>
    %lt3A_94 = arith.cmpi slt, %rem3A_89, %lt3A_93 : vector<400x128xi32>
    %lt3A_95 = arith.constant 0 : i32
    %lt3A_96 = arith.cmpi slt, %select_n3A_88, %lt3A_95 : i32
    %ne3A_97 = vector.broadcast %lt3A_96 : i1 to vector<400x128xi1>
    %ne3A_98 = vector.broadcast %ne3A_97 : vector<400x128xi1> to vector<400x128xi1>
    %ne3A_99 = arith.xori %lt3A_94, %ne3A_98 : vector<400x128xi1>
    %and3A = arith.andi %ne3A_99, %ne3A_91 : vector<400x128xi1>
    %add3A_100 = vector.broadcast %select_n3A_88 : i32 to vector<400x128xi32>
    %add3A_101 = arith.addi %rem3A_89, %add3A_100 : vector<400x128xi32>
    %select_n3A_102 = arith.select %and3A, %add3A_101, %rem3A_89 : vector<400x128xi1>, vector<400x128xi32>
    %add3A_103 = arith.constant 1 : i32
    %add3A_104 = vector.broadcast %add3A_103 : i32 to vector<400x128xi32>
    %add3A_105 = arith.addi %select_n3A_102, %add3A_104 : vector<400x128xi32>
    %convert_element_type3A = arith.sitofp %add3A_105 : vector<400x128xi32> to vector<400x128xf32>
    %mul3A_106 = arith.constant 0.628318548 : f32
    %mul3A_107 = vector.broadcast %mul3A_106 : f32 to vector<400x128xf32>
    %mul3A_108 = arith.mulf %convert_element_type3A, %mul3A_107 : vector<400x128xf32>
    %mul3A_109 = arith.mulf %mul3A_108, %get3A_1 : vector<400x128xf32>
    %sin3A = math.sin %mul3A_109 : vector<400x128xf32>
    %sqrt3A = arith.constant 4.000000e-01 : f32
    %sqrt3A_110 = math.sqrt %sqrt3A : f32
    %div3A_111 = vector.broadcast %sqrt3A_110 : f32 to vector<400x128xf32>
    %div3A_112 = arith.divf %div3A_111, %get3A_1 : vector<400x128xf32>
    %mul3A_113 = arith.mulf %div3A_112, %select_n3A : vector<400x128xf32>
    %mul3A_114 = arith.mulf %sin3A, %mul3A_113 : vector<400x128xf32>
    %jit3A_115 = arith.constant 32 : i32
    %eq3A_116 = arith.constant 0 : i32
    %eq3A_117 = arith.cmpi eq, %jit3A_115, %eq3A_116 : i32
    %jit3A_118 = arith.constant 1 : i32
    %select_n3A_119 = arith.select %eq3A_117, %jit3A_118, %jit3A_115 : i32
    %rem3A_120 = vector.broadcast %select_n3A_119 : i32 to vector<400x128xi32>
    %rem3A_121 = arith.remsi %iota3A, %rem3A_120 : vector<400x128xi32>
    %ne3A_122 = arith.constant 0 : i32
    %ne3A_123 = vector.broadcast %ne3A_122 : i32 to vector<400x128xi32>
    %ne3A_124 = arith.cmpi ne, %rem3A_121, %ne3A_123 : vector<400x128xi32>
    %lt3A_125 = arith.constant 0 : i32
    %lt3A_126 = vector.broadcast %lt3A_125 : i32 to vector<400x128xi32>
    %lt3A_127 = arith.cmpi slt, %rem3A_121, %lt3A_126 : vector<400x128xi32>
    %lt3A_128 = arith.constant 0 : i32
    %lt3A_129 = arith.cmpi slt, %select_n3A_119, %lt3A_128 : i32
    %ne3A_130 = vector.broadcast %lt3A_129 : i1 to vector<400x128xi1>
    %ne3A_131 = vector.broadcast %ne3A_130 : vector<400x128xi1> to vector<400x128xi1>
    %ne3A_132 = arith.xori %lt3A_127, %ne3A_131 : vector<400x128xi1>
    %and3A_133 = arith.andi %ne3A_132, %ne3A_124 : vector<400x128xi1>
    %add3A_134 = vector.broadcast %select_n3A_119 : i32 to vector<400x128xi32>
    %add3A_135 = arith.addi %rem3A_121, %add3A_134 : vector<400x128xi32>
    %select_n3A_136 = arith.select %and3A_133, %add3A_135, %rem3A_121 : vector<400x128xi1>, vector<400x128xi32>
    %eq3A_137 = arith.constant 31 : i32
    %eq3A_138 = vector.broadcast %eq3A_137 : i32 to vector<400x128xi32>
    %eq3A_139 = arith.cmpi eq, %select_n3A_136, %eq3A_138 : vector<400x128xi32>
    %select_n3A_140 = arith.select %eq3A_139, %select_n3A, %mul3A_114 : vector<400x128xi1>, vector<400x128xf32>
    %get3A_141 = arith.constant 0 : index
    %get3A_142 = arith.constant 0 : index
    %get3A_143 = vector.load %arg4[%get3A_141, %get3A_142] : memref<128x1536xf32, #tpu.memory_space<vmem>>, vector<128x1536xf32>
    %dot_general3A = arith.constant dense<0.000000e+00> : vector<400x1536xf32>
    %dot_general3A_144 = tpu.matmul %select_n3A_140, %get3A_143, %dot_general3A {dimension_numbers = #tpu.dot_dimension_numbers<[1], [0], [0], [1], [0, 0, 1, 1], [], []>, transpose_lhs_hint = false} : vector<400x128xf32>, vector<128x1536xf32>, vector<400x1536xf32> -> vector<400x1536xf32>
    %get3A_145 = arith.constant 0 : index
    %get3A_146 = arith.constant 0 : index
    %get3A_147 = vector.load %arg3[%get3A_145, %get3A_146] : memref<1600x384xi32, #tpu.memory_space<vmem>>, vector<400x128xi32>
    %shift_left3A = arith.constant 16 : i32
    %shift_left3A_148 = vector.broadcast %shift_left3A : i32 to vector<400x128xi32>
    %shift_left3A_149 = arith.shli %get3A_147, %shift_left3A_148 : vector<400x128xi32>
    %bitcast_convert_type3A = tpu.bitcast %shift_left3A_149 : vector<400x128xi32> -> vector<400x128xf32>
    %get3A_150 = arith.constant 0 : index
    %get3A_151 = arith.constant 0 : index
    %get3A_152 = vector.load %arg3[%get3A_150, %get3A_151] : memref<1600x384xi32, #tpu.memory_space<vmem>>, vector<400x128xi32>
    %and3A_153 = arith.constant -65536 : i32
    %and3A_154 = vector.broadcast %and3A_153 : i32 to vector<400x128xi32>
    %and3A_155 = arith.andi %get3A_152, %and3A_154 : vector<400x128xi32>
    %bitcast_convert_type3A_156 = tpu.bitcast %and3A_155 : vector<400x128xi32> -> vector<400x128xf32>
    %get3A_157 = arith.constant 0 : index
    %get3A_158 = arith.constant 128 : index
    %get3A_159 = vector.load %arg3[%get3A_157, %get3A_158] : memref<1600x384xi32, #tpu.memory_space<vmem>>, vector<400x128xi32>
    %shift_left3A_160 = arith.constant 16 : i32
    %shift_left3A_161 = vector.broadcast %shift_left3A_160 : i32 to vector<400x128xi32>
    %shift_left3A_162 = arith.shli %get3A_159, %shift_left3A_161 : vector<400x128xi32>
    %bitcast_convert_type3A_163 = tpu.bitcast %shift_left3A_162 : vector<400x128xi32> -> vector<400x128xf32>
    %get3A_164 = arith.constant 0 : index
    %get3A_165 = arith.constant 128 : index
    %get3A_166 = vector.load %arg3[%get3A_164, %get3A_165] : memref<1600x384xi32, #tpu.memory_space<vmem>>, vector<400x128xi32>
    %and3A_167 = arith.constant -65536 : i32
    %and3A_168 = vector.broadcast %and3A_167 : i32 to vector<400x128xi32>
    %and3A_169 = arith.andi %get3A_166, %and3A_168 : vector<400x128xi32>
    %bitcast_convert_type3A_170 = tpu.bitcast %and3A_169 : vector<400x128xi32> -> vector<400x128xf32>
    %get3A_171 = arith.constant 0 : index
    %get3A_172 = arith.constant 256 : index
    %get3A_173 = vector.load %arg3[%get3A_171, %get3A_172] : memref<1600x384xi32, #tpu.memory_space<vmem>>, vector<400x128xi32>
    %shift_left3A_174 = arith.constant 16 : i32
    %shift_left3A_175 = vector.broadcast %shift_left3A_174 : i32 to vector<400x128xi32>
    %shift_left3A_176 = arith.shli %get3A_173, %shift_left3A_175 : vector<400x128xi32>
    %bitcast_convert_type3A_177 = tpu.bitcast %shift_left3A_176 : vector<400x128xi32> -> vector<400x128xf32>
    %get3A_178 = arith.constant 0 : index
    %get3A_179 = arith.constant 256 : index
    %get3A_180 = vector.load %arg3[%get3A_178, %get3A_179] : memref<1600x384xi32, #tpu.memory_space<vmem>>, vector<400x128xi32>
    %and3A_181 = arith.constant -65536 : i32
    %and3A_182 = vector.broadcast %and3A_181 : i32 to vector<400x128xi32>
    %and3A_183 = arith.andi %get3A_180, %and3A_182 : vector<400x128xi32>
    %bitcast_convert_type3A_184 = tpu.bitcast %and3A_183 : vector<400x128xi32> -> vector<400x128xf32>
    %slice3A_185 = vector.extract_strided_slice %dot_general3A_144 {offsets = [0, 128], sizes = [400, 128], strides = [1, 1]} : vector<400x1536xf32> to vector<400x128xf32>
    %mul3A_186 = arith.mulf %bitcast_convert_type3A_163, %slice3A_185 : vector<400x128xf32>
    %slice3A_187 = vector.extract_strided_slice %dot_general3A_144 {offsets = [0, 256], sizes = [400, 128], strides = [1, 1]} : vector<400x1536xf32> to vector<400x128xf32>
    %mul3A_188 = arith.mulf %bitcast_convert_type3A_170, %slice3A_187 : vector<400x128xf32>
    %slice3A_189 = vector.extract_strided_slice %dot_general3A_144 {offsets = [0, 0], sizes = [400, 128], strides = [1, 1]} : vector<400x1536xf32> to vector<400x128xf32>
    %mul3A_190 = arith.mulf %bitcast_convert_type3A, %slice3A_189 : vector<400x128xf32>
    %swap3A = arith.constant 0 : index
    %swap3A_191 = arith.constant 0 : index
    %swap3A_192 = vector.load %arg5[%swap3A, %swap3A_191] : memref<1600x128xf32, #tpu.memory_space<vmem>>, vector<400x128xf32>
    tpu.vector_store %arg5[%swap3A, %swap3A_191], %mul3A_190 {strides = array<i32>} : memref<1600x128xf32, #tpu.memory_space<vmem>>, vector<400x128xf32>,
    %mul3A_193 = vector.broadcast %mul3A : vector<400x1xf32> to vector<400x128xf32>
    %mul3A_194 = arith.mulf %mul3A_186, %mul3A_193 : vector<400x128xf32>
    %mul3A_195 = arith.mulf %mul3A_188, %bitcast_convert_type3A_177 : vector<400x128xf32>
    %add3A_196 = arith.addf %mul3A_194, %mul3A_195 : vector<400x128xf32>
    %swap3A_197 = arith.constant 0 : index
    %swap3A_198 = arith.constant 0 : index
    %swap3A_199 = vector.load %arg6[%swap3A_197, %swap3A_198] : memref<1600x128xf32, #tpu.memory_space<vmem>>, vector<400x128xf32>
    tpu.vector_store %arg6[%swap3A_197, %swap3A_198], %add3A_196 {strides = array<i32>} : memref<1600x128xf32, #tpu.memory_space<vmem>>, vector<400x128xf32>,
    %mul3A_200 = vector.broadcast %mul3A_10 : vector<400x1xf32> to vector<400x128xf32>
    %mul3A_201 = arith.mulf %mul3A_186, %mul3A_200 : vector<400x128xf32>
    %mul3A_202 = arith.mulf %mul3A_188, %bitcast_convert_type3A_184 : vector<400x128xf32>
    %add3A_203 = arith.addf %mul3A_201, %mul3A_202 : vector<400x128xf32>
    %swap3A_204 = arith.constant 0 : index
    %swap3A_205 = arith.constant 0 : index
    %swap3A_206 = vector.load %arg7[%swap3A_204, %swap3A_205] : memref<1600x128xf32, #tpu.memory_space<vmem>>, vector<400x128xf32>
    tpu.vector_store %arg7[%swap3A_204, %swap3A_205], %add3A_203 {strides = array<i32>} : memref<1600x128xf32, #tpu.memory_space<vmem>>, vector<400x128xf32>,
    %mul3A_207 = vector.broadcast %mul3A_14 : vector<400x1xf32> to vector<400x128xf32>
    %mul3A_208 = arith.mulf %mul3A_186, %mul3A_207 : vector<400x128xf32>
    %mul3A_209 = arith.mulf %mul3A_188, %bitcast_convert_type3A_156 : vector<400x128xf32>
    %add3A_210 = arith.addf %mul3A_208, %mul3A_209 : vector<400x128xf32>
    %swap3A_211 = arith.constant 0 : index
    %swap3A_212 = arith.constant 0 : index
    %swap3A_213 = vector.load %arg8[%swap3A_211, %swap3A_212] : memref<1600x128xf32, #tpu.memory_space<vmem>>, vector<400x128xf32>
    tpu.vector_store %arg8[%swap3A_211, %swap3A_212], %add3A_210 {strides = array<i32>} : memref<1600x128xf32, #tpu.memory_space<vmem>>, vector<400x128xf32>,
    %get3A_214 = arith.constant 400 : index
    %get3A_215 = arith.constant 0 : index
    %get3A_216 = vector.load %arg3[%get3A_214, %get3A_215] : memref<1600x384xi32, #tpu.memory_space<vmem>>, vector<400x128xi32>
    %shift_left3A_217 = arith.constant 16 : i32
    %shift_left3A_218 = vector.broadcast %shift_left3A_217 : i32 to vector<400x128xi32>
    %shift_left3A_219 = arith.shli %get3A_216, %shift_left3A_218 : vector<400x128xi32>
    %bitcast_convert_type3A_220 = tpu.bitcast %shift_left3A_219 : vector<400x128xi32> -> vector<400x128xf32>
    %get3A_221 = arith.constant 400 : index
    %get3A_222 = arith.constant 0 : index
    %get3A_223 = vector.load %arg3[%get3A_221, %get3A_222] : memref<1600x384xi32, #tpu.memory_space<vmem>>, vector<400x128xi32>
    %and3A_224 = arith.constant -65536 : i32
    %and3A_225 = vector.broadcast %and3A_224 : i32 to vector<400x128xi32>
    %and3A_226 = arith.andi %get3A_223, %and3A_225 : vector<400x128xi32>
    %bitcast_convert_type3A_227 = tpu.bitcast %and3A_226 : vector<400x128xi32> -> vector<400x128xf32>
    %get3A_228 = arith.constant 400 : index
    %get3A_229 = arith.constant 128 : index
    %get3A_230 = vector.load %arg3[%get3A_228, %get3A_229] : memref<1600x384xi32, #tpu.memory_space<vmem>>, vector<400x128xi32>
    %shift_left3A_231 = arith.constant 16 : i32
    %shift_left3A_232 = vector.broadcast %shift_left3A_231 : i32 to vector<400x128xi32>
    %shift_left3A_233 = arith.shli %get3A_230, %shift_left3A_232 : vector<400x128xi32>
    %bitcast_convert_type3A_234 = tpu.bitcast %shift_left3A_233 : vector<400x128xi32> -> vector<400x128xf32>
    %get3A_235 = arith.constant 400 : index
    %get3A_236 = arith.constant 128 : index
    %get3A_237 = vector.load %arg3[%get3A_235, %get3A_236] : memref<1600x384xi32, #tpu.memory_space<vmem>>, vector<400x128xi32>
    %and3A_238 = arith.constant -65536 : i32
    %and3A_239 = vector.broadcast %and3A_238 : i32 to vector<400x128xi32>
    %and3A_240 = arith.andi %get3A_237, %and3A_239 : vector<400x128xi32>
    %bitcast_convert_type3A_241 = tpu.bitcast %and3A_240 : vector<400x128xi32> -> vector<400x128xf32>
    %get3A_242 = arith.constant 400 : index
    %get3A_243 = arith.constant 256 : index
    %get3A_244 = vector.load %arg3[%get3A_242, %get3A_243] : memref<1600x384xi32, #tpu.memory_space<vmem>>, vector<400x128xi32>
    %shift_left3A_245 = arith.constant 16 : i32
    %shift_left3A_246 = vector.broadcast %shift_left3A_245 : i32 to vector<400x128xi32>
    %shift_left3A_247 = arith.shli %get3A_244, %shift_left3A_246 : vector<400x128xi32>
    %bitcast_convert_type3A_248 = tpu.bitcast %shift_left3A_247 : vector<400x128xi32> -> vector<400x128xf32>
    %get3A_249 = arith.constant 400 : index
    %get3A_250 = arith.constant 256 : index
    %get3A_251 = vector.load %arg3[%get3A_249, %get3A_250] : memref<1600x384xi32, #tpu.memory_space<vmem>>, vector<400x128xi32>
    %and3A_252 = arith.constant -65536 : i32
    %and3A_253 = vector.broadcast %and3A_252 : i32 to vector<400x128xi32>
    %and3A_254 = arith.andi %get3A_251, %and3A_253 : vector<400x128xi32>
    %bitcast_convert_type3A_255 = tpu.bitcast %and3A_254 : vector<400x128xi32> -> vector<400x128xf32>
    %slice3A_256 = vector.extract_strided_slice %dot_general3A_144 {offsets = [0, 512], sizes = [400, 128], strides = [1, 1]} : vector<400x1536xf32> to vector<400x128xf32>
    %mul3A_257 = arith.mulf %bitcast_convert_type3A_234, %slice3A_256 : vector<400x128xf32>
    %slice3A_258 = vector.extract_strided_slice %dot_general3A_144 {offsets = [0, 640], sizes = [400, 128], strides = [1, 1]} : vector<400x1536xf32> to vector<400x128xf32>
    %mul3A_259 = arith.mulf %bitcast_convert_type3A_241, %slice3A_258 : vector<400x128xf32>
    %slice3A_260 = vector.extract_strided_slice %dot_general3A_144 {offsets = [0, 384], sizes = [400, 128], strides = [1, 1]} : vector<400x1536xf32> to vector<400x128xf32>
    %mul3A_261 = arith.mulf %bitcast_convert_type3A_220, %slice3A_260 : vector<400x128xf32>
    %swap3A_262 = arith.constant 400 : index
    %swap3A_263 = arith.constant 0 : index
    %swap3A_264 = vector.load %arg5[%swap3A_262, %swap3A_263] : memref<1600x128xf32, #tpu.memory_space<vmem>>, vector<400x128xf32>
    tpu.vector_store %arg5[%swap3A_262, %swap3A_263], %mul3A_261 {strides = array<i32>} : memref<1600x128xf32, #tpu.memory_space<vmem>>, vector<400x128xf32>,
    %mul3A_265 = vector.broadcast %mul3A_22 : vector<400x1xf32> to vector<400x128xf32>
    %mul3A_266 = arith.mulf %mul3A_257, %mul3A_265 : vector<400x128xf32>
    %mul3A_267 = arith.mulf %mul3A_259, %bitcast_convert_type3A_248 : vector<400x128xf32>
    %add3A_268 = arith.addf %mul3A_266, %mul3A_267 : vector<400x128xf32>
    %swap3A_269 = arith.constant 400 : index
    %swap3A_270 = arith.constant 0 : index
    %swap3A_271 = vector.load %arg6[%swap3A_269, %swap3A_270] : memref<1600x128xf32, #tpu.memory_space<vmem>>, vector<400x128xf32>
    tpu.vector_store %arg6[%swap3A_269, %swap3A_270], %add3A_268 {strides = array<i32>} : memref<1600x128xf32, #tpu.memory_space<vmem>>, vector<400x128xf32>,
    %mul3A_272 = vector.broadcast %mul3A_26 : vector<400x1xf32> to vector<400x128xf32>
    %mul3A_273 = arith.mulf %mul3A_257, %mul3A_272 : vector<400x128xf32>
    %mul3A_274 = arith.mulf %mul3A_259, %bitcast_convert_type3A_255 : vector<400x128xf32>
    %add3A_275 = arith.addf %mul3A_273, %mul3A_274 : vector<400x128xf32>
    %swap3A_276 = arith.constant 400 : index
    %swap3A_277 = arith.constant 0 : index
    %swap3A_278 = vector.load %arg7[%swap3A_276, %swap3A_277] : memref<1600x128xf32, #tpu.memory_space<vmem>>, vector<400x128xf32>
    tpu.vector_store %arg7[%swap3A_276, %swap3A_277], %add3A_275 {strides = array<i32>} : memref<1600x128xf32, #tpu.memory_space<vmem>>, vector<400x128xf32>,
    %mul3A_279 = vector.broadcast %mul3A_30 : vector<400x1xf32> to vector<400x128xf32>
    %mul3A_280 = arith.mulf %mul3A_257, %mul3A_279 : vector<400x128xf32>
    %mul3A_281 = arith.mulf %mul3A_259, %bitcast_convert_type3A_227 : vector<400x128xf32>
    %add3A_282 = arith.addf %mul3A_280, %mul3A_281 : vector<400x128xf32>
    %swap3A_283 = arith.constant 400 : index
    %swap3A_284 = arith.constant 0 : index
    %swap3A_285 = vector.load %arg8[%swap3A_283, %swap3A_284] : memref<1600x128xf32, #tpu.memory_space<vmem>>, vector<400x128xf32>
    tpu.vector_store %arg8[%swap3A_283, %swap3A_284], %add3A_282 {strides = array<i32>} : memref<1600x128xf32, #tpu.memory_space<vmem>>, vector<400x128xf32>,
    %get3A_286 = arith.constant 800 : index
    %get3A_287 = arith.constant 0 : index
    %get3A_288 = vector.load %arg3[%get3A_286, %get3A_287] : memref<1600x384xi32, #tpu.memory_space<vmem>>, vector<400x128xi32>
    %shift_left3A_289 = arith.constant 16 : i32
    %shift_left3A_290 = vector.broadcast %shift_left3A_289 : i32 to vector<400x128xi32>
    %shift_left3A_291 = arith.shli %get3A_288, %shift_left3A_290 : vector<400x128xi32>
    %bitcast_convert_type3A_292 = tpu.bitcast %shift_left3A_291 : vector<400x128xi32> -> vector<400x128xf32>
    %get3A_293 = arith.constant 800 : index
    %get3A_294 = arith.constant 0 : index
    %get3A_295 = vector.load %arg3[%get3A_293, %get3A_294] : memref<1600x384xi32, #tpu.memory_space<vmem>>, vector<400x128xi32>
    %and3A_296 = arith.constant -65536 : i32
    %and3A_297 = vector.broadcast %and3A_296 : i32 to vector<400x128xi32>
    %and3A_298 = arith.andi %get3A_295, %and3A_297 : vector<400x128xi32>
    %bitcast_convert_type3A_299 = tpu.bitcast %and3A_298 : vector<400x128xi32> -> vector<400x128xf32>
    %get3A_300 = arith.constant 800 : index
    %get3A_301 = arith.constant 128 : index
    %get3A_302 = vector.load %arg3[%get3A_300, %get3A_301] : memref<1600x384xi32, #tpu.memory_space<vmem>>, vector<400x128xi32>
    %shift_left3A_303 = arith.constant 16 : i32
    %shift_left3A_304 = vector.broadcast %shift_left3A_303 : i32 to vector<400x128xi32>
    %shift_left3A_305 = arith.shli %get3A_302, %shift_left3A_304 : vector<400x128xi32>
    %bitcast_convert_type3A_306 = tpu.bitcast %shift_left3A_305 : vector<400x128xi32> -> vector<400x128xf32>
    %get3A_307 = arith.constant 800 : index
    %get3A_308 = arith.constant 128 : index
    %get3A_309 = vector.load %arg3[%get3A_307, %get3A_308] : memref<1600x384xi32, #tpu.memory_space<vmem>>, vector<400x128xi32>
    %and3A_310 = arith.constant -65536 : i32
    %and3A_311 = vector.broadcast %and3A_310 : i32 to vector<400x128xi32>
    %and3A_312 = arith.andi %get3A_309, %and3A_311 : vector<400x128xi32>
    %bitcast_convert_type3A_313 = tpu.bitcast %and3A_312 : vector<400x128xi32> -> vector<400x128xf32>
    %get3A_314 = arith.constant 800 : index
    %get3A_315 = arith.constant 256 : index
    %get3A_316 = vector.load %arg3[%get3A_314, %get3A_315] : memref<1600x384xi32, #tpu.memory_space<vmem>>, vector<400x128xi32>
    %shift_left3A_317 = arith.constant 16 : i32
    %shift_left3A_318 = vector.broadcast %shift_left3A_317 : i32 to vector<400x128xi32>
    %shift_left3A_319 = arith.shli %get3A_316, %shift_left3A_318 : vector<400x128xi32>
    %bitcast_convert_type3A_320 = tpu.bitcast %shift_left3A_319 : vector<400x128xi32> -> vector<400x128xf32>
    %get3A_321 = arith.constant 800 : index
    %get3A_322 = arith.constant 256 : index
    %get3A_323 = vector.load %arg3[%get3A_321, %get3A_322] : memref<1600x384xi32, #tpu.memory_space<vmem>>, vector<400x128xi32>
    %and3A_324 = arith.constant -65536 : i32
    %and3A_325 = vector.broadcast %and3A_324 : i32 to vector<400x128xi32>
    %and3A_326 = arith.andi %get3A_323, %and3A_325 : vector<400x128xi32>
    %bitcast_convert_type3A_327 = tpu.bitcast %and3A_326 : vector<400x128xi32> -> vector<400x128xf32>
    %slice3A_328 = vector.extract_strided_slice %dot_general3A_144 {offsets = [0, 896], sizes = [400, 128], strides = [1, 1]} : vector<400x1536xf32> to vector<400x128xf32>
    %mul3A_329 = arith.mulf %bitcast_convert_type3A_306, %slice3A_328 : vector<400x128xf32>
    %slice3A_330 = vector.extract_strided_slice %dot_general3A_144 {offsets = [0, 1024], sizes = [400, 128], strides = [1, 1]} : vector<400x1536xf32> to vector<400x128xf32>
    %mul3A_331 = arith.mulf %bitcast_convert_type3A_313, %slice3A_330 : vector<400x128xf32>
    %slice3A_332 = vector.extract_strided_slice %dot_general3A_144 {offsets = [0, 768], sizes = [400, 128], strides = [1, 1]} : vector<400x1536xf32> to vector<400x128xf32>
    %mul3A_333 = arith.mulf %bitcast_convert_type3A_292, %slice3A_332 : vector<400x128xf32>
    %swap3A_334 = arith.constant 800 : index
    %swap3A_335 = arith.constant 0 : index
    %swap3A_336 = vector.load %arg5[%swap3A_334, %swap3A_335] : memref<1600x128xf32, #tpu.memory_space<vmem>>, vector<400x128xf32>
    tpu.vector_store %arg5[%swap3A_334, %swap3A_335], %mul3A_333 {strides = array<i32>} : memref<1600x128xf32, #tpu.memory_space<vmem>>, vector<400x128xf32>,
    %mul3A_337 = vector.broadcast %mul3A_38 : vector<400x1xf32> to vector<400x128xf32>
    %mul3A_338 = arith.mulf %mul3A_329, %mul3A_337 : vector<400x128xf32>
    %mul3A_339 = arith.mulf %mul3A_331, %bitcast_convert_type3A_320 : vector<400x128xf32>
    %add3A_340 = arith.addf %mul3A_338, %mul3A_339 : vector<400x128xf32>
    %swap3A_341 = arith.constant 800 : index
    %swap3A_342 = arith.constant 0 : index
    %swap3A_343 = vector.load %arg6[%swap3A_341, %swap3A_342] : memref<1600x128xf32, #tpu.memory_space<vmem>>, vector<400x128xf32>
    tpu.vector_store %arg6[%swap3A_341, %swap3A_342], %add3A_340 {strides = array<i32>} : memref<1600x128xf32, #tpu.memory_space<vmem>>, vector<400x128xf32>,
    %mul3A_344 = vector.broadcast %mul3A_42 : vector<400x1xf32> to vector<400x128xf32>
    %mul3A_345 = arith.mulf %mul3A_329, %mul3A_344 : vector<400x128xf32>
    %mul3A_346 = arith.mulf %mul3A_331, %bitcast_convert_type3A_327 : vector<400x128xf32>
    %add3A_347 = arith.addf %mul3A_345, %mul3A_346 : vector<400x128xf32>
    %swap3A_348 = arith.constant 800 : index
    %swap3A_349 = arith.constant 0 : index
    %swap3A_350 = vector.load %arg7[%swap3A_348, %swap3A_349] : memref<1600x128xf32, #tpu.memory_space<vmem>>, vector<400x128xf32>
    tpu.vector_store %arg7[%swap3A_348, %swap3A_349], %add3A_347 {strides = array<i32>} : memref<1600x128xf32, #tpu.memory_space<vmem>>, vector<400x128xf32>,
    %mul3A_351 = vector.broadcast %mul3A_46 : vector<400x1xf32> to vector<400x128xf32>
    %mul3A_352 = arith.mulf %mul3A_329, %mul3A_351 : vector<400x128xf32>
    %mul3A_353 = arith.mulf %mul3A_331, %bitcast_convert_type3A_299 : vector<400x128xf32>
    %add3A_354 = arith.addf %mul3A_352, %mul3A_353 : vector<400x128xf32>
    %swap3A_355 = arith.constant 800 : index
    %swap3A_356 = arith.constant 0 : index
    %swap3A_357 = vector.load %arg8[%swap3A_355, %swap3A_356] : memref<1600x128xf32, #tpu.memory_space<vmem>>, vector<400x128xf32>
    tpu.vector_store %arg8[%swap3A_355, %swap3A_356], %add3A_354 {strides = array<i32>} : memref<1600x128xf32, #tpu.memory_space<vmem>>, vector<400x128xf32>,
    %get3A_358 = arith.constant 1200 : index
    %get3A_359 = arith.constant 0 : index
    %get3A_360 = vector.load %arg3[%get3A_358, %get3A_359] : memref<1600x384xi32, #tpu.memory_space<vmem>>, vector<400x128xi32>
    %shift_left3A_361 = arith.constant 16 : i32
    %shift_left3A_362 = vector.broadcast %shift_left3A_361 : i32 to vector<400x128xi32>
    %shift_left3A_363 = arith.shli %get3A_360, %shift_left3A_362 : vector<400x128xi32>
    %bitcast_convert_type3A_364 = tpu.bitcast %shift_left3A_363 : vector<400x128xi32> -> vector<400x128xf32>
    %get3A_365 = arith.constant 1200 : index
    %get3A_366 = arith.constant 0 : index
    %get3A_367 = vector.load %arg3[%get3A_365, %get3A_366] : memref<1600x384xi32, #tpu.memory_space<vmem>>, vector<400x128xi32>
    %and3A_368 = arith.constant -65536 : i32
    %and3A_369 = vector.broadcast %and3A_368 : i32 to vector<400x128xi32>
    %and3A_370 = arith.andi %get3A_367, %and3A_369 : vector<400x128xi32>
    %bitcast_convert_type3A_371 = tpu.bitcast %and3A_370 : vector<400x128xi32> -> vector<400x128xf32>
    %get3A_372 = arith.constant 1200 : index
    %get3A_373 = arith.constant 128 : index
    %get3A_374 = vector.load %arg3[%get3A_372, %get3A_373] : memref<1600x384xi32, #tpu.memory_space<vmem>>, vector<400x128xi32>
    %shift_left3A_375 = arith.constant 16 : i32
    %shift_left3A_376 = vector.broadcast %shift_left3A_375 : i32 to vector<400x128xi32>
    %shift_left3A_377 = arith.shli %get3A_374, %shift_left3A_376 : vector<400x128xi32>
    %bitcast_convert_type3A_378 = tpu.bitcast %shift_left3A_377 : vector<400x128xi32> -> vector<400x128xf32>
    %get3A_379 = arith.constant 1200 : index
    %get3A_380 = arith.constant 128 : index
    %get3A_381 = vector.load %arg3[%get3A_379, %get3A_380] : memref<1600x384xi32, #tpu.memory_space<vmem>>, vector<400x128xi32>
    %and3A_382 = arith.constant -65536 : i32
    %and3A_383 = vector.broadcast %and3A_382 : i32 to vector<400x128xi32>
    %and3A_384 = arith.andi %get3A_381, %and3A_383 : vector<400x128xi32>
    %bitcast_convert_type3A_385 = tpu.bitcast %and3A_384 : vector<400x128xi32> -> vector<400x128xf32>
    %get3A_386 = arith.constant 1200 : index
    %get3A_387 = arith.constant 256 : index
    %get3A_388 = vector.load %arg3[%get3A_386, %get3A_387] : memref<1600x384xi32, #tpu.memory_space<vmem>>, vector<400x128xi32>
    %shift_left3A_389 = arith.constant 16 : i32
    %shift_left3A_390 = vector.broadcast %shift_left3A_389 : i32 to vector<400x128xi32>
    %shift_left3A_391 = arith.shli %get3A_388, %shift_left3A_390 : vector<400x128xi32>
    %bitcast_convert_type3A_392 = tpu.bitcast %shift_left3A_391 : vector<400x128xi32> -> vector<400x128xf32>
    %get3A_393 = arith.constant 1200 : index
    %get3A_394 = arith.constant 256 : index
    %get3A_395 = vector.load %arg3[%get3A_393, %get3A_394] : memref<1600x384xi32, #tpu.memory_space<vmem>>, vector<400x128xi32>
    %and3A_396 = arith.constant -65536 : i32
    %and3A_397 = vector.broadcast %and3A_396 : i32 to vector<400x128xi32>
    %and3A_398 = arith.andi %get3A_395, %and3A_397 : vector<400x128xi32>
    %bitcast_convert_type3A_399 = tpu.bitcast %and3A_398 : vector<400x128xi32> -> vector<400x128xf32>
    %slice3A_400 = vector.extract_strided_slice %dot_general3A_144 {offsets = [0, 1280], sizes = [400, 128], strides = [1, 1]} : vector<400x1536xf32> to vector<400x128xf32>
    %mul3A_401 = arith.mulf %bitcast_convert_type3A_378, %slice3A_400 : vector<400x128xf32>
    %slice3A_402 = vector.extract_strided_slice %dot_general3A_144 {offsets = [0, 1408], sizes = [400, 128], strides = [1, 1]} : vector<400x1536xf32> to vector<400x128xf32>
    %mul3A_403 = arith.mulf %bitcast_convert_type3A_385, %slice3A_402 : vector<400x128xf32>
    %slice3A_404 = vector.extract_strided_slice %dot_general3A_144 {offsets = [0, 1152], sizes = [400, 128], strides = [1, 1]} : vector<400x1536xf32> to vector<400x128xf32>
    %mul3A_405 = arith.mulf %bitcast_convert_type3A_364, %slice3A_404 : vector<400x128xf32>
    %swap3A_406 = arith.constant 1200 : index
    %swap3A_407 = arith.constant 0 : index
    %swap3A_408 = vector.load %arg5[%swap3A_406, %swap3A_407] : memref<1600x128xf32, #tpu.memory_space<vmem>>, vector<400x128xf32>
    tpu.vector_store %arg5[%swap3A_406, %swap3A_407], %mul3A_405 {strides = array<i32>} : memref<1600x128xf32, #tpu.memory_space<vmem>>, vector<400x128xf32>,
    %mul3A_409 = vector.broadcast %mul3A_54 : vector<400x1xf32> to vector<400x128xf32>
    %mul3A_410 = arith.mulf %mul3A_401, %mul3A_409 : vector<400x128xf32>
    %mul3A_411 = arith.mulf %mul3A_403, %bitcast_convert_type3A_392 : vector<400x128xf32>
    %add3A_412 = arith.addf %mul3A_410, %mul3A_411 : vector<400x128xf32>
    %swap3A_413 = arith.constant 1200 : index
    %swap3A_414 = arith.constant 0 : index
    %swap3A_415 = vector.load %arg6[%swap3A_413, %swap3A_414] : memref<1600x128xf32, #tpu.memory_space<vmem>>, vector<400x128xf32>
    tpu.vector_store %arg6[%swap3A_413, %swap3A_414], %add3A_412 {strides = array<i32>} : memref<1600x128xf32, #tpu.memory_space<vmem>>, vector<400x128xf32>,
    %mul3A_416 = vector.broadcast %mul3A_58 : vector<400x1xf32> to vector<400x128xf32>
    %mul3A_417 = arith.mulf %mul3A_401, %mul3A_416 : vector<400x128xf32>
    %mul3A_418 = arith.mulf %mul3A_403, %bitcast_convert_type3A_399 : vector<400x128xf32>
    %add3A_419 = arith.addf %mul3A_417, %mul3A_418 : vector<400x128xf32>
    %swap3A_420 = arith.constant 1200 : index
    %swap3A_421 = arith.constant 0 : index
    %swap3A_422 = vector.load %arg7[%swap3A_420, %swap3A_421] : memref<1600x128xf32, #tpu.memory_space<vmem>>, vector<400x128xf32>
    tpu.vector_store %arg7[%swap3A_420, %swap3A_421], %add3A_419 {strides = array<i32>} : memref<1600x128xf32, #tpu.memory_space<vmem>>, vector<400x128xf32>,
    %mul3A_423 = vector.broadcast %mul3A_62 : vector<400x1xf32> to vector<400x128xf32>
    %mul3A_424 = arith.mulf %mul3A_401, %mul3A_423 : vector<400x128xf32>
    %mul3A_425 = arith.mulf %mul3A_403, %bitcast_convert_type3A_371 : vector<400x128xf32>
    %add3A_426 = arith.addf %mul3A_424, %mul3A_425 : vector<400x128xf32>
    %swap3A_427 = arith.constant 1200 : index
    %swap3A_428 = arith.constant 0 : index
    %swap3A_429 = vector.load %arg8[%swap3A_427, %swap3A_428] : memref<1600x128xf32, #tpu.memory_space<vmem>>, vector<400x128xf32>
    tpu.vector_store %arg8[%swap3A_427, %swap3A_428], %add3A_426 {strides = array<i32>} : memref<1600x128xf32, #tpu.memory_space<vmem>>, vector<400x128xf32>,
    return
  }
  func.func @transform_0(%arg0: i32) -> (i32, i32) {
    %c0_i32 = arith.constant 0 : i32
    %c0_i32_0 = arith.constant 0 : i32
    return %arg0, %c0_i32 : i32, i32
  }
  func.func @transform_1(%arg0: i32) -> (i32, i32) {
    %c0_i32 = arith.constant 0 : i32
    %c0_i32_0 = arith.constant 0 : i32
    return %arg0, %c0_i32 : i32, i32
  }
  func.func @transform_2(%arg0: i32) -> (i32, i32) {
    %c0_i32 = arith.constant 0 : i32
    %c0_i32_0 = arith.constant 0 : i32
    return %arg0, %c0_i32 : i32, i32
  }
  func.func @transform_3(%arg0: i32) -> (i32, i32) {
    %c0_i32 = arith.constant 0 : i32
    %c0_i32_0 = arith.constant 0 : i32
    %c0_i32_1 = arith.constant 0 : i32
    return %c0_i32, %c0_i32_0 : i32, i32
  }
  func.func @transform_4(%arg0: i32) -> (i32, i32) {
    %c0_i32 = arith.constant 0 : i32
    %c0_i32_0 = arith.constant 0 : i32
    return %arg0, %c0_i32 : i32, i32
  }
  func.func @transform_5(%arg0: i32) -> (i32, i32) {
    %c0_i32 = arith.constant 0 : i32
    %c0_i32_0 = arith.constant 0 : i32
    return %arg0, %c0_i32 : i32, i32
  }
  func.func @transform_6(%arg0: i32) -> (i32, i32) {
    %c0_i32 = arith.constant 0 : i32
    %c0_i32_0 = arith.constant 0 : i32
    return %arg0, %c0_i32 : i32, i32
  }
  func.func @transform_7(%arg0: i32) -> (i32, i32) {
    %c0_i32 = arith.constant 0 : i32
    %c0_i32_0 = arith.constant 0 : i32
    return %arg0, %c0_i32 : i32, i32
  }
}

</mosaic_0001>

<sc_bundles>
// kernel: kernel.11.cloned.1.call-start
scs
__scs_entry_jumppad:
0x0: {  	(pc) =	sbr.rel $0x88, $3  }
0x1: {  	(tag) =	ssettag $0x0;
	lr =	simm.s32 $0x1  }
0x2: {  	[smem:$0x3F97] =	sst lr;
	_ =	strace $0xD0000000  }
0x3: {  	_ = 	snop  }
0x4: {  	_ = 	snop  }
0x5: {  	_ = 	snop  }
0x6: {  	_ = 	snop  }
0x7: {  	_ = 	snop  }
__scs_overlays_trampoline_lowered:
0x8: {  	[smem:$0x3FA6] =	sst s0  }
0x9: {  	[smem:$0x3FA7] =	sst s1  }
0xa: {  	[smem:$0x3FA8] =	sst s2  }
0xb: {  	[smem:$0x3FA9] =	sst s3  }
0xc: {  	[smem:$0x3FAA] =	sst s4  }
0xd: {  	[smem:$0x3FAB] =	sst s5  }
0xe: {  	[smem:$0x3FAC] =	sst s6  }
0xf: {  	[smem:$0x3FAD] =	sst s7  }
0x10: {  	[smem:$0x3FAE] =	sst s8  }
0x11: {  	[smem:$0x3FAF] =	sst s9;
	s0 =	simm.s32 @!p0 $0x0  }
0x12: {  	s1 =	sld [smem:$0x3F95];
	s0 =	simm.s32 @p0 $0x1  }
0x13: {  	[smem:$0x3FB0] =	sst s0;
	s0 =	simm.s32 @!p1 $0x0  }
0x14: {  	s2 =	sld [smem:$0x3F94];
	s0 =	simm.s32 @p1 $0x1  }
0x15: {  	[smem:$0x3FB1] =	sst s0;
	s0 =	simm.s32 @!p2 $0x0  }
0x16: {  	s3 =	sld [smem:$0x3FDB];
	s0 =	simm.s32 @p2 $0x1  }
0x17: {  	s4 =	simm.s32 $0x1BF5;
	[smem:$0x3FB3] =	sst s0  }
0x18: {  	s0 =	sld [smem:$0x3F96];
	_ =	swait.ge [sflag:s4], $0x0  }
0x19: {  	s7 =	sld [smem:$0x3F97]  }
0x1a: {  	s8 =	sadd.s32 $0xFFFFE003, lr  }
0x1b: {  	s9 =	sadd.s32 $0xFFFFFEF7, lr;
	s5 =	simm.s32 $0xFFFFFFFF;
	p2 =	slt.u32 s8, $0xFFFFF086  }
0x1c: {  	p1 =	slt.u32 s9, $0xF7A;
	s5 =	simm.s32 @!p2 $0x0  }
0x1d: {  	s5 =	simm.s32 @p1 $0x1;
	p0 =	seq.s32 s7, s2  }
0x1e: {  	s7 =	smul.u32 @!p0 $0xF7A, s2;
	p2 =	seq.s32 @!p0 s5, $0x0  }
0x1f: {  	s9 =	smul.u32 $0xF7A, s1;
	s8 =	simm.s32 @!p0 $0x1BF5;
	p2 =	por !p2, p0  }
0x20: {  	[sflag:s8] =	ssyncset.s32 @!p0 $0xFFFFF086;
	s6 =	sadd.s32 @!p0 s3, s7;
	s7 =	simm.s32 @!p0 $0x108  }
0x21: {  	s3 =	sadd.s32 s3, s9;
	s6 =	sadd.s32 @!p0 $0x88, s6;
	s7 =	simm.s32 @p2 $0x1082  }
0x22: {  	[simem:s7], [sflag:s8] =	dma.local @!p0 [hbm:s6], $0xF7A  }
0x23: {  	s9 =	sor.u32 $0xD0000000, s2;
	s6 =	simm.s32 $0x108;
	_ =	swait.ge @!p0 [sflag:s8], $0x0  }
0x24: {  	s3 =	sadd.s32 $0x88, s3;
	s6 =	simm.s32 @!p1 $0x1082;
	[sflag:s4] =	ssyncset.s32 $0xFFFFF086  }
0x25: {  	[simem:s6], [sflag:s4] =	dma.local [hbm:s3], $0xF7A  }
0x26: {  	[smem:$0x3F97] =	sst s1;
	(tag) =	ssettag s2;
	_ =	strace s9  }
0x27: {  	s1 =	sld [smem:$0x3FA7]  }
0x28: {  	s2 =	sld [smem:$0x3FA8]  }
0x29: {  	s4 =	sld [smem:$0x3FAA]  }
0x2a: {  	p0 =	seq.s32 s5, $0x0;
	s5 =	sld [smem:$0x3FAB]  }
0x2b: {  	s6 =	sld [smem:$0x3FAC]  }
0x2c: {  	s7 =	sld [smem:$0x3FAD]  }
0x2d: {  	s3 =	simm.s32 $0x108;
	s8 =	sld [smem:$0x3FAE]  }
0x2e: {  	s3 =	simm.s32 @!p0 $0x1082;
	s9 =	sld [smem:$0x3FAF]  }
0x2f: {  	lr =	sadd.s32 s0, s3;
	s0 =	sld [smem:$0x3FA6]  }
0x30: {  	s3 =	sld [smem:$0x3FA9]  }
0x31: {  	[smem:$0x3FB2] =	sst s10  }
0x32: {  	s10 =	sld [smem:$0x3FB0];
	_ =	sdelay $0x3  }
0x33: {  	p0 =	seq.s32 s10, $0x1;
	s10 =	sld [smem:$0x3FB2];
	_ =	sdelay $0x3  }
0x34: {  	[smem:$0x3FB2] =	sst s10  }
0x35: {  	s10 =	sld [smem:$0x3FB1];
	_ =	sdelay $0x3  }
0x36: {  	p1 =	seq.s32 s10, $0x1;
	s10 =	sld [smem:$0x3FB2];
	_ =	sdelay $0x3  }
0x37: {  	[smem:$0x3FB2] =	sst s10  }
0x38: {  	s10 =	sld [smem:$0x3FB3]  }
0x39: {  	_ = 	snop;
	(pc) =	sbr.ind lr, $3  }
0x3a: {  	_ = 	snop  }
0x3b: {  	_ = 	snop  }
0x3c: {  	p2 =	seq.s32 s10, $0x1;
	s10 =	sld [smem:$0x3FB2]  }
0x3d: {  	_ =	shalt  }
0x3e: {  	_ =	shalt  }
0x3f: {  	_ =	shalt  }
0x40: {  	_ =	shalt  }
0x41: {  	_ =	shalt  }
0x42: {  	_ =	shalt  }
0x43: {  	_ =	shalt  }
0x44: {  	_ =	shalt  }
0x45: {  	_ =	shalt  }
0x46: {  	_ =	shalt  }
0x47: {  	_ =	shalt  }
0x48: {  	_ =	shalt  }
0x49: {  	_ =	shalt  }
0x4a: {  	_ =	shalt  }
0x4b: {  	_ =	shalt  }
0x4c: {  	_ =	shalt  }
0x4d: {  	_ =	shalt  }
0x4e: {  	_ =	shalt  }
0x4f: {  	_ =	shalt  }
0x50: {  	_ =	shalt  }
0x51: {  	_ =	shalt  }
0x52: {  	_ =	shalt  }
0x53: {  	_ =	shalt  }
0x54: {  	_ =	shalt  }
0x55: {  	_ =	shalt  }
0x56: {  	_ =	shalt  }
0x57: {  	_ =	shalt  }
0x58: {  	_ =	shalt  }
0x59: {  	_ =	shalt  }
0x5a: {  	_ =	shalt  }
0x5b: {  	_ =	shalt  }
0x5c: {  	_ =	shalt  }
0x5d: {  	_ =	shalt  }
0x5e: {  	_ =	shalt  }
0x5f: {  	_ =	shalt  }
0x60: {  	_ =	shalt  }
0x61: {  	_ =	shalt  }
0x62: {  	_ =	shalt  }
0x63: {  	_ =	shalt  }
0x64: {  	_ =	shalt  }
0x65: {  	_ =	shalt  }
0x66: {  	_ =	shalt  }
0x67: {  	_ =	shalt  }
0x68: {  	_ =	shalt  }
0x69: {  	_ =	shalt  }
0x6a: {  	_ =	shalt  }
0x6b: {  	_ =	shalt  }
0x6c: {  	_ =	shalt  }
0x6d: {  	_ =	shalt  }
0x6e: {  	_ =	shalt  }
0x6f: {  	_ =	shalt  }
0x70: {  	_ =	shalt  }
0x71: {  	_ =	shalt  }
0x72: {  	_ =	shalt  }
0x73: {  	_ =	shalt  }
0x74: {  	_ =	shalt  }
0x75: {  	_ =	shalt  }
0x76: {  	_ =	shalt  }
0x77: {  	_ =	shalt  }
0x78: {  	_ =	shalt  }
0x79: {  	_ =	shalt  }
0x7a: {  	_ =	shalt  }
0x7b: {  	_ =	shalt  }
0x7c: {  	_ =	shalt  }
0x7d: {  	_ =	shalt  }
0x7e: {  	_ =	shalt  }
0x7f: {  	_ =	shalt  }
0x80: {  	_ =	shalt  }
0x81: {  	_ =	shalt  }
0x82: {  	_ =	shalt  }
0x83: {  	_ =	shalt  }
0x84: {  	_ =	shalt  }
0x85: {  	_ =	shalt  }
0x86: {  	_ =	shalt  }
0x87: {  	_ =	shalt  }
.Lfunc_end0:
.L_simem_size_0:
called_computation.1_lowered:
.L_overlay_start_0:
0x88: {  	s2 =	sld [smem:$0x3FD9]  }
0x89: {  	s3 =	sld [smem:$0x3FFE];
	_ =	sdelay $0x1  }
0x8a: {  	s1 =	srdreg.scid  }
0x8b: {  	s0 =	sand.u32 $0x1, s1  }
0x8c: {  	s15 =	sshll.u32 s0, $0xA;
	s2 =	sadd.s32 s3, s2  }
0x8d: {  	s2 =	sadd.s32 s2, s15  }
0x8e: {  	[smem:$0x3FBE] =	sst s2  }
0x8f: {  	_ = 	snop  }
0x90: {  	s2 =	sld [smem:$0x3FD0];
	_ =	sdelay $0x2  }
0x91: {  	s16 =	simm.s32 $0xB;
	s4 =	simm.s32 $0x10  }
0x92: {  	[smem:s4], [sflag:s16] =	dma.local [hbm:s2], $0x1  }
0x93: {  	_ =	swait.eq [sflag:s16], $0x1  }
0x94: {  	[sflag:s16] =	ssyncset.done $0x0  }
0x95: {  	[sflag:s16] =	ssyncadd.s32 $0xFFFFFFFF  }
0x96: {  	s17 =	sld [smem:$0x10];
	(tm) =	ssettm $0x1  }
0x97: {  	s18 =	sld [smem:$0x3FFB];
	_ =	sdelay $0x3  }
0x98: {  	_ =	strace s18  }
0x99: {  	s2 =	sld [smem:$0x3FFC];
	_ =	sdelay $0x3  }
0x9a: {  	_ =	strace s2  }
0x9b: {  	s2 =	sld [smem:$0x3FFD];
	_ =	sdelay $0x3  }
0x9c: {  	_ =	strace s2  }
0x9d: {  	_ =	strace $0x8FFFFFFF  }
0x9e: {  	s19 =	sld [smem:$0x3FDB];
	_ =	sdelay $0x1  }
0x9f: {  	s20 =	simm.s32 $_scs_section_size  }
0xa0: {  	s5 =	simm.s32 $_size__tile_overlayer_lowered;
	s6 =	simm.s32 $_tile_overlayer_lowered  }
0xa1: {  	s7 =	simm.s32 $0x1BFF;
	s21 =	sshll.u32 s6, $0x1;
	s4 =	sadd.s32 s20, s19  }
0xa2: {  	s22 =	simm.s32 $0x0;
	s5 =	sshll.u32 s5, $0x1;
	s6 =	sadd.s32 s21, s4  }
0xa3: {  	[timem:s22], [sflag:s7] =	dma.local [hbm:s6], s5  }
0xa4: {  	_ =	swait.ge [sflag:s7], s5  }
0xa5: {  	s5 =	ssub.s32 $0x0, s5;
	[sflag:s7] =	ssyncset.done $0x0  }
0xa6: {  	[sflag:s7] =	ssyncadd.s32 s5;
	_ =	sdelay $0x1  }
0xa7: {  	s23 =	simm.s32 $0x1B8B  }
0xa8: {  	_ =	swait.ge [sflag:s23], $0x1  }
0xa9: {  	[sflag:s23] =	ssyncset.done $0x0  }
0xaa: {  	[sflag:s23] =	ssyncadd.s32 $0xFFFFFFFF  }
0xab: {  	s5 =	sld [smem:$0x0]  }
0xac: {  	s6 =	sand.u32 $0xFFFFFFFE, s1  }
0xad: {  	p0 =	sne.s32 s1, s6  }
0xae: {  	s6 =	sshll.u32 @p0 s6, $0xE  }
0xaf: {  	s6 =	sadd.s32 @p0 $0x11B8D, s6;
	s7 =	sshll.u32 @p0 s5, $0x11  }
0xb0: {  	s6 =	sor.u32 @p0 s7, s6  }
0xb1: {  	[sflag:s6] =	ssyncadd.remote.s32 @p0 $0x1;
	_ =	sdelay $0x1  }
0xb2: {  	s6 =	simm.s32 @p0 $0x1B8D  }
0xb3: {  	_ =	swait.eq @p0 [sflag:s6], $0x1  }
0xb4: {  	[sflag:s6] =	ssyncadd.s32 @p0 $0xFFFFFFFF  }
0xb5: {  	s7 =	sshll.u32 @!p0 s1, $0xE  }
0xb6: {  	s7 =	sor.u32 @!p0 $0x4000, s7;
	s6 =	simm.s32 @!p0 $0x1B8D  }
0xb7: {  	s5 =	sshll.u32 @!p0 s5, $0x11;
	s7 =	sadd.s32 @!p0 $0x11B8D, s7;
	_ =	swait.eq @!p0 [sflag:s6], $0x1  }
0xb8: {  	s5 =	sor.u32 @!p0 s5, s7;
	[sflag:s6] =	ssyncadd.s32 @!p0 $0xFFFFFFFF  }
0xb9: {  	s25 =	simm.s32 $0x1B8E;
	s24 =	sld [smem:$0x3FFE];
	[sflag:s5] =	ssyncadd.remote.s32 @!p0 $0x1  }
0xba: {  	s26 =	simm.s32 $execute0_lowered;
	[smem:$0x3FD2] =	sst s25  }
0xbb: {  	s6 =	sshll.u32 s26, $0x1;
	_ =	strace $0x80000049;
	[dreg:$0x1] =	wrdreg $0xFFFFFFFF  }
0xbc: {  	s28 =	simm.s32 $_size_execute0_lowered;
	s4 =	sadd.s32 s4, s6;
	[dreg:$0x0] =	wrdreg $0x0  }
0xbd: {  	s6 =	sshll.u32 s28, $0x1;
	[dreg:$0x2] =	wrdreg s4  }
0xbe: {  	[dreg:$0x3] =	wrdreg s6  }
0xbf: {  	[dreg:$0x4] =	wrdreg $0xC0  }
0xc0: {  	_ =	task [dreg:s22], $0x5FFFF  }
0xc1: {  	[dreg:$0x1] =	wrdreg $0xFFFFFFFF  }
0xc2: {  	[dreg:$0x0] =	wrdreg $0x60  }
0xc3: {  	[dreg:$0x2] =	wrdreg s17  }
0xc4: {  	[dreg:$0x3] =	wrdreg s24  }
0xc5: {  	[dreg:$0x4] =	wrdreg $0xA  }
0xc6: {  	_ =	task.clear_ibuf [dreg:s22], $0x5FFFF;
	_ =	strace $0x90000049  }
0xc7: {  	s29 =	simm.s32 $0xA;
	_ =	strace $0x8000004B  }
0xc8: {  	_ =	swait.ge [sflag:s29], $0x1  }
0xc9: {  	[sflag:s29] =	ssyncadd.s32 $0xFFFFFFFF  }
0xca: {  	_ =	strace $0x9000004B  }
0xcb: {  	_ =	sfence  }
0xcc: {  	s30 =	sld [smem:$0x0];
	_ =	sdelay $0x2  }
0xcd: {  	s31 =	sshll.u32 s1, $0xD;
	s1 =	sshrl.u32 s1, $0x2  }
0xce: {  	s4 =	sand.u32 $0x4000, s31;
	s1 =	sadd.s32 s1, s30  }
0xcf: {  	s0 =	sor.u32 s4, s0;
	s1 =	sshll.u32 s1, $0x11  }
0xd0: {  	s0 =	sor.u32 s1, s0  }
0xd1: {  	s0 =	sadd.s32 $0x8F2B, s0  }
0xd2: {  	[sflag:s0] =	ssyncadd.remote.s32 $0x1  }
0xd3: {  	_ =	sfence.sel $0xFFFF  }
0xd4: {  	[dreg:$0x0] =	wrdreg $0xFFFFFFFF;
	(pc) =	sbr.abs _section_cstart, $3  }
0xd5: {  	[dreg:$0x1] =	wrdreg $0xFFFFFFFF  }
0xd6: {  	_ =	task.clear_ibuf [dreg:s22], $0x2FFFF;
	_ =	strace $0x9FFFFFFF  }
0xd7: {  	(tm) =	ssettm $0x7FFFFFFF  }
tec
execute0_lowered:
.L_overlay_start_1:
0x0: {  	(tag) =	ssettag $0x1  }
0x1: {  	s0 =	srdreg.scid  }
0x2: {  	s7 =	stileid.u32;
	s2 =	rddreg [dreg:$0x0]  }
0x3: {  	s5 =	rddreg [dreg:$0x1];
	s3 =	simm.s32 $0x0;
	s12 =	simm.s32 $0xA00  }
0x4: {  	s30 =	simm.s32 $0x7200;
	s31 =	simm.s32 $0x7600;
	s10 =	simm.s32 $0x9600  }
0x5: {  	s11 =	simm.s32 $0x9A00;
	s13 =	simm.s32 $0xA200;
	s14 =	simm.s32 $0xA600  }
0x6: {  	s15 =	simm.s32 $0xAE00;
	s16 =	simm.s32 $0xB200;
	s17 =	simm.s32 $0xBA00  }
0x7: {  	s18 =	simm.s32 $0xBE00;
	s19 =	simm.s32 $0xC600;
	s20 =	simm.s32 $0x1  }
0x8: {  	s21 =	simm.s32 $0x3;
	s0 =	sand.u32 $0x1, s0;
	s1 =	sshll.u32 s7, $0x1  }
0x9: {  	[smem:$0x7FF] =	sst s3;
	s7 =	smul.u32 $0x26, s7;
	s1 =	sor.u32 s0, s1  }
0xa: {  	_ =	strace $0x8000004A;
	s9 =	smul.u32 $0x13, s0;
	s0 =	ssub.s32 $0x2, s0  }
0xb: {  	s4 =	smul.u32 $0x13, s1;
	s6 =	smin.u32 s1, $0x11;
	s25 =	sshrl.u32 s0, $0x1  }
0xc: {  	p0 =	slt.u32 s1, $0x11;
	s1 =	simm.s32 $0x7E00;
	s0 =	ssub.s32 s0, s25  }
0xd: {  	s4 =	sadd.s32 s6, s4;
	s6 =	sadd.s32 s7, s6;
	s0 =	smax.u32 s0, $0x1  }
0xe: {  	s7 =	simm.s32 $0x8A00;
	s8 =	sshll.u32 s4, $0x4;
	s9 =	sadd.s32 s9, s6  }
.Ltmp0:
0xf: {  	s6 =	simm.s32 $0x14;
	[dreg:$0x4] =	wrdreg s0;
	(pc) =	sbr.rel .LBB2_1-.Ltmp0, $4  }
0x10: {  	s0 =	simm.s32 $0x8200;
	s8 =	sadd.s32 s8, s5;
	s26 =	smul.u32 $0x1800, s9  }
0x11: {  	v2 =	vlaneseq.u32;
	s24 =	simm.s32 $0x0;
	s5 =	sadd.s32 $0x3B2A00, s5;
	s28 =	sadd.s32 $0x3B0200, s8  }
0x12: {  	vm0 =	vmmov $0xffff;
	vm1 =	vmmov $0xff;
	v1 =	vshrl.u32 v2, $0x3;
	s6 =	simm.s32 @!p0 $0x13;
	[dreg:$0x3] =	wrdreg s28;
	s29 =	sadd.s32 s26, s5  }
0x13: {  	v0 =	vand.u32 $0x7, v2;
	v2 =	vor.u32 $0x8, v2;
	v1 =	vmul.u32 $0x8, v1;
	s9 =	simm.s32 $0x8E00;
	s8 =	sadd.s32 $0x100, s2;
	[dreg:$0x5] =	wrdreg s29  }
.LBB2_9:
0x14: {  	_ =	swait.ge [sflag:s21], $0xC000  }
0x15: {  	[sflag:s21] =	ssyncset.done $0x0  }
0x16: {  	s23 =	simm.s32 $0x4;
	[sflag:s21] =	ssyncadd.s32 $0xFFFF4000  }
0x17: {  	_ =	swait.ge [sflag:s23], $0xC000  }
0x18: {  	s24 =	rddreg [dreg:$0x6]  }
0x19: {  	s22 =	rddreg [dreg:$0x4];
	s24 =	sadd.s32 $0x1, s24  }
0x1a: {  	p0 =	sne.s32 s24, s22  }
.Ltmp1:
0x1b: {  	_ = 	snop;
	(pc) =	sbr.rel @!p0 .LBB2_10-.Ltmp1, $3  }
0x1c: {  	_ =	sdelay $0x1  }
0x1d: {  	[sflag:s23] =	ssyncset.done $0x0  }
0x1e: {  	[sflag:s23] =	ssyncadd.s32 $0xFFFF4000  }
.LBB2_1:
0x1f: {  	[dreg:$0x6] =	wrdreg s24  }
0x20: {  	s22 =	rddreg [dreg:$0x3];
	s24 =	simm.s32 $0x5  }
0x21: {  	[tilespmem:s3], [sflag:$0x5] =	stream.linear.gather [hbm4b:s22+s3], $0xA00, $0x38;
	[tilespmem:$0x18A00] =	vst v63  }
0x22: {  	_ =	swait.ge [sflag:s24], $0xA00  }
0x23: {  	[sflag:s24] =	ssyncset.done $0x0  }
0x24: {  	[sflag:s24] =	ssyncadd.s32 $0xFFFFF600  }
0x25: {  	v3 =	vld [tilespmem:$0x0];
	_ =	sdelay $0x4  }
0x26: {  	v4 =	vshrl.u32 v3, $0x3  }
0x27: {  	v4 =	vmul.u32 $0x18, v4  }
0x28: {  	v3 =	vand.u32 $0x7, v3  }
0x29: {  	v3 =	vor.u32 v3, v4  }
0x2a: {  	v4 =	vperm.xlane v3, v0;
	_ =	sdelay $0x1  }
0x2b: {  	v4 =	vadd.s32 v1, v4;
	_ =	sdelay $0x1  }
0x2c: {  	v3 =	vperm.xlane v3, v2;
	_ =	sdelay $0x1  }
0x2d: {  	v3 =	vadd.s32 v1, v3  }
0x2e: {  	[tilespmem:s12], [sflag:$0x1] =	stream.indirect_vreg.gather [hbm4b:s2+s3], $0x80, v4, vm0, $0xb8;
	[tilespmem:$0x18A00] =	vst v63  }
0x2f: {  	s25 =	simm.s32 $0x1200  }
0x30: {  	[tilespmem:s25], [sflag:$0x1] =	stream.indirect_vreg.gather [hbm4b:s8+s3], $0x80, v4, vm1, $0xb8;
	[tilespmem:$0x18A00] =	vst v63  }
0x31: {  	s26 =	simm.s32 $0x1600  }
0x32: {  	[tilespmem:s26], [sflag:$0x1] =	stream.indirect_vreg.gather [hbm4b:s2+s3], $0x80, v3, vm0, $0xb8;
	[tilespmem:$0x18A00] =	vst v63  }
0x33: {  	s28 =	simm.s32 $0x1E00  }
0x34: {  	[tilespmem:s28], [sflag:$0x1] =	stream.indirect_vreg.gather [hbm4b:s8+s3], $0x80, v3, vm1, $0xb8;
	[tilespmem:$0x18A00] =	vst v63  }
0x35: {  	v3 =	vld [tilespmem:$0x10];
	_ =	sdelay $0x4  }
0x36: {  	v57 =	vshrl.u32 v3, $0x3  }
0x37: {  	v4 =	vmul.u32 $0x18, v57  }
0x38: {  	v3 =	vand.u32 $0x7, v3  }
0x39: {  	v3 =	vor.u32 v3, v4  }
0x3a: {  	v4 =	vperm.xlane v3, v0;
	_ =	sdelay $0x1  }
0x3b: {  	v4 =	vadd.s32 v1, v4;
	_ =	sdelay $0x1  }
0x3c: {  	v3 =	vperm.xlane v3, v2;
	_ =	sdelay $0x1  }
0x3d: {  	s29 =	simm.s32 $0x2200;
	v3 =	vadd.s32 v1, v3  }
0x3e: {  	[tilespmem:s29], [sflag:$0x1] =	stream.indirect_vreg.gather [hbm4b:s2+s3], $0x80, v4, vm0, $0xb8;
	[tilespmem:$0x18A00] =	vst v63  }
0x3f: {  	s23 =	simm.s32 $0x2A00  }
0x40: {  	[tilespmem:s23], [sflag:$0x1] =	stream.indirect_vreg.gather [hbm4b:s8+s3], $0x80, v4, vm1, $0xb8;
	[tilespmem:$0x18A00] =	vst v63  }
0x41: {  	s24 =	simm.s32 $0x2E00  }
0x42: {  	[tilespmem:s24], [sflag:$0x1] =	stream.indirect_vreg.gather [hbm4b:s2+s3], $0x80, v3, vm0, $0xb8;
	[tilespmem:$0x18A00] =	vst v63  }
0x43: {  	s25 =	simm.s32 $0x3600  }
0x44: {  	[tilespmem:s25], [sflag:$0x1] =	stream.indirect_vreg.gather [hbm4b:s8+s3], $0x80, v3, vm1, $0xb8;
	[tilespmem:$0x18A00] =	vst v63  }
0x45: {  	v3 =	vld [tilespmem:$0x20];
	_ =	sdelay $0x4  }
0x46: {  	v58 =	vshrl.u32 v3, $0x3  }
0x47: {  	v4 =	vmul.u32 $0x18, v58  }
0x48: {  	v3 =	vand.u32 $0x7, v3  }
0x49: {  	v3 =	vor.u32 v3, v4  }
0x4a: {  	v4 =	vperm.xlane v3, v0;
	_ =	sdelay $0x1  }
0x4b: {  	v4 =	vadd.s32 v1, v4;
	_ =	sdelay $0x1  }
0x4c: {  	v3 =	vperm.xlane v3, v2;
	_ =	sdelay $0x1  }
0x4d: {  	s26 =	simm.s32 $0x3A00;
	v3 =	vadd.s32 v1, v3  }
0x4e: {  	[tilespmem:s26], [sflag:$0x1] =	stream.indirect_vreg.gather [hbm4b:s2+s3], $0x80, v4, vm0, $0xb8;
	[tilespmem:$0x18A00] =	vst v63  }
0x4f: {  	s28 =	simm.s32 $0x4200  }
0x50: {  	[tilespmem:s28], [sflag:$0x1] =	stream.indirect_vreg.gather [hbm4b:s8+s3], $0x80, v4, vm1, $0xb8;
	[tilespmem:$0x18A00] =	vst v63  }
0x51: {  	s29 =	simm.s32 $0x4600  }
0x52: {  	[tilespmem:s29], [sflag:$0x1] =	stream.indirect_vreg.gather [hbm4b:s2+s3], $0x80, v3, vm0, $0xb8;
	[tilespmem:$0x18A00] =	vst v63  }
0x53: {  	s23 =	simm.s32 $0x4E00  }
0x54: {  	[tilespmem:s23], [sflag:$0x1] =	stream.indirect_vreg.gather [hbm4b:s8+s3], $0x80, v3, vm1, $0xb8;
	[tilespmem:$0x18A00] =	vst v63  }
0x55: {  	v3 =	vld [tilespmem:$0x30];
	_ =	sdelay $0x4  }
0x56: {  	v59 =	vshrl.u32 v3, $0x3  }
0x57: {  	v4 =	vmul.u32 $0x18, v59  }
0x58: {  	v3 =	vand.u32 $0x7, v3  }
0x59: {  	v3 =	vor.u32 v3, v4  }
0x5a: {  	v4 =	vperm.xlane v3, v0;
	_ =	sdelay $0x1  }
0x5b: {  	v4 =	vadd.s32 v1, v4;
	_ =	sdelay $0x1  }
0x5c: {  	v3 =	vperm.xlane v3, v2;
	_ =	sdelay $0x1  }
0x5d: {  	s24 =	simm.s32 $0x5200;
	v3 =	vadd.s32 v1, v3  }
0x5e: {  	[tilespmem:s24], [sflag:$0x1] =	stream.indirect_vreg.gather [hbm4b:s2+s3], $0x80, v4, vm0, $0xb8;
	[tilespmem:$0x18A00] =	vst v63  }
0x5f: {  	s25 =	simm.s32 $0x5A00  }
0x60: {  	[tilespmem:s25], [sflag:$0x1] =	stream.indirect_vreg.gather [hbm4b:s8+s3], $0x80, v4, vm1, $0xb8;
	[tilespmem:$0x18A00] =	vst v63  }
0x61: {  	s26 =	simm.s32 $0x5E00  }
0x62: {  	[tilespmem:s26], [sflag:$0x1] =	stream.indirect_vreg.gather [hbm4b:s2+s3], $0x80, v3, vm0, $0xb8;
	[tilespmem:$0x18A00] =	vst v63  }
0x63: {  	s28 =	simm.s32 $0x6600  }
0x64: {  	[tilespmem:s28], [sflag:$0x1] =	stream.indirect_vreg.gather [hbm4b:s8+s3], $0x80, v3, vm1, $0xb8;
	[tilespmem:$0x18A00] =	vst v63  }
0x65: {  	v3 =	vld [tilespmem:$0x40];
	_ =	sdelay $0x4  }
0x66: {  	v60 =	vshrl.u32 v3, $0x3  }
0x67: {  	v4 =	vmul.u32 $0x18, v60  }
0x68: {  	v3 =	vand.u32 $0x7, v3  }
0x69: {  	v3 =	vor.u32 v3, v4  }
0x6a: {  	v4 =	vperm.xlane v3, v0;
	_ =	sdelay $0x1  }
0x6b: {  	v4 =	vadd.s32 v1, v4;
	_ =	sdelay $0x1  }
0x6c: {  	v3 =	vperm.xlane v3, v2;
	_ =	sdelay $0x1  }
0x6d: {  	s29 =	simm.s32 $0x6A00;
	v3 =	vadd.s32 v1, v3  }
0x6e: {  	[tilespmem:s29], [sflag:$0x1] =	stream.indirect_vreg.gather [hbm4b:s2+s3], $0x80, v4, vm0, $0xb8;
	[tilespmem:$0x18A00] =	vst v63  }
0x6f: {  	_ = 	snop  }
0x70: {  	[tilespmem:s30], [sflag:$0x1] =	stream.indirect_vreg.gather [hbm4b:s8+s3], $0x80, v4, vm1, $0xb8;
	[tilespmem:$0x18A00] =	vst v63  }
0x71: {  	_ = 	snop  }
0x72: {  	[tilespmem:s31], [sflag:$0x1] =	stream.indirect_vreg.gather [hbm4b:s2+s3], $0x80, v3, vm0, $0xb8;
	[tilespmem:$0x18A00] =	vst v63  }
0x73: {  	_ = 	snop  }
0x74: {  	[tilespmem:s1], [sflag:$0x1] =	stream.indirect_vreg.gather [hbm4b:s8+s3], $0x80, v3, vm1, $0xb8;
	[tilespmem:$0x18A00] =	vst v63  }
0x75: {  	v3 =	vld [tilespmem:$0x50];
	_ =	sdelay $0x4  }
0x76: {  	v61 =	vshrl.u32 v3, $0x3  }
0x77: {  	v4 =	vmul.u32 $0x18, v61  }
0x78: {  	v3 =	vand.u32 $0x7, v3  }
0x79: {  	v3 =	vor.u32 v3, v4  }
0x7a: {  	v4 =	vperm.xlane v3, v0;
	_ =	sdelay $0x1  }
0x7b: {  	v4 =	vadd.s32 v1, v4;
	_ =	sdelay $0x1  }
0x7c: {  	v3 =	vperm.xlane v3, v2;
	_ =	sdelay $0x1  }
0x7d: {  	v3 =	vadd.s32 v1, v3  }
0x7e: {  	[tilespmem:s0], [sflag:$0x1] =	stream.indirect_vreg.gather [hbm4b:s2+s3], $0x80, v4, vm0, $0xb8;
	[tilespmem:$0x18A00] =	vst v63  }
0x7f: {  	_ = 	snop  }
0x80: {  	[tilespmem:s7], [sflag:$0x1] =	stream.indirect_vreg.gather [hbm4b:s8+s3], $0x80, v4, vm1, $0xb8;
	[tilespmem:$0x18A00] =	vst v63  }
0x81: {  	_ = 	snop  }
0x82: {  	[tilespmem:s9], [sflag:$0x1] =	stream.indirect_vreg.gather [hbm4b:s2+s3], $0x80, v3, vm0, $0xb8;
	[tilespmem:$0x18A00] =	vst v63  }
0x83: {  	_ = 	snop  }
0x84: {  	[tilespmem:s10], [sflag:$0x1] =	stream.indirect_vreg.gather [hbm4b:s8+s3], $0x80, v3, vm1, $0xb8;
	[tilespmem:$0x18A00] =	vst v63  }
0x85: {  	v3 =	vld [tilespmem:$0x60];
	_ =	sdelay $0x4  }
0x86: {  	v62 =	vshrl.u32 v3, $0x3  }
0x87: {  	v4 =	vmul.u32 $0x18, v62  }
0x88: {  	v3 =	vand.u32 $0x7, v3  }
0x89: {  	v3 =	vor.u32 v3, v4  }
0x8a: {  	v4 =	vperm.xlane v3, v0;
	_ =	sdelay $0x1  }
0x8b: {  	v4 =	vadd.s32 v1, v4;
	_ =	sdelay $0x1  }
0x8c: {  	v3 =	vperm.xlane v3, v2;
	_ =	sdelay $0x1  }
0x8d: {  	v3 =	vadd.s32 v1, v3  }
0x8e: {  	[tilespmem:s11], [sflag:$0x1] =	stream.indirect_vreg.gather [hbm4b:s2+s3], $0x80, v4, vm0, $0xb8;
	[tilespmem:$0x18A00] =	vst v63  }
0x8f: {  	_ = 	snop  }
0x90: {  	[tilespmem:s13], [sflag:$0x1] =	stream.indirect_vreg.gather [hbm4b:s8+s3], $0x80, v4, vm1, $0xb8;
	[tilespmem:$0x18A00] =	vst v63  }
0x91: {  	_ = 	snop  }
0x92: {  	[tilespmem:s14], [sflag:$0x1] =	stream.indirect_vreg.gather [hbm4b:s2+s3], $0x80, v3, vm0, $0xb8;
	[tilespmem:$0x18A00] =	vst v63  }
0x93: {  	_ = 	snop  }
0x94: {  	[tilespmem:s15], [sflag:$0x1] =	stream.indirect_vreg.gather [hbm4b:s8+s3], $0x80, v3, vm1, $0xb8;
	[tilespmem:$0x18A00] =	vst v63  }
0x95: {  	v3 =	vld [tilespmem:$0x70];
	_ =	sdelay $0x4  }
0x96: {  	v63 =	vshrl.u32 v3, $0x3  }
0x97: {  	v4 =	vmul.u32 $0x18, v63  }
0x98: {  	v3 =	vand.u32 $0x7, v3  }
0x99: {  	v3 =	vor.u32 v3, v4  }
0x9a: {  	v4 =	vperm.xlane v3, v0;
	_ =	sdelay $0x1  }
0x9b: {  	v4 =	vadd.s32 v1, v4;
	_ =	sdelay $0x2  }
0x9c: {  	v3 =	vperm.xlane v3, v2;
	_ =	sdelay $0x1  }
0x9d: {  	v3 =	vadd.s32 v1, v3;
	[tilespmem:s16], [sflag:$0x1] =	stream.indirect_vreg.gather [hbm4b:s2+s3], $0x80, v4, vm0, $0xb8;
	[tilespmem:$0x18A00] =	vst v63  }
0x9e: {  	_ = 	snop  }
0x9f: {  	[tilespmem:s17], [sflag:$0x1] =	stream.indirect_vreg.gather [hbm4b:s8+s3], $0x80, v4, vm1, $0xb8;
	[tilespmem:$0x18A00] =	vst v63  }
.Ltmp2:
0xa0: {  	_ = 	snop;
	(pc) =	sbr.rel .LBB2_2-.Ltmp2, $4  }
0xa1: {  	s22 =	simm.s32 $0xC0  }
0xa2: {  	[tilespmem:s18], [sflag:$0x1] =	stream.indirect_vreg.gather [hbm4b:s2+s3], $0x80, v3, vm0, $0xb8;
	[tilespmem:$0x18A00] =	vst v63  }
0xa3: {  	s23 =	simm.s32 $0x0;
	s24 =	rddreg [dreg:$0x5];
	s25 =	simm.s32 $0x0  }
0xa4: {  	[tilespmem:s19], [sflag:$0x1] =	stream.indirect_vreg.gather [hbm4b:s8+s3], $0x80, v3, vm1, $0xb8;
	[tilespmem:$0x18A00] =	vst v63  }
.LBB2_8:
0xa5: {  	s23 =	sadd.s32 $0x2, s23  }
0xa6: {  	p0 =	sne.s32 s23, $0x14  }
.Ltmp3:
0xa7: {  	_ = 	snop;
	(pc) =	sbr.rel @!p0 .LBB2_9-.Ltmp3, $2  }
0xa8: {  	_ =	sdelay $0x2  }
0xa9: {  	s25 =	sadd.s32 $0x1, s25;
	s24 =	sadd.s32 $0x3000, s24;
	s22 =	sadd.s32 $0x100, s22  }
.LBB2_2:
0xaa: {  	p0 =	slt.u32 s23, s6  }
.Ltmp4:
0xab: {  	_ = 	snop;
	(pc) =	sbr.rel @!p0 .LBB2_3-.Ltmp4, $1  }
0xac: {  	_ =	sdelay $0x3  }
0xad: {  	s26 =	sadd.s32 $0x1, s23  }
0xae: {  	p0 =	sge.u32 s26, s6  }
.Ltmp5:
0xaf: {  	_ = 	snop;
	(pc) =	sbr.rel @p0 .LBB2_6-.Ltmp5, $4  }
0xb0: {  	_ =	swait.ge [sflag:s20], $0xC000  }
0xb1: {  	[sflag:s20] =	ssyncset.done $0x0  }
0xb2: {  	s26 =	simm.s32 $0x13;
	[sflag:s20] =	ssyncadd.s32 $0xFFFF4000  }
0xb3: {  	[hbm4b:s24+s3] =	stream.linear.scatter [tilespmem:s12], [sflag:$0x3], $0xC000, $0x38;
	[tilespmem:$0x18A00] =	vst v63  }
0xb4: {  	p0 =	seq.s32 s23, $0x0  }
0xb5: {  	s26 =	simm.s32 @!p0 $0x4  }
0xb6: {  	_ =	swait.ge @!p0 [sflag:s26], $0xC000  }
0xb7: {  	[sflag:s26] =	ssyncset.done @!p0 $0x0  }
0xb8: {  	[sflag:s26] =	ssyncadd.s32 @!p0 $0xFFFF4000  }
0xb9: {  	v3 =	vld [tilespmem:s22+$0xFFFFFFC0];
	_ =	sdelay $0x4  }
0xba: {  	v4 =	vshrl.u32 v3, $0x3  }
0xbb: {  	v4 =	vmul.u32 $0x18, v4  }
0xbc: {  	v3 =	vand.u32 $0x7, v3  }
0xbd: {  	v3 =	vor.u32 v3, v4  }
0xbe: {  	v4 =	vperm.xlane v3, v0;
	_ =	sdelay $0x1  }
0xbf: {  	v4 =	vadd.s32 v1, v4;
	_ =	sdelay $0x1  }
0xc0: {  	v3 =	vperm.xlane v3, v2;
	_ =	sdelay $0x1  }
0xc1: {  	s29 =	simm.s32 $0xCA00;
	v3 =	vadd.s32 v1, v3  }
0xc2: {  	[tilespmem:s29], [sflag:$0x2] =	stream.indirect_vreg.gather [hbm4b:s2+s3], $0x80, v4, vm0, $0xb8;
	[tilespmem:$0x18A00] =	vst v63  }
0xc3: {  	s28 =	simm.s32 $0xD200  }
0xc4: {  	[tilespmem:s28], [sflag:$0x2] =	stream.indirect_vreg.gather [hbm4b:s8+s3], $0x80, v4, vm1, $0xb8;
	[tilespmem:$0x18A00] =	vst v63  }
0xc5: {  	s29 =	simm.s32 $0xD600  }
0xc6: {  	[tilespmem:s29], [sflag:$0x2] =	stream.indirect_vreg.gather [hbm4b:s2+s3], $0x80, v3, vm0, $0xb8;
	[tilespmem:$0x18A00] =	vst v63  }
0xc7: {  	s28 =	simm.s32 $0xDE00  }
0xc8: {  	[tilespmem:s28], [sflag:$0x2] =	stream.indirect_vreg.gather [hbm4b:s8+s3], $0x80, v3, vm1, $0xb8;
	[tilespmem:$0x18A00] =	vst v63  }
0xc9: {  	v3 =	vld [tilespmem:s22+$0xFFFFFFD0];
	_ =	sdelay $0x4  }
0xca: {  	v57 =	vshrl.u32 v3, $0x3  }
0xcb: {  	v4 =	vmul.u32 $0x18, v57  }
0xcc: {  	v3 =	vand.u32 $0x7, v3  }
0xcd: {  	v3 =	vor.u32 v3, v4  }
0xce: {  	v4 =	vperm.xlane v3, v0;
	_ =	sdelay $0x1  }
0xcf: {  	v4 =	vadd.s32 v1, v4;
	_ =	sdelay $0x1  }
0xd0: {  	v3 =	vperm.xlane v3, v2;
	_ =	sdelay $0x1  }
0xd1: {  	s29 =	simm.s32 $0xE200;
	v3 =	vadd.s32 v1, v3  }
0xd2: {  	[tilespmem:s29], [sflag:$0x2] =	stream.indirect_vreg.gather [hbm4b:s2+s3], $0x80, v4, vm0, $0xb8;
	[tilespmem:$0x18A00] =	vst v63  }
0xd3: {  	s28 =	simm.s32 $0xEA00  }
0xd4: {  	[tilespmem:s28], [sflag:$0x2] =	stream.indirect_vreg.gather [hbm4b:s8+s3], $0x80, v4, vm1, $0xb8;
	[tilespmem:$0x18A00] =	vst v63  }
0xd5: {  	s29 =	simm.s32 $0xEE00  }
0xd6: {  	[tilespmem:s29], [sflag:$0x2] =	stream.indirect_vreg.gather [hbm4b:s2+s3], $0x80, v3, vm0, $0xb8;
	[tilespmem:$0x18A00] =	vst v63  }
0xd7: {  	s28 =	simm.s32 $0xF600  }
0xd8: {  	[tilespmem:s28], [sflag:$0x2] =	stream.indirect_vreg.gather [hbm4b:s8+s3], $0x80, v3, vm1, $0xb8;
	[tilespmem:$0x18A00] =	vst v63  }
0xd9: {  	v3 =	vld [tilespmem:s22+$0xFFFFFFE0];
	_ =	sdelay $0x4  }
0xda: {  	v58 =	vshrl.u32 v3, $0x3  }
0xdb: {  	v4 =	vmul.u32 $0x18, v58  }
0xdc: {  	v3 =	vand.u32 $0x7, v3  }
0xdd: {  	v3 =	vor.u32 v3, v4  }
0xde: {  	v4 =	vperm.xlane v3, v0;
	_ =	sdelay $0x1  }
0xdf: {  	v4 =	vadd.s32 v1, v4;
	_ =	sdelay $0x1  }
0xe0: {  	v3 =	vperm.xlane v3, v2;
	_ =	sdelay $0x1  }
0xe1: {  	s29 =	simm.s32 $0xFA00;
	v3 =	vadd.s32 v1, v3  }
0xe2: {  	[tilespmem:s29], [sflag:$0x2] =	stream.indirect_vreg.gather [hbm4b:s2+s3], $0x80, v4, vm0, $0xb8;
	[tilespmem:$0x18A00] =	vst v63  }
0xe3: {  	s28 =	simm.s32 $0x10200  }
0xe4: {  	[tilespmem:s28], [sflag:$0x2] =	stream.indirect_vreg.gather [hbm4b:s8+s3], $0x80, v4, vm1, $0xb8;
	[tilespmem:$0x18A00] =	vst v63  }
0xe5: {  	s29 =	simm.s32 $0x10600  }
0xe6: {  	[tilespmem:s29], [sflag:$0x2] =	stream.indirect_vreg.gather [hbm4b:s2+s3], $0x80, v3, vm0, $0xb8;
	[tilespmem:$0x18A00] =	vst v63  }
0xe7: {  	s28 =	simm.s32 $0x10E00  }
0xe8: {  	[tilespmem:s28], [sflag:$0x2] =	stream.indirect_vreg.gather [hbm4b:s8+s3], $0x80, v3, vm1, $0xb8;
	[tilespmem:$0x18A00] =	vst v63  }
0xe9: {  	v3 =	vld [tilespmem:s22+$0xFFFFFFF0];
	_ =	sdelay $0x4  }
0xea: {  	v59 =	vshrl.u32 v3, $0x3  }
0xeb: {  	v4 =	vmul.u32 $0x18, v59  }
0xec: {  	v3 =	vand.u32 $0x7, v3  }
0xed: {  	v3 =	vor.u32 v3, v4  }
0xee: {  	v4 =	vperm.xlane v3, v0;
	_ =	sdelay $0x1  }
0xef: {  	v4 =	vadd.s32 v1, v4;
	_ =	sdelay $0x1  }
0xf0: {  	v3 =	vperm.xlane v3, v2;
	_ =	sdelay $0x1  }
0xf1: {  	s29 =	simm.s32 $0x11200;
	v3 =	vadd.s32 v1, v3  }
0xf2: {  	[tilespmem:s29], [sflag:$0x2] =	stream.indirect_vreg.gather [hbm4b:s2+s3], $0x80, v4, vm0, $0xb8;
	[tilespmem:$0x18A00] =	vst v63  }
0xf3: {  	s28 =	simm.s32 $0x11A00  }
0xf4: {  	[tilespmem:s28], [sflag:$0x2] =	stream.indirect_vreg.gather [hbm4b:s8+s3], $0x80, v4, vm1, $0xb8;
	[tilespmem:$0x18A00] =	vst v63  }
0xf5: {  	s29 =	simm.s32 $0x11E00  }
0xf6: {  	[tilespmem:s29], [sflag:$0x2] =	stream.indirect_vreg.gather [hbm4b:s2+s3], $0x80, v3, vm0, $0xb8;
	[tilespmem:$0x18A00] =	vst v63  }
0xf7: {  	s28 =	simm.s32 $0x12600  }
0xf8: {  	[tilespmem:s28], [sflag:$0x2] =	stream.indirect_vreg.gather [hbm4b:s8+s3], $0x80, v3, vm1, $0xb8;
	[tilespmem:$0x18A00] =	vst v63  }
0xf9: {  	v3 =	vld [tilespmem:s22+$0x0];
	_ =	sdelay $0x4  }
0xfa: {  	v60 =	vshrl.u32 v3, $0x3  }
0xfb: {  	v4 =	vmul.u32 $0x18, v60  }
0xfc: {  	v3 =	vand.u32 $0x7, v3  }
0xfd: {  	v3 =	vor.u32 v3, v4  }
0xfe: {  	v4 =	vperm.xlane v3, v0;
	_ =	sdelay $0x1  }
0xff: {  	v4 =	vadd.s32 v1, v4;
	_ =	sdelay $0x1  }
0x100: {  	v3 =	vperm.xlane v3, v2;
	_ =	sdelay $0x1  }
0x101: {  	s29 =	simm.s32 $0x12A00;
	v3 =	vadd.s32 v1, v3  }
0x102: {  	[tilespmem:s29], [sflag:$0x2] =	stream.indirect_vreg.gather [hbm4b:s2+s3], $0x80, v4, vm0, $0xb8;
	[tilespmem:$0x18A00] =	vst v63  }
0x103: {  	s28 =	simm.s32 $0x13200  }
0x104: {  	[tilespmem:s28], [sflag:$0x2] =	stream.indirect_vreg.gather [hbm4b:s8+s3], $0x80, v4, vm1, $0xb8;
	[tilespmem:$0x18A00] =	vst v63  }
0x105: {  	s29 =	simm.s32 $0x13600  }
0x106: {  	[tilespmem:s29], [sflag:$0x2] =	stream.indirect_vreg.gather [hbm4b:s2+s3], $0x80, v3, vm0, $0xb8;
	[tilespmem:$0x18A00] =	vst v63  }
0x107: {  	s28 =	simm.s32 $0x13E00  }
0x108: {  	[tilespmem:s28], [sflag:$0x2] =	stream.indirect_vreg.gather [hbm4b:s8+s3], $0x80, v3, vm1, $0xb8;
	[tilespmem:$0x18A00] =	vst v63  }
0x109: {  	v3 =	vld [tilespmem:s22+$0x10];
	_ =	sdelay $0x4  }
0x10a: {  	v61 =	vshrl.u32 v3, $0x3  }
0x10b: {  	v4 =	vmul.u32 $0x18, v61  }
0x10c: {  	v3 =	vand.u32 $0x7, v3  }
0x10d: {  	v3 =	vor.u32 v3, v4  }
0x10e: {  	v4 =	vperm.xlane v3, v0;
	_ =	sdelay $0x1  }
0x10f: {  	v4 =	vadd.s32 v1, v4;
	_ =	sdelay $0x1  }
0x110: {  	v3 =	vperm.xlane v3, v2;
	_ =	sdelay $0x1  }
0x111: {  	s29 =	simm.s32 $0x14200;
	v3 =	vadd.s32 v1, v3  }
0x112: {  	[tilespmem:s29], [sflag:$0x2] =	stream.indirect_vreg.gather [hbm4b:s2+s3], $0x80, v4, vm0, $0xb8;
	[tilespmem:$0x18A00] =	vst v63  }
0x113: {  	s28 =	simm.s32 $0x14A00  }
0x114: {  	[tilespmem:s28], [sflag:$0x2] =	stream.indirect_vreg.gather [hbm4b:s8+s3], $0x80, v4, vm1, $0xb8;
	[tilespmem:$0x18A00] =	vst v63  }
0x115: {  	s29 =	simm.s32 $0x14E00  }
0x116: {  	[tilespmem:s29], [sflag:$0x2] =	stream.indirect_vreg.gather [hbm4b:s2+s3], $0x80, v3, vm0, $0xb8;
	[tilespmem:$0x18A00] =	vst v63  }
0x117: {  	s28 =	simm.s32 $0x15600  }
0x118: {  	[tilespmem:s28], [sflag:$0x2] =	stream.indirect_vreg.gather [hbm4b:s8+s3], $0x80, v3, vm1, $0xb8;
	[tilespmem:$0x18A00] =	vst v63  }
0x119: {  	v3 =	vld [tilespmem:s22+$0x20];
	_ =	sdelay $0x4  }
0x11a: {  	v62 =	vshrl.u32 v3, $0x3  }
0x11b: {  	v4 =	vmul.u32 $0x18, v62  }
0x11c: {  	v3 =	vand.u32 $0x7, v3  }
0x11d: {  	v3 =	vor.u32 v3, v4  }
0x11e: {  	v4 =	vperm.xlane v3, v0;
	_ =	sdelay $0x1  }
0x11f: {  	v4 =	vadd.s32 v1, v4;
	_ =	sdelay $0x1  }
0x120: {  	v3 =	vperm.xlane v3, v2;
	_ =	sdelay $0x1  }
0x121: {  	s29 =	simm.s32 $0x15A00;
	v3 =	vadd.s32 v1, v3  }
0x122: {  	[tilespmem:s29], [sflag:$0x2] =	stream.indirect_vreg.gather [hbm4b:s2+s3], $0x80, v4, vm0, $0xb8;
	[tilespmem:$0x18A00] =	vst v63  }
0x123: {  	s28 =	simm.s32 $0x16200  }
0x124: {  	[tilespmem:s28], [sflag:$0x2] =	stream.indirect_vreg.gather [hbm4b:s8+s3], $0x80, v4, vm1, $0xb8;
	[tilespmem:$0x18A00] =	vst v63  }
0x125: {  	s29 =	simm.s32 $0x16600  }
0x126: {  	[tilespmem:s29], [sflag:$0x2] =	stream.indirect_vreg.gather [hbm4b:s2+s3], $0x80, v3, vm0, $0xb8;
	[tilespmem:$0x18A00] =	vst v63  }
0x127: {  	s28 =	simm.s32 $0x16E00  }
0x128: {  	[tilespmem:s28], [sflag:$0x2] =	stream.indirect_vreg.gather [hbm4b:s8+s3], $0x80, v3, vm1, $0xb8;
	[tilespmem:$0x18A00] =	vst v63  }
0x129: {  	v3 =	vld [tilespmem:s22+$0x30];
	_ =	sdelay $0x4  }
0x12a: {  	v63 =	vshrl.u32 v3, $0x3  }
0x12b: {  	v4 =	vmul.u32 $0x18, v63  }
0x12c: {  	v3 =	vand.u32 $0x7, v3  }
0x12d: {  	v3 =	vor.u32 v3, v4  }
0x12e: {  	v4 =	vperm.xlane v3, v0;
	_ =	sdelay $0x1  }
0x12f: {  	v4 =	vadd.s32 v1, v4;
	_ =	sdelay $0x1  }
0x130: {  	v3 =	vperm.xlane v3, v2;
	_ =	sdelay $0x1  }
0x131: {  	s29 =	simm.s32 $0x17200;
	v3 =	vadd.s32 v1, v3  }
0x132: {  	[tilespmem:s29], [sflag:$0x2] =	stream.indirect_vreg.gather [hbm4b:s2+s3], $0x80, v4, vm0, $0xb8;
	[tilespmem:$0x18A00] =	vst v63  }
0x133: {  	s28 =	simm.s32 $0x17A00  }
0x134: {  	[tilespmem:s28], [sflag:$0x2] =	stream.indirect_vreg.gather [hbm4b:s8+s3], $0x80, v4, vm1, $0xb8;
	[tilespmem:$0x18A00] =	vst v63  }
.Ltmp6:
0x135: {  	s29 =	simm.s32 $0x17E00;
	(pc) =	sbr.rel .LBB2_6-.Ltmp6, $4  }
0x136: {  	[tilespmem:s29], [sflag:$0x2] =	stream.indirect_vreg.gather [hbm4b:s2+s3], $0x80, v3, vm0, $0xb8;
	[tilespmem:$0x18A00] =	vst v63  }
0x137: {  	s29 =	sshll.u32 s25, $0x1  }
0x138: {  	s28 =	simm.s32 $0x18600;
	s26 =	sor.u32 $0x1, s29  }
0x139: {  	[tilespmem:s28], [sflag:$0x2] =	stream.indirect_vreg.gather [hbm4b:s8+s3], $0x80, v3, vm1, $0xb8;
	[tilespmem:$0x18A00] =	vst v63  }
.LBB2_3:
0x13a: {  	s26 =	sadd.s32 $0x1, s23  }
.LBB2_6:
0x13b: {  	p0 =	sge.u32 s26, s6  }
0x13c: {  	s28 =	simm.s32 @!p0 $0x2;
	s26 =	sadd.s32 @!p0 s4, s26  }
0x13d: {  	_ =	swait.ge @!p0 [sflag:s28], $0xC000;
	s26 =	smul.u32 @!p0 $0x1800, s26  }
0x13e: {  	s29 =	simm.s32 @!p0 $0xCA00;
	[sflag:s28] =	ssyncset.done @!p0 $0x0  }
0x13f: {  	[sflag:s28] =	ssyncadd.s32 @!p0 $0xFFFF4000;
	s26 =	sadd.s32 @!p0 s5, s26;
	s28 =	simm.s32 @!p0 $0x0  }
0x140: {  	[hbm4b:s26+s28] =	stream.linear.scatter @!p0 [tilespmem:s29], [sflag:$0x4], $0xC000, $0x38;
	[tilespmem:$0x18A00] =	vst v63  }
0x141: {  	s26 =	sadd.s32 @!p0 $0x2, s23  }
0x142: {  	p1 =	sge.u32 @!p0 s26, s6  }
0x143: {  	p0 =	por p0, p1  }
.Ltmp7:
0x144: {  	_ = 	snop;
	(pc) =	sbr.rel @p0 .LBB2_8-.Ltmp7, $1  }
0x145: {  	_ =	sdelay $0x3  }
0x146: {  	_ =	swait.ge [sflag:s21], $0xC000  }
0x147: {  	[sflag:s21] =	ssyncset.done $0x0  }
0x148: {  	[sflag:s21] =	ssyncadd.s32 $0xFFFF4000  }
0x149: {  	v3 =	vld [tilespmem:s22+$0x40];
	_ =	sdelay $0x4  }
0x14a: {  	v4 =	vshrl.u32 v3, $0x3  }
0x14b: {  	v4 =	vmul.u32 $0x18, v4  }
0x14c: {  	v3 =	vand.u32 $0x7, v3  }
0x14d: {  	v3 =	vor.u32 v3, v4  }
0x14e: {  	v4 =	vperm.xlane v3, v0;
	_ =	sdelay $0x1  }
0x14f: {  	v4 =	vadd.s32 v1, v4;
	_ =	sdelay $0x1  }
0x150: {  	v3 =	vperm.xlane v3, v2;
	_ =	sdelay $0x1  }
0x151: {  	v3 =	vadd.s32 v1, v3  }
0x152: {  	[tilespmem:s12], [sflag:$0x1] =	stream.indirect_vreg.gather [hbm4b:s2+s3], $0x80, v4, vm0, $0xb8;
	[tilespmem:$0x18A00] =	vst v63  }
0x153: {  	s26 =	simm.s32 $0x1200  }
0x154: {  	[tilespmem:s26], [sflag:$0x1] =	stream.indirect_vreg.gather [hbm4b:s8+s3], $0x80, v4, vm1, $0xb8;
	[tilespmem:$0x18A00] =	vst v63  }
0x155: {  	s29 =	simm.s32 $0x1600  }
0x156: {  	[tilespmem:s29], [sflag:$0x1] =	stream.indirect_vreg.gather [hbm4b:s2+s3], $0x80, v3, vm0, $0xb8;
	[tilespmem:$0x18A00] =	vst v63  }
0x157: {  	s28 =	simm.s32 $0x1E00  }
0x158: {  	[tilespmem:s28], [sflag:$0x1] =	stream.indirect_vreg.gather [hbm4b:s8+s3], $0x80, v3, vm1, $0xb8;
	[tilespmem:$0x18A00] =	vst v63  }
0x159: {  	v3 =	vld [tilespmem:s22+$0x50];
	_ =	sdelay $0x4  }
0x15a: {  	v57 =	vshrl.u32 v3, $0x3  }
0x15b: {  	v4 =	vmul.u32 $0x18, v57  }
0x15c: {  	v3 =	vand.u32 $0x7, v3  }
0x15d: {  	v3 =	vor.u32 v3, v4  }
0x15e: {  	v4 =	vperm.xlane v3, v0;
	_ =	sdelay $0x1  }
0x15f: {  	v4 =	vadd.s32 v1, v4;
	_ =	sdelay $0x1  }
0x160: {  	v3 =	vperm.xlane v3, v2;
	_ =	sdelay $0x1  }
0x161: {  	s29 =	simm.s32 $0x2200;
	v3 =	vadd.s32 v1, v3  }
0x162: {  	[tilespmem:s29], [sflag:$0x1] =	stream.indirect_vreg.gather [hbm4b:s2+s3], $0x80, v4, vm0, $0xb8;
	[tilespmem:$0x18A00] =	vst v63  }
0x163: {  	s28 =	simm.s32 $0x2A00  }
0x164: {  	[tilespmem:s28], [sflag:$0x1] =	stream.indirect_vreg.gather [hbm4b:s8+s3], $0x80, v4, vm1, $0xb8;
	[tilespmem:$0x18A00] =	vst v63  }
0x165: {  	s29 =	simm.s32 $0x2E00  }
0x166: {  	[tilespmem:s29], [sflag:$0x1] =	stream.indirect_vreg.gather [hbm4b:s2+s3], $0x80, v3, vm0, $0xb8;
	[tilespmem:$0x18A00] =	vst v63  }
0x167: {  	s28 =	simm.s32 $0x3600  }
0x168: {  	[tilespmem:s28], [sflag:$0x1] =	stream.indirect_vreg.gather [hbm4b:s8+s3], $0x80, v3, vm1, $0xb8;
	[tilespmem:$0x18A00] =	vst v63  }
0x169: {  	v3 =	vld [tilespmem:s22+$0x60];
	_ =	sdelay $0x4  }
0x16a: {  	v58 =	vshrl.u32 v3, $0x3  }
0x16b: {  	v4 =	vmul.u32 $0x18, v58  }
0x16c: {  	v3 =	vand.u32 $0x7, v3  }
0x16d: {  	v3 =	vor.u32 v3, v4  }
0x16e: {  	v4 =	vperm.xlane v3, v0;
	_ =	sdelay $0x1  }
0x16f: {  	v4 =	vadd.s32 v1, v4;
	_ =	sdelay $0x1  }
0x170: {  	v3 =	vperm.xlane v3, v2;
	_ =	sdelay $0x1  }
0x171: {  	s29 =	simm.s32 $0x3A00;
	v3 =	vadd.s32 v1, v3  }
0x172: {  	[tilespmem:s29], [sflag:$0x1] =	stream.indirect_vreg.gather [hbm4b:s2+s3], $0x80, v4, vm0, $0xb8;
	[tilespmem:$0x18A00] =	vst v63  }
0x173: {  	s28 =	simm.s32 $0x4200  }
0x174: {  	[tilespmem:s28], [sflag:$0x1] =	stream.indirect_vreg.gather [hbm4b:s8+s3], $0x80, v4, vm1, $0xb8;
	[tilespmem:$0x18A00] =	vst v63  }
0x175: {  	s29 =	simm.s32 $0x4600  }
0x176: {  	[tilespmem:s29], [sflag:$0x1] =	stream.indirect_vreg.gather [hbm4b:s2+s3], $0x80, v3, vm0, $0xb8;
	[tilespmem:$0x18A00] =	vst v63  }
0x177: {  	s28 =	simm.s32 $0x4E00  }
0x178: {  	[tilespmem:s28], [sflag:$0x1] =	stream.indirect_vreg.gather [hbm4b:s8+s3], $0x80, v3, vm1, $0xb8;
	[tilespmem:$0x18A00] =	vst v63  }
0x179: {  	v3 =	vld [tilespmem:s22+$0x70];
	_ =	sdelay $0x4  }
0x17a: {  	v59 =	vshrl.u32 v3, $0x3  }
0x17b: {  	v4 =	vmul.u32 $0x18, v59  }
0x17c: {  	v3 =	vand.u32 $0x7, v3  }
0x17d: {  	v3 =	vor.u32 v3, v4  }
0x17e: {  	v4 =	vperm.xlane v3, v0;
	_ =	sdelay $0x1  }
0x17f: {  	v4 =	vadd.s32 v1, v4;
	_ =	sdelay $0x1  }
0x180: {  	v3 =	vperm.xlane v3, v2;
	_ =	sdelay $0x1  }
0x181: {  	s29 =	simm.s32 $0x5200;
	v3 =	vadd.s32 v1, v3  }
0x182: {  	[tilespmem:s29], [sflag:$0x1] =	stream.indirect_vreg.gather [hbm4b:s2+s3], $0x80, v4, vm0, $0xb8;
	[tilespmem:$0x18A00] =	vst v63  }
0x183: {  	s28 =	simm.s32 $0x5A00  }
0x184: {  	[tilespmem:s28], [sflag:$0x1] =	stream.indirect_vreg.gather [hbm4b:s8+s3], $0x80, v4, vm1, $0xb8;
	[tilespmem:$0x18A00] =	vst v63  }
0x185: {  	s29 =	simm.s32 $0x5E00  }
0x186: {  	[tilespmem:s29], [sflag:$0x1] =	stream.indirect_vreg.gather [hbm4b:s2+s3], $0x80, v3, vm0, $0xb8;
	[tilespmem:$0x18A00] =	vst v63  }
0x187: {  	s28 =	simm.s32 $0x6600  }
0x188: {  	[tilespmem:s28], [sflag:$0x1] =	stream.indirect_vreg.gather [hbm4b:s8+s3], $0x80, v3, vm1, $0xb8;
	[tilespmem:$0x18A00] =	vst v63  }
0x189: {  	v3 =	vld [tilespmem:s22+$0x80];
	_ =	sdelay $0x4  }
0x18a: {  	v60 =	vshrl.u32 v3, $0x3  }
0x18b: {  	v4 =	vmul.u32 $0x18, v60  }
0x18c: {  	v3 =	vand.u32 $0x7, v3  }
0x18d: {  	v3 =	vor.u32 v3, v4  }
0x18e: {  	v4 =	vperm.xlane v3, v0;
	_ =	sdelay $0x1  }
0x18f: {  	v4 =	vadd.s32 v1, v4;
	_ =	sdelay $0x1  }
0x190: {  	v3 =	vperm.xlane v3, v2;
	_ =	sdelay $0x1  }
0x191: {  	s29 =	simm.s32 $0x6A00;
	v3 =	vadd.s32 v1, v3  }
0x192: {  	[tilespmem:s29], [sflag:$0x1] =	stream.indirect_vreg.gather [hbm4b:s2+s3], $0x80, v4, vm0, $0xb8;
	[tilespmem:$0x18A00] =	vst v63  }
0x193: {  	_ = 	snop  }
0x194: {  	[tilespmem:s30], [sflag:$0x1] =	stream.indirect_vreg.gather [hbm4b:s8+s3], $0x80, v4, vm1, $0xb8;
	[tilespmem:$0x18A00] =	vst v63  }
0x195: {  	_ = 	snop  }
0x196: {  	[tilespmem:s31], [sflag:$0x1] =	stream.indirect_vreg.gather [hbm4b:s2+s3], $0x80, v3, vm0, $0xb8;
	[tilespmem:$0x18A00] =	vst v63  }
0x197: {  	_ = 	snop  }
0x198: {  	[tilespmem:s1], [sflag:$0x1] =	stream.indirect_vreg.gather [hbm4b:s8+s3], $0x80, v3, vm1, $0xb8;
	[tilespmem:$0x18A00] =	vst v63  }
0x199: {  	v3 =	vld [tilespmem:s22+$0x90];
	_ =	sdelay $0x4  }
0x19a: {  	v61 =	vshrl.u32 v3, $0x3  }
0x19b: {  	v4 =	vmul.u32 $0x18, v61  }
0x19c: {  	v3 =	vand.u32 $0x7, v3  }
0x19d: {  	v3 =	vor.u32 v3, v4  }
0x19e: {  	v4 =	vperm.xlane v3, v0;
	_ =	sdelay $0x1  }
0x19f: {  	v4 =	vadd.s32 v1, v4;
	_ =	sdelay $0x1  }
0x1a0: {  	v3 =	vperm.xlane v3, v2;
	_ =	sdelay $0x1  }
0x1a1: {  	v3 =	vadd.s32 v1, v3  }
0x1a2: {  	[tilespmem:s0], [sflag:$0x1] =	stream.indirect_vreg.gather [hbm4b:s2+s3], $0x80, v4, vm0, $0xb8;
	[tilespmem:$0x18A00] =	vst v63  }
0x1a3: {  	_ = 	snop  }
0x1a4: {  	[tilespmem:s7], [sflag:$0x1] =	stream.indirect_vreg.gather [hbm4b:s8+s3], $0x80, v4, vm1, $0xb8;
	[tilespmem:$0x18A00] =	vst v63  }
0x1a5: {  	_ = 	snop  }
0x1a6: {  	[tilespmem:s9], [sflag:$0x1] =	stream.indirect_vreg.gather [hbm4b:s2+s3], $0x80, v3, vm0, $0xb8;
	[tilespmem:$0x18A00] =	vst v63  }
0x1a7: {  	_ = 	snop  }
0x1a8: {  	[tilespmem:s10], [sflag:$0x1] =	stream.indirect_vreg.gather [hbm4b:s8+s3], $0x80, v3, vm1, $0xb8;
	[tilespmem:$0x18A00] =	vst v63  }
0x1a9: {  	v3 =	vld [tilespmem:s22+$0xA0];
	_ =	sdelay $0x4  }
0x1aa: {  	v62 =	vshrl.u32 v3, $0x3  }
0x1ab: {  	v4 =	vmul.u32 $0x18, v62  }
0x1ac: {  	v3 =	vand.u32 $0x7, v3  }
0x1ad: {  	v3 =	vor.u32 v3, v4  }
0x1ae: {  	v4 =	vperm.xlane v3, v0;
	_ =	sdelay $0x1  }
0x1af: {  	v4 =	vadd.s32 v1, v4;
	_ =	sdelay $0x1  }
0x1b0: {  	v3 =	vperm.xlane v3, v2;
	_ =	sdelay $0x1  }
0x1b1: {  	v3 =	vadd.s32 v1, v3  }
0x1b2: {  	[tilespmem:s11], [sflag:$0x1] =	stream.indirect_vreg.gather [hbm4b:s2+s3], $0x80, v4, vm0, $0xb8;
	[tilespmem:$0x18A00] =	vst v63  }
0x1b3: {  	_ = 	snop  }
0x1b4: {  	[tilespmem:s13], [sflag:$0x1] =	stream.indirect_vreg.gather [hbm4b:s8+s3], $0x80, v4, vm1, $0xb8;
	[tilespmem:$0x18A00] =	vst v63  }
0x1b5: {  	_ = 	snop  }
0x1b6: {  	[tilespmem:s14], [sflag:$0x1] =	stream.indirect_vreg.gather [hbm4b:s2+s3], $0x80, v3, vm0, $0xb8;
	[tilespmem:$0x18A00] =	vst v63  }
0x1b7: {  	_ = 	snop  }
0x1b8: {  	[tilespmem:s15], [sflag:$0x1] =	stream.indirect_vreg.gather [hbm4b:s8+s3], $0x80, v3, vm1, $0xb8;
	[tilespmem:$0x18A00] =	vst v63  }
0x1b9: {  	v3 =	vld [tilespmem:s22+$0xB0];
	_ =	sdelay $0x4  }
0x1ba: {  	v63 =	vshrl.u32 v3, $0x3  }
0x1bb: {  	v4 =	vmul.u32 $0x18, v63  }
0x1bc: {  	v3 =	vand.u32 $0x7, v3  }
0x1bd: {  	v3 =	vor.u32 v3, v4  }
0x1be: {  	v4 =	vperm.xlane v3, v0;
	_ =	sdelay $0x1  }
0x1bf: {  	v4 =	vadd.s32 v1, v4;
	_ =	sdelay $0x2  }
0x1c0: {  	v3 =	vperm.xlane v3, v2;
	_ =	sdelay $0x1  }
0x1c1: {  	v3 =	vadd.s32 v1, v3;
	[tilespmem:s16], [sflag:$0x1] =	stream.indirect_vreg.gather [hbm4b:s2+s3], $0x80, v4, vm0, $0xb8;
	[tilespmem:$0x18A00] =	vst v63  }
0x1c2: {  	_ = 	snop  }
0x1c3: {  	[tilespmem:s17], [sflag:$0x1] =	stream.indirect_vreg.gather [hbm4b:s8+s3], $0x80, v4, vm1, $0xb8;
	[tilespmem:$0x18A00] =	vst v63  }
.Ltmp8:
0x1c4: {  	_ = 	snop;
	(pc) =	sbr.rel .LBB2_8-.Ltmp8, $4  }
0x1c5: {  	_ = 	snop  }
0x1c6: {  	[tilespmem:s18], [sflag:$0x1] =	stream.indirect_vreg.gather [hbm4b:s2+s3], $0x80, v3, vm0, $0xb8;
	[tilespmem:$0x18A00] =	vst v63  }
0x1c7: {  	_ = 	snop  }
0x1c8: {  	[tilespmem:s19], [sflag:$0x1] =	stream.indirect_vreg.gather [hbm4b:s8+s3], $0x80, v3, vm1, $0xb8;
	[tilespmem:$0x18A00] =	vst v63  }
.LBB2_10:
0x1c9: {  	_ =	sfence.sel $0x180000  }
0x1ca: {  	[bflag:$0x0] =	sbarrier.arrive $0xFFFF  }
0x1cb: {  	_ =	strace $0x9000004A  }
0x1cc: {  	s0 =	stileid.u32;
	[bflag:$0x2] =	sbarrier.arrive $0xFFFF  }
0x1cd: {  	p0 =	sne.s32 s0, $0x0;
	s0 =	rddreg [dreg:$0x2]  }
0x1ce: {  	s0 =	sadd.s32 @!p0 $0x100000, s0  }
0x1cf: {  	[sflag:s0] =	ssyncadd.tile.s32 @!p0 $0x1;
	_ =	shalt  }
.Lfunc_end2:
_tile_overlayer_lowered:
.L_overlay_start_2:
0x1d0: {  	(tag) =	ssettag $0x2  }
0x1d1: {  	s0 =	rddreg [dreg:$0x0];
	s2 =	stileid.u32  }
0x1d2: {  	s1 =	rddreg [dreg:$0x1];
	p0 =	sne.s32 s2, $0x0  }
0x1d3: {  	s3 =	rddreg [dreg:$0x2];
	[bflag:$0x3] =	sbarrier.arrive $0xFFFF;
	s2 =	simm.s32 @!p0 $0x1C05  }
0x1d4: {  	[timem:s3], [sflag:s2] =	dma.local @!p0 [hbm:s0], s1  }
0x1d5: {  	s0 =	simm.s32 @!p0 $0x5  }
0x1d6: {  	_ =	swait.ge @!p0 [sflag:s0], s1  }
0x1d7: {  	s1 =	ssub.s32 @!p0 $0x0, s1;
	[sflag:s0] =	ssyncset.done @!p0 $0x0  }
0x1d8: {  	[sflag:s0] =	ssyncadd.s32 @!p0 s1  }
0x1d9: {  	[bflag:$0x3] =	sbarrier.arrive $0xFFFF  }
0x1da: {  	_ =	shalt  }

// kernel: kernel.14.cloned.1.call-start
scs
__scs_entry_jumppad:
0x0: {  	(pc) =	sbr.rel $0x88, $3  }
0x1: {  	(tag) =	ssettag $0x0;
	lr =	simm.s32 $0x1  }
0x2: {  	[smem:$0x3F97] =	sst lr;
	_ =	strace $0xD0000000  }
0x3: {  	_ = 	snop  }
0x4: {  	_ = 	snop  }
0x5: {  	_ = 	snop  }
0x6: {  	_ = 	snop  }
0x7: {  	_ = 	snop  }
__scs_overlays_trampoline_lowered:
0x8: {  	[smem:$0x3FA6] =	sst s0  }
0x9: {  	[smem:$0x3FA7] =	sst s1  }
0xa: {  	[smem:$0x3FA8] =	sst s2  }
0xb: {  	[smem:$0x3FA9] =	sst s3  }
0xc: {  	[smem:$0x3FAA] =	sst s4  }
0xd: {  	[smem:$0x3FAB] =	sst s5  }
0xe: {  	[smem:$0x3FAC] =	sst s6  }
0xf: {  	[smem:$0x3FAD] =	sst s7  }
0x10: {  	[smem:$0x3FAE] =	sst s8  }
0x11: {  	[smem:$0x3FAF] =	sst s9;
	s0 =	simm.s32 @!p0 $0x0  }
0x12: {  	s1 =	sld [smem:$0x3F95];
	s0 =	simm.s32 @p0 $0x1  }
0x13: {  	[smem:$0x3FB0] =	sst s0;
	s0 =	simm.s32 @!p1 $0x0  }
0x14: {  	s2 =	sld [smem:$0x3F94];
	s0 =	simm.s32 @p1 $0x1  }
0x15: {  	[smem:$0x3FB1] =	sst s0;
	s0 =	simm.s32 @!p2 $0x0  }
0x16: {  	s3 =	sld [smem:$0x3FDB];
	s0 =	simm.s32 @p2 $0x1  }
0x17: {  	s4 =	simm.s32 $0x1BF5;
	[smem:$0x3FB3] =	sst s0  }
0x18: {  	s0 =	sld [smem:$0x3F96];
	_ =	swait.ge [sflag:s4], $0x0  }
0x19: {  	s7 =	sld [smem:$0x3F97]  }
0x1a: {  	s8 =	sadd.s32 $0xFFFFE003, lr  }
0x1b: {  	s9 =	sadd.s32 $0xFFFFFEF7, lr;
	s5 =	simm.s32 $0xFFFFFFFF;
	p2 =	slt.u32 s8, $0xFFFFF086  }
0x1c: {  	p1 =	slt.u32 s9, $0xF7A;
	s5 =	simm.s32 @!p2 $0x0  }
0x1d: {  	s5 =	simm.s32 @p1 $0x1;
	p0 =	seq.s32 s7, s2  }
0x1e: {  	s7 =	smul.u32 @!p0 $0xF7A, s2;
	p2 =	seq.s32 @!p0 s5, $0x0  }
0x1f: {  	s9 =	smul.u32 $0xF7A, s1;
	s8 =	simm.s32 @!p0 $0x1BF5;
	p2 =	por !p2, p0  }
0x20: {  	[sflag:s8] =	ssyncset.s32 @!p0 $0xFFFFF086;
	s6 =	sadd.s32 @!p0 s3, s7;
	s7 =	simm.s32 @!p0 $0x108  }
0x21: {  	s3 =	sadd.s32 s3, s9;
	s6 =	sadd.s32 @!p0 $0x88, s6;
	s7 =	simm.s32 @p2 $0x1082  }
0x22: {  	[simem:s7], [sflag:s8] =	dma.local @!p0 [hbm:s6], $0xF7A  }
0x23: {  	s9 =	sor.u32 $0xD0000000, s2;
	s6 =	simm.s32 $0x108;
	_ =	swait.ge @!p0 [sflag:s8], $0x0  }
0x24: {  	s3 =	sadd.s32 $0x88, s3;
	s6 =	simm.s32 @!p1 $0x1082;
	[sflag:s4] =	ssyncset.s32 $0xFFFFF086  }
0x25: {  	[simem:s6], [sflag:s4] =	dma.local [hbm:s3], $0xF7A  }
0x26: {  	[smem:$0x3F97] =	sst s1;
	(tag) =	ssettag s2;
	_ =	strace s9  }
0x27: {  	s1 =	sld [smem:$0x3FA7]  }
0x28: {  	s2 =	sld [smem:$0x3FA8]  }
0x29: {  	s4 =	sld [smem:$0x3FAA]  }
0x2a: {  	p0 =	seq.s32 s5, $0x0;
	s5 =	sld [smem:$0x3FAB]  }
0x2b: {  	s6 =	sld [smem:$0x3FAC]  }
0x2c: {  	s7 =	sld [smem:$0x3FAD]  }
0x2d: {  	s3 =	simm.s32 $0x108;
	s8 =	sld [smem:$0x3FAE]  }
0x2e: {  	s3 =	simm.s32 @!p0 $0x1082;
	s9 =	sld [smem:$0x3FAF]  }
0x2f: {  	lr =	sadd.s32 s0, s3;
	s0 =	sld [smem:$0x3FA6]  }
0x30: {  	s3 =	sld [smem:$0x3FA9]  }
0x31: {  	[smem:$0x3FB2] =	sst s10  }
0x32: {  	s10 =	sld [smem:$0x3FB0];
	_ =	sdelay $0x3  }
0x33: {  	p0 =	seq.s32 s10, $0x1;
	s10 =	sld [smem:$0x3FB2];
	_ =	sdelay $0x3  }
0x34: {  	[smem:$0x3FB2] =	sst s10  }
0x35: {  	s10 =	sld [smem:$0x3FB1];
	_ =	sdelay $0x3  }
0x36: {  	p1 =	seq.s32 s10, $0x1;
	s10 =	sld [smem:$0x3FB2];
	_ =	sdelay $0x3  }
0x37: {  	[smem:$0x3FB2] =	sst s10  }
0x38: {  	s10 =	sld [smem:$0x3FB3]  }
0x39: {  	_ = 	snop;
	(pc) =	sbr.ind lr, $3  }
0x3a: {  	_ = 	snop  }
0x3b: {  	_ = 	snop  }
0x3c: {  	p2 =	seq.s32 s10, $0x1;
	s10 =	sld [smem:$0x3FB2]  }
0x3d: {  	_ =	shalt  }
0x3e: {  	_ =	shalt  }
0x3f: {  	_ =	shalt  }
0x40: {  	_ =	shalt  }
0x41: {  	_ =	shalt  }
0x42: {  	_ =	shalt  }
0x43: {  	_ =	shalt  }
0x44: {  	_ =	shalt  }
0x45: {  	_ =	shalt  }
0x46: {  	_ =	shalt  }
0x47: {  	_ =	shalt  }
0x48: {  	_ =	shalt  }
0x49: {  	_ =	shalt  }
0x4a: {  	_ =	shalt  }
0x4b: {  	_ =	shalt  }
0x4c: {  	_ =	shalt  }
0x4d: {  	_ =	shalt  }
0x4e: {  	_ =	shalt  }
0x4f: {  	_ =	shalt  }
0x50: {  	_ =	shalt  }
0x51: {  	_ =	shalt  }
0x52: {  	_ =	shalt  }
0x53: {  	_ =	shalt  }
0x54: {  	_ =	shalt  }
0x55: {  	_ =	shalt  }
0x56: {  	_ =	shalt  }
0x57: {  	_ =	shalt  }
0x58: {  	_ =	shalt  }
0x59: {  	_ =	shalt  }
0x5a: {  	_ =	shalt  }
0x5b: {  	_ =	shalt  }
0x5c: {  	_ =	shalt  }
0x5d: {  	_ =	shalt  }
0x5e: {  	_ =	shalt  }
0x5f: {  	_ =	shalt  }
0x60: {  	_ =	shalt  }
0x61: {  	_ =	shalt  }
0x62: {  	_ =	shalt  }
0x63: {  	_ =	shalt  }
0x64: {  	_ =	shalt  }
0x65: {  	_ =	shalt  }
0x66: {  	_ =	shalt  }
0x67: {  	_ =	shalt  }
0x68: {  	_ =	shalt  }
0x69: {  	_ =	shalt  }
0x6a: {  	_ =	shalt  }
0x6b: {  	_ =	shalt  }
0x6c: {  	_ =	shalt  }
0x6d: {  	_ =	shalt  }
0x6e: {  	_ =	shalt  }
0x6f: {  	_ =	shalt  }
0x70: {  	_ =	shalt  }
0x71: {  	_ =	shalt  }
0x72: {  	_ =	shalt  }
0x73: {  	_ =	shalt  }
0x74: {  	_ =	shalt  }
0x75: {  	_ =	shalt  }
0x76: {  	_ =	shalt  }
0x77: {  	_ =	shalt  }
0x78: {  	_ =	shalt  }
0x79: {  	_ =	shalt  }
0x7a: {  	_ =	shalt  }
0x7b: {  	_ =	shalt  }
0x7c: {  	_ =	shalt  }
0x7d: {  	_ =	shalt  }
0x7e: {  	_ =	shalt  }
0x7f: {  	_ =	shalt  }
0x80: {  	_ =	shalt  }
0x81: {  	_ =	shalt  }
0x82: {  	_ =	shalt  }
0x83: {  	_ =	shalt  }
0x84: {  	_ =	shalt  }
0x85: {  	_ =	shalt  }
0x86: {  	_ =	shalt  }
0x87: {  	_ =	shalt  }
.Lfunc_end0:
.L_simem_size_0:
called_computation.2_lowered:
.L_overlay_start_0:
0x88: {  	s2 =	sld [smem:$0x3FD9]  }
0x89: {  	s3 =	sld [smem:$0x3FFE];
	_ =	sdelay $0x1  }
0x8a: {  	s1 =	srdreg.scid  }
0x8b: {  	s0 =	sand.u32 $0x1, s1  }
0x8c: {  	s14 =	sshll.u32 s0, $0xA;
	s2 =	sadd.s32 s3, s2  }
0x8d: {  	s2 =	sadd.s32 s2, s14  }
0x8e: {  	[smem:$0x3FBE] =	sst s2  }
0x8f: {  	_ = 	snop  }
0x90: {  	s2 =	sld [smem:$0x3FD0];
	_ =	sdelay $0x2  }
0x91: {  	s15 =	simm.s32 $0xB;
	s4 =	simm.s32 $0x10  }
0x92: {  	[smem:s4], [sflag:s15] =	dma.local [hbm:s2], $0x1  }
0x93: {  	_ =	swait.eq [sflag:s15], $0x1  }
0x94: {  	[sflag:s15] =	ssyncset.done $0x0  }
0x95: {  	s16 =	sld [smem:$0x10];
	[sflag:s15] =	ssyncadd.s32 $0xFFFFFFFF  }
0x96: {  	s17 =	sld [smem:$0x11];
	(tm) =	ssettm $0x1  }
0x97: {  	s18 =	sld [smem:$0x3FFB];
	_ =	sdelay $0x3  }
0x98: {  	_ =	strace s18  }
0x99: {  	s4 =	sld [smem:$0x3FFC];
	_ =	sdelay $0x3  }
0x9a: {  	_ =	strace s4  }
0x9b: {  	s4 =	sld [smem:$0x3FFD];
	_ =	sdelay $0x3  }
0x9c: {  	_ =	strace s4  }
0x9d: {  	_ =	strace $0x8FFFFFFF  }
0x9e: {  	s19 =	sld [smem:$0x3FDB];
	_ =	sdelay $0x1  }
0x9f: {  	s5 =	simm.s32 $_scs_section_size  }
0xa0: {  	s6 =	simm.s32 $_size__tile_overlayer_lowered;
	s7 =	simm.s32 $_tile_overlayer_lowered  }
0xa1: {  	s22 =	simm.s32 $0x1BFF;
	s21 =	sshll.u32 s7, $0x1;
	s4 =	sadd.s32 s5, s19  }
0xa2: {  	s8 =	simm.s32 $0x0;
	s20 =	sshll.u32 s6, $0x1;
	s6 =	sadd.s32 s21, s4  }
0xa3: {  	[timem:s8], [sflag:s22] =	dma.local [hbm:s6], s20  }
0xa4: {  	_ =	swait.ge [sflag:s22], s20  }
0xa5: {  	s5 =	ssub.s32 $0x0, s20;
	[sflag:s22] =	ssyncset.done $0x0  }
0xa6: {  	[sflag:s22] =	ssyncadd.s32 s5;
	_ =	sdelay $0x1  }
0xa7: {  	s23 =	simm.s32 $0x1B8B  }
0xa8: {  	_ =	swait.ge [sflag:s23], $0x1  }
0xa9: {  	[sflag:s23] =	ssyncset.done $0x0  }
0xaa: {  	s25 =	simm.s32 $0x1B8E;
	s24 =	sld [smem:$0x3FFE];
	[sflag:s23] =	ssyncadd.s32 $0xFFFFFFFF  }
0xab: {  	s26 =	simm.s32 $execute0_lowered;
	[smem:$0x3FD2] =	sst s25  }
0xac: {  	s6 =	sshll.u32 s26, $0x1;
	_ =	strace $0x8000004C;
	[dreg:$0x1] =	wrdreg $0xFFFFFFFF  }
0xad: {  	s28 =	simm.s32 $_size_execute0_lowered;
	s4 =	sadd.s32 s4, s6;
	[dreg:$0x0] =	wrdreg $0x0  }
0xae: {  	s6 =	sshll.u32 s28, $0x1;
	[dreg:$0x2] =	wrdreg s4  }
0xaf: {  	[dreg:$0x3] =	wrdreg s6  }
0xb0: {  	[dreg:$0x4] =	wrdreg $0xC0  }
0xb1: {  	_ =	task [dreg:s8], $0x5FFFF  }
0xb2: {  	[dreg:$0x1] =	wrdreg $0xFFFFFFFF  }
0xb3: {  	[dreg:$0x0] =	wrdreg $0x60  }
0xb4: {  	[dreg:$0x2] =	wrdreg s24  }
0xb5: {  	[dreg:$0x3] =	wrdreg s16  }
0xb6: {  	[dreg:$0x4] =	wrdreg s17  }
0xb7: {  	[dreg:$0x5] =	wrdreg $0xA8000  }
0xb8: {  	[dreg:$0x6] =	wrdreg $0x9  }
0xb9: {  	_ =	task.clear_ibuf [dreg:s8], $0x7FFFF;
	_ =	strace $0x9000004C  }
0xba: {  	s29 =	simm.s32 $0x9;
	_ =	strace $0x8000004E  }
0xbb: {  	_ =	swait.ge [sflag:s29], $0x1  }
0xbc: {  	[sflag:s29] =	ssyncadd.s32 $0xFFFFFFFF  }
0xbd: {  	_ =	strace $0x9000004E  }
0xbe: {  	_ =	sfence  }
0xbf: {  	s30 =	sld [smem:$0x0];
	_ =	sdelay $0x2  }
0xc0: {  	s31 =	sshll.u32 s1, $0xD;
	s1 =	sshrl.u32 s1, $0x2  }
0xc1: {  	s3 =	sand.u32 $0x4000, s31;
	s1 =	sadd.s32 s1, s30  }
0xc2: {  	s0 =	sor.u32 s3, s0;
	s1 =	sshll.u32 s1, $0x11  }
0xc3: {  	s0 =	sor.u32 s1, s0  }
0xc4: {  	s0 =	sadd.s32 $0x8F2B, s0  }
0xc5: {  	[sflag:s0] =	ssyncadd.remote.s32 $0x1  }
0xc6: {  	_ =	sfence.sel $0xFFFF  }
0xc7: {  	[dreg:$0x0] =	wrdreg $0xFFFFFFFF;
	(pc) =	sbr.abs _section_cstart, $3  }
0xc8: {  	[dreg:$0x1] =	wrdreg $0xFFFFFFFF  }
0xc9: {  	_ =	task.clear_ibuf [dreg:s8], $0x2FFFF;
	_ =	strace $0x9FFFFFFF  }
0xca: {  	(tm) =	ssettm $0x7FFFFFFF  }
0xcb: {  	_ =	shalt  }
tec
execute0_lowered:
.L_overlay_start_1:
0x0: {  	(tag) =	ssettag $0x1  }
0x1: {  	s5 =	rddreg [dreg:$0x0]  }
0x2: {  	s3 =	rddreg [dreg:$0x1]  }
0x3: {  	s6 =	rddreg [dreg:$0x2]  }
0x4: {  	s0 =	simm.s32 $0x0;
	s7 =	sadd.s32 $0x9D2200, s5;
	s8 =	sadd.s32 $0x761200, s5  }
0x5: {  	[smem:$0x7FF] =	sst s0;
	s9 =	sadd.s32 $0xB0AA00, s5  }
0x6: {  	s1 =	srdreg.scid;
	s11 =	sadd.s32 $0xC43200, s5;
	s12 =	sadd.s32 $0x13A200, s5  }
0x7: {  	s29 =	rddreg [dreg:$0x3];
	s13 =	sadd.s32 $0xD7BA00, s5;
	s14 =	sadd.s32 $0x272A00, s5  }
0x8: {  	s2 =	sand.u32 $0x1, s1;
	s15 =	sadd.s32 $0x899A00, s5;
	s1 =	stileid.u32  }
0x9: {  	s10 =	sadd.s32 $0x1A00, s5;
	s16 =	sadd.s32 $0x8C0C00, s5;
	s18 =	smul.u32 $0x270, s1  }
0xa: {  	s19 =	sadd.s32 $0x8E7E00, s5;
	s4 =	ssub.s32 $0x2, s2;
	s26 =	smul.u32 $0x2780, s1  }
0xb: {  	s20 =	sand.u32 $0x7, s1;
	p0 =	sgt.u32 s1, $0x7;
	p1 =	seq.s32 s2, $0x1  }
0xc: {  	p2 =	seq.s32 s20, $0x7;
	s18 =	sadd.s32 $0x10, s18;
	s22 =	sadd.s32 s6, s26  }
0xd: {  	s2 =	sadd.s32 s3, s26;
	s28 =	sadd.s32 s15, s26;
	[dreg:$0x5] =	wrdreg s22  }
0xe: {  	s24 =	sadd.s32 s19, s26;
	s21 =	sshll.u32 s18, $0x4;
	[dreg:$0x7] =	wrdreg s28  }
0xf: {  	s22 =	sadd.s32 s16, s26;
	[dreg:$0xb] =	wrdreg s24;
	s26 =	smul.u32 $0x28000, s1  }
0x10: {  	s28 =	smul.u32 $0x28000, s20;
	s6 =	sadd.s32 s6, s21;
	[dreg:$0x9] =	wrdreg s22  }
0x11: {  	s3 =	sadd.s32 s3, s21;
	s15 =	sadd.s32 s15, s21;
	[dreg:$0x6] =	wrdreg s6  }
0x12: {  	s23 =	sadd.s32 s16, s21;
	s25 =	sadd.s32 s19, s21;
	[dreg:$0x8] =	wrdreg s15  }
0x13: {  	s16 =	smul.u32 $0x500, s20;
	[dreg:$0xa] =	wrdreg s23;
	s6 =	simm.s32 $0x75EA00  }
0x14: {  	[dreg:$0xc] =	wrdreg s25;
	s21 =	sor.u32 $0x800, s26;
	s15 =	sor.u32 $0x1000, s26  }
0x15: {  	s19 =	sadd.s32 s9, s28;
	s20 =	sadd.s32 s8, s28;
	s6 =	simm.s32 @!p0 $0x75C200  }
0x16: {  	s22 =	sadd.s32 s9, s21;
	s9 =	sadd.s32 s9, s15;
	s23 =	sadd.s32 s13, s21  }
0x17: {  	s24 =	sadd.s32 s13, s15;
	s13 =	sadd.s32 s13, s28;
	[dreg:$0xe] =	wrdreg s22  }
0x18: {  	s15 =	sadd.s32 s7, s28;
	s21 =	sadd.s32 s10, s28;
	[dreg:$0xf] =	wrdreg s9  }
0x19: {  	s5 =	sadd.s32 s6, s5;
	[dreg:$0x10] =	wrdreg s23;
	s9 =	sor.u32 $0x800, s28  }
0x1a: {  	[dreg:$0x11] =	wrdreg s24;
	s6 =	sor.u32 $0x1000, s28;
	s25 =	sadd.s32 s7, s9  }
0x1b: {  	s22 =	sadd.s32 s11, s28;
	s7 =	sadd.s32 s7, s6;
	[dreg:$0x19] =	wrdreg s25  }
0x1c: {  	s23 =	sadd.s32 s12, s28;
	s26 =	sadd.s32 s8, s9;
	[dreg:$0x1a] =	wrdreg s7  }
0x1d: {  	s24 =	sadd.s32 s14, s28;
	s28 =	sadd.s32 s8, s6;
	[dreg:$0x1b] =	wrdreg s26  }
0x1e: {  	s17 =	sshrl.u32 s4, $0x1;
	s8 =	sadd.s32 s10, s9;
	[dreg:$0x1c] =	wrdreg s28  }
0x1f: {  	s4 =	ssub.s32 s4, s17;
	s17 =	sadd.s32 s10, s6;
	[dreg:$0x1d] =	wrdreg s8  }
0x20: {  	s10 =	sadd.s32 s14, s9;
	[dreg:$0x1e] =	wrdreg s17  }
0x21: {  	s5 =	sadd.s32 s5, s16;
	[smem:$0x7F2] =	sst s10  }
0x22: {  	s25 =	sadd.s32 s11, s9;
	[smem:$0x7F4] =	sst s5  }
0x23: {  	s26 =	sadd.s32 s11, s6;
	[dreg:$0x1f] =	wrdreg s25  }
0x24: {  	s28 =	sadd.s32 s12, s9;
	[smem:$0x7EF] =	sst s26  }
0x25: {  	s8 =	sadd.s32 s12, s6;
	[smem:$0x7F0] =	sst s28  }
0x26: {  	s6 =	sadd.s32 s14, s6;
	[smem:$0x7F1] =	sst s8  }
0x27: {  	s4 =	smax.u32 s4, $0x1;
	[smem:$0x7F3] =	sst s6  }
0x28: {  	_ =	strace $0x8000004D;
	[smem:$0x7F5] =	sst s4  }
0x29: {  	s16 =	sadd.s32 $0x1800, s15;
	[dreg:$0x13] =	wrdreg s15  }
0x2a: {  	[smem:$0x7F6] =	sst s16  }
0x2b: {  	s14 =	sshll.u32 s18, $0x7;
	s18 =	sadd.s32 $0x1800, s20;
	[dreg:$0x14] =	wrdreg s20  }
0x2c: {  	[smem:$0x7F7] =	sst s18  }
0x2d: {  	s30 =	simm.s32 $0x41;
	s31 =	simm.s32 $0x2800;
	[dreg:$0xd] =	wrdreg s19  }
0x2e: {  	p3 =	slt.u32 s1, $0x8;
	s30 =	simm.s32 @!p2 $0x50;
	[dreg:$0x15] =	wrdreg s21  }
0x2f: {  	p2 =	sgt.u32 s1, $0x1;
	s11 =	smul.u32 $0x4F000, s1;
	[dreg:$0x16] =	wrdreg s22  }
0x30: {  	s5 =	simm.s32 $0x3;
	s25 =	sadd.s32 $0x1800, s23;
	[dreg:$0x17] =	wrdreg s23  }
0x31: {  	s7 =	simm.s32 $0x0;
	s17 =	sadd.s32 s14, s29;
	[smem:$0x7FB] =	sst s25  }
0x32: {  	s26 =	sadd.s32 $0x1800, s13;
	s28 =	sadd.s32 $0x1800, s24;
	[dreg:$0x12] =	wrdreg s13  }
0x33: {  	s6 =	simm.s32 $0x4;
	s12 =	sshrl.u32 s11, $0x2;
	[smem:$0x7FC] =	sst s26  }
.Ltmp0:
0x34: {  	s20 =	sadd.s32 $0x1800, s19;
	[dreg:$0x18] =	wrdreg s24;
	(pc) =	sbr.rel .LBB2_1-.Ltmp0, $4  }
0x35: {  	s21 =	sadd.s32 $0x1800, s21;
	s22 =	sadd.s32 $0x1800, s22;
	[smem:$0x7FD] =	sst s28  }
0x36: {  	s25 =	simm.s32 $0x5;
	s13 =	simm.s32 $0x1;
	[smem:$0x7F8] =	sst s20  }
0x37: {  	s18 =	simm.s32 $0x80;
	s4 =	simm.s32 $0x2;
	[smem:$0x7F9] =	sst s21  }
0x38: {  	s12 =	sadd.s32 s12, s29;
	[smem:$0x7FA] =	sst s22;
	s21 =	simm.s32 $0x6800  }
.LBB2_34:
0x39: {  	[sflag:s24] =	ssyncadd.s32 @!p5 $0xFFFFC000  }
0x3a: {  	[tilespmem:s26], [sflag:$0x1] =	stream.linear.gather @!p5 [hbm4b:s19+s16], $0x4000, $0x38;
	[tilespmem:$0x1E080] =	vst v63  }
.LBB2_35:
0x3b: {  	_ =	swait.ge [sflag:s5], $0x4000  }
0x3c: {  	[sflag:s5] =	ssyncset.done $0x0  }
0x3d: {  	[sflag:s5] =	ssyncadd.s32 $0xFFFFC000  }
0x3e: {  	_ =	swait.ge [sflag:s6], $0x4000  }
0x3f: {  	[sflag:s6] =	ssyncset.done $0x0  }
0x40: {  	[sflag:s6] =	ssyncadd.s32 $0xFFFFC000  }
0x41: {  	[bflag:$0x0] =	sbarrier.arrive $0xFFFF  }
0x42: {  	s14 =	rddreg [dreg:$0xc]  }
0x43: {  	[hbm:s14], [sflag:s11] =	dma.local @p2 [spmem:s9], $0x2700  }
0x44: {  	s9 =	simm.s32 @p2 $0x5  }
0x45: {  	_ =	swait.ge @p2 [sflag:s9], $0x2700  }
0x46: {  	[sflag:s9] =	ssyncset.done @p2 $0x0  }
0x47: {  	[sflag:s9] =	ssyncadd.s32 @p2 $0xFFFFD900;
	s9 =	rddreg [dreg:$0xb]  }
0x48: {  	[hbm:s9], [sflag:s10] =	dma.local @!p2 [spmem:s8], $0x2780  }
0x49: {  	s8 =	simm.s32 @!p2 $0x5  }
0x4a: {  	_ =	swait.ge @!p2 [sflag:s8], $0x2780  }
0x4b: {  	[sflag:s8] =	ssyncset.done @!p2 $0x0  }
0x4c: {  	[sflag:s8] =	ssyncadd.s32 @!p2 $0xFFFFD880  }
.LBB2_36:
0x4d: {  	s8 =	sld [smem:$0x7F5];
	_ =	sdelay $0x1  }
0x4e: {  	s7 =	sadd.s32 $0x1, s7  }
0x4f: {  	p4 =	sne.s32 s7, s8  }
.Ltmp1:
0x50: {  	_ = 	snop;
	(pc) =	sbr.rel @!p4 .LBB2_37-.Ltmp1, $2  }
0x51: {  	_ =	sdelay $0x1  }
0x52: {  	[bflag:$0x0] =	sbarrier.arrive $0xFFFF;
	_ =	sdelay $0x1  }
.LBB2_1:
0x53: {  	s8 =	sld [smem:$0x7F4];
	_ =	sdelay $0x1  }
.Ltmp2:
0x54: {  	_ = 	snop;
	(pc) =	sbr.rel @!p1 .LBB2_2-.Ltmp2, $4  }
0x55: {  	[tilespmem:s0], [sflag:$0x5] =	stream.linear.gather [hbm4b:s8+s0], $0x2800, $0x38;
	[tilespmem:$0x1E080] =	vst v63  }
0x56: {  	s11 =	sshll.u32 @p2 s1, $0x6;
	s9 =	sshrl.u32 @p2 s17, $0x3;
	_ =	swait.ge [sflag:s25], $0x2800  }
0x57: {  	s10 =	sshll.u32 @!p2 s1, $0x6;
	s14 =	sshll.u32 s1, $0x6;
	[sflag:s25] =	ssyncset.done $0x0  }
0x58: {  	s14 =	sor.u32 $0x1C05, s14;
	s8 =	sshrl.u32 @!p2 s12, $0x3;
	[sflag:s25] =	ssyncadd.s32 $0xFFFFD800  }
.Ltmp3:
0x59: {  	(pc) =	sbr.rel @!p2 .LBB2_20-.Ltmp3, $1  }
0x5a: {  	_ =	sdelay $0x3  }
0x5b: {  	s15 =	sshrl.u32 s17, $0x3  }
0x5c: {  	[spmem:s15], [sflag:s14] =	dma.local [hbm:s3], $0x2700  }
.Ltmp4:
0x5d: {  	_ =	swait.ge [sflag:s25], $0x2700;
	(pc) =	sbr.rel @p0 .LBB2_25-.Ltmp4, $4  }
.Ltmp5:
0x5e: {  	[sflag:s25] =	ssyncset.done $0x0;
	(pc) =	sbr.rel @!p0 .LBB2_22-.Ltmp5, $4  }
0x5f: {  	[sflag:s25] =	ssyncadd.s32 $0xFFFFD900  }
0x60: {  	[bflag:$0x0] =	sbarrier.arrive $0xFFFF  }
0x61: {  	_ = 	snop  }
0x62: {  	_ = 	snop  }
.LBB2_2:
.Ltmp6:
0x63: {  	(pc) =	sbr.rel @!p2 .LBB2_3-.Ltmp6, $1  }
0x64: {  	_ =	sdelay $0x3  }
0x65: {  	s16 =	sshrl.u32 s17, $0x3  }
0x66: {  	[spmem:s16], [sflag:s14] =	dma.local [hbm:s3], $0x2700  }
.Ltmp7:
0x67: {  	_ =	swait.ge [sflag:s25], $0x2700;
	(pc) =	sbr.rel @p0 .LBB2_8-.Ltmp7, $4  }
.Ltmp8:
0x68: {  	[sflag:s25] =	ssyncset.done $0x0;
	(pc) =	sbr.rel @!p0 .LBB2_5-.Ltmp8, $4  }
0x69: {  	[sflag:s25] =	ssyncadd.s32 $0xFFFFD900  }
0x6a: {  	[bflag:$0x0] =	sbarrier.arrive $0xFFFF  }
0x6b: {  	_ = 	snop  }
0x6c: {  	_ = 	snop  }
.LBB2_20:
0x6d: {  	s15 =	sshrl.u32 s12, $0x3  }
0x6e: {  	[spmem:s15], [sflag:s14] =	dma.local [hbm:s2], $0x2780  }
0x6f: {  	_ =	swait.ge [sflag:s25], $0x2780  }
0x70: {  	[sflag:s25] =	ssyncset.done $0x0  }
0x71: {  	[sflag:s25] =	ssyncadd.s32 $0xFFFFD880  }
0x72: {  	[bflag:$0x0] =	sbarrier.arrive $0xFFFF  }
.LBB2_22:
0x73: {  	s14 =	rddreg [dreg:$0x16]  }
0x74: {  	[tilespmem:s31], [sflag:$0x1] =	stream.linear.gather [hbm4b:s14+s0], $0x4000, $0x38;
	[tilespmem:$0x1E080] =	vst v63  }
0x75: {  	_ =	swait.ge [sflag:s13], $0x4000  }
0x76: {  	[sflag:s13] =	ssyncset.done $0x0  }
0x77: {  	[sflag:s13] =	ssyncadd.s32 $0xFFFFC000  }
0x78: {  	[spmem:s29] =	stream.indirect.scatter.add.f32 [tilespmem:s31], [sflag:$0x3], $0x80, s0, s18, $0xb8;
	[tilespmem:$0x1E080] =	vst v63  }
0x79: {  	s24 =	rddreg [dreg:$0x1f]  }
0x7a: {  	[tilespmem:s21], [sflag:$0x2] =	stream.linear.gather [hbm4b:s24+s0], $0x4000, $0x38;
	[tilespmem:$0x1E080] =	vst v63  }
0x7b: {  	_ =	swait.ge [sflag:s4], $0x4000  }
0x7c: {  	[sflag:s4] =	ssyncset.done $0x0  }
0x7d: {  	[sflag:s4] =	ssyncadd.s32 $0xFFFFC000  }
0x7e: {  	[spmem:s29] =	stream.indirect.scatter.add.f32 [tilespmem:s21], [sflag:$0x4], $0x80, s18, s18, $0xb8;
	[tilespmem:$0x1E080] =	vst v63  }
0x7f: {  	_ =	swait.ge [sflag:s5], $0x4000  }
0x80: {  	s26 =	sld [smem:$0x7EF]  }
0x81: {  	p4 =	sle.u32 s30, $0x2;
	[sflag:s5] =	ssyncset.done $0x0  }
0x82: {  	s14 =	simm.s32 @!p4 $0x1;
	[sflag:s5] =	ssyncadd.s32 $0xFFFFC000  }
0x83: {  	[tilespmem:s31], [sflag:$0x1] =	stream.linear.gather [hbm4b:s26+s0], $0x4000, $0x38;
	[tilespmem:$0x1E080] =	vst v63  }
0x84: {  	s15 =	simm.s32 $0x100;
	p5 =	sle.u32 @!p4 s30, $0x3;
	_ =	swait.ge @!p4 [sflag:s14], $0x4000  }
0x85: {  	s16 =	simm.s32 @!p4 $0x2800;
	p5 =	por p5, p4;
	[sflag:s14] =	ssyncset.done @!p4 $0x0  }
0x86: {  	s19 =	simm.s32 @!p5 $0x4;
	[sflag:s14] =	ssyncadd.s32 @!p4 $0xFFFFC000;
	s14 =	simm.s32 @!p4 $0x80  }
0x87: {  	[spmem:s29] =	stream.indirect.scatter.add.f32 @!p4 [tilespmem:s16], [sflag:$0x3], $0x80, s15, s14, $0xb8;
	[tilespmem:$0x1E080] =	vst v63  }
0x88: {  	_ =	swait.ge @!p5 [sflag:s19], $0x4000  }
0x89: {  	s20 =	sld [smem:$0x7FA]  }
0x8a: {  	s14 =	simm.s32 @!p5 $0x6800;
	[sflag:s19] =	ssyncset.done @!p5 $0x0  }
0x8b: {  	s15 =	simm.s32 @!p5 $0x0;
	p4 =	sle.u32 s30, $0x3;
	[sflag:s19] =	ssyncadd.s32 @!p5 $0xFFFFC000  }
0x8c: {  	[tilespmem:s14], [sflag:$0x2] =	stream.linear.gather @!p5 [hbm4b:s20+s15], $0x4000, $0x38;
	[tilespmem:$0x1E080] =	vst v63  }
0x8d: {  	s28 =	simm.s32 $0x6;
	s22 =	simm.s32 $0x200;
	s14 =	simm.s32 @!p4 $0x2  }
0x8e: {  	s16 =	simm.s32 @!p4 $0x6800;
	p5 =	sle.u32 @!p4 s30, $0x4;
	_ =	swait.ge @!p4 [sflag:s14], $0x4000  }
0x8f: {  	s19 =	simm.s32 @!p4 $0x180;
	p5 =	por p5, p4;
	[sflag:s14] =	ssyncset.done @!p4 $0x0  }
0x90: {  	s15 =	simm.s32 @!p4 $0x80;
	s24 =	simm.s32 @!p5 $0x3;
	[sflag:s14] =	ssyncadd.s32 @!p4 $0xFFFFC000  }
0x91: {  	[spmem:s29] =	stream.indirect.scatter.add.f32 @!p4 [tilespmem:s16], [sflag:$0x4], $0x80, s19, s15, $0xb8;
	[tilespmem:$0x1E080] =	vst v63  }
0x92: {  	s26 =	simm.s32 @!p5 $0x2800;
	s14 =	sadd.s32 $0x1000, s20;
	_ =	swait.ge @!p5 [sflag:s24], $0x4000  }
0x93: {  	s19 =	sadd.s32 @!p5 $0x800, s20;
	s16 =	simm.s32 @!p5 $0x0;
	[sflag:s24] =	ssyncset.done @!p5 $0x0  }
.LBB2_23:
0x94: {  	s15 =	sadd.s32 $0xFFFFFFFE, s28;
	[sflag:s24] =	ssyncadd.s32 @!p5 $0xFFFFC000  }
0x95: {  	s20 =	smov.u32 s28;
	s28 =	sadd.s32 $0x2, s28;
	s23 =	smov.u32 s14  }
0x96: {  	[tilespmem:s26], [sflag:$0x1] =	stream.linear.gather @!p5 [hbm4b:s19+s16], $0x4000, $0x38;
	[tilespmem:$0x1E080] =	vst v63  }
0x97: {  	p6 =	sge.u32 s15, s30;
	p4 =	sne.s32 s28, $0x52  }
0x98: {  	s15 =	simm.s32 @!p6 $0x1;
	s16 =	sadd.s32 @!p6 $0xFFFFFFFF, s20  }
0x99: {  	p5 =	sge.u32 @!p6 s16, s30;
	_ =	swait.ge @!p6 [sflag:s15], $0x4000  }
0x9a: {  	s16 =	simm.s32 @!p6 $0x2800;
	p5 =	por p5, p6;
	[sflag:s15] =	ssyncset.done @!p6 $0x0  }
0x9b: {  	s19 =	simm.s32 @!p5 $0x4;
	[sflag:s15] =	ssyncadd.s32 @!p6 $0xFFFFC000;
	s15 =	simm.s32 @!p6 $0x80  }
0x9c: {  	[spmem:s29] =	stream.indirect.scatter.add.f32 @!p6 [tilespmem:s16], [sflag:$0x3], $0x80, s22, s15, $0xb8;
	[tilespmem:$0x1E080] =	vst v63  }
0x9d: {  	_ =	swait.ge @!p5 [sflag:s19], $0x4000  }
0x9e: {  	s15 =	simm.s32 @!p5 $0x6800;
	s16 =	sadd.s32 $0xFFFFFFFF, s20;
	[sflag:s19] =	ssyncset.done @!p5 $0x0  }
0x9f: {  	p6 =	sge.u32 s16, s30;
	[sflag:s19] =	ssyncadd.s32 @!p5 $0xFFFFC000;
	s19 =	simm.s32 @!p5 $0x0  }
0xa0: {  	[tilespmem:s15], [sflag:$0x2] =	stream.linear.gather @!p5 [hbm4b:s14+s19], $0x4000, $0x38;
	[tilespmem:$0x1E080] =	vst v63  }
0xa1: {  	s16 =	simm.s32 @!p6 $0x80;
	s15 =	simm.s32 @!p6 $0x2;
	p5 =	sge.u32 @!p6 s20, s30  }
0xa2: {  	s19 =	simm.s32 @!p6 $0x6800;
	s20 =	sadd.s32 @!p6 $0x80, s22;
	_ =	swait.ge @!p6 [sflag:s15], $0x4000  }
.Ltmp9:
0xa3: {  	p5 =	por p5, p6;
	[sflag:s15] =	ssyncset.done @!p6 $0x0;
	(pc) =	sbr.rel @p4 .LBB2_23-.Ltmp9, $4  }
0xa4: {  	s14 =	sadd.s32 $0x1000, s14;
	s24 =	simm.s32 @!p5 $0x3;
	[sflag:s15] =	ssyncadd.s32 @!p6 $0xFFFFC000  }
0xa5: {  	[spmem:s29] =	stream.indirect.scatter.add.f32 @!p6 [tilespmem:s19], [sflag:$0x4], $0x80, s20, s16, $0xb8;
	[tilespmem:$0x1E080] =	vst v63  }
0xa6: {  	s22 =	sadd.s32 $0x100, s22;
	s26 =	simm.s32 @!p5 $0x2800;
	_ =	swait.ge @!p5 [sflag:s24], $0x4000  }
0xa7: {  	s19 =	sadd.s32 @!p5 $0x800, s23;
	s16 =	simm.s32 @!p5 $0x0;
	[sflag:s24] =	ssyncset.done @!p5 $0x0  }
0xa8: {  	[sflag:s24] =	ssyncadd.s32 @!p5 $0xFFFFC000  }
0xa9: {  	[tilespmem:s26], [sflag:$0x1] =	stream.linear.gather @!p5 [hbm4b:s19+s16], $0x4000, $0x38;
	[tilespmem:$0x1E080] =	vst v63  }
0xaa: {  	_ =	swait.ge [sflag:s5], $0x4000  }
.Ltmp10:
0xab: {  	[sflag:s5] =	ssyncset.done $0x0;
	(pc) =	sbr.rel @p3 .LBB2_28-.Ltmp10, $4  }
0xac: {  	[sflag:s5] =	ssyncadd.s32 $0xFFFFC000  }
0xad: {  	_ =	swait.ge [sflag:s6], $0x4000  }
0xae: {  	[sflag:s6] =	ssyncset.done $0x0  }
0xaf: {  	[sflag:s6] =	ssyncadd.s32 $0xFFFFC000  }
.LBB2_25:
0xb0: {  	s14 =	rddreg [dreg:$0x17]  }
0xb1: {  	[tilespmem:s31], [sflag:$0x1] =	stream.linear.gather [hbm4b:s14+s0], $0x4000, $0x38;
	[tilespmem:$0x1E080] =	vst v63  }
0xb2: {  	_ =	swait.ge [sflag:s13], $0x4000  }
0xb3: {  	[sflag:s13] =	ssyncset.done $0x0  }
0xb4: {  	s24 =	sld [smem:$0x7F0];
	[sflag:s13] =	ssyncadd.s32 $0xFFFFC000  }
0xb5: {  	[spmem:s29] =	stream.indirect.scatter.add.f32 [tilespmem:s31], [sflag:$0x3], $0x80, s0, s18, $0xb8;
	[tilespmem:$0x1E080] =	vst v63  }
0xb6: {  	_ = 	snop  }
0xb7: {  	[tilespmem:s21], [sflag:$0x2] =	stream.linear.gather [hbm4b:s24+s0], $0x4000, $0x38;
	[tilespmem:$0x1E080] =	vst v63  }
0xb8: {  	_ =	swait.ge [sflag:s4], $0x4000  }
0xb9: {  	[sflag:s4] =	ssyncset.done $0x0  }
0xba: {  	[sflag:s4] =	ssyncadd.s32 $0xFFFFC000  }
0xbb: {  	[spmem:s29] =	stream.indirect.scatter.add.f32 [tilespmem:s21], [sflag:$0x4], $0x80, s18, s18, $0xb8;
	[tilespmem:$0x1E080] =	vst v63  }
0xbc: {  	_ =	swait.ge [sflag:s5], $0x4000  }
0xbd: {  	s26 =	sld [smem:$0x7F1]  }
0xbe: {  	p4 =	sle.u32 s30, $0x2;
	[sflag:s5] =	ssyncset.done $0x0  }
0xbf: {  	s14 =	simm.s32 @!p4 $0x1;
	[sflag:s5] =	ssyncadd.s32 $0xFFFFC000  }
0xc0: {  	[tilespmem:s31], [sflag:$0x1] =	stream.linear.gather [hbm4b:s26+s0], $0x4000, $0x38;
	[tilespmem:$0x1E080] =	vst v63  }
0xc1: {  	s15 =	simm.s32 $0x100;
	p5 =	sle.u32 @!p4 s30, $0x3;
	_ =	swait.ge @!p4 [sflag:s14], $0x4000  }
0xc2: {  	s16 =	simm.s32 @!p4 $0x2800;
	p5 =	por p5, p4;
	[sflag:s14] =	ssyncset.done @!p4 $0x0  }
0xc3: {  	s19 =	simm.s32 @!p5 $0x4;
	[sflag:s14] =	ssyncadd.s32 @!p4 $0xFFFFC000;
	s14 =	simm.s32 @!p4 $0x80  }
0xc4: {  	[spmem:s29] =	stream.indirect.scatter.add.f32 @!p4 [tilespmem:s16], [sflag:$0x3], $0x80, s15, s14, $0xb8;
	[tilespmem:$0x1E080] =	vst v63  }
0xc5: {  	_ =	swait.ge @!p5 [sflag:s19], $0x4000  }
0xc6: {  	s20 =	sld [smem:$0x7FB]  }
0xc7: {  	s14 =	simm.s32 @!p5 $0x6800;
	[sflag:s19] =	ssyncset.done @!p5 $0x0  }
0xc8: {  	s15 =	simm.s32 @!p5 $0x0;
	p4 =	sle.u32 s30, $0x3;
	[sflag:s19] =	ssyncadd.s32 @!p5 $0xFFFFC000  }
0xc9: {  	[tilespmem:s14], [sflag:$0x2] =	stream.linear.gather @!p5 [hbm4b:s20+s15], $0x4000, $0x38;
	[tilespmem:$0x1E080] =	vst v63  }
0xca: {  	s28 =	simm.s32 $0x6;
	s22 =	simm.s32 $0x200;
	s14 =	simm.s32 @!p4 $0x2  }
0xcb: {  	s16 =	simm.s32 @!p4 $0x6800;
	p5 =	sle.u32 @!p4 s30, $0x4;
	_ =	swait.ge @!p4 [sflag:s14], $0x4000  }
0xcc: {  	s19 =	simm.s32 @!p4 $0x180;
	p5 =	por p5, p4;
	[sflag:s14] =	ssyncset.done @!p4 $0x0  }
0xcd: {  	s15 =	simm.s32 @!p4 $0x80;
	s24 =	simm.s32 @!p5 $0x3;
	[sflag:s14] =	ssyncadd.s32 @!p4 $0xFFFFC000  }
0xce: {  	[spmem:s29] =	stream.indirect.scatter.add.f32 @!p4 [tilespmem:s16], [sflag:$0x4], $0x80, s19, s15, $0xb8;
	[tilespmem:$0x1E080] =	vst v63  }
0xcf: {  	s26 =	simm.s32 @!p5 $0x2800;
	s14 =	sadd.s32 $0x1000, s20;
	_ =	swait.ge @!p5 [sflag:s24], $0x4000  }
0xd0: {  	s19 =	sadd.s32 @!p5 $0x800, s20;
	s16 =	simm.s32 @!p5 $0x0;
	[sflag:s24] =	ssyncset.done @!p5 $0x0  }
.LBB2_26:
0xd1: {  	s15 =	sadd.s32 $0xFFFFFFFE, s28;
	[sflag:s24] =	ssyncadd.s32 @!p5 $0xFFFFC000  }
0xd2: {  	s20 =	smov.u32 s28;
	s28 =	sadd.s32 $0x2, s28;
	s23 =	smov.u32 s14  }
0xd3: {  	[tilespmem:s26], [sflag:$0x1] =	stream.linear.gather @!p5 [hbm4b:s19+s16], $0x4000, $0x38;
	[tilespmem:$0x1E080] =	vst v63  }
0xd4: {  	p6 =	sge.u32 s15, s30;
	p4 =	sne.s32 s28, $0x52  }
0xd5: {  	s15 =	simm.s32 @!p6 $0x1;
	s16 =	sadd.s32 @!p6 $0xFFFFFFFF, s20  }
0xd6: {  	p5 =	sge.u32 @!p6 s16, s30;
	_ =	swait.ge @!p6 [sflag:s15], $0x4000  }
0xd7: {  	s16 =	simm.s32 @!p6 $0x2800;
	p5 =	por p5, p6;
	[sflag:s15] =	ssyncset.done @!p6 $0x0  }
0xd8: {  	s19 =	simm.s32 @!p5 $0x4;
	[sflag:s15] =	ssyncadd.s32 @!p6 $0xFFFFC000;
	s15 =	simm.s32 @!p6 $0x80  }
0xd9: {  	[spmem:s29] =	stream.indirect.scatter.add.f32 @!p6 [tilespmem:s16], [sflag:$0x3], $0x80, s22, s15, $0xb8;
	[tilespmem:$0x1E080] =	vst v63  }
0xda: {  	_ =	swait.ge @!p5 [sflag:s19], $0x4000  }
0xdb: {  	s15 =	simm.s32 @!p5 $0x6800;
	s16 =	sadd.s32 $0xFFFFFFFF, s20;
	[sflag:s19] =	ssyncset.done @!p5 $0x0  }
0xdc: {  	p6 =	sge.u32 s16, s30;
	[sflag:s19] =	ssyncadd.s32 @!p5 $0xFFFFC000;
	s19 =	simm.s32 @!p5 $0x0  }
0xdd: {  	[tilespmem:s15], [sflag:$0x2] =	stream.linear.gather @!p5 [hbm4b:s14+s19], $0x4000, $0x38;
	[tilespmem:$0x1E080] =	vst v63  }
0xde: {  	s16 =	simm.s32 @!p6 $0x80;
	s15 =	simm.s32 @!p6 $0x2;
	p5 =	sge.u32 @!p6 s20, s30  }
0xdf: {  	s19 =	simm.s32 @!p6 $0x6800;
	s20 =	sadd.s32 @!p6 $0x80, s22;
	_ =	swait.ge @!p6 [sflag:s15], $0x4000  }
.Ltmp11:
0xe0: {  	p5 =	por p5, p6;
	[sflag:s15] =	ssyncset.done @!p6 $0x0;
	(pc) =	sbr.rel @p4 .LBB2_26-.Ltmp11, $4  }
0xe1: {  	s14 =	sadd.s32 $0x1000, s14;
	s24 =	simm.s32 @!p5 $0x3;
	[sflag:s15] =	ssyncadd.s32 @!p6 $0xFFFFC000  }
0xe2: {  	[spmem:s29] =	stream.indirect.scatter.add.f32 @!p6 [tilespmem:s19], [sflag:$0x4], $0x80, s20, s16, $0xb8;
	[tilespmem:$0x1E080] =	vst v63  }
0xe3: {  	s22 =	sadd.s32 $0x100, s22;
	s26 =	simm.s32 @!p5 $0x2800;
	_ =	swait.ge @!p5 [sflag:s24], $0x4000  }
0xe4: {  	s19 =	sadd.s32 @!p5 $0x800, s23;
	s16 =	simm.s32 @!p5 $0x0;
	[sflag:s24] =	ssyncset.done @!p5 $0x0  }
0xe5: {  	[sflag:s24] =	ssyncadd.s32 @!p5 $0xFFFFC000  }
0xe6: {  	[tilespmem:s26], [sflag:$0x1] =	stream.linear.gather @!p5 [hbm4b:s19+s16], $0x4000, $0x38;
	[tilespmem:$0x1E080] =	vst v63  }
0xe7: {  	_ =	swait.ge [sflag:s5], $0x4000  }
0xe8: {  	[sflag:s5] =	ssyncset.done $0x0  }
0xe9: {  	[sflag:s5] =	ssyncadd.s32 $0xFFFFC000  }
0xea: {  	_ =	swait.ge [sflag:s6], $0x4000  }
0xeb: {  	[sflag:s6] =	ssyncset.done $0x0  }
0xec: {  	[sflag:s6] =	ssyncadd.s32 $0xFFFFC000  }
.LBB2_28:
0xed: {  	[bflag:$0x0] =	sbarrier.arrive $0xFFFF  }
0xee: {  	s11 =	sor.u32 @p2 $0x1C05, s11;
	s14 =	rddreg [dreg:$0xa]  }
0xef: {  	[hbm:s14], [sflag:s11] =	dma.local @p2 [spmem:s9], $0x2700  }
0xf0: {  	s14 =	simm.s32 @p2 $0x5  }
0xf1: {  	_ =	swait.ge @p2 [sflag:s14], $0x2700  }
0xf2: {  	[sflag:s14] =	ssyncset.done @p2 $0x0  }
0xf3: {  	[sflag:s14] =	ssyncadd.s32 @p2 $0xFFFFD900  }
0xf4: {  	[bflag:$0x0] =	sbarrier.arrive @p2 $0xFFFF  }
0xf5: {  	[spmem:s9], [sflag:s11] =	dma.local @p2 [hbm:s3], $0x2700  }
0xf6: {  	_ =	swait.ge @p2 [sflag:s14], $0x2700  }
0xf7: {  	[sflag:s14] =	ssyncset.done @p2 $0x0  }
0xf8: {  	s10 =	sor.u32 @!p2 $0x1C05, s10;
	[sflag:s14] =	ssyncadd.s32 @p2 $0xFFFFD900;
	s14 =	rddreg [dreg:$0x9]  }
0xf9: {  	[hbm:s14], [sflag:s10] =	dma.local @!p2 [spmem:s8], $0x2780  }
0xfa: {  	s14 =	simm.s32 @!p2 $0x5  }
0xfb: {  	_ =	swait.ge @!p2 [sflag:s14], $0x2780  }
0xfc: {  	[sflag:s14] =	ssyncset.done @!p2 $0x0  }
0xfd: {  	[sflag:s14] =	ssyncadd.s32 @!p2 $0xFFFFD880  }
0xfe: {  	[bflag:$0x0] =	sbarrier.arrive @!p2 $0xFFFF  }
0xff: {  	[spmem:s8], [sflag:s10] =	dma.local @!p2 [hbm:s2], $0x2780  }
.Ltmp12:
0x100: {  	_ =	swait.ge @!p2 [sflag:s14], $0x2780;
	(pc) =	sbr.rel @!p0 .LBB2_29-.Ltmp12, $3  }
0x101: {  	[sflag:s14] =	ssyncset.done @!p2 $0x0  }
0x102: {  	[sflag:s14] =	ssyncadd.s32 @!p2 $0xFFFFD880  }
0x103: {  	[bflag:$0x0] =	sbarrier.arrive $0xFFFF;
	_ =	sdelay $0x1  }
0x104: {  	s14 =	rddreg [dreg:$0x18]  }
0x105: {  	[tilespmem:s31], [sflag:$0x1] =	stream.linear.gather [hbm4b:s14+s0], $0x4000, $0x38;
	[tilespmem:$0x1E080] =	vst v63  }
0x106: {  	_ =	swait.ge [sflag:s13], $0x4000  }
0x107: {  	[sflag:s13] =	ssyncset.done $0x0  }
0x108: {  	s24 =	sld [smem:$0x7F2];
	[sflag:s13] =	ssyncadd.s32 $0xFFFFC000  }
0x109: {  	[spmem:s29] =	stream.indirect.scatter.add.f32 [tilespmem:s31], [sflag:$0x3], $0x80, s0, s18, $0xb8;
	[tilespmem:$0x1E080] =	vst v63  }
0x10a: {  	_ = 	snop  }
0x10b: {  	[tilespmem:s21], [sflag:$0x2] =	stream.linear.gather [hbm4b:s24+s0], $0x4000, $0x38;
	[tilespmem:$0x1E080] =	vst v63  }
0x10c: {  	_ =	swait.ge [sflag:s4], $0x4000  }
0x10d: {  	[sflag:s4] =	ssyncset.done $0x0  }
0x10e: {  	[sflag:s4] =	ssyncadd.s32 $0xFFFFC000  }
0x10f: {  	[spmem:s29] =	stream.indirect.scatter.add.f32 [tilespmem:s21], [sflag:$0x4], $0x80, s18, s18, $0xb8;
	[tilespmem:$0x1E080] =	vst v63  }
0x110: {  	_ =	swait.ge [sflag:s5], $0x4000  }
0x111: {  	s26 =	sld [smem:$0x7F3]  }
0x112: {  	p4 =	sle.u32 s30, $0x2;
	[sflag:s5] =	ssyncset.done $0x0  }
0x113: {  	s14 =	simm.s32 @!p4 $0x1;
	[sflag:s5] =	ssyncadd.s32 $0xFFFFC000  }
0x114: {  	[tilespmem:s31], [sflag:$0x1] =	stream.linear.gather [hbm4b:s26+s0], $0x4000, $0x38;
	[tilespmem:$0x1E080] =	vst v63  }
0x115: {  	s15 =	simm.s32 $0x100;
	p5 =	sle.u32 @!p4 s30, $0x3;
	_ =	swait.ge @!p4 [sflag:s14], $0x4000  }
0x116: {  	s16 =	simm.s32 @!p4 $0x2800;
	p5 =	por p5, p4;
	[sflag:s14] =	ssyncset.done @!p4 $0x0  }
0x117: {  	s19 =	simm.s32 @!p5 $0x4;
	[sflag:s14] =	ssyncadd.s32 @!p4 $0xFFFFC000;
	s14 =	simm.s32 @!p4 $0x80  }
0x118: {  	[spmem:s29] =	stream.indirect.scatter.add.f32 @!p4 [tilespmem:s16], [sflag:$0x3], $0x80, s15, s14, $0xb8;
	[tilespmem:$0x1E080] =	vst v63  }
0x119: {  	_ =	swait.ge @!p5 [sflag:s19], $0x4000  }
0x11a: {  	s20 =	sld [smem:$0x7FD]  }
0x11b: {  	s14 =	simm.s32 @!p5 $0x6800;
	[sflag:s19] =	ssyncset.done @!p5 $0x0  }
0x11c: {  	s15 =	simm.s32 @!p5 $0x0;
	p4 =	sle.u32 s30, $0x3;
	[sflag:s19] =	ssyncadd.s32 @!p5 $0xFFFFC000  }
0x11d: {  	[tilespmem:s14], [sflag:$0x2] =	stream.linear.gather @!p5 [hbm4b:s20+s15], $0x4000, $0x38;
	[tilespmem:$0x1E080] =	vst v63  }
0x11e: {  	s28 =	simm.s32 $0x6;
	s22 =	simm.s32 $0x200;
	s14 =	simm.s32 @!p4 $0x2  }
0x11f: {  	s16 =	simm.s32 @!p4 $0x6800;
	p5 =	sle.u32 @!p4 s30, $0x4;
	_ =	swait.ge @!p4 [sflag:s14], $0x4000  }
0x120: {  	s19 =	simm.s32 @!p4 $0x180;
	p5 =	por p5, p4;
	[sflag:s14] =	ssyncset.done @!p4 $0x0  }
0x121: {  	s15 =	simm.s32 @!p4 $0x80;
	s24 =	simm.s32 @!p5 $0x3;
	[sflag:s14] =	ssyncadd.s32 @!p4 $0xFFFFC000  }
0x122: {  	[spmem:s29] =	stream.indirect.scatter.add.f32 @!p4 [tilespmem:s16], [sflag:$0x4], $0x80, s19, s15, $0xb8;
	[tilespmem:$0x1E080] =	vst v63  }
0x123: {  	s26 =	simm.s32 @!p5 $0x2800;
	s14 =	sadd.s32 $0x1000, s20;
	_ =	swait.ge @!p5 [sflag:s24], $0x4000  }
0x124: {  	s19 =	sadd.s32 @!p5 $0x800, s20;
	s16 =	simm.s32 @!p5 $0x0;
	[sflag:s24] =	ssyncset.done @!p5 $0x0  }
.LBB2_33:
0x125: {  	s15 =	sadd.s32 $0xFFFFFFFE, s28;
	[sflag:s24] =	ssyncadd.s32 @!p5 $0xFFFFC000  }
0x126: {  	s20 =	smov.u32 s28;
	s28 =	sadd.s32 $0x2, s28;
	s23 =	smov.u32 s14  }
0x127: {  	[tilespmem:s26], [sflag:$0x1] =	stream.linear.gather @!p5 [hbm4b:s19+s16], $0x4000, $0x38;
	[tilespmem:$0x1E080] =	vst v63  }
0x128: {  	p6 =	sge.u32 s15, s30;
	p4 =	sne.s32 s28, $0x52  }
0x129: {  	s15 =	simm.s32 @!p6 $0x1;
	s16 =	sadd.s32 @!p6 $0xFFFFFFFF, s20  }
0x12a: {  	p5 =	sge.u32 @!p6 s16, s30;
	_ =	swait.ge @!p6 [sflag:s15], $0x4000  }
0x12b: {  	s16 =	simm.s32 @!p6 $0x2800;
	p5 =	por p5, p6;
	[sflag:s15] =	ssyncset.done @!p6 $0x0  }
0x12c: {  	s19 =	simm.s32 @!p5 $0x4;
	[sflag:s15] =	ssyncadd.s32 @!p6 $0xFFFFC000;
	s15 =	simm.s32 @!p6 $0x80  }
0x12d: {  	[spmem:s29] =	stream.indirect.scatter.add.f32 @!p6 [tilespmem:s16], [sflag:$0x3], $0x80, s22, s15, $0xb8;
	[tilespmem:$0x1E080] =	vst v63  }
0x12e: {  	_ =	swait.ge @!p5 [sflag:s19], $0x4000  }
0x12f: {  	s15 =	simm.s32 @!p5 $0x6800;
	s16 =	sadd.s32 $0xFFFFFFFF, s20;
	[sflag:s19] =	ssyncset.done @!p5 $0x0  }
0x130: {  	p6 =	sge.u32 s16, s30;
	[sflag:s19] =	ssyncadd.s32 @!p5 $0xFFFFC000;
	s19 =	simm.s32 @!p5 $0x0  }
0x131: {  	[tilespmem:s15], [sflag:$0x2] =	stream.linear.gather @!p5 [hbm4b:s14+s19], $0x4000, $0x38;
	[tilespmem:$0x1E080] =	vst v63  }
0x132: {  	s16 =	simm.s32 @!p6 $0x80;
	s15 =	simm.s32 @!p6 $0x2;
	p5 =	sge.u32 @!p6 s20, s30  }
0x133: {  	s19 =	simm.s32 @!p6 $0x6800;
	s20 =	sadd.s32 @!p6 $0x80, s22;
	_ =	swait.ge @!p6 [sflag:s15], $0x4000  }
.Ltmp13:
0x134: {  	p5 =	por p5, p6;
	[sflag:s15] =	ssyncset.done @!p6 $0x0;
	(pc) =	sbr.rel @p4 .LBB2_33-.Ltmp13, $4  }
0x135: {  	s14 =	sadd.s32 $0x1000, s14;
	s24 =	simm.s32 @!p5 $0x3;
	[sflag:s15] =	ssyncadd.s32 @!p6 $0xFFFFC000  }
0x136: {  	[spmem:s29] =	stream.indirect.scatter.add.f32 @!p6 [tilespmem:s19], [sflag:$0x4], $0x80, s20, s16, $0xb8;
	[tilespmem:$0x1E080] =	vst v63  }
0x137: {  	s22 =	sadd.s32 $0x100, s22;
	s26 =	simm.s32 @!p5 $0x2800;
	_ =	swait.ge @!p5 [sflag:s24], $0x4000  }
0x138: {  	s19 =	sadd.s32 @!p5 $0x800, s23;
	s16 =	simm.s32 @!p5 $0x0;
	[sflag:s24] =	ssyncset.done @!p5 $0x0  }
.Ltmp14:
0x139: {  	_ = 	snop;
	(pc) =	sbr.rel .LBB2_34-.Ltmp14, $1  }
0x13a: {  	_ =	sdelay $0x3  }
.LBB2_3:
0x13b: {  	s16 =	sshrl.u32 s12, $0x3  }
0x13c: {  	[spmem:s16], [sflag:s14] =	dma.local [hbm:s2], $0x2780  }
0x13d: {  	_ =	swait.ge [sflag:s25], $0x2780  }
0x13e: {  	[sflag:s25] =	ssyncset.done $0x0  }
0x13f: {  	[sflag:s25] =	ssyncadd.s32 $0xFFFFD880  }
0x140: {  	[bflag:$0x0] =	sbarrier.arrive $0xFFFF  }
.LBB2_5:
0x141: {  	s14 =	rddreg [dreg:$0x13]  }
0x142: {  	[tilespmem:s31], [sflag:$0x1] =	stream.linear.gather [hbm4b:s14+s0], $0x4000, $0x38;
	[tilespmem:$0x1E080] =	vst v63  }
0x143: {  	_ =	swait.ge [sflag:s13], $0x4000  }
0x144: {  	[sflag:s13] =	ssyncset.done $0x0  }
0x145: {  	[sflag:s13] =	ssyncadd.s32 $0xFFFFC000  }
0x146: {  	[spmem:s29] =	stream.indirect.scatter.add.f32 [tilespmem:s31], [sflag:$0x3], $0x80, s0, s18, $0xb8;
	[tilespmem:$0x1E080] =	vst v63  }
0x147: {  	s24 =	rddreg [dreg:$0x19]  }
0x148: {  	[tilespmem:s21], [sflag:$0x2] =	stream.linear.gather [hbm4b:s24+s0], $0x4000, $0x38;
	[tilespmem:$0x1E080] =	vst v63  }
0x149: {  	_ =	swait.ge [sflag:s4], $0x4000  }
0x14a: {  	[sflag:s4] =	ssyncset.done $0x0  }
0x14b: {  	[sflag:s4] =	ssyncadd.s32 $0xFFFFC000  }
0x14c: {  	[spmem:s29] =	stream.indirect.scatter.add.f32 [tilespmem:s21], [sflag:$0x4], $0x80, s18, s18, $0xb8;
	[tilespmem:$0x1E080] =	vst v63  }
0x14d: {  	_ =	swait.ge [sflag:s5], $0x4000  }
0x14e: {  	p4 =	sle.u32 s30, $0x2;
	[sflag:s5] =	ssyncset.done $0x0  }
0x14f: {  	s14 =	simm.s32 @!p4 $0x1;
	s26 =	rddreg [dreg:$0x1a];
	[sflag:s5] =	ssyncadd.s32 $0xFFFFC000  }
0x150: {  	[tilespmem:s31], [sflag:$0x1] =	stream.linear.gather [hbm4b:s26+s0], $0x4000, $0x38;
	[tilespmem:$0x1E080] =	vst v63  }
0x151: {  	s16 =	simm.s32 $0x100;
	p5 =	sle.u32 @!p4 s30, $0x3;
	_ =	swait.ge @!p4 [sflag:s14], $0x4000  }
0x152: {  	s19 =	simm.s32 @!p4 $0x2800;
	p5 =	por p5, p4;
	[sflag:s14] =	ssyncset.done @!p4 $0x0  }
0x153: {  	s22 =	simm.s32 @!p5 $0x4;
	[sflag:s14] =	ssyncadd.s32 @!p4 $0xFFFFC000;
	s14 =	simm.s32 @!p4 $0x80  }
0x154: {  	[spmem:s29] =	stream.indirect.scatter.add.f32 @!p4 [tilespmem:s19], [sflag:$0x3], $0x80, s16, s14, $0xb8;
	[tilespmem:$0x1E080] =	vst v63  }
0x155: {  	_ =	swait.ge @!p5 [sflag:s22], $0x4000  }
0x156: {  	s15 =	sld [smem:$0x7F6]  }
0x157: {  	s14 =	simm.s32 @!p5 $0x6800;
	[sflag:s22] =	ssyncset.done @!p5 $0x0  }
0x158: {  	s16 =	simm.s32 @!p5 $0x0;
	p4 =	sle.u32 s30, $0x3;
	[sflag:s22] =	ssyncadd.s32 @!p5 $0xFFFFC000  }
0x159: {  	[tilespmem:s14], [sflag:$0x2] =	stream.linear.gather @!p5 [hbm4b:s15+s16], $0x4000, $0x38;
	[tilespmem:$0x1E080] =	vst v63  }
0x15a: {  	s28 =	simm.s32 $0x6;
	s19 =	simm.s32 @!p4 $0x6800;
	s14 =	simm.s32 @!p4 $0x2  }
0x15b: {  	s22 =	simm.s32 @!p4 $0x180;
	p5 =	sle.u32 @!p4 s30, $0x4;
	_ =	swait.ge @!p4 [sflag:s14], $0x4000  }
0x15c: {  	s16 =	simm.s32 @!p4 $0x80;
	p5 =	por p5, p4;
	[sflag:s14] =	ssyncset.done @!p4 $0x0  }
0x15d: {  	s24 =	simm.s32 @!p5 $0x3;
	s26 =	simm.s32 @!p5 $0x2800;
	[sflag:s14] =	ssyncadd.s32 @!p4 $0xFFFFC000  }
0x15e: {  	[spmem:s29] =	stream.indirect.scatter.add.f32 @!p4 [tilespmem:s19], [sflag:$0x4], $0x80, s22, s16, $0xb8;
	[tilespmem:$0x1E080] =	vst v63  }
0x15f: {  	s14 =	sadd.s32 $0x1000, s15;
	s22 =	simm.s32 $0x200;
	_ =	swait.ge @!p5 [sflag:s24], $0x4000  }
0x160: {  	s19 =	sadd.s32 @!p5 $0x800, s15;
	s16 =	simm.s32 @!p5 $0x0;
	[sflag:s24] =	ssyncset.done @!p5 $0x0  }
.LBB2_6:
0x161: {  	s20 =	sadd.s32 $0xFFFFFFFE, s28;
	[sflag:s24] =	ssyncadd.s32 @!p5 $0xFFFFC000  }
0x162: {  	s24 =	smov.u32 s28;
	s28 =	sadd.s32 $0x2, s28;
	s23 =	smov.u32 s14  }
0x163: {  	[tilespmem:s26], [sflag:$0x1] =	stream.linear.gather @!p5 [hbm4b:s19+s16], $0x4000, $0x38;
	[tilespmem:$0x1E080] =	vst v63  }
0x164: {  	p6 =	sge.u32 s20, s30;
	p4 =	sne.s32 s28, $0x52  }
0x165: {  	s16 =	simm.s32 @!p6 $0x1;
	s19 =	sadd.s32 @!p6 $0xFFFFFFFF, s24  }
0x166: {  	p5 =	sge.u32 @!p6 s19, s30;
	_ =	swait.ge @!p6 [sflag:s16], $0x4000  }
0x167: {  	s19 =	simm.s32 @!p6 $0x2800;
	p5 =	por p5, p6;
	[sflag:s16] =	ssyncset.done @!p6 $0x0  }
0x168: {  	s20 =	simm.s32 @!p5 $0x4;
	[sflag:s16] =	ssyncadd.s32 @!p6 $0xFFFFC000;
	s16 =	simm.s32 @!p6 $0x80  }
0x169: {  	[spmem:s29] =	stream.indirect.scatter.add.f32 @!p6 [tilespmem:s19], [sflag:$0x3], $0x80, s22, s16, $0xb8;
	[tilespmem:$0x1E080] =	vst v63  }
0x16a: {  	_ =	swait.ge @!p5 [sflag:s20], $0x4000  }
0x16b: {  	s16 =	simm.s32 @!p5 $0x6800;
	s19 =	sadd.s32 $0xFFFFFFFF, s24;
	[sflag:s20] =	ssyncset.done @!p5 $0x0  }
0x16c: {  	p6 =	sge.u32 s19, s30;
	[sflag:s20] =	ssyncadd.s32 @!p5 $0xFFFFC000;
	s20 =	simm.s32 @!p5 $0x0  }
0x16d: {  	[tilespmem:s16], [sflag:$0x2] =	stream.linear.gather @!p5 [hbm4b:s14+s20], $0x4000, $0x38;
	[tilespmem:$0x1E080] =	vst v63  }
0x16e: {  	s19 =	simm.s32 @!p6 $0x80;
	s16 =	simm.s32 @!p6 $0x2;
	p5 =	sge.u32 @!p6 s24, s30  }
0x16f: {  	s26 =	sadd.s32 @!p6 $0x80, s22;
	s20 =	simm.s32 @!p6 $0x6800;
	_ =	swait.ge @!p6 [sflag:s16], $0x4000  }
.Ltmp15:
0x170: {  	p5 =	por p5, p6;
	[sflag:s16] =	ssyncset.done @!p6 $0x0;
	(pc) =	sbr.rel @p4 .LBB2_6-.Ltmp15, $4  }
0x171: {  	s14 =	sadd.s32 $0x1000, s14;
	s24 =	simm.s32 @!p5 $0x3;
	[sflag:s16] =	ssyncadd.s32 @!p6 $0xFFFFC000  }
0x172: {  	[spmem:s29] =	stream.indirect.scatter.add.f32 @!p6 [tilespmem:s20], [sflag:$0x4], $0x80, s26, s19, $0xb8;
	[tilespmem:$0x1E080] =	vst v63  }
0x173: {  	s22 =	sadd.s32 $0x100, s22;
	s26 =	simm.s32 @!p5 $0x2800;
	_ =	swait.ge @!p5 [sflag:s24], $0x4000  }
0x174: {  	s16 =	simm.s32 @!p5 $0x0;
	s19 =	sadd.s32 @!p5 $0x800, s23;
	[sflag:s24] =	ssyncset.done @!p5 $0x0  }
0x175: {  	[sflag:s24] =	ssyncadd.s32 @!p5 $0xFFFFC000  }
0x176: {  	[tilespmem:s26], [sflag:$0x1] =	stream.linear.gather @!p5 [hbm4b:s19+s16], $0x4000, $0x38;
	[tilespmem:$0x1E080] =	vst v63  }
0x177: {  	_ =	swait.ge [sflag:s5], $0x4000  }
.Ltmp16:
0x178: {  	[sflag:s5] =	ssyncset.done $0x0;
	(pc) =	sbr.rel @p3 .LBB2_11-.Ltmp16, $4  }
0x179: {  	[sflag:s5] =	ssyncadd.s32 $0xFFFFC000  }
0x17a: {  	_ =	swait.ge [sflag:s6], $0x4000  }
0x17b: {  	[sflag:s6] =	ssyncset.done $0x0  }
0x17c: {  	[sflag:s6] =	ssyncadd.s32 $0xFFFFC000  }
.LBB2_8:
0x17d: {  	s14 =	rddreg [dreg:$0x14]  }
0x17e: {  	[tilespmem:s31], [sflag:$0x1] =	stream.linear.gather [hbm4b:s14+s0], $0x4000, $0x38;
	[tilespmem:$0x1E080] =	vst v63  }
0x17f: {  	_ =	swait.ge [sflag:s13], $0x4000  }
0x180: {  	[sflag:s13] =	ssyncset.done $0x0  }
0x181: {  	[sflag:s13] =	ssyncadd.s32 $0xFFFFC000  }
0x182: {  	[spmem:s29] =	stream.indirect.scatter.add.f32 [tilespmem:s31], [sflag:$0x3], $0x80, s0, s18, $0xb8;
	[tilespmem:$0x1E080] =	vst v63  }
0x183: {  	s24 =	rddreg [dreg:$0x1b]  }
0x184: {  	[tilespmem:s21], [sflag:$0x2] =	stream.linear.gather [hbm4b:s24+s0], $0x4000, $0x38;
	[tilespmem:$0x1E080] =	vst v63  }
0x185: {  	_ =	swait.ge [sflag:s4], $0x4000  }
0x186: {  	[sflag:s4] =	ssyncset.done $0x0  }
0x187: {  	[sflag:s4] =	ssyncadd.s32 $0xFFFFC000  }
0x188: {  	[spmem:s29] =	stream.indirect.scatter.add.f32 [tilespmem:s21], [sflag:$0x4], $0x80, s18, s18, $0xb8;
	[tilespmem:$0x1E080] =	vst v63  }
0x189: {  	_ =	swait.ge [sflag:s5], $0x4000  }
0x18a: {  	p4 =	sle.u32 s30, $0x2;
	[sflag:s5] =	ssyncset.done $0x0  }
0x18b: {  	s14 =	simm.s32 @!p4 $0x1;
	s26 =	rddreg [dreg:$0x1c];
	[sflag:s5] =	ssyncadd.s32 $0xFFFFC000  }
0x18c: {  	[tilespmem:s31], [sflag:$0x1] =	stream.linear.gather [hbm4b:s26+s0], $0x4000, $0x38;
	[tilespmem:$0x1E080] =	vst v63  }
0x18d: {  	s16 =	simm.s32 $0x100;
	p5 =	sle.u32 @!p4 s30, $0x3;
	_ =	swait.ge @!p4 [sflag:s14], $0x4000  }
0x18e: {  	s19 =	simm.s32 @!p4 $0x2800;
	p5 =	por p5, p4;
	[sflag:s14] =	ssyncset.done @!p4 $0x0  }
0x18f: {  	s20 =	simm.s32 @!p5 $0x4;
	[sflag:s14] =	ssyncadd.s32 @!p4 $0xFFFFC000;
	s14 =	simm.s32 @!p4 $0x80  }
0x190: {  	[spmem:s29] =	stream.indirect.scatter.add.f32 @!p4 [tilespmem:s19], [sflag:$0x3], $0x80, s16, s14, $0xb8;
	[tilespmem:$0x1E080] =	vst v63  }
0x191: {  	_ =	swait.ge @!p5 [sflag:s20], $0x4000  }
0x192: {  	s15 =	sld [smem:$0x7F7]  }
0x193: {  	s14 =	simm.s32 @!p5 $0x6800;
	[sflag:s20] =	ssyncset.done @!p5 $0x0  }
0x194: {  	s16 =	simm.s32 @!p5 $0x0;
	p4 =	sle.u32 s30, $0x3;
	[sflag:s20] =	ssyncadd.s32 @!p5 $0xFFFFC000  }
0x195: {  	[tilespmem:s14], [sflag:$0x2] =	stream.linear.gather @!p5 [hbm4b:s15+s16], $0x4000, $0x38;
	[tilespmem:$0x1E080] =	vst v63  }
0x196: {  	s28 =	simm.s32 $0x6;
	s22 =	simm.s32 $0x200;
	s14 =	simm.s32 @!p4 $0x2  }
0x197: {  	s19 =	simm.s32 @!p4 $0x6800;
	p5 =	sle.u32 @!p4 s30, $0x4;
	_ =	swait.ge @!p4 [sflag:s14], $0x4000  }
0x198: {  	s20 =	simm.s32 @!p4 $0x180;
	p5 =	por p5, p4;
	[sflag:s14] =	ssyncset.done @!p4 $0x0  }
0x199: {  	s16 =	simm.s32 @!p4 $0x80;
	s24 =	simm.s32 @!p5 $0x3;
	[sflag:s14] =	ssyncadd.s32 @!p4 $0xFFFFC000  }
0x19a: {  	[spmem:s29] =	stream.indirect.scatter.add.f32 @!p4 [tilespmem:s19], [sflag:$0x4], $0x80, s20, s16, $0xb8;
	[tilespmem:$0x1E080] =	vst v63  }
0x19b: {  	s26 =	simm.s32 @!p5 $0x2800;
	s14 =	sadd.s32 $0x1000, s15;
	_ =	swait.ge @!p5 [sflag:s24], $0x4000  }
0x19c: {  	s19 =	sadd.s32 @!p5 $0x800, s15;
	s16 =	simm.s32 @!p5 $0x0;
	[sflag:s24] =	ssyncset.done @!p5 $0x0  }
.LBB2_9:
0x19d: {  	s20 =	sadd.s32 $0xFFFFFFFE, s28;
	[sflag:s24] =	ssyncadd.s32 @!p5 $0xFFFFC000  }
0x19e: {  	s23 =	smov.u32 s28;
	s28 =	sadd.s32 $0x2, s28;
	s15 =	smov.u32 s14  }
0x19f: {  	[tilespmem:s26], [sflag:$0x1] =	stream.linear.gather @!p5 [hbm4b:s19+s16], $0x4000, $0x38;
	[tilespmem:$0x1E080] =	vst v63  }
0x1a0: {  	p6 =	sge.u32 s20, s30;
	p4 =	sne.s32 s28, $0x52  }
0x1a1: {  	s16 =	simm.s32 @!p6 $0x1;
	s19 =	sadd.s32 @!p6 $0xFFFFFFFF, s23  }
0x1a2: {  	p5 =	sge.u32 @!p6 s19, s30;
	_ =	swait.ge @!p6 [sflag:s16], $0x4000  }
0x1a3: {  	s19 =	simm.s32 @!p6 $0x2800;
	p5 =	por p5, p6;
	[sflag:s16] =	ssyncset.done @!p6 $0x0  }
0x1a4: {  	s20 =	simm.s32 @!p5 $0x4;
	[sflag:s16] =	ssyncadd.s32 @!p6 $0xFFFFC000;
	s16 =	simm.s32 @!p6 $0x80  }
0x1a5: {  	[spmem:s29] =	stream.indirect.scatter.add.f32 @!p6 [tilespmem:s19], [sflag:$0x3], $0x80, s22, s16, $0xb8;
	[tilespmem:$0x1E080] =	vst v63  }
0x1a6: {  	_ =	swait.ge @!p5 [sflag:s20], $0x4000  }
0x1a7: {  	s16 =	simm.s32 @!p5 $0x6800;
	s19 =	sadd.s32 $0xFFFFFFFF, s23;
	[sflag:s20] =	ssyncset.done @!p5 $0x0  }
0x1a8: {  	p6 =	sge.u32 s19, s30;
	[sflag:s20] =	ssyncadd.s32 @!p5 $0xFFFFC000;
	s20 =	simm.s32 @!p5 $0x0  }
0x1a9: {  	[tilespmem:s16], [sflag:$0x2] =	stream.linear.gather @!p5 [hbm4b:s14+s20], $0x4000, $0x38;
	[tilespmem:$0x1E080] =	vst v63  }
0x1aa: {  	s19 =	simm.s32 @!p6 $0x80;
	s16 =	simm.s32 @!p6 $0x2;
	p5 =	sge.u32 @!p6 s23, s30  }
0x1ab: {  	s20 =	simm.s32 @!p6 $0x6800;
	s23 =	sadd.s32 @!p6 $0x80, s22;
	_ =	swait.ge @!p6 [sflag:s16], $0x4000  }
.Ltmp17:
0x1ac: {  	p5 =	por p5, p6;
	[sflag:s16] =	ssyncset.done @!p6 $0x0;
	(pc) =	sbr.rel @p4 .LBB2_9-.Ltmp17, $4  }
0x1ad: {  	s14 =	sadd.s32 $0x1000, s14;
	s24 =	simm.s32 @!p5 $0x3;
	[sflag:s16] =	ssyncadd.s32 @!p6 $0xFFFFC000  }
0x1ae: {  	[spmem:s29] =	stream.indirect.scatter.add.f32 @!p6 [tilespmem:s20], [sflag:$0x4], $0x80, s23, s19, $0xb8;
	[tilespmem:$0x1E080] =	vst v63  }
0x1af: {  	s22 =	sadd.s32 $0x100, s22;
	s26 =	simm.s32 @!p5 $0x2800;
	_ =	swait.ge @!p5 [sflag:s24], $0x4000  }
0x1b0: {  	s16 =	simm.s32 @!p5 $0x0;
	s19 =	sadd.s32 @!p5 $0x800, s15;
	[sflag:s24] =	ssyncset.done @!p5 $0x0  }
0x1b1: {  	[sflag:s24] =	ssyncadd.s32 @!p5 $0xFFFFC000  }
0x1b2: {  	[tilespmem:s26], [sflag:$0x1] =	stream.linear.gather @!p5 [hbm4b:s19+s16], $0x4000, $0x38;
	[tilespmem:$0x1E080] =	vst v63  }
0x1b3: {  	_ =	swait.ge [sflag:s5], $0x4000  }
0x1b4: {  	[sflag:s5] =	ssyncset.done $0x0  }
0x1b5: {  	[sflag:s5] =	ssyncadd.s32 $0xFFFFC000  }
0x1b6: {  	_ =	swait.ge [sflag:s6], $0x4000  }
0x1b7: {  	[sflag:s6] =	ssyncset.done $0x0  }
0x1b8: {  	[sflag:s6] =	ssyncadd.s32 $0xFFFFC000  }
.LBB2_11:
0x1b9: {  	[bflag:$0x0] =	sbarrier.arrive $0xFFFF  }
0x1ba: {  	s11 =	sor.u32 @p2 $0x1C05, s11;
	s14 =	rddreg [dreg:$0x6]  }
0x1bb: {  	[hbm:s14], [sflag:s11] =	dma.local @p2 [spmem:s9], $0x2700  }
0x1bc: {  	s14 =	simm.s32 @p2 $0x5  }
0x1bd: {  	_ =	swait.ge @p2 [sflag:s14], $0x2700  }
0x1be: {  	[sflag:s14] =	ssyncset.done @p2 $0x0  }
0x1bf: {  	[sflag:s14] =	ssyncadd.s32 @p2 $0xFFFFD900  }
0x1c0: {  	[bflag:$0x0] =	sbarrier.arrive @p2 $0xFFFF  }
0x1c1: {  	[spmem:s9], [sflag:s11] =	dma.local @p2 [hbm:s3], $0x2700  }
0x1c2: {  	_ =	swait.ge @p2 [sflag:s14], $0x2700  }
0x1c3: {  	[sflag:s14] =	ssyncset.done @p2 $0x0  }
0x1c4: {  	s10 =	sor.u32 @!p2 $0x1C05, s10;
	[sflag:s14] =	ssyncadd.s32 @p2 $0xFFFFD900;
	s14 =	rddreg [dreg:$0x5]  }
0x1c5: {  	[hbm:s14], [sflag:s10] =	dma.local @!p2 [spmem:s8], $0x2780  }
0x1c6: {  	s14 =	simm.s32 @!p2 $0x5  }
0x1c7: {  	_ =	swait.ge @!p2 [sflag:s14], $0x2780  }
0x1c8: {  	[sflag:s14] =	ssyncset.done @!p2 $0x0  }
0x1c9: {  	[sflag:s14] =	ssyncadd.s32 @!p2 $0xFFFFD880  }
0x1ca: {  	[bflag:$0x0] =	sbarrier.arrive @!p2 $0xFFFF  }
0x1cb: {  	[spmem:s8], [sflag:s10] =	dma.local @!p2 [hbm:s2], $0x2780  }
.Ltmp18:
0x1cc: {  	_ =	swait.ge @!p2 [sflag:s14], $0x2780;
	(pc) =	sbr.rel @!p0 .LBB2_12-.Ltmp18, $3  }
0x1cd: {  	[sflag:s14] =	ssyncset.done @!p2 $0x0  }
0x1ce: {  	[sflag:s14] =	ssyncadd.s32 @!p2 $0xFFFFD880  }
0x1cf: {  	[bflag:$0x0] =	sbarrier.arrive $0xFFFF;
	_ =	sdelay $0x1  }
0x1d0: {  	s14 =	rddreg [dreg:$0x15]  }
0x1d1: {  	[tilespmem:s31], [sflag:$0x1] =	stream.linear.gather [hbm4b:s14+s0], $0x4000, $0x38;
	[tilespmem:$0x1E080] =	vst v63  }
0x1d2: {  	_ =	swait.ge [sflag:s13], $0x4000  }
0x1d3: {  	[sflag:s13] =	ssyncset.done $0x0  }
0x1d4: {  	[sflag:s13] =	ssyncadd.s32 $0xFFFFC000  }
0x1d5: {  	[spmem:s29] =	stream.indirect.scatter.add.f32 [tilespmem:s31], [sflag:$0x3], $0x80, s0, s18, $0xb8;
	[tilespmem:$0x1E080] =	vst v63  }
0x1d6: {  	s24 =	rddreg [dreg:$0x1d]  }
0x1d7: {  	[tilespmem:s21], [sflag:$0x2] =	stream.linear.gather [hbm4b:s24+s0], $0x4000, $0x38;
	[tilespmem:$0x1E080] =	vst v63  }
0x1d8: {  	_ =	swait.ge [sflag:s4], $0x4000  }
0x1d9: {  	[sflag:s4] =	ssyncset.done $0x0  }
0x1da: {  	[sflag:s4] =	ssyncadd.s32 $0xFFFFC000  }
0x1db: {  	[spmem:s29] =	stream.indirect.scatter.add.f32 [tilespmem:s21], [sflag:$0x4], $0x80, s18, s18, $0xb8;
	[tilespmem:$0x1E080] =	vst v63  }
0x1dc: {  	_ =	swait.ge [sflag:s5], $0x4000  }
0x1dd: {  	p4 =	sle.u32 s30, $0x2;
	[sflag:s5] =	ssyncset.done $0x0  }
0x1de: {  	s14 =	simm.s32 @!p4 $0x1;
	s26 =	rddreg [dreg:$0x1e];
	[sflag:s5] =	ssyncadd.s32 $0xFFFFC000  }
0x1df: {  	[tilespmem:s31], [sflag:$0x1] =	stream.linear.gather [hbm4b:s26+s0], $0x4000, $0x38;
	[tilespmem:$0x1E080] =	vst v63  }
0x1e0: {  	s15 =	simm.s32 $0x100;
	p5 =	sle.u32 @!p4 s30, $0x3;
	_ =	swait.ge @!p4 [sflag:s14], $0x4000  }
0x1e1: {  	s16 =	simm.s32 @!p4 $0x2800;
	p5 =	por p5, p4;
	[sflag:s14] =	ssyncset.done @!p4 $0x0  }
0x1e2: {  	s19 =	simm.s32 @!p5 $0x4;
	[sflag:s14] =	ssyncadd.s32 @!p4 $0xFFFFC000;
	s14 =	simm.s32 @!p4 $0x80  }
0x1e3: {  	[spmem:s29] =	stream.indirect.scatter.add.f32 @!p4 [tilespmem:s16], [sflag:$0x3], $0x80, s15, s14, $0xb8;
	[tilespmem:$0x1E080] =	vst v63  }
0x1e4: {  	_ =	swait.ge @!p5 [sflag:s19], $0x4000  }
0x1e5: {  	s20 =	sld [smem:$0x7F9]  }
0x1e6: {  	s14 =	simm.s32 @!p5 $0x6800;
	[sflag:s19] =	ssyncset.done @!p5 $0x0  }
0x1e7: {  	s15 =	simm.s32 @!p5 $0x0;
	p4 =	sle.u32 s30, $0x3;
	[sflag:s19] =	ssyncadd.s32 @!p5 $0xFFFFC000  }
0x1e8: {  	[tilespmem:s14], [sflag:$0x2] =	stream.linear.gather @!p5 [hbm4b:s20+s15], $0x4000, $0x38;
	[tilespmem:$0x1E080] =	vst v63  }
0x1e9: {  	s28 =	simm.s32 $0x6;
	s22 =	simm.s32 $0x200;
	s14 =	simm.s32 @!p4 $0x2  }
0x1ea: {  	s16 =	simm.s32 @!p4 $0x6800;
	p5 =	sle.u32 @!p4 s30, $0x4;
	_ =	swait.ge @!p4 [sflag:s14], $0x4000  }
0x1eb: {  	s19 =	simm.s32 @!p4 $0x180;
	p5 =	por p5, p4;
	[sflag:s14] =	ssyncset.done @!p4 $0x0  }
0x1ec: {  	s15 =	simm.s32 @!p4 $0x80;
	s24 =	simm.s32 @!p5 $0x3;
	[sflag:s14] =	ssyncadd.s32 @!p4 $0xFFFFC000  }
0x1ed: {  	[spmem:s29] =	stream.indirect.scatter.add.f32 @!p4 [tilespmem:s16], [sflag:$0x4], $0x80, s19, s15, $0xb8;
	[tilespmem:$0x1E080] =	vst v63  }
0x1ee: {  	s26 =	simm.s32 @!p5 $0x2800;
	s14 =	sadd.s32 $0x1000, s20;
	_ =	swait.ge @!p5 [sflag:s24], $0x4000  }
0x1ef: {  	s19 =	sadd.s32 @!p5 $0x800, s20;
	s16 =	simm.s32 @!p5 $0x0;
	[sflag:s24] =	ssyncset.done @!p5 $0x0  }
.LBB2_16:
0x1f0: {  	s15 =	sadd.s32 $0xFFFFFFFE, s28;
	[sflag:s24] =	ssyncadd.s32 @!p5 $0xFFFFC000  }
0x1f1: {  	s20 =	smov.u32 s28;
	s28 =	sadd.s32 $0x2, s28;
	s23 =	smov.u32 s14  }
0x1f2: {  	[tilespmem:s26], [sflag:$0x1] =	stream.linear.gather @!p5 [hbm4b:s19+s16], $0x4000, $0x38;
	[tilespmem:$0x1E080] =	vst v63  }
0x1f3: {  	p6 =	sge.u32 s15, s30;
	p4 =	sne.s32 s28, $0x52  }
0x1f4: {  	s15 =	simm.s32 @!p6 $0x1;
	s16 =	sadd.s32 @!p6 $0xFFFFFFFF, s20  }
0x1f5: {  	p5 =	sge.u32 @!p6 s16, s30;
	_ =	swait.ge @!p6 [sflag:s15], $0x4000  }
0x1f6: {  	s16 =	simm.s32 @!p6 $0x2800;
	p5 =	por p5, p6;
	[sflag:s15] =	ssyncset.done @!p6 $0x0  }
0x1f7: {  	s19 =	simm.s32 @!p5 $0x4;
	[sflag:s15] =	ssyncadd.s32 @!p6 $0xFFFFC000;
	s15 =	simm.s32 @!p6 $0x80  }
0x1f8: {  	[spmem:s29] =	stream.indirect.scatter.add.f32 @!p6 [tilespmem:s16], [sflag:$0x3], $0x80, s22, s15, $0xb8;
	[tilespmem:$0x1E080] =	vst v63  }
0x1f9: {  	_ =	swait.ge @!p5 [sflag:s19], $0x4000  }
0x1fa: {  	s15 =	simm.s32 @!p5 $0x6800;
	s16 =	sadd.s32 $0xFFFFFFFF, s20;
	[sflag:s19] =	ssyncset.done @!p5 $0x0  }
0x1fb: {  	p6 =	sge.u32 s16, s30;
	[sflag:s19] =	ssyncadd.s32 @!p5 $0xFFFFC000;
	s19 =	simm.s32 @!p5 $0x0  }
0x1fc: {  	[tilespmem:s15], [sflag:$0x2] =	stream.linear.gather @!p5 [hbm4b:s14+s19], $0x4000, $0x38;
	[tilespmem:$0x1E080] =	vst v63  }
0x1fd: {  	s16 =	simm.s32 @!p6 $0x80;
	s15 =	simm.s32 @!p6 $0x2;
	p5 =	sge.u32 @!p6 s20, s30  }
0x1fe: {  	s19 =	simm.s32 @!p6 $0x6800;
	s20 =	sadd.s32 @!p6 $0x80, s22;
	_ =	swait.ge @!p6 [sflag:s15], $0x4000  }
.Ltmp19:
0x1ff: {  	p5 =	por p5, p6;
	[sflag:s15] =	ssyncset.done @!p6 $0x0;
	(pc) =	sbr.rel @p4 .LBB2_16-.Ltmp19, $4  }
0x200: {  	s14 =	sadd.s32 $0x1000, s14;
	s24 =	simm.s32 @!p5 $0x3;
	[sflag:s15] =	ssyncadd.s32 @!p6 $0xFFFFC000  }
0x201: {  	[spmem:s29] =	stream.indirect.scatter.add.f32 @!p6 [tilespmem:s19], [sflag:$0x4], $0x80, s20, s16, $0xb8;
	[tilespmem:$0x1E080] =	vst v63  }
0x202: {  	s22 =	sadd.s32 $0x100, s22;
	s26 =	simm.s32 @!p5 $0x2800;
	_ =	swait.ge @!p5 [sflag:s24], $0x4000  }
0x203: {  	s19 =	sadd.s32 @!p5 $0x800, s23;
	s16 =	simm.s32 @!p5 $0x0;
	[sflag:s24] =	ssyncset.done @!p5 $0x0  }
.Ltmp20:
0x204: {  	(pc) =	sbr.rel .LBB2_18-.Ltmp20, $3  }
0x205: {  	_ =	sdelay $0x1  }
0x206: {  	[sflag:s24] =	ssyncadd.s32 @!p5 $0xFFFFC000  }
0x207: {  	[tilespmem:s26], [sflag:$0x1] =	stream.linear.gather @!p5 [hbm4b:s19+s16], $0x4000, $0x38;
	[tilespmem:$0x1E080] =	vst v63  }
.LBB2_29:
0x208: {  	s14 =	rddreg [dreg:$0x12]  }
0x209: {  	[tilespmem:s31], [sflag:$0x1] =	stream.linear.gather [hbm4b:s14+s0], $0x4000, $0x38;
	[tilespmem:$0x1E080] =	vst v63  }
0x20a: {  	_ =	swait.ge [sflag:s13], $0x4000  }
0x20b: {  	[sflag:s13] =	ssyncset.done $0x0  }
0x20c: {  	[sflag:s13] =	ssyncadd.s32 $0xFFFFC000  }
0x20d: {  	[spmem:s29] =	stream.indirect.scatter.add.f32 [tilespmem:s31], [sflag:$0x3], $0x80, s0, s18, $0xb8;
	[tilespmem:$0x1E080] =	vst v63  }
0x20e: {  	s24 =	rddreg [dreg:$0x10]  }
0x20f: {  	[tilespmem:s21], [sflag:$0x2] =	stream.linear.gather [hbm4b:s24+s0], $0x4000, $0x38;
	[tilespmem:$0x1E080] =	vst v63  }
0x210: {  	_ =	swait.ge [sflag:s4], $0x4000  }
0x211: {  	[sflag:s4] =	ssyncset.done $0x0  }
0x212: {  	[sflag:s4] =	ssyncadd.s32 $0xFFFFC000  }
0x213: {  	[spmem:s29] =	stream.indirect.scatter.add.f32 [tilespmem:s21], [sflag:$0x4], $0x80, s18, s18, $0xb8;
	[tilespmem:$0x1E080] =	vst v63  }
0x214: {  	_ =	swait.ge [sflag:s5], $0x4000  }
0x215: {  	p4 =	sle.u32 s30, $0x2;
	[sflag:s5] =	ssyncset.done $0x0  }
0x216: {  	s14 =	simm.s32 @!p4 $0x1;
	s26 =	rddreg [dreg:$0x11];
	[sflag:s5] =	ssyncadd.s32 $0xFFFFC000  }
0x217: {  	[tilespmem:s31], [sflag:$0x1] =	stream.linear.gather [hbm4b:s26+s0], $0x4000, $0x38;
	[tilespmem:$0x1E080] =	vst v63  }
0x218: {  	s15 =	simm.s32 $0x100;
	p5 =	sle.u32 @!p4 s30, $0x3;
	_ =	swait.ge @!p4 [sflag:s14], $0x4000  }
0x219: {  	s16 =	simm.s32 @!p4 $0x2800;
	p5 =	por p5, p4;
	[sflag:s14] =	ssyncset.done @!p4 $0x0  }
0x21a: {  	s19 =	simm.s32 @!p5 $0x4;
	[sflag:s14] =	ssyncadd.s32 @!p4 $0xFFFFC000;
	s14 =	simm.s32 @!p4 $0x80  }
0x21b: {  	[spmem:s29] =	stream.indirect.scatter.add.f32 @!p4 [tilespmem:s16], [sflag:$0x3], $0x80, s15, s14, $0xb8;
	[tilespmem:$0x1E080] =	vst v63  }
0x21c: {  	_ =	swait.ge @!p5 [sflag:s19], $0x4000  }
0x21d: {  	s20 =	sld [smem:$0x7FC]  }
0x21e: {  	s14 =	simm.s32 @!p5 $0x6800;
	[sflag:s19] =	ssyncset.done @!p5 $0x0  }
0x21f: {  	s15 =	simm.s32 @!p5 $0x0;
	p4 =	sle.u32 s30, $0x3;
	[sflag:s19] =	ssyncadd.s32 @!p5 $0xFFFFC000  }
0x220: {  	[tilespmem:s14], [sflag:$0x2] =	stream.linear.gather @!p5 [hbm4b:s20+s15], $0x4000, $0x38;
	[tilespmem:$0x1E080] =	vst v63  }
0x221: {  	s28 =	simm.s32 $0x6;
	s22 =	simm.s32 $0x200;
	s14 =	simm.s32 @!p4 $0x2  }
0x222: {  	s16 =	simm.s32 @!p4 $0x6800;
	p5 =	sle.u32 @!p4 s30, $0x4;
	_ =	swait.ge @!p4 [sflag:s14], $0x4000  }
0x223: {  	s19 =	simm.s32 @!p4 $0x180;
	p5 =	por p5, p4;
	[sflag:s14] =	ssyncset.done @!p4 $0x0  }
0x224: {  	s15 =	simm.s32 @!p4 $0x80;
	s24 =	simm.s32 @!p5 $0x3;
	[sflag:s14] =	ssyncadd.s32 @!p4 $0xFFFFC000  }
0x225: {  	[spmem:s29] =	stream.indirect.scatter.add.f32 @!p4 [tilespmem:s16], [sflag:$0x4], $0x80, s19, s15, $0xb8;
	[tilespmem:$0x1E080] =	vst v63  }
0x226: {  	s26 =	simm.s32 @!p5 $0x2800;
	s14 =	sadd.s32 $0x1000, s20;
	_ =	swait.ge @!p5 [sflag:s24], $0x4000  }
0x227: {  	s19 =	sadd.s32 @!p5 $0x800, s20;
	s16 =	simm.s32 @!p5 $0x0;
	[sflag:s24] =	ssyncset.done @!p5 $0x0  }
.LBB2_30:
0x228: {  	s15 =	sadd.s32 $0xFFFFFFFE, s28;
	[sflag:s24] =	ssyncadd.s32 @!p5 $0xFFFFC000  }
0x229: {  	s20 =	smov.u32 s28;
	s28 =	sadd.s32 $0x2, s28;
	s23 =	smov.u32 s14  }
0x22a: {  	[tilespmem:s26], [sflag:$0x1] =	stream.linear.gather @!p5 [hbm4b:s19+s16], $0x4000, $0x38;
	[tilespmem:$0x1E080] =	vst v63  }
0x22b: {  	p6 =	sge.u32 s15, s30;
	p4 =	seq.s32 s28, $0x52  }
0x22c: {  	s15 =	simm.s32 @!p6 $0x1;
	s16 =	sadd.s32 @!p6 $0xFFFFFFFF, s20  }
0x22d: {  	p5 =	sge.u32 @!p6 s16, s30;
	_ =	swait.ge @!p6 [sflag:s15], $0x4000  }
0x22e: {  	s16 =	simm.s32 @!p6 $0x2800;
	p5 =	por p5, p6;
	[sflag:s15] =	ssyncset.done @!p6 $0x0  }
0x22f: {  	s19 =	simm.s32 @!p5 $0x4;
	[sflag:s15] =	ssyncadd.s32 @!p6 $0xFFFFC000;
	s15 =	simm.s32 @!p6 $0x80  }
0x230: {  	[spmem:s29] =	stream.indirect.scatter.add.f32 @!p6 [tilespmem:s16], [sflag:$0x3], $0x80, s22, s15, $0xb8;
	[tilespmem:$0x1E080] =	vst v63  }
0x231: {  	_ =	swait.ge @!p5 [sflag:s19], $0x4000  }
0x232: {  	s15 =	simm.s32 @!p5 $0x6800;
	s16 =	sadd.s32 $0xFFFFFFFF, s20;
	[sflag:s19] =	ssyncset.done @!p5 $0x0  }
0x233: {  	p6 =	sge.u32 s16, s30;
	[sflag:s19] =	ssyncadd.s32 @!p5 $0xFFFFC000;
	s19 =	simm.s32 @!p5 $0x0  }
0x234: {  	[tilespmem:s15], [sflag:$0x2] =	stream.linear.gather @!p5 [hbm4b:s14+s19], $0x4000, $0x38;
	[tilespmem:$0x1E080] =	vst v63  }
0x235: {  	s16 =	simm.s32 @!p6 $0x80;
	s15 =	simm.s32 @!p6 $0x2;
	p5 =	sge.u32 @!p6 s20, s30  }
0x236: {  	s19 =	simm.s32 @!p6 $0x6800;
	s20 =	sadd.s32 @!p6 $0x80, s22;
	_ =	swait.ge @!p6 [sflag:s15], $0x4000  }
.Ltmp21:
0x237: {  	p5 =	por p5, p6;
	[sflag:s15] =	ssyncset.done @!p6 $0x0;
	(pc) =	sbr.rel @!p4 .LBB2_30-.Ltmp21, $4  }
0x238: {  	s14 =	sadd.s32 $0x1000, s14;
	s24 =	simm.s32 @!p5 $0x3;
	[sflag:s15] =	ssyncadd.s32 @!p6 $0xFFFFC000  }
0x239: {  	[spmem:s29] =	stream.indirect.scatter.add.f32 @!p6 [tilespmem:s19], [sflag:$0x4], $0x80, s20, s16, $0xb8;
	[tilespmem:$0x1E080] =	vst v63  }
0x23a: {  	s22 =	sadd.s32 $0x100, s22;
	s26 =	simm.s32 @!p5 $0x2800;
	_ =	swait.ge @!p5 [sflag:s24], $0x4000  }
0x23b: {  	s19 =	sadd.s32 @!p5 $0x800, s23;
	s16 =	simm.s32 @!p5 $0x0;
	[sflag:s24] =	ssyncset.done @!p5 $0x0  }
.Ltmp22:
0x23c: {  	(pc) =	sbr.rel .LBB2_35-.Ltmp22, $3  }
0x23d: {  	_ =	sdelay $0x1  }
0x23e: {  	[sflag:s24] =	ssyncadd.s32 @!p5 $0xFFFFC000  }
0x23f: {  	[tilespmem:s26], [sflag:$0x1] =	stream.linear.gather @!p5 [hbm4b:s19+s16], $0x4000, $0x38;
	[tilespmem:$0x1E080] =	vst v63  }
.LBB2_12:
0x240: {  	s14 =	rddreg [dreg:$0xd]  }
0x241: {  	[tilespmem:s31], [sflag:$0x1] =	stream.linear.gather [hbm4b:s14+s0], $0x4000, $0x38;
	[tilespmem:$0x1E080] =	vst v63  }
0x242: {  	_ =	swait.ge [sflag:s13], $0x4000  }
0x243: {  	[sflag:s13] =	ssyncset.done $0x0  }
0x244: {  	[sflag:s13] =	ssyncadd.s32 $0xFFFFC000  }
0x245: {  	[spmem:s29] =	stream.indirect.scatter.add.f32 [tilespmem:s31], [sflag:$0x3], $0x80, s0, s18, $0xb8;
	[tilespmem:$0x1E080] =	vst v63  }
0x246: {  	s24 =	rddreg [dreg:$0xe]  }
0x247: {  	[tilespmem:s21], [sflag:$0x2] =	stream.linear.gather [hbm4b:s24+s0], $0x4000, $0x38;
	[tilespmem:$0x1E080] =	vst v63  }
0x248: {  	_ =	swait.ge [sflag:s4], $0x4000  }
0x249: {  	[sflag:s4] =	ssyncset.done $0x0  }
0x24a: {  	[sflag:s4] =	ssyncadd.s32 $0xFFFFC000  }
0x24b: {  	[spmem:s29] =	stream.indirect.scatter.add.f32 [tilespmem:s21], [sflag:$0x4], $0x80, s18, s18, $0xb8;
	[tilespmem:$0x1E080] =	vst v63  }
0x24c: {  	_ =	swait.ge [sflag:s5], $0x4000  }
0x24d: {  	p4 =	sle.u32 s30, $0x2;
	[sflag:s5] =	ssyncset.done $0x0  }
0x24e: {  	s14 =	simm.s32 @!p4 $0x1;
	s26 =	rddreg [dreg:$0xf];
	[sflag:s5] =	ssyncadd.s32 $0xFFFFC000  }
0x24f: {  	[tilespmem:s31], [sflag:$0x1] =	stream.linear.gather [hbm4b:s26+s0], $0x4000, $0x38;
	[tilespmem:$0x1E080] =	vst v63  }
0x250: {  	s15 =	simm.s32 $0x100;
	p5 =	sle.u32 @!p4 s30, $0x3;
	_ =	swait.ge @!p4 [sflag:s14], $0x4000  }
0x251: {  	s16 =	simm.s32 @!p4 $0x2800;
	p5 =	por p5, p4;
	[sflag:s14] =	ssyncset.done @!p4 $0x0  }
0x252: {  	s19 =	simm.s32 @!p5 $0x4;
	[sflag:s14] =	ssyncadd.s32 @!p4 $0xFFFFC000;
	s14 =	simm.s32 @!p4 $0x80  }
0x253: {  	[spmem:s29] =	stream.indirect.scatter.add.f32 @!p4 [tilespmem:s16], [sflag:$0x3], $0x80, s15, s14, $0xb8;
	[tilespmem:$0x1E080] =	vst v63  }
0x254: {  	_ =	swait.ge @!p5 [sflag:s19], $0x4000  }
0x255: {  	s20 =	sld [smem:$0x7F8]  }
0x256: {  	s14 =	simm.s32 @!p5 $0x6800;
	[sflag:s19] =	ssyncset.done @!p5 $0x0  }
0x257: {  	s15 =	simm.s32 @!p5 $0x0;
	p4 =	sle.u32 s30, $0x3;
	[sflag:s19] =	ssyncadd.s32 @!p5 $0xFFFFC000  }
0x258: {  	[tilespmem:s14], [sflag:$0x2] =	stream.linear.gather @!p5 [hbm4b:s20+s15], $0x4000, $0x38;
	[tilespmem:$0x1E080] =	vst v63  }
0x259: {  	s28 =	simm.s32 $0x6;
	s22 =	simm.s32 $0x200;
	s14 =	simm.s32 @!p4 $0x2  }
0x25a: {  	s16 =	simm.s32 @!p4 $0x6800;
	p5 =	sle.u32 @!p4 s30, $0x4;
	_ =	swait.ge @!p4 [sflag:s14], $0x4000  }
0x25b: {  	s19 =	simm.s32 @!p4 $0x180;
	p5 =	por p5, p4;
	[sflag:s14] =	ssyncset.done @!p4 $0x0  }
0x25c: {  	s15 =	simm.s32 @!p4 $0x80;
	s24 =	simm.s32 @!p5 $0x3;
	[sflag:s14] =	ssyncadd.s32 @!p4 $0xFFFFC000  }
0x25d: {  	[spmem:s29] =	stream.indirect.scatter.add.f32 @!p4 [tilespmem:s16], [sflag:$0x4], $0x80, s19, s15, $0xb8;
	[tilespmem:$0x1E080] =	vst v63  }
0x25e: {  	s26 =	simm.s32 @!p5 $0x2800;
	s14 =	sadd.s32 $0x1000, s20;
	_ =	swait.ge @!p5 [sflag:s24], $0x4000  }
0x25f: {  	s19 =	sadd.s32 @!p5 $0x800, s20;
	s16 =	simm.s32 @!p5 $0x0;
	[sflag:s24] =	ssyncset.done @!p5 $0x0  }
.LBB2_13:
0x260: {  	s15 =	sadd.s32 $0xFFFFFFFE, s28;
	[sflag:s24] =	ssyncadd.s32 @!p5 $0xFFFFC000  }
0x261: {  	s20 =	smov.u32 s28;
	s28 =	sadd.s32 $0x2, s28;
	s23 =	smov.u32 s14  }
0x262: {  	[tilespmem:s26], [sflag:$0x1] =	stream.linear.gather @!p5 [hbm4b:s19+s16], $0x4000, $0x38;
	[tilespmem:$0x1E080] =	vst v63  }
0x263: {  	p6 =	sge.u32 s15, s30;
	p4 =	seq.s32 s28, $0x52  }
0x264: {  	s15 =	simm.s32 @!p6 $0x1;
	s16 =	sadd.s32 @!p6 $0xFFFFFFFF, s20  }
0x265: {  	p5 =	sge.u32 @!p6 s16, s30;
	_ =	swait.ge @!p6 [sflag:s15], $0x4000  }
0x266: {  	s16 =	simm.s32 @!p6 $0x2800;
	p5 =	por p5, p6;
	[sflag:s15] =	ssyncset.done @!p6 $0x0  }
0x267: {  	s19 =	simm.s32 @!p5 $0x4;
	[sflag:s15] =	ssyncadd.s32 @!p6 $0xFFFFC000;
	s15 =	simm.s32 @!p6 $0x80  }
0x268: {  	[spmem:s29] =	stream.indirect.scatter.add.f32 @!p6 [tilespmem:s16], [sflag:$0x3], $0x80, s22, s15, $0xb8;
	[tilespmem:$0x1E080] =	vst v63  }
0x269: {  	_ =	swait.ge @!p5 [sflag:s19], $0x4000  }
0x26a: {  	s15 =	simm.s32 @!p5 $0x6800;
	s16 =	sadd.s32 $0xFFFFFFFF, s20;
	[sflag:s19] =	ssyncset.done @!p5 $0x0  }
0x26b: {  	p6 =	sge.u32 s16, s30;
	[sflag:s19] =	ssyncadd.s32 @!p5 $0xFFFFC000;
	s19 =	simm.s32 @!p5 $0x0  }
0x26c: {  	[tilespmem:s15], [sflag:$0x2] =	stream.linear.gather @!p5 [hbm4b:s14+s19], $0x4000, $0x38;
	[tilespmem:$0x1E080] =	vst v63  }
0x26d: {  	s16 =	simm.s32 @!p6 $0x80;
	s15 =	simm.s32 @!p6 $0x2;
	p5 =	sge.u32 @!p6 s20, s30  }
0x26e: {  	s19 =	simm.s32 @!p6 $0x6800;
	s20 =	sadd.s32 @!p6 $0x80, s22;
	_ =	swait.ge @!p6 [sflag:s15], $0x4000  }
.Ltmp23:
0x26f: {  	p5 =	por p5, p6;
	[sflag:s15] =	ssyncset.done @!p6 $0x0;
	(pc) =	sbr.rel @!p4 .LBB2_13-.Ltmp23, $4  }
0x270: {  	s14 =	sadd.s32 $0x1000, s14;
	s24 =	simm.s32 @!p5 $0x3;
	[sflag:s15] =	ssyncadd.s32 @!p6 $0xFFFFC000  }
0x271: {  	[spmem:s29] =	stream.indirect.scatter.add.f32 @!p6 [tilespmem:s19], [sflag:$0x4], $0x80, s20, s16, $0xb8;
	[tilespmem:$0x1E080] =	vst v63  }
0x272: {  	s22 =	sadd.s32 $0x100, s22;
	s26 =	simm.s32 @!p5 $0x2800;
	_ =	swait.ge @!p5 [sflag:s24], $0x4000  }
0x273: {  	s19 =	sadd.s32 @!p5 $0x800, s23;
	s16 =	simm.s32 @!p5 $0x0;
	[sflag:s24] =	ssyncset.done @!p5 $0x0  }
0x274: {  	[sflag:s24] =	ssyncadd.s32 @!p5 $0xFFFFC000  }
0x275: {  	[tilespmem:s26], [sflag:$0x1] =	stream.linear.gather @!p5 [hbm4b:s19+s16], $0x4000, $0x38;
	[tilespmem:$0x1E080] =	vst v63  }
.LBB2_18:
0x276: {  	_ =	swait.ge [sflag:s5], $0x4000  }
0x277: {  	[sflag:s5] =	ssyncset.done $0x0  }
0x278: {  	[sflag:s5] =	ssyncadd.s32 $0xFFFFC000  }
0x279: {  	_ =	swait.ge [sflag:s6], $0x4000  }
0x27a: {  	[sflag:s6] =	ssyncset.done $0x0  }
0x27b: {  	[sflag:s6] =	ssyncadd.s32 $0xFFFFC000  }
0x27c: {  	[bflag:$0x0] =	sbarrier.arrive $0xFFFF  }
0x27d: {  	s14 =	rddreg [dreg:$0x8]  }
0x27e: {  	[hbm:s14], [sflag:s11] =	dma.local @p2 [spmem:s9], $0x2700  }
0x27f: {  	s9 =	simm.s32 @p2 $0x5  }
0x280: {  	_ =	swait.ge @p2 [sflag:s9], $0x2700  }
0x281: {  	[sflag:s9] =	ssyncset.done @p2 $0x0  }
0x282: {  	[sflag:s9] =	ssyncadd.s32 @p2 $0xFFFFD900;
	s9 =	rddreg [dreg:$0x7]  }
0x283: {  	[hbm:s9], [sflag:s10] =	dma.local @!p2 [spmem:s8], $0x2780  }
.Ltmp24:
0x284: {  	_ = 	snop;
	(pc) =	sbr.rel .LBB2_36-.Ltmp24, $4  }
0x285: {  	s8 =	simm.s32 @!p2 $0x5  }
0x286: {  	_ =	swait.ge @!p2 [sflag:s8], $0x2780  }
0x287: {  	[sflag:s8] =	ssyncset.done @!p2 $0x0  }
0x288: {  	[sflag:s8] =	ssyncadd.s32 @!p2 $0xFFFFD880  }
.LBB2_37:
0x289: {  	_ =	sfence.sel $0x180000  }
0x28a: {  	[bflag:$0x0] =	sbarrier.arrive $0xFFFF  }
0x28b: {  	_ =	strace $0x9000004D  }
0x28c: {  	[bflag:$0x2] =	sbarrier.arrive $0xFFFF  }
0x28d: {  	p0 =	sne.s32 s1, $0x0;
	s0 =	rddreg [dreg:$0x4]  }
0x28e: {  	s0 =	sadd.s32 @!p0 $0x100000, s0  }
0x28f: {  	[sflag:s0] =	ssyncadd.tile.s32 @!p0 $0x1;
	_ =	shalt  }
.Lfunc_end2:
_tile_overlayer_lowered:
.L_overlay_start_2:
0x290: {  	(tag) =	ssettag $0x2  }
0x291: {  	s0 =	rddreg [dreg:$0x0];
	s2 =	stileid.u32  }
0x292: {  	s1 =	rddreg [dreg:$0x1];
	p0 =	sne.s32 s2, $0x0  }
0x293: {  	s3 =	rddreg [dreg:$0x2];
	[bflag:$0x3] =	sbarrier.arrive $0xFFFF;
	s2 =	simm.s32 @!p0 $0x1C05  }
0x294: {  	[timem:s3], [sflag:s2] =	dma.local @!p0 [hbm:s0], s1  }
0x295: {  	s0 =	simm.s32 @!p0 $0x5  }
0x296: {  	_ =	swait.ge @!p0 [sflag:s0], s1  }
0x297: {  	s1 =	ssub.s32 @!p0 $0x0, s1;
	[sflag:s0] =	ssyncset.done @!p0 $0x0  }
0x298: {  	[sflag:s0] =	ssyncadd.s32 @!p0 s1  }
0x299: {  	[bflag:$0x3] =	sbarrier.arrive $0xFFFF  }
0x29a: {  	_ =	shalt  }

// kernel: kernel.8.cloned.1.call-start
scs
__scs_entry_jumppad:
0x0: {  	(pc) =	sbr.rel $0x88, $3  }
0x1: {  	(tag) =	ssettag $0x0;
	lr =	simm.s32 $0x1  }
0x2: {  	[smem:$0x3F97] =	sst lr;
	_ =	strace $0xD0000000  }
0x3: {  	_ = 	snop  }
0x4: {  	_ = 	snop  }
0x5: {  	_ = 	snop  }
0x6: {  	_ = 	snop  }
0x7: {  	_ = 	snop  }
__scs_overlays_trampoline_lowered:
0x8: {  	[smem:$0x3FA6] =	sst s0  }
0x9: {  	[smem:$0x3FA7] =	sst s1  }
0xa: {  	[smem:$0x3FA8] =	sst s2  }
0xb: {  	[smem:$0x3FA9] =	sst s3  }
0xc: {  	[smem:$0x3FAA] =	sst s4  }
0xd: {  	[smem:$0x3FAB] =	sst s5  }
0xe: {  	[smem:$0x3FAC] =	sst s6  }
0xf: {  	[smem:$0x3FAD] =	sst s7  }
0x10: {  	[smem:$0x3FAE] =	sst s8  }
0x11: {  	[smem:$0x3FAF] =	sst s9;
	s0 =	simm.s32 @!p0 $0x0  }
0x12: {  	s1 =	sld [smem:$0x3F95];
	s0 =	simm.s32 @p0 $0x1  }
0x13: {  	[smem:$0x3FB0] =	sst s0;
	s0 =	simm.s32 @!p1 $0x0  }
0x14: {  	s2 =	sld [smem:$0x3F94];
	s0 =	simm.s32 @p1 $0x1  }
0x15: {  	[smem:$0x3FB1] =	sst s0;
	s0 =	simm.s32 @!p2 $0x0  }
0x16: {  	s3 =	sld [smem:$0x3FDB];
	s0 =	simm.s32 @p2 $0x1  }
0x17: {  	s4 =	simm.s32 $0x1BF5;
	[smem:$0x3FB3] =	sst s0  }
0x18: {  	s0 =	sld [smem:$0x3F96];
	_ =	swait.ge [sflag:s4], $0x0  }
0x19: {  	s7 =	sld [smem:$0x3F97]  }
0x1a: {  	s8 =	sadd.s32 $0xFFFFE003, lr  }
0x1b: {  	s9 =	sadd.s32 $0xFFFFFEF7, lr;
	s5 =	simm.s32 $0xFFFFFFFF;
	p2 =	slt.u32 s8, $0xFFFFF086  }
0x1c: {  	p1 =	slt.u32 s9, $0xF7A;
	s5 =	simm.s32 @!p2 $0x0  }
0x1d: {  	s5 =	simm.s32 @p1 $0x1;
	p0 =	seq.s32 s7, s2  }
0x1e: {  	s7 =	smul.u32 @!p0 $0xF7A, s2;
	p2 =	seq.s32 @!p0 s5, $0x0  }
0x1f: {  	s9 =	smul.u32 $0xF7A, s1;
	s8 =	simm.s32 @!p0 $0x1BF5;
	p2 =	por !p2, p0  }
0x20: {  	[sflag:s8] =	ssyncset.s32 @!p0 $0xFFFFF086;
	s6 =	sadd.s32 @!p0 s3, s7;
	s7 =	simm.s32 @!p0 $0x108  }
0x21: {  	s3 =	sadd.s32 s3, s9;
	s6 =	sadd.s32 @!p0 $0x88, s6;
	s7 =	simm.s32 @p2 $0x1082  }
0x22: {  	[simem:s7], [sflag:s8] =	dma.local @!p0 [hbm:s6], $0xF7A  }
0x23: {  	s9 =	sor.u32 $0xD0000000, s2;
	s6 =	simm.s32 $0x108;
	_ =	swait.ge @!p0 [sflag:s8], $0x0  }
0x24: {  	s3 =	sadd.s32 $0x88, s3;
	s6 =	simm.s32 @!p1 $0x1082;
	[sflag:s4] =	ssyncset.s32 $0xFFFFF086  }
0x25: {  	[simem:s6], [sflag:s4] =	dma.local [hbm:s3], $0xF7A  }
0x26: {  	[smem:$0x3F97] =	sst s1;
	(tag) =	ssettag s2;
	_ =	strace s9  }
0x27: {  	s1 =	sld [smem:$0x3FA7]  }
0x28: {  	s2 =	sld [smem:$0x3FA8]  }
0x29: {  	s4 =	sld [smem:$0x3FAA]  }
0x2a: {  	p0 =	seq.s32 s5, $0x0;
	s5 =	sld [smem:$0x3FAB]  }
0x2b: {  	s6 =	sld [smem:$0x3FAC]  }
0x2c: {  	s7 =	sld [smem:$0x3FAD]  }
0x2d: {  	s3 =	simm.s32 $0x108;
	s8 =	sld [smem:$0x3FAE]  }
0x2e: {  	s3 =	simm.s32 @!p0 $0x1082;
	s9 =	sld [smem:$0x3FAF]  }
0x2f: {  	lr =	sadd.s32 s0, s3;
	s0 =	sld [smem:$0x3FA6]  }
0x30: {  	s3 =	sld [smem:$0x3FA9]  }
0x31: {  	[smem:$0x3FB2] =	sst s10  }
0x32: {  	s10 =	sld [smem:$0x3FB0];
	_ =	sdelay $0x3  }
0x33: {  	p0 =	seq.s32 s10, $0x1;
	s10 =	sld [smem:$0x3FB2];
	_ =	sdelay $0x3  }
0x34: {  	[smem:$0x3FB2] =	sst s10  }
0x35: {  	s10 =	sld [smem:$0x3FB1];
	_ =	sdelay $0x3  }
0x36: {  	p1 =	seq.s32 s10, $0x1;
	s10 =	sld [smem:$0x3FB2];
	_ =	sdelay $0x3  }
0x37: {  	[smem:$0x3FB2] =	sst s10  }
0x38: {  	s10 =	sld [smem:$0x3FB3]  }
0x39: {  	_ = 	snop;
	(pc) =	sbr.ind lr, $3  }
0x3a: {  	_ = 	snop  }
0x3b: {  	_ = 	snop  }
0x3c: {  	p2 =	seq.s32 s10, $0x1;
	s10 =	sld [smem:$0x3FB2]  }
0x3d: {  	_ =	shalt  }
0x3e: {  	_ =	shalt  }
0x3f: {  	_ =	shalt  }
0x40: {  	_ =	shalt  }
0x41: {  	_ =	shalt  }
0x42: {  	_ =	shalt  }
0x43: {  	_ =	shalt  }
0x44: {  	_ =	shalt  }
0x45: {  	_ =	shalt  }
0x46: {  	_ =	shalt  }
0x47: {  	_ =	shalt  }
0x48: {  	_ =	shalt  }
0x49: {  	_ =	shalt  }
0x4a: {  	_ =	shalt  }
0x4b: {  	_ =	shalt  }
0x4c: {  	_ =	shalt  }
0x4d: {  	_ =	shalt  }
0x4e: {  	_ =	shalt  }
0x4f: {  	_ =	shalt  }
0x50: {  	_ =	shalt  }
0x51: {  	_ =	shalt  }
0x52: {  	_ =	shalt  }
0x53: {  	_ =	shalt  }
0x54: {  	_ =	shalt  }
0x55: {  	_ =	shalt  }
0x56: {  	_ =	shalt  }
0x57: {  	_ =	shalt  }
0x58: {  	_ =	shalt  }
0x59: {  	_ =	shalt  }
0x5a: {  	_ =	shalt  }
0x5b: {  	_ =	shalt  }
0x5c: {  	_ =	shalt  }
0x5d: {  	_ =	shalt  }
0x5e: {  	_ =	shalt  }
0x5f: {  	_ =	shalt  }
0x60: {  	_ =	shalt  }
0x61: {  	_ =	shalt  }
0x62: {  	_ =	shalt  }
0x63: {  	_ =	shalt  }
0x64: {  	_ =	shalt  }
0x65: {  	_ =	shalt  }
0x66: {  	_ =	shalt  }
0x67: {  	_ =	shalt  }
0x68: {  	_ =	shalt  }
0x69: {  	_ =	shalt  }
0x6a: {  	_ =	shalt  }
0x6b: {  	_ =	shalt  }
0x6c: {  	_ =	shalt  }
0x6d: {  	_ =	shalt  }
0x6e: {  	_ =	shalt  }
0x6f: {  	_ =	shalt  }
0x70: {  	_ =	shalt  }
0x71: {  	_ =	shalt  }
0x72: {  	_ =	shalt  }
0x73: {  	_ =	shalt  }
0x74: {  	_ =	shalt  }
0x75: {  	_ =	shalt  }
0x76: {  	_ =	shalt  }
0x77: {  	_ =	shalt  }
0x78: {  	_ =	shalt  }
0x79: {  	_ =	shalt  }
0x7a: {  	_ =	shalt  }
0x7b: {  	_ =	shalt  }
0x7c: {  	_ =	shalt  }
0x7d: {  	_ =	shalt  }
0x7e: {  	_ =	shalt  }
0x7f: {  	_ =	shalt  }
0x80: {  	_ =	shalt  }
0x81: {  	_ =	shalt  }
0x82: {  	_ =	shalt  }
0x83: {  	_ =	shalt  }
0x84: {  	_ =	shalt  }
0x85: {  	_ =	shalt  }
0x86: {  	_ =	shalt  }
0x87: {  	_ =	shalt  }
.Lfunc_end0:
.L_simem_size_0:
called_computation_lowered:
.L_overlay_start_0:
0x88: {  	s2 =	sld [smem:$0x3FD9]  }
0x89: {  	s3 =	sld [smem:$0x3FFE];
	_ =	sdelay $0x1  }
0x8a: {  	s1 =	srdreg.scid  }
0x8b: {  	s0 =	sand.u32 $0x1, s1  }
0x8c: {  	s14 =	sshll.u32 s0, $0xA;
	s2 =	sadd.s32 s3, s2  }
0x8d: {  	s2 =	sadd.s32 s2, s14  }
0x8e: {  	[smem:$0x3FBE] =	sst s2  }
0x8f: {  	_ = 	snop  }
0x90: {  	s2 =	sld [smem:$0x3FD0];
	_ =	sdelay $0x2  }
0x91: {  	s15 =	simm.s32 $0xB;
	s4 =	simm.s32 $0x10  }
0x92: {  	[smem:s4], [sflag:s15] =	dma.local [hbm:s2], $0x1  }
0x93: {  	_ =	swait.eq [sflag:s15], $0x1  }
0x94: {  	[sflag:s15] =	ssyncset.done $0x0  }
0x95: {  	[sflag:s15] =	ssyncadd.s32 $0xFFFFFFFF  }
0x96: {  	s16 =	sld [smem:$0x10];
	(tm) =	ssettm $0x1  }
0x97: {  	s17 =	sld [smem:$0x3FFB];
	_ =	sdelay $0x3  }
0x98: {  	_ =	strace s17  }
0x99: {  	s3 =	sld [smem:$0x3FFC];
	_ =	sdelay $0x3  }
0x9a: {  	_ =	strace s3  }
0x9b: {  	s3 =	sld [smem:$0x3FFD];
	_ =	sdelay $0x3  }
0x9c: {  	_ =	strace s3  }
0x9d: {  	_ =	strace $0x8FFFFFFF  }
0x9e: {  	s18 =	sld [smem:$0x3FDB];
	_ =	sdelay $0x1  }
0x9f: {  	s19 =	simm.s32 $_scs_section_size  }
0xa0: {  	s5 =	simm.s32 $_size__tile_overlayer_lowered;
	s6 =	simm.s32 $_tile_overlayer_lowered  }
0xa1: {  	s22 =	simm.s32 $0x1BFF;
	s21 =	sshll.u32 s6, $0x1;
	s3 =	sadd.s32 s19, s18  }
0xa2: {  	s7 =	simm.s32 $0x0;
	s20 =	sshll.u32 s5, $0x1;
	s5 =	sadd.s32 s21, s3  }
0xa3: {  	[timem:s7], [sflag:s22] =	dma.local [hbm:s5], s20  }
0xa4: {  	_ =	swait.ge [sflag:s22], s20  }
0xa5: {  	s4 =	ssub.s32 $0x0, s20;
	[sflag:s22] =	ssyncset.done $0x0  }
0xa6: {  	[sflag:s22] =	ssyncadd.s32 s4;
	_ =	sdelay $0x1  }
0xa7: {  	s23 =	simm.s32 $0x1B8B  }
0xa8: {  	_ =	swait.ge [sflag:s23], $0x1  }
0xa9: {  	[sflag:s23] =	ssyncset.done $0x0  }
0xaa: {  	s25 =	simm.s32 $0x1B8E;
	s24 =	sld [smem:$0x3FFE];
	[sflag:s23] =	ssyncadd.s32 $0xFFFFFFFF  }
0xab: {  	s26 =	simm.s32 $execute0_lowered;
	[smem:$0x3FD2] =	sst s25  }
0xac: {  	s5 =	sshll.u32 s26, $0x1;
	_ =	strace $0x80000046;
	[dreg:$0x1] =	wrdreg $0xFFFFFFFF  }
0xad: {  	s28 =	simm.s32 $_size_execute0_lowered;
	s3 =	sadd.s32 s3, s5;
	[dreg:$0x0] =	wrdreg $0x0  }
0xae: {  	s5 =	sshll.u32 s28, $0x1;
	[dreg:$0x2] =	wrdreg s3  }
0xaf: {  	[dreg:$0x3] =	wrdreg s5  }
0xb0: {  	[dreg:$0x4] =	wrdreg $0xC0  }
0xb1: {  	_ =	task [dreg:s7], $0x5FFFF  }
0xb2: {  	[dreg:$0x1] =	wrdreg $0xFFFFFFFF  }
0xb3: {  	[dreg:$0x0] =	wrdreg $0x60  }
0xb4: {  	[dreg:$0x2] =	wrdreg s16  }
0xb5: {  	[dreg:$0x3] =	wrdreg s24  }
0xb6: {  	[dreg:$0x4] =	wrdreg $0x9  }
0xb7: {  	_ =	task.clear_ibuf [dreg:s7], $0x5FFFF;
	_ =	strace $0x90000046  }
0xb8: {  	s29 =	simm.s32 $0x9;
	_ =	strace $0x80000048  }
0xb9: {  	_ =	swait.ge [sflag:s29], $0x1  }
0xba: {  	[sflag:s29] =	ssyncadd.s32 $0xFFFFFFFF  }
0xbb: {  	_ =	strace $0x90000048  }
0xbc: {  	_ =	sfence  }
0xbd: {  	s30 =	sld [smem:$0x0];
	_ =	sdelay $0x2  }
0xbe: {  	s31 =	sshll.u32 s1, $0xD;
	s1 =	sshrl.u32 s1, $0x2  }
0xbf: {  	s3 =	sand.u32 $0x4000, s31;
	s1 =	sadd.s32 s1, s30  }
0xc0: {  	s0 =	sor.u32 s3, s0;
	s1 =	sshll.u32 s1, $0x11  }
0xc1: {  	s0 =	sor.u32 s1, s0  }
0xc2: {  	s0 =	sadd.s32 $0x8F2B, s0  }
0xc3: {  	[sflag:s0] =	ssyncadd.remote.s32 $0x1  }
0xc4: {  	_ =	sfence.sel $0xFFFF  }
0xc5: {  	[dreg:$0x0] =	wrdreg $0xFFFFFFFF;
	(pc) =	sbr.abs _section_cstart, $3  }
0xc6: {  	[dreg:$0x1] =	wrdreg $0xFFFFFFFF  }
0xc7: {  	_ =	task.clear_ibuf [dreg:s7], $0x2FFFF;
	_ =	strace $0x9FFFFFFF  }
0xc8: {  	(tm) =	ssettm $0x7FFFFFFF  }
0xc9: {  	_ =	shalt  }
tec
execute0_lowered:
.L_overlay_start_1:
0x0: {  	(tag) =	ssettag $0x1  }
0x1: {  	s0 =	srdreg.scid  }
0x2: {  	s7 =	stileid.u32;
	s2 =	rddreg [dreg:$0x0]  }
0x3: {  	s5 =	rddreg [dreg:$0x1];
	s3 =	simm.s32 $0x0;
	s12 =	simm.s32 $0xA00  }
0x4: {  	s30 =	simm.s32 $0x7200;
	s31 =	simm.s32 $0x7600;
	s10 =	simm.s32 $0x9600  }
0x5: {  	s11 =	simm.s32 $0x9A00;
	s13 =	simm.s32 $0xA200;
	s14 =	simm.s32 $0xA600  }
0x6: {  	s15 =	simm.s32 $0xAE00;
	s16 =	simm.s32 $0xB200;
	s17 =	simm.s32 $0xBA00  }
0x7: {  	s18 =	simm.s32 $0xBE00;
	s19 =	simm.s32 $0xC600;
	s20 =	simm.s32 $0x1  }
0x8: {  	s21 =	simm.s32 $0x3;
	s24 =	simm.s32 $0x0;
	s0 =	sand.u32 $0x1, s0  }
0x9: {  	s1 =	sshll.u32 s7, $0x1;
	[smem:$0x7FF] =	sst s3;
	s7 =	smul.u32 $0x26, s7  }
0xa: {  	s1 =	sor.u32 s0, s1;
	_ =	strace $0x80000047;
	s9 =	smul.u32 $0x13, s0  }
0xb: {  	s0 =	ssub.s32 $0x2, s0;
	s4 =	smul.u32 $0x13, s1;
	s6 =	smin.u32 s1, $0x11  }
0xc: {  	s25 =	sshrl.u32 s0, $0x1;
	p0 =	slt.u32 s1, $0x11;
	s1 =	simm.s32 $0x7E00  }
0xd: {  	s0 =	ssub.s32 s0, s25;
	s4 =	sadd.s32 s6, s4;
	s6 =	sadd.s32 s7, s6  }
0xe: {  	s0 =	smax.u32 s0, $0x1;
	s7 =	simm.s32 $0x8A00;
	s8 =	sshll.u32 s4, $0x4  }
.Ltmp0:
0xf: {  	s9 =	sadd.s32 s9, s6;
	s6 =	simm.s32 $0x14;
	(pc) =	sbr.rel .LBB2_1-.Ltmp0, $4  }
0x10: {  	[dreg:$0x4] =	wrdreg s0;
	s8 =	sadd.s32 s8, s5;
	s26 =	smul.u32 $0x1800, s9  }
0x11: {  	v2 =	vlaneseq.u32;
	s0 =	simm.s32 $0x8200;
	s5 =	sadd.s32 $0x6A00, s5;
	s28 =	sadd.s32 $0x4200, s8  }
0x12: {  	vm0 =	vmmov $0xffff;
	vm1 =	vmmov $0xff;
	v1 =	vshrl.u32 v2, $0x3;
	s6 =	simm.s32 @!p0 $0x13;
	[dreg:$0x3] =	wrdreg s28;
	s29 =	sadd.s32 s26, s5  }
0x13: {  	v0 =	vand.u32 $0x7, v2;
	v2 =	vor.u32 $0x8, v2;
	v1 =	vmul.u32 $0x8, v1;
	s9 =	simm.s32 $0x8E00;
	s8 =	sadd.s32 $0x100, s2;
	[dreg:$0x5] =	wrdreg s29  }
.LBB2_9:
0x14: {  	_ =	swait.ge [sflag:s21], $0xC000  }
0x15: {  	[sflag:s21] =	ssyncset.done $0x0  }
0x16: {  	s23 =	simm.s32 $0x4;
	[sflag:s21] =	ssyncadd.s32 $0xFFFF4000  }
0x17: {  	_ =	swait.ge [sflag:s23], $0xC000  }
0x18: {  	s24 =	rddreg [dreg:$0x6]  }
0x19: {  	s22 =	rddreg [dreg:$0x4];
	s24 =	sadd.s32 $0x1, s24  }
0x1a: {  	p0 =	sne.s32 s24, s22  }
.Ltmp1:
0x1b: {  	_ = 	snop;
	(pc) =	sbr.rel @!p0 .LBB2_10-.Ltmp1, $3  }
0x1c: {  	_ =	sdelay $0x1  }
0x1d: {  	[sflag:s23] =	ssyncset.done $0x0  }
0x1e: {  	[sflag:s23] =	ssyncadd.s32 $0xFFFF4000  }
.LBB2_1:
0x1f: {  	[dreg:$0x6] =	wrdreg s24  }
0x20: {  	s22 =	rddreg [dreg:$0x3];
	s24 =	simm.s32 $0x5  }
0x21: {  	[tilespmem:s3], [sflag:$0x5] =	stream.linear.gather [hbm4b:s22+s3], $0xA00, $0x38;
	[tilespmem:$0x18A00] =	vst v63  }
0x22: {  	_ =	swait.ge [sflag:s24], $0xA00  }
0x23: {  	[sflag:s24] =	ssyncset.done $0x0  }
0x24: {  	[sflag:s24] =	ssyncadd.s32 $0xFFFFF600  }
0x25: {  	v3 =	vld [tilespmem:$0x0];
	_ =	sdelay $0x4  }
0x26: {  	v4 =	vshrl.u32 v3, $0x3  }
0x27: {  	v4 =	vmul.u32 $0x18, v4  }
0x28: {  	v3 =	vand.u32 $0x7, v3  }
0x29: {  	v3 =	vor.u32 v3, v4  }
0x2a: {  	v4 =	vperm.xlane v3, v0;
	_ =	sdelay $0x1  }
0x2b: {  	v4 =	vadd.s32 v1, v4;
	_ =	sdelay $0x1  }
0x2c: {  	v3 =	vperm.xlane v3, v2;
	_ =	sdelay $0x1  }
0x2d: {  	v3 =	vadd.s32 v1, v3  }
0x2e: {  	[tilespmem:s12], [sflag:$0x1] =	stream.indirect_vreg.gather [hbm4b:s2+s3], $0x80, v4, vm0, $0xb8;
	[tilespmem:$0x18A00] =	vst v63  }
0x2f: {  	s25 =	simm.s32 $0x1200  }
0x30: {  	[tilespmem:s25], [sflag:$0x1] =	stream.indirect_vreg.gather [hbm4b:s8+s3], $0x80, v4, vm1, $0xb8;
	[tilespmem:$0x18A00] =	vst v63  }
0x31: {  	s26 =	simm.s32 $0x1600  }
0x32: {  	[tilespmem:s26], [sflag:$0x1] =	stream.indirect_vreg.gather [hbm4b:s2+s3], $0x80, v3, vm0, $0xb8;
	[tilespmem:$0x18A00] =	vst v63  }
0x33: {  	s28 =	simm.s32 $0x1E00  }
0x34: {  	[tilespmem:s28], [sflag:$0x1] =	stream.indirect_vreg.gather [hbm4b:s8+s3], $0x80, v3, vm1, $0xb8;
	[tilespmem:$0x18A00] =	vst v63  }
0x35: {  	v3 =	vld [tilespmem:$0x10];
	_ =	sdelay $0x4  }
0x36: {  	v57 =	vshrl.u32 v3, $0x3  }
0x37: {  	v4 =	vmul.u32 $0x18, v57  }
0x38: {  	v3 =	vand.u32 $0x7, v3  }
0x39: {  	v3 =	vor.u32 v3, v4  }
0x3a: {  	v4 =	vperm.xlane v3, v0;
	_ =	sdelay $0x1  }
0x3b: {  	v4 =	vadd.s32 v1, v4;
	_ =	sdelay $0x1  }
0x3c: {  	v3 =	vperm.xlane v3, v2;
	_ =	sdelay $0x1  }
0x3d: {  	s29 =	simm.s32 $0x2200;
	v3 =	vadd.s32 v1, v3  }
0x3e: {  	[tilespmem:s29], [sflag:$0x1] =	stream.indirect_vreg.gather [hbm4b:s2+s3], $0x80, v4, vm0, $0xb8;
	[tilespmem:$0x18A00] =	vst v63  }
0x3f: {  	s23 =	simm.s32 $0x2A00  }
0x40: {  	[tilespmem:s23], [sflag:$0x1] =	stream.indirect_vreg.gather [hbm4b:s8+s3], $0x80, v4, vm1, $0xb8;
	[tilespmem:$0x18A00] =	vst v63  }
0x41: {  	s24 =	simm.s32 $0x2E00  }
0x42: {  	[tilespmem:s24], [sflag:$0x1] =	stream.indirect_vreg.gather [hbm4b:s2+s3], $0x80, v3, vm0, $0xb8;
	[tilespmem:$0x18A00] =	vst v63  }
0x43: {  	s25 =	simm.s32 $0x3600  }
0x44: {  	[tilespmem:s25], [sflag:$0x1] =	stream.indirect_vreg.gather [hbm4b:s8+s3], $0x80, v3, vm1, $0xb8;
	[tilespmem:$0x18A00] =	vst v63  }
0x45: {  	v3 =	vld [tilespmem:$0x20];
	_ =	sdelay $0x4  }
0x46: {  	v58 =	vshrl.u32 v3, $0x3  }
0x47: {  	v4 =	vmul.u32 $0x18, v58  }
0x48: {  	v3 =	vand.u32 $0x7, v3  }
0x49: {  	v3 =	vor.u32 v3, v4  }
0x4a: {  	v4 =	vperm.xlane v3, v0;
	_ =	sdelay $0x1  }
0x4b: {  	v4 =	vadd.s32 v1, v4;
	_ =	sdelay $0x1  }
0x4c: {  	v3 =	vperm.xlane v3, v2;
	_ =	sdelay $0x1  }
0x4d: {  	s26 =	simm.s32 $0x3A00;
	v3 =	vadd.s32 v1, v3  }
0x4e: {  	[tilespmem:s26], [sflag:$0x1] =	stream.indirect_vreg.gather [hbm4b:s2+s3], $0x80, v4, vm0, $0xb8;
	[tilespmem:$0x18A00] =	vst v63  }
0x4f: {  	s28 =	simm.s32 $0x4200  }
0x50: {  	[tilespmem:s28], [sflag:$0x1] =	stream.indirect_vreg.gather [hbm4b:s8+s3], $0x80, v4, vm1, $0xb8;
	[tilespmem:$0x18A00] =	vst v63  }
0x51: {  	s29 =	simm.s32 $0x4600  }
0x52: {  	[tilespmem:s29], [sflag:$0x1] =	stream.indirect_vreg.gather [hbm4b:s2+s3], $0x80, v3, vm0, $0xb8;
	[tilespmem:$0x18A00] =	vst v63  }
0x53: {  	s23 =	simm.s32 $0x4E00  }
0x54: {  	[tilespmem:s23], [sflag:$0x1] =	stream.indirect_vreg.gather [hbm4b:s8+s3], $0x80, v3, vm1, $0xb8;
	[tilespmem:$0x18A00] =	vst v63  }
0x55: {  	v3 =	vld [tilespmem:$0x30];
	_ =	sdelay $0x4  }
0x56: {  	v59 =	vshrl.u32 v3, $0x3  }
0x57: {  	v4 =	vmul.u32 $0x18, v59  }
0x58: {  	v3 =	vand.u32 $0x7, v3  }
0x59: {  	v3 =	vor.u32 v3, v4  }
0x5a: {  	v4 =	vperm.xlane v3, v0;
	_ =	sdelay $0x1  }
0x5b: {  	v4 =	vadd.s32 v1, v4;
	_ =	sdelay $0x1  }
0x5c: {  	v3 =	vperm.xlane v3, v2;
	_ =	sdelay $0x1  }
0x5d: {  	s24 =	simm.s32 $0x5200;
	v3 =	vadd.s32 v1, v3  }
0x5e: {  	[tilespmem:s24], [sflag:$0x1] =	stream.indirect_vreg.gather [hbm4b:s2+s3], $0x80, v4, vm0, $0xb8;
	[tilespmem:$0x18A00] =	vst v63  }
0x5f: {  	s25 =	simm.s32 $0x5A00  }
0x60: {  	[tilespmem:s25], [sflag:$0x1] =	stream.indirect_vreg.gather [hbm4b:s8+s3], $0x80, v4, vm1, $0xb8;
	[tilespmem:$0x18A00] =	vst v63  }
0x61: {  	s26 =	simm.s32 $0x5E00  }
0x62: {  	[tilespmem:s26], [sflag:$0x1] =	stream.indirect_vreg.gather [hbm4b:s2+s3], $0x80, v3, vm0, $0xb8;
	[tilespmem:$0x18A00] =	vst v63  }
0x63: {  	s28 =	simm.s32 $0x6600  }
0x64: {  	[tilespmem:s28], [sflag:$0x1] =	stream.indirect_vreg.gather [hbm4b:s8+s3], $0x80, v3, vm1, $0xb8;
	[tilespmem:$0x18A00] =	vst v63  }
0x65: {  	v3 =	vld [tilespmem:$0x40];
	_ =	sdelay $0x4  }
0x66: {  	v60 =	vshrl.u32 v3, $0x3  }
0x67: {  	v4 =	vmul.u32 $0x18, v60  }
0x68: {  	v3 =	vand.u32 $0x7, v3  }
0x69: {  	v3 =	vor.u32 v3, v4  }
0x6a: {  	v4 =	vperm.xlane v3, v0;
	_ =	sdelay $0x1  }
0x6b: {  	v4 =	vadd.s32 v1, v4;
	_ =	sdelay $0x1  }
0x6c: {  	v3 =	vperm.xlane v3, v2;
	_ =	sdelay $0x1  }
0x6d: {  	s29 =	simm.s32 $0x6A00;
	v3 =	vadd.s32 v1, v3  }
0x6e: {  	[tilespmem:s29], [sflag:$0x1] =	stream.indirect_vreg.gather [hbm4b:s2+s3], $0x80, v4, vm0, $0xb8;
	[tilespmem:$0x18A00] =	vst v63  }
0x6f: {  	_ = 	snop  }
0x70: {  	[tilespmem:s30], [sflag:$0x1] =	stream.indirect_vreg.gather [hbm4b:s8+s3], $0x80, v4, vm1, $0xb8;
	[tilespmem:$0x18A00] =	vst v63  }
0x71: {  	_ = 	snop  }
0x72: {  	[tilespmem:s31], [sflag:$0x1] =	stream.indirect_vreg.gather [hbm4b:s2+s3], $0x80, v3, vm0, $0xb8;
	[tilespmem:$0x18A00] =	vst v63  }
0x73: {  	_ = 	snop  }
0x74: {  	[tilespmem:s1], [sflag:$0x1] =	stream.indirect_vreg.gather [hbm4b:s8+s3], $0x80, v3, vm1, $0xb8;
	[tilespmem:$0x18A00] =	vst v63  }
0x75: {  	v3 =	vld [tilespmem:$0x50];
	_ =	sdelay $0x4  }
0x76: {  	v61 =	vshrl.u32 v3, $0x3  }
0x77: {  	v4 =	vmul.u32 $0x18, v61  }
0x78: {  	v3 =	vand.u32 $0x7, v3  }
0x79: {  	v3 =	vor.u32 v3, v4  }
0x7a: {  	v4 =	vperm.xlane v3, v0;
	_ =	sdelay $0x1  }
0x7b: {  	v4 =	vadd.s32 v1, v4;
	_ =	sdelay $0x1  }
0x7c: {  	v3 =	vperm.xlane v3, v2;
	_ =	sdelay $0x1  }
0x7d: {  	v3 =	vadd.s32 v1, v3  }
0x7e: {  	[tilespmem:s0], [sflag:$0x1] =	stream.indirect_vreg.gather [hbm4b:s2+s3], $0x80, v4, vm0, $0xb8;
	[tilespmem:$0x18A00] =	vst v63  }
0x7f: {  	_ = 	snop  }
0x80: {  	[tilespmem:s7], [sflag:$0x1] =	stream.indirect_vreg.gather [hbm4b:s8+s3], $0x80, v4, vm1, $0xb8;
	[tilespmem:$0x18A00] =	vst v63  }
0x81: {  	_ = 	snop  }
0x82: {  	[tilespmem:s9], [sflag:$0x1] =	stream.indirect_vreg.gather [hbm4b:s2+s3], $0x80, v3, vm0, $0xb8;
	[tilespmem:$0x18A00] =	vst v63  }
0x83: {  	_ = 	snop  }
0x84: {  	[tilespmem:s10], [sflag:$0x1] =	stream.indirect_vreg.gather [hbm4b:s8+s3], $0x80, v3, vm1, $0xb8;
	[tilespmem:$0x18A00] =	vst v63  }
0x85: {  	v3 =	vld [tilespmem:$0x60];
	_ =	sdelay $0x4  }
0x86: {  	v62 =	vshrl.u32 v3, $0x3  }
0x87: {  	v4 =	vmul.u32 $0x18, v62  }
0x88: {  	v3 =	vand.u32 $0x7, v3  }
0x89: {  	v3 =	vor.u32 v3, v4  }
0x8a: {  	v4 =	vperm.xlane v3, v0;
	_ =	sdelay $0x1  }
0x8b: {  	v4 =	vadd.s32 v1, v4;
	_ =	sdelay $0x1  }
0x8c: {  	v3 =	vperm.xlane v3, v2;
	_ =	sdelay $0x1  }
0x8d: {  	v3 =	vadd.s32 v1, v3  }
0x8e: {  	[tilespmem:s11], [sflag:$0x1] =	stream.indirect_vreg.gather [hbm4b:s2+s3], $0x80, v4, vm0, $0xb8;
	[tilespmem:$0x18A00] =	vst v63  }
0x8f: {  	_ = 	snop  }
0x90: {  	[tilespmem:s13], [sflag:$0x1] =	stream.indirect_vreg.gather [hbm4b:s8+s3], $0x80, v4, vm1, $0xb8;
	[tilespmem:$0x18A00] =	vst v63  }
0x91: {  	_ = 	snop  }
0x92: {  	[tilespmem:s14], [sflag:$0x1] =	stream.indirect_vreg.gather [hbm4b:s2+s3], $0x80, v3, vm0, $0xb8;
	[tilespmem:$0x18A00] =	vst v63  }
0x93: {  	_ = 	snop  }
0x94: {  	[tilespmem:s15], [sflag:$0x1] =	stream.indirect_vreg.gather [hbm4b:s8+s3], $0x80, v3, vm1, $0xb8;
	[tilespmem:$0x18A00] =	vst v63  }
0x95: {  	v3 =	vld [tilespmem:$0x70];
	_ =	sdelay $0x4  }
0x96: {  	v63 =	vshrl.u32 v3, $0x3  }
0x97: {  	v4 =	vmul.u32 $0x18, v63  }
0x98: {  	v3 =	vand.u32 $0x7, v3  }
0x99: {  	v3 =	vor.u32 v3, v4  }
0x9a: {  	v4 =	vperm.xlane v3, v0;
	_ =	sdelay $0x1  }
0x9b: {  	v4 =	vadd.s32 v1, v4;
	_ =	sdelay $0x2  }
0x9c: {  	v3 =	vperm.xlane v3, v2;
	_ =	sdelay $0x1  }
0x9d: {  	v3 =	vadd.s32 v1, v3;
	[tilespmem:s16], [sflag:$0x1] =	stream.indirect_vreg.gather [hbm4b:s2+s3], $0x80, v4, vm0, $0xb8;
	[tilespmem:$0x18A00] =	vst v63  }
0x9e: {  	_ = 	snop  }
0x9f: {  	[tilespmem:s17], [sflag:$0x1] =	stream.indirect_vreg.gather [hbm4b:s8+s3], $0x80, v4, vm1, $0xb8;
	[tilespmem:$0x18A00] =	vst v63  }
.Ltmp2:
0xa0: {  	_ = 	snop;
	(pc) =	sbr.rel .LBB2_2-.Ltmp2, $4  }
0xa1: {  	s22 =	simm.s32 $0xC0  }
0xa2: {  	[tilespmem:s18], [sflag:$0x1] =	stream.indirect_vreg.gather [hbm4b:s2+s3], $0x80, v3, vm0, $0xb8;
	[tilespmem:$0x18A00] =	vst v63  }
0xa3: {  	s23 =	simm.s32 $0x0;
	s24 =	rddreg [dreg:$0x5];
	s25 =	simm.s32 $0x0  }
0xa4: {  	[tilespmem:s19], [sflag:$0x1] =	stream.indirect_vreg.gather [hbm4b:s8+s3], $0x80, v3, vm1, $0xb8;
	[tilespmem:$0x18A00] =	vst v63  }
.LBB2_8:
0xa5: {  	s23 =	sadd.s32 $0x2, s23  }
0xa6: {  	p0 =	sne.s32 s23, $0x14  }
.Ltmp3:
0xa7: {  	_ = 	snop;
	(pc) =	sbr.rel @!p0 .LBB2_9-.Ltmp3, $2  }
0xa8: {  	_ =	sdelay $0x2  }
0xa9: {  	s25 =	sadd.s32 $0x1, s25;
	s24 =	sadd.s32 $0x3000, s24;
	s22 =	sadd.s32 $0x100, s22  }
.LBB2_2:
0xaa: {  	p0 =	slt.u32 s23, s6  }
.Ltmp4:
0xab: {  	_ = 	snop;
	(pc) =	sbr.rel @!p0 .LBB2_3-.Ltmp4, $1  }
0xac: {  	_ =	sdelay $0x3  }
0xad: {  	s26 =	sadd.s32 $0x1, s23  }
0xae: {  	p0 =	sge.u32 s26, s6  }
.Ltmp5:
0xaf: {  	_ = 	snop;
	(pc) =	sbr.rel @p0 .LBB2_6-.Ltmp5, $4  }
0xb0: {  	_ =	swait.ge [sflag:s20], $0xC000  }
0xb1: {  	[sflag:s20] =	ssyncset.done $0x0  }
0xb2: {  	s26 =	simm.s32 $0x13;
	[sflag:s20] =	ssyncadd.s32 $0xFFFF4000  }
0xb3: {  	[hbm4b:s24+s3] =	stream.linear.scatter [tilespmem:s12], [sflag:$0x3], $0xC000, $0x38;
	[tilespmem:$0x18A00] =	vst v63  }
0xb4: {  	p0 =	seq.s32 s23, $0x0  }
0xb5: {  	s26 =	simm.s32 @!p0 $0x4  }
0xb6: {  	_ =	swait.ge @!p0 [sflag:s26], $0xC000  }
0xb7: {  	[sflag:s26] =	ssyncset.done @!p0 $0x0  }
0xb8: {  	[sflag:s26] =	ssyncadd.s32 @!p0 $0xFFFF4000  }
0xb9: {  	v3 =	vld [tilespmem:s22+$0xFFFFFFC0];
	_ =	sdelay $0x4  }
0xba: {  	v4 =	vshrl.u32 v3, $0x3  }
0xbb: {  	v4 =	vmul.u32 $0x18, v4  }
0xbc: {  	v3 =	vand.u32 $0x7, v3  }
0xbd: {  	v3 =	vor.u32 v3, v4  }
0xbe: {  	v4 =	vperm.xlane v3, v0;
	_ =	sdelay $0x1  }
0xbf: {  	v4 =	vadd.s32 v1, v4;
	_ =	sdelay $0x1  }
0xc0: {  	v3 =	vperm.xlane v3, v2;
	_ =	sdelay $0x1  }
0xc1: {  	s29 =	simm.s32 $0xCA00;
	v3 =	vadd.s32 v1, v3  }
0xc2: {  	[tilespmem:s29], [sflag:$0x2] =	stream.indirect_vreg.gather [hbm4b:s2+s3], $0x80, v4, vm0, $0xb8;
	[tilespmem:$0x18A00] =	vst v63  }
0xc3: {  	s28 =	simm.s32 $0xD200  }
0xc4: {  	[tilespmem:s28], [sflag:$0x2] =	stream.indirect_vreg.gather [hbm4b:s8+s3], $0x80, v4, vm1, $0xb8;
	[tilespmem:$0x18A00] =	vst v63  }
0xc5: {  	s29 =	simm.s32 $0xD600  }
0xc6: {  	[tilespmem:s29], [sflag:$0x2] =	stream.indirect_vreg.gather [hbm4b:s2+s3], $0x80, v3, vm0, $0xb8;
	[tilespmem:$0x18A00] =	vst v63  }
0xc7: {  	s28 =	simm.s32 $0xDE00  }
0xc8: {  	[tilespmem:s28], [sflag:$0x2] =	stream.indirect_vreg.gather [hbm4b:s8+s3], $0x80, v3, vm1, $0xb8;
	[tilespmem:$0x18A00] =	vst v63  }
0xc9: {  	v3 =	vld [tilespmem:s22+$0xFFFFFFD0];
	_ =	sdelay $0x4  }
0xca: {  	v57 =	vshrl.u32 v3, $0x3  }
0xcb: {  	v4 =	vmul.u32 $0x18, v57  }
0xcc: {  	v3 =	vand.u32 $0x7, v3  }
0xcd: {  	v3 =	vor.u32 v3, v4  }
0xce: {  	v4 =	vperm.xlane v3, v0;
	_ =	sdelay $0x1  }
0xcf: {  	v4 =	vadd.s32 v1, v4;
	_ =	sdelay $0x1  }
0xd0: {  	v3 =	vperm.xlane v3, v2;
	_ =	sdelay $0x1  }
0xd1: {  	s29 =	simm.s32 $0xE200;
	v3 =	vadd.s32 v1, v3  }
0xd2: {  	[tilespmem:s29], [sflag:$0x2] =	stream.indirect_vreg.gather [hbm4b:s2+s3], $0x80, v4, vm0, $0xb8;
	[tilespmem:$0x18A00] =	vst v63  }
0xd3: {  	s28 =	simm.s32 $0xEA00  }
0xd4: {  	[tilespmem:s28], [sflag:$0x2] =	stream.indirect_vreg.gather [hbm4b:s8+s3], $0x80, v4, vm1, $0xb8;
	[tilespmem:$0x18A00] =	vst v63  }
0xd5: {  	s29 =	simm.s32 $0xEE00  }
0xd6: {  	[tilespmem:s29], [sflag:$0x2] =	stream.indirect_vreg.gather [hbm4b:s2+s3], $0x80, v3, vm0, $0xb8;
	[tilespmem:$0x18A00] =	vst v63  }
0xd7: {  	s28 =	simm.s32 $0xF600  }
0xd8: {  	[tilespmem:s28], [sflag:$0x2] =	stream.indirect_vreg.gather [hbm4b:s8+s3], $0x80, v3, vm1, $0xb8;
	[tilespmem:$0x18A00] =	vst v63  }
0xd9: {  	v3 =	vld [tilespmem:s22+$0xFFFFFFE0];
	_ =	sdelay $0x4  }
0xda: {  	v58 =	vshrl.u32 v3, $0x3  }
0xdb: {  	v4 =	vmul.u32 $0x18, v58  }
0xdc: {  	v3 =	vand.u32 $0x7, v3  }
0xdd: {  	v3 =	vor.u32 v3, v4  }
0xde: {  	v4 =	vperm.xlane v3, v0;
	_ =	sdelay $0x1  }
0xdf: {  	v4 =	vadd.s32 v1, v4;
	_ =	sdelay $0x1  }
0xe0: {  	v3 =	vperm.xlane v3, v2;
	_ =	sdelay $0x1  }
0xe1: {  	s29 =	simm.s32 $0xFA00;
	v3 =	vadd.s32 v1, v3  }
0xe2: {  	[tilespmem:s29], [sflag:$0x2] =	stream.indirect_vreg.gather [hbm4b:s2+s3], $0x80, v4, vm0, $0xb8;
	[tilespmem:$0x18A00] =	vst v63  }
0xe3: {  	s28 =	simm.s32 $0x10200  }
0xe4: {  	[tilespmem:s28], [sflag:$0x2] =	stream.indirect_vreg.gather [hbm4b:s8+s3], $0x80, v4, vm1, $0xb8;
	[tilespmem:$0x18A00] =	vst v63  }
0xe5: {  	s29 =	simm.s32 $0x10600  }
0xe6: {  	[tilespmem:s29], [sflag:$0x2] =	stream.indirect_vreg.gather [hbm4b:s2+s3], $0x80, v3, vm0, $0xb8;
	[tilespmem:$0x18A00] =	vst v63  }
0xe7: {  	s28 =	simm.s32 $0x10E00  }
0xe8: {  	[tilespmem:s28], [sflag:$0x2] =	stream.indirect_vreg.gather [hbm4b:s8+s3], $0x80, v3, vm1, $0xb8;
	[tilespmem:$0x18A00] =	vst v63  }
0xe9: {  	v3 =	vld [tilespmem:s22+$0xFFFFFFF0];
	_ =	sdelay $0x4  }
0xea: {  	v59 =	vshrl.u32 v3, $0x3  }
0xeb: {  	v4 =	vmul.u32 $0x18, v59  }
0xec: {  	v3 =	vand.u32 $0x7, v3  }
0xed: {  	v3 =	vor.u32 v3, v4  }
0xee: {  	v4 =	vperm.xlane v3, v0;
	_ =	sdelay $0x1  }
0xef: {  	v4 =	vadd.s32 v1, v4;
	_ =	sdelay $0x1  }
0xf0: {  	v3 =	vperm.xlane v3, v2;
	_ =	sdelay $0x1  }
0xf1: {  	s29 =	simm.s32 $0x11200;
	v3 =	vadd.s32 v1, v3  }
0xf2: {  	[tilespmem:s29], [sflag:$0x2] =	stream.indirect_vreg.gather [hbm4b:s2+s3], $0x80, v4, vm0, $0xb8;
	[tilespmem:$0x18A00] =	vst v63  }
0xf3: {  	s28 =	simm.s32 $0x11A00  }
0xf4: {  	[tilespmem:s28], [sflag:$0x2] =	stream.indirect_vreg.gather [hbm4b:s8+s3], $0x80, v4, vm1, $0xb8;
	[tilespmem:$0x18A00] =	vst v63  }
0xf5: {  	s29 =	simm.s32 $0x11E00  }
0xf6: {  	[tilespmem:s29], [sflag:$0x2] =	stream.indirect_vreg.gather [hbm4b:s2+s3], $0x80, v3, vm0, $0xb8;
	[tilespmem:$0x18A00] =	vst v63  }
0xf7: {  	s28 =	simm.s32 $0x12600  }
0xf8: {  	[tilespmem:s28], [sflag:$0x2] =	stream.indirect_vreg.gather [hbm4b:s8+s3], $0x80, v3, vm1, $0xb8;
	[tilespmem:$0x18A00] =	vst v63  }
0xf9: {  	v3 =	vld [tilespmem:s22+$0x0];
	_ =	sdelay $0x4  }
0xfa: {  	v60 =	vshrl.u32 v3, $0x3  }
0xfb: {  	v4 =	vmul.u32 $0x18, v60  }
0xfc: {  	v3 =	vand.u32 $0x7, v3  }
0xfd: {  	v3 =	vor.u32 v3, v4  }
0xfe: {  	v4 =	vperm.xlane v3, v0;
	_ =	sdelay $0x1  }
0xff: {  	v4 =	vadd.s32 v1, v4;
	_ =	sdelay $0x1  }
0x100: {  	v3 =	vperm.xlane v3, v2;
	_ =	sdelay $0x1  }
0x101: {  	s29 =	simm.s32 $0x12A00;
	v3 =	vadd.s32 v1, v3  }
0x102: {  	[tilespmem:s29], [sflag:$0x2] =	stream.indirect_vreg.gather [hbm4b:s2+s3], $0x80, v4, vm0, $0xb8;
	[tilespmem:$0x18A00] =	vst v63  }
0x103: {  	s28 =	simm.s32 $0x13200  }
0x104: {  	[tilespmem:s28], [sflag:$0x2] =	stream.indirect_vreg.gather [hbm4b:s8+s3], $0x80, v4, vm1, $0xb8;
	[tilespmem:$0x18A00] =	vst v63  }
0x105: {  	s29 =	simm.s32 $0x13600  }
0x106: {  	[tilespmem:s29], [sflag:$0x2] =	stream.indirect_vreg.gather [hbm4b:s2+s3], $0x80, v3, vm0, $0xb8;
	[tilespmem:$0x18A00] =	vst v63  }
0x107: {  	s28 =	simm.s32 $0x13E00  }
0x108: {  	[tilespmem:s28], [sflag:$0x2] =	stream.indirect_vreg.gather [hbm4b:s8+s3], $0x80, v3, vm1, $0xb8;
	[tilespmem:$0x18A00] =	vst v63  }
0x109: {  	v3 =	vld [tilespmem:s22+$0x10];
	_ =	sdelay $0x4  }
0x10a: {  	v61 =	vshrl.u32 v3, $0x3  }
0x10b: {  	v4 =	vmul.u32 $0x18, v61  }
0x10c: {  	v3 =	vand.u32 $0x7, v3  }
0x10d: {  	v3 =	vor.u32 v3, v4  }
0x10e: {  	v4 =	vperm.xlane v3, v0;
	_ =	sdelay $0x1  }
0x10f: {  	v4 =	vadd.s32 v1, v4;
	_ =	sdelay $0x1  }
0x110: {  	v3 =	vperm.xlane v3, v2;
	_ =	sdelay $0x1  }
0x111: {  	s29 =	simm.s32 $0x14200;
	v3 =	vadd.s32 v1, v3  }
0x112: {  	[tilespmem:s29], [sflag:$0x2] =	stream.indirect_vreg.gather [hbm4b:s2+s3], $0x80, v4, vm0, $0xb8;
	[tilespmem:$0x18A00] =	vst v63  }
0x113: {  	s28 =	simm.s32 $0x14A00  }
0x114: {  	[tilespmem:s28], [sflag:$0x2] =	stream.indirect_vreg.gather [hbm4b:s8+s3], $0x80, v4, vm1, $0xb8;
	[tilespmem:$0x18A00] =	vst v63  }
0x115: {  	s29 =	simm.s32 $0x14E00  }
0x116: {  	[tilespmem:s29], [sflag:$0x2] =	stream.indirect_vreg.gather [hbm4b:s2+s3], $0x80, v3, vm0, $0xb8;
	[tilespmem:$0x18A00] =	vst v63  }
0x117: {  	s28 =	simm.s32 $0x15600  }
0x118: {  	[tilespmem:s28], [sflag:$0x2] =	stream.indirect_vreg.gather [hbm4b:s8+s3], $0x80, v3, vm1, $0xb8;
	[tilespmem:$0x18A00] =	vst v63  }
0x119: {  	v3 =	vld [tilespmem:s22+$0x20];
	_ =	sdelay $0x4  }
0x11a: {  	v62 =	vshrl.u32 v3, $0x3  }
0x11b: {  	v4 =	vmul.u32 $0x18, v62  }
0x11c: {  	v3 =	vand.u32 $0x7, v3  }
0x11d: {  	v3 =	vor.u32 v3, v4  }
0x11e: {  	v4 =	vperm.xlane v3, v0;
	_ =	sdelay $0x1  }
0x11f: {  	v4 =	vadd.s32 v1, v4;
	_ =	sdelay $0x1  }
0x120: {  	v3 =	vperm.xlane v3, v2;
	_ =	sdelay $0x1  }
0x121: {  	s29 =	simm.s32 $0x15A00;
	v3 =	vadd.s32 v1, v3  }
0x122: {  	[tilespmem:s29], [sflag:$0x2] =	stream.indirect_vreg.gather [hbm4b:s2+s3], $0x80, v4, vm0, $0xb8;
	[tilespmem:$0x18A00] =	vst v63  }
0x123: {  	s28 =	simm.s32 $0x16200  }
0x124: {  	[tilespmem:s28], [sflag:$0x2] =	stream.indirect_vreg.gather [hbm4b:s8+s3], $0x80, v4, vm1, $0xb8;
	[tilespmem:$0x18A00] =	vst v63  }
0x125: {  	s29 =	simm.s32 $0x16600  }
0x126: {  	[tilespmem:s29], [sflag:$0x2] =	stream.indirect_vreg.gather [hbm4b:s2+s3], $0x80, v3, vm0, $0xb8;
	[tilespmem:$0x18A00] =	vst v63  }
0x127: {  	s28 =	simm.s32 $0x16E00  }
0x128: {  	[tilespmem:s28], [sflag:$0x2] =	stream.indirect_vreg.gather [hbm4b:s8+s3], $0x80, v3, vm1, $0xb8;
	[tilespmem:$0x18A00] =	vst v63  }
0x129: {  	v3 =	vld [tilespmem:s22+$0x30];
	_ =	sdelay $0x4  }
0x12a: {  	v63 =	vshrl.u32 v3, $0x3  }
0x12b: {  	v4 =	vmul.u32 $0x18, v63  }
0x12c: {  	v3 =	vand.u32 $0x7, v3  }
0x12d: {  	v3 =	vor.u32 v3, v4  }
0x12e: {  	v4 =	vperm.xlane v3, v0;
	_ =	sdelay $0x1  }
0x12f: {  	v4 =	vadd.s32 v1, v4;
	_ =	sdelay $0x1  }
0x130: {  	v3 =	vperm.xlane v3, v2;
	_ =	sdelay $0x1  }
0x131: {  	s29 =	simm.s32 $0x17200;
	v3 =	vadd.s32 v1, v3  }
0x132: {  	[tilespmem:s29], [sflag:$0x2] =	stream.indirect_vreg.gather [hbm4b:s2+s3], $0x80, v4, vm0, $0xb8;
	[tilespmem:$0x18A00] =	vst v63  }
0x133: {  	s28 =	simm.s32 $0x17A00  }
0x134: {  	[tilespmem:s28], [sflag:$0x2] =	stream.indirect_vreg.gather [hbm4b:s8+s3], $0x80, v4, vm1, $0xb8;
	[tilespmem:$0x18A00] =	vst v63  }
.Ltmp6:
0x135: {  	s29 =	simm.s32 $0x17E00;
	(pc) =	sbr.rel .LBB2_6-.Ltmp6, $4  }
0x136: {  	[tilespmem:s29], [sflag:$0x2] =	stream.indirect_vreg.gather [hbm4b:s2+s3], $0x80, v3, vm0, $0xb8;
	[tilespmem:$0x18A00] =	vst v63  }
0x137: {  	s29 =	sshll.u32 s25, $0x1  }
0x138: {  	s28 =	simm.s32 $0x18600;
	s26 =	sor.u32 $0x1, s29  }
0x139: {  	[tilespmem:s28], [sflag:$0x2] =	stream.indirect_vreg.gather [hbm4b:s8+s3], $0x80, v3, vm1, $0xb8;
	[tilespmem:$0x18A00] =	vst v63  }
.LBB2_3:
0x13a: {  	s26 =	sadd.s32 $0x1, s23  }
.LBB2_6:
0x13b: {  	p0 =	sge.u32 s26, s6  }
0x13c: {  	s28 =	simm.s32 @!p0 $0x2;
	s26 =	sadd.s32 @!p0 s4, s26  }
0x13d: {  	_ =	swait.ge @!p0 [sflag:s28], $0xC000;
	s26 =	smul.u32 @!p0 $0x1800, s26  }
0x13e: {  	s29 =	simm.s32 @!p0 $0xCA00;
	[sflag:s28] =	ssyncset.done @!p0 $0x0  }
0x13f: {  	[sflag:s28] =	ssyncadd.s32 @!p0 $0xFFFF4000;
	s26 =	sadd.s32 @!p0 s5, s26;
	s28 =	simm.s32 @!p0 $0x0  }
0x140: {  	[hbm4b:s26+s28] =	stream.linear.scatter @!p0 [tilespmem:s29], [sflag:$0x4], $0xC000, $0x38;
	[tilespmem:$0x18A00] =	vst v63  }
0x141: {  	s26 =	sadd.s32 @!p0 $0x2, s23  }
0x142: {  	p1 =	sge.u32 @!p0 s26, s6  }
0x143: {  	p0 =	por p0, p1  }
.Ltmp7:
0x144: {  	_ = 	snop;
	(pc) =	sbr.rel @p0 .LBB2_8-.Ltmp7, $1  }
0x145: {  	_ =	sdelay $0x3  }
0x146: {  	_ =	swait.ge [sflag:s21], $0xC000  }
0x147: {  	[sflag:s21] =	ssyncset.done $0x0  }
0x148: {  	[sflag:s21] =	ssyncadd.s32 $0xFFFF4000  }
0x149: {  	v3 =	vld [tilespmem:s22+$0x40];
	_ =	sdelay $0x4  }
0x14a: {  	v4 =	vshrl.u32 v3, $0x3  }
0x14b: {  	v4 =	vmul.u32 $0x18, v4  }
0x14c: {  	v3 =	vand.u32 $0x7, v3  }
0x14d: {  	v3 =	vor.u32 v3, v4  }
0x14e: {  	v4 =	vperm.xlane v3, v0;
	_ =	sdelay $0x1  }
0x14f: {  	v4 =	vadd.s32 v1, v4;
	_ =	sdelay $0x1  }
0x150: {  	v3 =	vperm.xlane v3, v2;
	_ =	sdelay $0x1  }
0x151: {  	v3 =	vadd.s32 v1, v3  }
0x152: {  	[tilespmem:s12], [sflag:$0x1] =	stream.indirect_vreg.gather [hbm4b:s2+s3], $0x80, v4, vm0, $0xb8;
	[tilespmem:$0x18A00] =	vst v63  }
0x153: {  	s26 =	simm.s32 $0x1200  }
0x154: {  	[tilespmem:s26], [sflag:$0x1] =	stream.indirect_vreg.gather [hbm4b:s8+s3], $0x80, v4, vm1, $0xb8;
	[tilespmem:$0x18A00] =	vst v63  }
0x155: {  	s29 =	simm.s32 $0x1600  }
0x156: {  	[tilespmem:s29], [sflag:$0x1] =	stream.indirect_vreg.gather [hbm4b:s2+s3], $0x80, v3, vm0, $0xb8;
	[tilespmem:$0x18A00] =	vst v63  }
0x157: {  	s28 =	simm.s32 $0x1E00  }
0x158: {  	[tilespmem:s28], [sflag:$0x1] =	stream.indirect_vreg.gather [hbm4b:s8+s3], $0x80, v3, vm1, $0xb8;
	[tilespmem:$0x18A00] =	vst v63  }
0x159: {  	v3 =	vld [tilespmem:s22+$0x50];
	_ =	sdelay $0x4  }
0x15a: {  	v57 =	vshrl.u32 v3, $0x3  }
0x15b: {  	v4 =	vmul.u32 $0x18, v57  }
0x15c: {  	v3 =	vand.u32 $0x7, v3  }
0x15d: {  	v3 =	vor.u32 v3, v4  }
0x15e: {  	v4 =	vperm.xlane v3, v0;
	_ =	sdelay $0x1  }
0x15f: {  	v4 =	vadd.s32 v1, v4;
	_ =	sdelay $0x1  }
0x160: {  	v3 =	vperm.xlane v3, v2;
	_ =	sdelay $0x1  }
0x161: {  	s29 =	simm.s32 $0x2200;
	v3 =	vadd.s32 v1, v3  }
0x162: {  	[tilespmem:s29], [sflag:$0x1] =	stream.indirect_vreg.gather [hbm4b:s2+s3], $0x80, v4, vm0, $0xb8;
	[tilespmem:$0x18A00] =	vst v63  }
0x163: {  	s28 =	simm.s32 $0x2A00  }
0x164: {  	[tilespmem:s28], [sflag:$0x1] =	stream.indirect_vreg.gather [hbm4b:s8+s3], $0x80, v4, vm1, $0xb8;
	[tilespmem:$0x18A00] =	vst v63  }
0x165: {  	s29 =	simm.s32 $0x2E00  }
0x166: {  	[tilespmem:s29], [sflag:$0x1] =	stream.indirect_vreg.gather [hbm4b:s2+s3], $0x80, v3, vm0, $0xb8;
	[tilespmem:$0x18A00] =	vst v63  }
0x167: {  	s28 =	simm.s32 $0x3600  }
0x168: {  	[tilespmem:s28], [sflag:$0x1] =	stream.indirect_vreg.gather [hbm4b:s8+s3], $0x80, v3, vm1, $0xb8;
	[tilespmem:$0x18A00] =	vst v63  }
0x169: {  	v3 =	vld [tilespmem:s22+$0x60];
	_ =	sdelay $0x4  }
0x16a: {  	v58 =	vshrl.u32 v3, $0x3  }
0x16b: {  	v4 =	vmul.u32 $0x18, v58  }
0x16c: {  	v3 =	vand.u32 $0x7, v3  }
0x16d: {  	v3 =	vor.u32 v3, v4  }
0x16e: {  	v4 =	vperm.xlane v3, v0;
	_ =	sdelay $0x1  }
0x16f: {  	v4 =	vadd.s32 v1, v4;
	_ =	sdelay $0x1  }
0x170: {  	v3 =	vperm.xlane v3, v2;
	_ =	sdelay $0x1  }
0x171: {  	s29 =	simm.s32 $0x3A00;
	v3 =	vadd.s32 v1, v3  }
0x172: {  	[tilespmem:s29], [sflag:$0x1] =	stream.indirect_vreg.gather [hbm4b:s2+s3], $0x80, v4, vm0, $0xb8;
	[tilespmem:$0x18A00] =	vst v63  }
0x173: {  	s28 =	simm.s32 $0x4200  }
0x174: {  	[tilespmem:s28], [sflag:$0x1] =	stream.indirect_vreg.gather [hbm4b:s8+s3], $0x80, v4, vm1, $0xb8;
	[tilespmem:$0x18A00] =	vst v63  }
0x175: {  	s29 =	simm.s32 $0x4600  }
0x176: {  	[tilespmem:s29], [sflag:$0x1] =	stream.indirect_vreg.gather [hbm4b:s2+s3], $0x80, v3, vm0, $0xb8;
	[tilespmem:$0x18A00] =	vst v63  }
0x177: {  	s28 =	simm.s32 $0x4E00  }
0x178: {  	[tilespmem:s28], [sflag:$0x1] =	stream.indirect_vreg.gather [hbm4b:s8+s3], $0x80, v3, vm1, $0xb8;
	[tilespmem:$0x18A00] =	vst v63  }
0x179: {  	v3 =	vld [tilespmem:s22+$0x70];
	_ =	sdelay $0x4  }
0x17a: {  	v59 =	vshrl.u32 v3, $0x3  }
0x17b: {  	v4 =	vmul.u32 $0x18, v59  }
0x17c: {  	v3 =	vand.u32 $0x7, v3  }
0x17d: {  	v3 =	vor.u32 v3, v4  }
0x17e: {  	v4 =	vperm.xlane v3, v0;
	_ =	sdelay $0x1  }
0x17f: {  	v4 =	vadd.s32 v1, v4;
	_ =	sdelay $0x1  }
0x180: {  	v3 =	vperm.xlane v3, v2;
	_ =	sdelay $0x1  }
0x181: {  	s29 =	simm.s32 $0x5200;
	v3 =	vadd.s32 v1, v3  }
0x182: {  	[tilespmem:s29], [sflag:$0x1] =	stream.indirect_vreg.gather [hbm4b:s2+s3], $0x80, v4, vm0, $0xb8;
	[tilespmem:$0x18A00] =	vst v63  }
0x183: {  	s28 =	simm.s32 $0x5A00  }
0x184: {  	[tilespmem:s28], [sflag:$0x1] =	stream.indirect_vreg.gather [hbm4b:s8+s3], $0x80, v4, vm1, $0xb8;
	[tilespmem:$0x18A00] =	vst v63  }
0x185: {  	s29 =	simm.s32 $0x5E00  }
0x186: {  	[tilespmem:s29], [sflag:$0x1] =	stream.indirect_vreg.gather [hbm4b:s2+s3], $0x80, v3, vm0, $0xb8;
	[tilespmem:$0x18A00] =	vst v63  }
0x187: {  	s28 =	simm.s32 $0x6600  }
0x188: {  	[tilespmem:s28], [sflag:$0x1] =	stream.indirect_vreg.gather [hbm4b:s8+s3], $0x80, v3, vm1, $0xb8;
	[tilespmem:$0x18A00] =	vst v63  }
0x189: {  	v3 =	vld [tilespmem:s22+$0x80];
	_ =	sdelay $0x4  }
0x18a: {  	v60 =	vshrl.u32 v3, $0x3  }
0x18b: {  	v4 =	vmul.u32 $0x18, v60  }
0x18c: {  	v3 =	vand.u32 $0x7, v3  }
0x18d: {  	v3 =	vor.u32 v3, v4  }
0x18e: {  	v4 =	vperm.xlane v3, v0;
	_ =	sdelay $0x1  }
0x18f: {  	v4 =	vadd.s32 v1, v4;
	_ =	sdelay $0x1  }
0x190: {  	v3 =	vperm.xlane v3, v2;
	_ =	sdelay $0x1  }
0x191: {  	s29 =	simm.s32 $0x6A00;
	v3 =	vadd.s32 v1, v3  }
0x192: {  	[tilespmem:s29], [sflag:$0x1] =	stream.indirect_vreg.gather [hbm4b:s2+s3], $0x80, v4, vm0, $0xb8;
	[tilespmem:$0x18A00] =	vst v63  }
0x193: {  	_ = 	snop  }
0x194: {  	[tilespmem:s30], [sflag:$0x1] =	stream.indirect_vreg.gather [hbm4b:s8+s3], $0x80, v4, vm1, $0xb8;
	[tilespmem:$0x18A00] =	vst v63  }
0x195: {  	_ = 	snop  }
0x196: {  	[tilespmem:s31], [sflag:$0x1] =	stream.indirect_vreg.gather [hbm4b:s2+s3], $0x80, v3, vm0, $0xb8;
	[tilespmem:$0x18A00] =	vst v63  }
0x197: {  	_ = 	snop  }
0x198: {  	[tilespmem:s1], [sflag:$0x1] =	stream.indirect_vreg.gather [hbm4b:s8+s3], $0x80, v3, vm1, $0xb8;
	[tilespmem:$0x18A00] =	vst v63  }
0x199: {  	v3 =	vld [tilespmem:s22+$0x90];
	_ =	sdelay $0x4  }
0x19a: {  	v61 =	vshrl.u32 v3, $0x3  }
0x19b: {  	v4 =	vmul.u32 $0x18, v61  }
0x19c: {  	v3 =	vand.u32 $0x7, v3  }
0x19d: {  	v3 =	vor.u32 v3, v4  }
0x19e: {  	v4 =	vperm.xlane v3, v0;
	_ =	sdelay $0x1  }
0x19f: {  	v4 =	vadd.s32 v1, v4;
	_ =	sdelay $0x1  }
0x1a0: {  	v3 =	vperm.xlane v3, v2;
	_ =	sdelay $0x1  }
0x1a1: {  	v3 =	vadd.s32 v1, v3  }
0x1a2: {  	[tilespmem:s0], [sflag:$0x1] =	stream.indirect_vreg.gather [hbm4b:s2+s3], $0x80, v4, vm0, $0xb8;
	[tilespmem:$0x18A00] =	vst v63  }
0x1a3: {  	_ = 	snop  }
0x1a4: {  	[tilespmem:s7], [sflag:$0x1] =	stream.indirect_vreg.gather [hbm4b:s8+s3], $0x80, v4, vm1, $0xb8;
	[tilespmem:$0x18A00] =	vst v63  }
0x1a5: {  	_ = 	snop  }
0x1a6: {  	[tilespmem:s9], [sflag:$0x1] =	stream.indirect_vreg.gather [hbm4b:s2+s3], $0x80, v3, vm0, $0xb8;
	[tilespmem:$0x18A00] =	vst v63  }
0x1a7: {  	_ = 	snop  }
0x1a8: {  	[tilespmem:s10], [sflag:$0x1] =	stream.indirect_vreg.gather [hbm4b:s8+s3], $0x80, v3, vm1, $0xb8;
	[tilespmem:$0x18A00] =	vst v63  }
0x1a9: {  	v3 =	vld [tilespmem:s22+$0xA0];
	_ =	sdelay $0x4  }
0x1aa: {  	v62 =	vshrl.u32 v3, $0x3  }
0x1ab: {  	v4 =	vmul.u32 $0x18, v62  }
0x1ac: {  	v3 =	vand.u32 $0x7, v3  }
0x1ad: {  	v3 =	vor.u32 v3, v4  }
0x1ae: {  	v4 =	vperm.xlane v3, v0;
	_ =	sdelay $0x1  }
0x1af: {  	v4 =	vadd.s32 v1, v4;
	_ =	sdelay $0x1  }
0x1b0: {  	v3 =	vperm.xlane v3, v2;
	_ =	sdelay $0x1  }
0x1b1: {  	v3 =	vadd.s32 v1, v3  }
0x1b2: {  	[tilespmem:s11], [sflag:$0x1] =	stream.indirect_vreg.gather [hbm4b:s2+s3], $0x80, v4, vm0, $0xb8;
	[tilespmem:$0x18A00] =	vst v63  }
0x1b3: {  	_ = 	snop  }
0x1b4: {  	[tilespmem:s13], [sflag:$0x1] =	stream.indirect_vreg.gather [hbm4b:s8+s3], $0x80, v4, vm1, $0xb8;
	[tilespmem:$0x18A00] =	vst v63  }
0x1b5: {  	_ = 	snop  }
0x1b6: {  	[tilespmem:s14], [sflag:$0x1] =	stream.indirect_vreg.gather [hbm4b:s2+s3], $0x80, v3, vm0, $0xb8;
	[tilespmem:$0x18A00] =	vst v63  }
0x1b7: {  	_ = 	snop  }
0x1b8: {  	[tilespmem:s15], [sflag:$0x1] =	stream.indirect_vreg.gather [hbm4b:s8+s3], $0x80, v3, vm1, $0xb8;
	[tilespmem:$0x18A00] =	vst v63  }
0x1b9: {  	v3 =	vld [tilespmem:s22+$0xB0];
	_ =	sdelay $0x4  }
0x1ba: {  	v63 =	vshrl.u32 v3, $0x3  }
0x1bb: {  	v4 =	vmul.u32 $0x18, v63  }
0x1bc: {  	v3 =	vand.u32 $0x7, v3  }
0x1bd: {  	v3 =	vor.u32 v3, v4  }
0x1be: {  	v4 =	vperm.xlane v3, v0;
	_ =	sdelay $0x1  }
0x1bf: {  	v4 =	vadd.s32 v1, v4;
	_ =	sdelay $0x2  }
0x1c0: {  	v3 =	vperm.xlane v3, v2;
	_ =	sdelay $0x1  }
0x1c1: {  	v3 =	vadd.s32 v1, v3;
	[tilespmem:s16], [sflag:$0x1] =	stream.indirect_vreg.gather [hbm4b:s2+s3], $0x80, v4, vm0, $0xb8;
	[tilespmem:$0x18A00] =	vst v63  }
0x1c2: {  	_ = 	snop  }
0x1c3: {  	[tilespmem:s17], [sflag:$0x1] =	stream.indirect_vreg.gather [hbm4b:s8+s3], $0x80, v4, vm1, $0xb8;
	[tilespmem:$0x18A00] =	vst v63  }
.Ltmp8:
0x1c4: {  	_ = 	snop;
	(pc) =	sbr.rel .LBB2_8-.Ltmp8, $4  }
0x1c5: {  	_ = 	snop  }
0x1c6: {  	[tilespmem:s18], [sflag:$0x1] =	stream.indirect_vreg.gather [hbm4b:s2+s3], $0x80, v3, vm0, $0xb8;
	[tilespmem:$0x18A00] =	vst v63  }
0x1c7: {  	_ = 	snop  }
0x1c8: {  	[tilespmem:s19], [sflag:$0x1] =	stream.indirect_vreg.gather [hbm4b:s8+s3], $0x80, v3, vm1, $0xb8;
	[tilespmem:$0x18A00] =	vst v63  }
.LBB2_10:
0x1c9: {  	_ =	sfence.sel $0x180000  }
0x1ca: {  	[bflag:$0x0] =	sbarrier.arrive $0xFFFF  }
0x1cb: {  	_ =	strace $0x90000047  }
0x1cc: {  	s0 =	stileid.u32;
	[bflag:$0x2] =	sbarrier.arrive $0xFFFF  }
0x1cd: {  	p0 =	sne.s32 s0, $0x0;
	s0 =	rddreg [dreg:$0x2]  }
0x1ce: {  	s0 =	sadd.s32 @!p0 $0x100000, s0  }
0x1cf: {  	[sflag:s0] =	ssyncadd.tile.s32 @!p0 $0x1;
	_ =	shalt  }
.Lfunc_end2:
_tile_overlayer_lowered:
.L_overlay_start_2:
0x1d0: {  	(tag) =	ssettag $0x2  }
0x1d1: {  	s0 =	rddreg [dreg:$0x0];
	s2 =	stileid.u32  }
0x1d2: {  	s1 =	rddreg [dreg:$0x1];
	p0 =	sne.s32 s2, $0x0  }
0x1d3: {  	s3 =	rddreg [dreg:$0x2];
	[bflag:$0x3] =	sbarrier.arrive $0xFFFF;
	s2 =	simm.s32 @!p0 $0x1C05  }
0x1d4: {  	[timem:s3], [sflag:s2] =	dma.local @!p0 [hbm:s0], s1  }
0x1d5: {  	s0 =	simm.s32 @!p0 $0x5  }
0x1d6: {  	_ =	swait.ge @!p0 [sflag:s0], s1  }
0x1d7: {  	s1 =	ssub.s32 @!p0 $0x0, s1;
	[sflag:s0] =	ssyncset.done @!p0 $0x0  }
0x1d8: {  	[sflag:s0] =	ssyncadd.s32 @!p0 s1  }
0x1d9: {  	[bflag:$0x3] =	sbarrier.arrive $0xFFFF  }
0x1da: {  	_ =	shalt  }

</sc_bundles>
